<compile_context>
chip_gen: v7x
topology: tpu7x:2x2x1
jax: 0.10.2.dev20260603
libtpu: 0.0.44.dev20260713+nightly
codegen_flags: <defaults>
</compile_context>

<pallas_src>
import functools

import jax
import jax.numpy as jnp
from jax import lax
from jax.experimental import pallas as pl
from jax.experimental.pallas import tpu as pltpu
from jax.experimental.pallas import tpu_sc as plsc

B, T, D = 8, 2048, 2048
Q = 8
K = 1024
d = D // Q
BT = B * T
BM = 2048

NC, NS = 2, 16
NW = NC * NS
ROWS_W = BT // NW
C = 128


def _vq_idx_block(x_ref, w_ref, i_ref, g_ref):
    xi = x_ref[...]
    w = w_ref[0]
    x2 = jnp.sum(xi * xi, axis=1)[None, :]
    w2 = jnp.sum(w * w, axis=1, keepdims=True)
    cross2 = jax.lax.dot_general(
        2.0 * w, xi, (((1,), (1,)), ((), ())),
        preferred_element_type=jnp.float32)
    dist2 = jnp.maximum(w2 + x2 - cross2, 0.0)
    m = jnp.min(dist2, axis=0, keepdims=True)
    iota = jax.lax.broadcasted_iota(jnp.int32, (K, 1), 0).astype(jnp.float32)
    idxf = jnp.min(jnp.where(dist2 == m, iota, float(K)), axis=0)
    idx = idxf.astype(jnp.int32)
    i_ref[0, 0, :] = idx
    g_ref[0, 0, :] = idx + pl.program_id(0) * K


def _tc_indices(x2d, temporal_codebooks):
    return pl.pallas_call(
        _vq_idx_block,
        grid=(Q, BT // BM),
        in_specs=[
            pl.BlockSpec((BM, d), lambda q, i: (i, q)),
            pl.BlockSpec((1, K, d), lambda q, i: (q, 0, 0)),
        ],
        out_specs=[
            pl.BlockSpec((1, 1, BM), lambda q, i: (q, 0, i)),
            pl.BlockSpec((1, 1, BM), lambda q, i: (q, 0, i)),
        ],
        out_shape=[
            jax.ShapeDtypeStruct((Q, 1, BT), jnp.int32),
            jax.ShapeDtypeStruct((Q, 1, BT), jnp.int32),
        ],
    )(x2d, temporal_codebooks)


CPQ = ROWS_W // C
NCH = Q * CPQ


def _sc_gather(table, gidx2d):
    mesh = plsc.VectorSubcoreMesh(core_axis_name="c", subcore_axis_name="s")

    @functools.partial(
        pl.kernel, mesh=mesh,
        out_type=jax.ShapeDtypeStruct((BT, D), jnp.float32),
        scratch_types=[
            pltpu.VMEM((Q, ROWS_W), jnp.int32),
            pltpu.VMEM((C, d), jnp.float32),
            pltpu.VMEM((C, d), jnp.float32),
            pltpu.SemaphoreType.DMA,
            pltpu.SemaphoreType.DMA,
            pltpu.SemaphoreType.DMA,
            pltpu.SemaphoreType.DMA,
        ],
    )
    def gather_kernel(table_hbm, gidx_hbm, out_hbm,
                      idx_v, buf0, buf1, g0, g1, w0, w1):
        wid = lax.axis_index("s") * NC + lax.axis_index("c")
        rowbase = wid * ROWS_W
        pltpu.sync_copy(gidx_hbm.at[:, pl.ds(rowbase, ROWS_W)], idx_v)
        bufs = (buf0, buf1)
        gsems = (g0, g1)
        wsems = (w0, w1)

        def issue_gather(i, b):
            q, c = divmod(i, CPQ)
            return pltpu.async_copy(
                table_hbm.at[idx_v.at[q, pl.ds(c * C, C)]], bufs[b], gsems[b])

        def issue_wb(i, b):
            q, c = divmod(i, CPQ)
            return pltpu.async_copy(
                bufs[b],
                out_hbm.at[pl.ds(rowbase + c * C, C), pl.ds(q * d, d)],
                wsems[b])

        gh = [None] * NCH
        wh = [None] * NCH
        gh[0] = issue_gather(0, 0)
        for i in range(NCH):
            b = i % 2
            if i + 1 < NCH:
                if i >= 1:
                    wh[i - 1].wait()
                gh[i + 1] = issue_gather(i + 1, (i + 1) % 2)
            gh[i].wait()
            wh[i] = issue_wb(i, b)
        wh[NCH - 2].wait()
        wh[NCH - 1].wait()

    return gather_kernel(table, gidx2d)


@jax.jit
def kernel(x, temporal_codebooks):
    x2d = x.reshape(BT, D)
    idx3, gidx3 = _tc_indices(x2d, temporal_codebooks)
    quant = _sc_gather(temporal_codebooks.reshape(Q * K, d),
                       gidx3.reshape(Q, BT))
    quantized = quant.reshape(B, T, D)
    indices = idx3.reshape(Q, BT).T.reshape(B, T, Q)
    return (quantized, indices)

# --- scband reference (transcript-rebuilt; emitter-appended) ---
"""Pipeline reference for scband-audio-quantizer-70153995812935 (READ-ONLY COPY).

The authoritative reference and input builder live on the scoring server;
editing this copy changes nothing except your own understanding.
"""

import jax, jax.numpy as jnp
import numpy as np

B, T, D = 8, 2048, 2048
Q = 8
K = 1024
d = D // Q  # 256


def setup_inputs(seed: int = 0) -> dict:
    key = jax.random.key(seed)
    k1, k2 = jax.random.split(key)
    x = jax.random.normal(k1, (B, T, D), dtype=jnp.float32)
    # temporal codebooks stacked: [Q, K, d], matching nn.Embedding default init N(0,1)
    temporal_codebooks = jax.random.normal(k2, (Q, K, d), dtype=jnp.float32)
    return {"x": x, "temporal_codebooks": temporal_codebooks}


def reference(x, temporal_codebooks):
    # Faithful port of AudioQuantizer.quantize_temporial
    Bx, Tx, Dx = x.shape
    Qx = temporal_codebooks.shape[0]
    dx = Dx // Qx
    xq = x.reshape(Bx, Tx, Qx, dx)  # b t (q d) -> b t q d
    indices = []
    quantized = []
    for i in range(Qx):
        xi = xq[:, :, i, :]                      # [B, T, d]
        w = temporal_codebooks[i]                # [K, d]
        # torch.cdist (p=2): sqrt(|x|^2 + |w|^2 - 2 x.w)
        x2 = jnp.sum(xi * xi, axis=-1, keepdims=True)          # [B, T, 1]
        w2 = jnp.sum(w * w, axis=-1)                           # [K]
        cross = jnp.einsum('btd,kd->btk', xi, w)               # [B, T, K]
        dist2 = jnp.clip(x2 + w2[None, None, :] - 2.0 * cross, 0.0, None)
        distances = jnp.sqrt(dist2)                            # [B, T, K]
        idx = jnp.argmin(distances, axis=-1)                   # [B, T]
        indices.append(idx)
        quantized.append(jnp.take(w, idx, axis=0))             # embedding lookup [B, T, d]
    indices = jnp.stack(indices, axis=-1)        # [B, T, Q]
    quantized = jnp.concatenate(quantized, axis=-1)  # [B, T, D]
    return (quantized, indices)

if __name__ == "__main__":
    import jax
    _d = setup_inputs()
    print(jax.jit(kernel)(*tuple(_d.values())))

</pallas_src>

<mosaic_0001>
#map = affine_map<(d0, d1) -> (0, 0)>
module attributes {stable_mosaic.version = 14 : i64} {
  func.func @gather_kernel(%arg0: i32, %arg1: i32, %arg2: memref<8192x256xf32, #tpu.memory_space<hbm>>, %arg3: memref<8x16384xi32, #tpu.memory_space<hbm>>, %arg4: memref<16384x2048xf32, #tpu.memory_space<hbm>>, %arg5: memref<8x512xi32, #tpu.memory_space<vmem>>, %arg6: memref<128x256xf32, #tpu.memory_space<vmem>>, %arg7: memref<128x256xf32, #tpu.memory_space<vmem>>, %arg8: memref<!tpu.dma_semaphore, #tpu.memory_space<semaphore_mem>>, %arg9: memref<!tpu.dma_semaphore, #tpu.memory_space<semaphore_mem>>, %arg10: memref<!tpu.dma_semaphore, #tpu.memory_space<semaphore_mem>>, %arg11: memref<!tpu.dma_semaphore, #tpu.memory_space<semaphore_mem>>) attributes {dimension_semantics = [#tpu.dimension_semantics<core_parallel>, #tpu.dimension_semantics<subcore_parallel>], iteration_bounds = array<i64: 2, 16>, scalar_prefetch = 0 : i64, scratch_operands = 7 : i64, tpu.core_type = #tpu.core_type<sc_vector_subcore>, window_params = [{transform_indices = #map}, {transform_indices = #map}, {transform_indices = #map}]} {
    %mul3A = arith.constant 2 : i32
    %mul3A_0 = arith.muli %arg1, %mul3A : i32
    %add3A = arith.addi %mul3A_0, %arg0 : i32
    %mul3A_1 = arith.constant 512 : i32
    %mul3A_2 = arith.muli %add3A, %mul3A_1 : i32
    "tpu.region"() ({
      %run_scoped3A = tpu.sem_alloc : memref<!tpu.dma_semaphore, #tpu.memory_space<semaphore_mem>>
      %dma_start3A_769 = arith.constant 0 : i32
      %dma_start3A_770 = tpu.memref_slice %arg3[%dma_start3A_769, %mul3A_2] : memref<8x16384xi32, #tpu.memory_space<hbm>> -> memref<8x512xi32, #tpu.memory_space<hbm>>
      %dma_start3A_771 = arith.constant 0 : i32
      %dma_start3A_772 = tpu.memref_slice %arg3[%dma_start3A_771, %mul3A_2] : memref<8x16384xi32, #tpu.memory_space<hbm>> -> memref<8x512xi32, #tpu.memory_space<hbm>>
      tpu.enqueue_dma source(%dma_start3A_772 : memref<8x512xi32, #tpu.memory_space<hbm>>) target(%arg5 : memref<8x512xi32, #tpu.memory_space<vmem>>) target_semaphore(%run_scoped3A : memref<!tpu.dma_semaphore, #tpu.memory_space<semaphore_mem>>)
      %dma_wait3A_773 = arith.constant 0 : i32
      %dma_wait3A_774 = tpu.memref_slice %arg3[%dma_wait3A_773, %mul3A_2] : memref<8x16384xi32, #tpu.memory_space<hbm>> -> memref<8x512xi32, #tpu.memory_space<hbm>>
      %dma_wait3A_775 = arith.constant 0 : i32
      %dma_wait3A_776 = tpu.memref_slice %arg3[%dma_wait3A_775, %mul3A_2] : memref<8x16384xi32, #tpu.memory_space<hbm>> -> memref<8x512xi32, #tpu.memory_space<hbm>>
      tpu.wait_dma2 semaphore(%run_scoped3A : memref<!tpu.dma_semaphore, #tpu.memory_space<semaphore_mem>>) src(%dma_wait3A_776 : memref<8x512xi32, #tpu.memory_space<hbm>>) dst(%arg5 : memref<8x512xi32, #tpu.memory_space<vmem>>)
      tpu.yield
    }) : () -> ()
    %dma_start3A = arith.constant 0 : i32
    %dma_start3A_3 = arith.constant 0 : i32
    %dma_start3A_4 = tpu.memref_slice %arg5[%dma_start3A, %dma_start3A_3] : memref<8x512xi32, #tpu.memory_space<vmem>> -> memref<1x128xi32, #tpu.memory_space<vmem>>
    %dma_start3A_5 = tpu.memref_squeeze %dma_start3A_4 : memref<1x128xi32, #tpu.memory_space<vmem>> -> memref<128xi32, #tpu.memory_space<vmem>>
    %dma_start3A_6 = arith.constant 0 : i32
    %dma_start3A_7 = arith.constant 0 : i32
    %dma_start3A_8 = tpu.memref_slice %arg2[%dma_start3A_6, %dma_start3A_7] : memref<8192x256xf32, #tpu.memory_space<hbm>> -> memref<8192x256xf32, #tpu.memory_space<hbm>>
    tpu.enqueue_indirect_dma source(%dma_start3A_8 : memref<8192x256xf32, #tpu.memory_space<hbm>>) target(%arg6 : memref<128x256xf32, #tpu.memory_space<vmem>>) offsets(%dma_start3A_5 : memref<128xi32, #tpu.memory_space<vmem>>) semaphore(%arg8 : memref<!tpu.dma_semaphore, #tpu.memory_space<semaphore_mem>>)
    %dma_start3A_9 = arith.constant 0 : i32
    %dma_start3A_10 = arith.constant 128 : i32
    %dma_start3A_11 = tpu.memref_slice %arg5[%dma_start3A_9, %dma_start3A_10] : memref<8x512xi32, #tpu.memory_space<vmem>> -> memref<1x128xi32, #tpu.memory_space<vmem>>
    %dma_start3A_12 = tpu.memref_squeeze %dma_start3A_11 : memref<1x128xi32, #tpu.memory_space<vmem>> -> memref<128xi32, #tpu.memory_space<vmem>>
    %dma_start3A_13 = arith.constant 0 : i32
    %dma_start3A_14 = arith.constant 0 : i32
    %dma_start3A_15 = tpu.memref_slice %arg2[%dma_start3A_13, %dma_start3A_14] : memref<8192x256xf32, #tpu.memory_space<hbm>> -> memref<8192x256xf32, #tpu.memory_space<hbm>>
    tpu.enqueue_indirect_dma source(%dma_start3A_15 : memref<8192x256xf32, #tpu.memory_space<hbm>>) target(%arg7 : memref<128x256xf32, #tpu.memory_space<vmem>>) offsets(%dma_start3A_12 : memref<128xi32, #tpu.memory_space<vmem>>) semaphore(%arg9 : memref<!tpu.dma_semaphore, #tpu.memory_space<semaphore_mem>>)
    %dma_wait3A = arith.constant 0 : i32
    %dma_wait3A_16 = arith.constant 0 : i32
    %dma_wait3A_17 = tpu.memref_slice %arg5[%dma_wait3A, %dma_wait3A_16] : memref<8x512xi32, #tpu.memory_space<vmem>> -> memref<1x128xi32, #tpu.memory_space<vmem>>
    %dma_wait3A_18 = tpu.memref_squeeze %dma_wait3A_17 : memref<1x128xi32, #tpu.memory_space<vmem>> -> memref<128xi32, #tpu.memory_space<vmem>>
    %dma_wait3A_19 = arith.constant 0 : i32
    %dma_wait3A_20 = arith.constant 0 : i32
    %dma_wait3A_21 = tpu.memref_slice %arg2[%dma_wait3A_19, %dma_wait3A_20] : memref<8192x256xf32, #tpu.memory_space<hbm>> -> memref<8192x256xf32, #tpu.memory_space<hbm>>
    tpu.wait_indirect_dma semaphore(%arg8 : memref<!tpu.dma_semaphore, #tpu.memory_space<semaphore_mem>>) src(%dma_wait3A_21 : memref<8192x256xf32, #tpu.memory_space<hbm>>) dst(%arg6 : memref<128x256xf32, #tpu.memory_space<vmem>>)
    %add3A_22 = arith.constant 0 : i32
    %add3A_23 = arith.addi %mul3A_2, %add3A_22 : i32
    %dma_start3A_24 = arith.constant 0 : i32
    %dma_start3A_25 = tpu.memref_slice %arg4[%add3A_23, %dma_start3A_24] : memref<16384x2048xf32, #tpu.memory_space<hbm>> -> memref<128x256xf32, #tpu.memory_space<hbm>>
    %dma_start3A_26 = arith.constant 0 : i32
    %dma_start3A_27 = tpu.memref_slice %arg4[%add3A_23, %dma_start3A_26] : memref<16384x2048xf32, #tpu.memory_space<hbm>> -> memref<128x256xf32, #tpu.memory_space<hbm>>
    tpu.enqueue_dma source(%arg6 : memref<128x256xf32, #tpu.memory_space<vmem>>) target(%dma_start3A_27 : memref<128x256xf32, #tpu.memory_space<hbm>>) target_semaphore(%arg10 : memref<!tpu.dma_semaphore, #tpu.memory_space<semaphore_mem>>)
    %dma_wait3A_28 = arith.constant 0 : i32
    %dma_wait3A_29 = tpu.memref_slice %arg4[%add3A_23, %dma_wait3A_28] : memref<16384x2048xf32, #tpu.memory_space<hbm>> -> memref<128x256xf32, #tpu.memory_space<hbm>>
    %dma_wait3A_30 = arith.constant 0 : i32
    %dma_wait3A_31 = tpu.memref_slice %arg4[%add3A_23, %dma_wait3A_30] : memref<16384x2048xf32, #tpu.memory_space<hbm>> -> memref<128x256xf32, #tpu.memory_space<hbm>>
    tpu.wait_dma2 semaphore(%arg10 : memref<!tpu.dma_semaphore, #tpu.memory_space<semaphore_mem>>) src(%arg6 : memref<128x256xf32, #tpu.memory_space<vmem>>) dst(%dma_wait3A_31 : memref<128x256xf32, #tpu.memory_space<hbm>>)
    %dma_start3A_32 = arith.constant 0 : i32
    %dma_start3A_33 = arith.constant 256 : i32
    %dma_start3A_34 = tpu.memref_slice %arg5[%dma_start3A_32, %dma_start3A_33] : memref<8x512xi32, #tpu.memory_space<vmem>> -> memref<1x128xi32, #tpu.memory_space<vmem>>
    %dma_start3A_35 = tpu.memref_squeeze %dma_start3A_34 : memref<1x128xi32, #tpu.memory_space<vmem>> -> memref<128xi32, #tpu.memory_space<vmem>>
    %dma_start3A_36 = arith.constant 0 : i32
    %dma_start3A_37 = arith.constant 0 : i32
    %dma_start3A_38 = tpu.memref_slice %arg2[%dma_start3A_36, %dma_start3A_37] : memref<8192x256xf32, #tpu.memory_space<hbm>> -> memref<8192x256xf32, #tpu.memory_space<hbm>>
    tpu.enqueue_indirect_dma source(%dma_start3A_38 : memref<8192x256xf32, #tpu.memory_space<hbm>>) target(%arg6 : memref<128x256xf32, #tpu.memory_space<vmem>>) offsets(%dma_start3A_35 : memref<128xi32, #tpu.memory_space<vmem>>) semaphore(%arg8 : memref<!tpu.dma_semaphore, #tpu.memory_space<semaphore_mem>>)
    %dma_wait3A_39 = arith.constant 0 : i32
    %dma_wait3A_40 = arith.constant 128 : i32
    %dma_wait3A_41 = tpu.memref_slice %arg5[%dma_wait3A_39, %dma_wait3A_40] : memref<8x512xi32, #tpu.memory_space<vmem>> -> memref<1x128xi32, #tpu.memory_space<vmem>>
    %dma_wait3A_42 = tpu.memref_squeeze %dma_wait3A_41 : memref<1x128xi32, #tpu.memory_space<vmem>> -> memref<128xi32, #tpu.memory_space<vmem>>
    %dma_wait3A_43 = arith.constant 0 : i32
    %dma_wait3A_44 = arith.constant 0 : i32
    %dma_wait3A_45 = tpu.memref_slice %arg2[%dma_wait3A_43, %dma_wait3A_44] : memref<8192x256xf32, #tpu.memory_space<hbm>> -> memref<8192x256xf32, #tpu.memory_space<hbm>>
    tpu.wait_indirect_dma semaphore(%arg9 : memref<!tpu.dma_semaphore, #tpu.memory_space<semaphore_mem>>) src(%dma_wait3A_45 : memref<8192x256xf32, #tpu.memory_space<hbm>>) dst(%arg7 : memref<128x256xf32, #tpu.memory_space<vmem>>)
    %add3A_46 = arith.constant 128 : i32
    %add3A_47 = arith.addi %mul3A_2, %add3A_46 : i32
    %dma_start3A_48 = arith.constant 0 : i32
    %dma_start3A_49 = tpu.memref_slice %arg4[%add3A_47, %dma_start3A_48] : memref<16384x2048xf32, #tpu.memory_space<hbm>> -> memref<128x256xf32, #tpu.memory_space<hbm>>
    %dma_start3A_50 = arith.constant 0 : i32
    %dma_start3A_51 = tpu.memref_slice %arg4[%add3A_47, %dma_start3A_50] : memref<16384x2048xf32, #tpu.memory_space<hbm>> -> memref<128x256xf32, #tpu.memory_space<hbm>>
    tpu.enqueue_dma source(%arg7 : memref<128x256xf32, #tpu.memory_space<vmem>>) target(%dma_start3A_51 : memref<128x256xf32, #tpu.memory_space<hbm>>) target_semaphore(%arg11 : memref<!tpu.dma_semaphore, #tpu.memory_space<semaphore_mem>>)
    %dma_wait3A_52 = arith.constant 0 : i32
    %dma_wait3A_53 = tpu.memref_slice %arg4[%add3A_47, %dma_wait3A_52] : memref<16384x2048xf32, #tpu.memory_space<hbm>> -> memref<128x256xf32, #tpu.memory_space<hbm>>
    %dma_wait3A_54 = arith.constant 0 : i32
    %dma_wait3A_55 = tpu.memref_slice %arg4[%add3A_47, %dma_wait3A_54] : memref<16384x2048xf32, #tpu.memory_space<hbm>> -> memref<128x256xf32, #tpu.memory_space<hbm>>
    tpu.wait_dma2 semaphore(%arg11 : memref<!tpu.dma_semaphore, #tpu.memory_space<semaphore_mem>>) src(%arg7 : memref<128x256xf32, #tpu.memory_space<vmem>>) dst(%dma_wait3A_55 : memref<128x256xf32, #tpu.memory_space<hbm>>)
    %dma_start3A_56 = arith.constant 0 : i32
    %dma_start3A_57 = arith.constant 384 : i32
    %dma_start3A_58 = tpu.memref_slice %arg5[%dma_start3A_56, %dma_start3A_57] : memref<8x512xi32, #tpu.memory_space<vmem>> -> memref<1x128xi32, #tpu.memory_space<vmem>>
    %dma_start3A_59 = tpu.memref_squeeze %dma_start3A_58 : memref<1x128xi32, #tpu.memory_space<vmem>> -> memref<128xi32, #tpu.memory_space<vmem>>
    %dma_start3A_60 = arith.constant 0 : i32
    %dma_start3A_61 = arith.constant 0 : i32
    %dma_start3A_62 = tpu.memref_slice %arg2[%dma_start3A_60, %dma_start3A_61] : memref<8192x256xf32, #tpu.memory_space<hbm>> -> memref<8192x256xf32, #tpu.memory_space<hbm>>
    tpu.enqueue_indirect_dma source(%dma_start3A_62 : memref<8192x256xf32, #tpu.memory_space<hbm>>) target(%arg7 : memref<128x256xf32, #tpu.memory_space<vmem>>) offsets(%dma_start3A_59 : memref<128xi32, #tpu.memory_space<vmem>>) semaphore(%arg9 : memref<!tpu.dma_semaphore, #tpu.memory_space<semaphore_mem>>)
    %dma_wait3A_63 = arith.constant 0 : i32
    %dma_wait3A_64 = arith.constant 256 : i32
    %dma_wait3A_65 = tpu.memref_slice %arg5[%dma_wait3A_63, %dma_wait3A_64] : memref<8x512xi32, #tpu.memory_space<vmem>> -> memref<1x128xi32, #tpu.memory_space<vmem>>
    %dma_wait3A_66 = tpu.memref_squeeze %dma_wait3A_65 : memref<1x128xi32, #tpu.memory_space<vmem>> -> memref<128xi32, #tpu.memory_space<vmem>>
    %dma_wait3A_67 = arith.constant 0 : i32
    %dma_wait3A_68 = arith.constant 0 : i32
    %dma_wait3A_69 = tpu.memref_slice %arg2[%dma_wait3A_67, %dma_wait3A_68] : memref<8192x256xf32, #tpu.memory_space<hbm>> -> memref<8192x256xf32, #tpu.memory_space<hbm>>
    tpu.wait_indirect_dma semaphore(%arg8 : memref<!tpu.dma_semaphore, #tpu.memory_space<semaphore_mem>>) src(%dma_wait3A_69 : memref<8192x256xf32, #tpu.memory_space<hbm>>) dst(%arg6 : memref<128x256xf32, #tpu.memory_space<vmem>>)
    %add3A_70 = arith.constant 256 : i32
    %add3A_71 = arith.addi %mul3A_2, %add3A_70 : i32
    %dma_start3A_72 = arith.constant 0 : i32
    %dma_start3A_73 = tpu.memref_slice %arg4[%add3A_71, %dma_start3A_72] : memref<16384x2048xf32, #tpu.memory_space<hbm>> -> memref<128x256xf32, #tpu.memory_space<hbm>>
    %dma_start3A_74 = arith.constant 0 : i32
    %dma_start3A_75 = tpu.memref_slice %arg4[%add3A_71, %dma_start3A_74] : memref<16384x2048xf32, #tpu.memory_space<hbm>> -> memref<128x256xf32, #tpu.memory_space<hbm>>
    tpu.enqueue_dma source(%arg6 : memref<128x256xf32, #tpu.memory_space<vmem>>) target(%dma_start3A_75 : memref<128x256xf32, #tpu.memory_space<hbm>>) target_semaphore(%arg10 : memref<!tpu.dma_semaphore, #tpu.memory_space<semaphore_mem>>)
    %dma_wait3A_76 = arith.constant 0 : i32
    %dma_wait3A_77 = tpu.memref_slice %arg4[%add3A_71, %dma_wait3A_76] : memref<16384x2048xf32, #tpu.memory_space<hbm>> -> memref<128x256xf32, #tpu.memory_space<hbm>>
    %dma_wait3A_78 = arith.constant 0 : i32
    %dma_wait3A_79 = tpu.memref_slice %arg4[%add3A_71, %dma_wait3A_78] : memref<16384x2048xf32, #tpu.memory_space<hbm>> -> memref<128x256xf32, #tpu.memory_space<hbm>>
    tpu.wait_dma2 semaphore(%arg10 : memref<!tpu.dma_semaphore, #tpu.memory_space<semaphore_mem>>) src(%arg6 : memref<128x256xf32, #tpu.memory_space<vmem>>) dst(%dma_wait3A_79 : memref<128x256xf32, #tpu.memory_space<hbm>>)
    %dma_start3A_80 = arith.constant 1 : i32
    %dma_start3A_81 = arith.constant 0 : i32
    %dma_start3A_82 = tpu.memref_slice %arg5[%dma_start3A_80, %dma_start3A_81] : memref<8x512xi32, #tpu.memory_space<vmem>> -> memref<1x128xi32, #tpu.memory_space<vmem>>
    %dma_start3A_83 = tpu.memref_squeeze %dma_start3A_82 : memref<1x128xi32, #tpu.memory_space<vmem>> -> memref<128xi32, #tpu.memory_space<vmem>>
    %dma_start3A_84 = arith.constant 0 : i32
    %dma_start3A_85 = arith.constant 0 : i32
    %dma_start3A_86 = tpu.memref_slice %arg2[%dma_start3A_84, %dma_start3A_85] : memref<8192x256xf32, #tpu.memory_space<hbm>> -> memref<8192x256xf32, #tpu.memory_space<hbm>>
    tpu.enqueue_indirect_dma source(%dma_start3A_86 : memref<8192x256xf32, #tpu.memory_space<hbm>>) target(%arg6 : memref<128x256xf32, #tpu.memory_space<vmem>>) offsets(%dma_start3A_83 : memref<128xi32, #tpu.memory_space<vmem>>) semaphore(%arg8 : memref<!tpu.dma_semaphore, #tpu.memory_space<semaphore_mem>>)
    %dma_wait3A_87 = arith.constant 0 : i32
    %dma_wait3A_88 = arith.constant 384 : i32
    %dma_wait3A_89 = tpu.memref_slice %arg5[%dma_wait3A_87, %dma_wait3A_88] : memref<8x512xi32, #tpu.memory_space<vmem>> -> memref<1x128xi32, #tpu.memory_space<vmem>>
    %dma_wait3A_90 = tpu.memref_squeeze %dma_wait3A_89 : memref<1x128xi32, #tpu.memory_space<vmem>> -> memref<128xi32, #tpu.memory_space<vmem>>
    %dma_wait3A_91 = arith.constant 0 : i32
    %dma_wait3A_92 = arith.constant 0 : i32
    %dma_wait3A_93 = tpu.memref_slice %arg2[%dma_wait3A_91, %dma_wait3A_92] : memref<8192x256xf32, #tpu.memory_space<hbm>> -> memref<8192x256xf32, #tpu.memory_space<hbm>>
    tpu.wait_indirect_dma semaphore(%arg9 : memref<!tpu.dma_semaphore, #tpu.memory_space<semaphore_mem>>) src(%dma_wait3A_93 : memref<8192x256xf32, #tpu.memory_space<hbm>>) dst(%arg7 : memref<128x256xf32, #tpu.memory_space<vmem>>)
    %add3A_94 = arith.constant 384 : i32
    %add3A_95 = arith.addi %mul3A_2, %add3A_94 : i32
    %dma_start3A_96 = arith.constant 0 : i32
    %dma_start3A_97 = tpu.memref_slice %arg4[%add3A_95, %dma_start3A_96] : memref<16384x2048xf32, #tpu.memory_space<hbm>> -> memref<128x256xf32, #tpu.memory_space<hbm>>
    %dma_start3A_98 = arith.constant 0 : i32
    %dma_start3A_99 = tpu.memref_slice %arg4[%add3A_95, %dma_start3A_98] : memref<16384x2048xf32, #tpu.memory_space<hbm>> -> memref<128x256xf32, #tpu.memory_space<hbm>>
    tpu.enqueue_dma source(%arg7 : memref<128x256xf32, #tpu.memory_space<vmem>>) target(%dma_start3A_99 : memref<128x256xf32, #tpu.memory_space<hbm>>) target_semaphore(%arg11 : memref<!tpu.dma_semaphore, #tpu.memory_space<semaphore_mem>>)
    %dma_wait3A_100 = arith.constant 0 : i32
    %dma_wait3A_101 = tpu.memref_slice %arg4[%add3A_95, %dma_wait3A_100] : memref<16384x2048xf32, #tpu.memory_space<hbm>> -> memref<128x256xf32, #tpu.memory_space<hbm>>
    %dma_wait3A_102 = arith.constant 0 : i32
    %dma_wait3A_103 = tpu.memref_slice %arg4[%add3A_95, %dma_wait3A_102] : memref<16384x2048xf32, #tpu.memory_space<hbm>> -> memref<128x256xf32, #tpu.memory_space<hbm>>
    tpu.wait_dma2 semaphore(%arg11 : memref<!tpu.dma_semaphore, #tpu.memory_space<semaphore_mem>>) src(%arg7 : memref<128x256xf32, #tpu.memory_space<vmem>>) dst(%dma_wait3A_103 : memref<128x256xf32, #tpu.memory_space<hbm>>)
    %dma_start3A_104 = arith.constant 1 : i32
    %dma_start3A_105 = arith.constant 128 : i32
    %dma_start3A_106 = tpu.memref_slice %arg5[%dma_start3A_104, %dma_start3A_105] : memref<8x512xi32, #tpu.memory_space<vmem>> -> memref<1x128xi32, #tpu.memory_space<vmem>>
    %dma_start3A_107 = tpu.memref_squeeze %dma_start3A_106 : memref<1x128xi32, #tpu.memory_space<vmem>> -> memref<128xi32, #tpu.memory_space<vmem>>
    %dma_start3A_108 = arith.constant 0 : i32
    %dma_start3A_109 = arith.constant 0 : i32
    %dma_start3A_110 = tpu.memref_slice %arg2[%dma_start3A_108, %dma_start3A_109] : memref<8192x256xf32, #tpu.memory_space<hbm>> -> memref<8192x256xf32, #tpu.memory_space<hbm>>
    tpu.enqueue_indirect_dma source(%dma_start3A_110 : memref<8192x256xf32, #tpu.memory_space<hbm>>) target(%arg7 : memref<128x256xf32, #tpu.memory_space<vmem>>) offsets(%dma_start3A_107 : memref<128xi32, #tpu.memory_space<vmem>>) semaphore(%arg9 : memref<!tpu.dma_semaphore, #tpu.memory_space<semaphore_mem>>)
    %dma_wait3A_111 = arith.constant 1 : i32
    %dma_wait3A_112 = arith.constant 0 : i32
    %dma_wait3A_113 = tpu.memref_slice %arg5[%dma_wait3A_111, %dma_wait3A_112] : memref<8x512xi32, #tpu.memory_space<vmem>> -> memref<1x128xi32, #tpu.memory_space<vmem>>
    %dma_wait3A_114 = tpu.memref_squeeze %dma_wait3A_113 : memref<1x128xi32, #tpu.memory_space<vmem>> -> memref<128xi32, #tpu.memory_space<vmem>>
    %dma_wait3A_115 = arith.constant 0 : i32
    %dma_wait3A_116 = arith.constant 0 : i32
    %dma_wait3A_117 = tpu.memref_slice %arg2[%dma_wait3A_115, %dma_wait3A_116] : memref<8192x256xf32, #tpu.memory_space<hbm>> -> memref<8192x256xf32, #tpu.memory_space<hbm>>
    tpu.wait_indirect_dma semaphore(%arg8 : memref<!tpu.dma_semaphore, #tpu.memory_space<semaphore_mem>>) src(%dma_wait3A_117 : memref<8192x256xf32, #tpu.memory_space<hbm>>) dst(%arg6 : memref<128x256xf32, #tpu.memory_space<vmem>>)
    %add3A_118 = arith.constant 0 : i32
    %add3A_119 = arith.addi %mul3A_2, %add3A_118 : i32
    %dma_start3A_120 = arith.constant 256 : i32
    %dma_start3A_121 = tpu.memref_slice %arg4[%add3A_119, %dma_start3A_120] : memref<16384x2048xf32, #tpu.memory_space<hbm>> -> memref<128x256xf32, #tpu.memory_space<hbm>>
    %dma_start3A_122 = arith.constant 256 : i32
    %dma_start3A_123 = tpu.memref_slice %arg4[%add3A_119, %dma_start3A_122] : memref<16384x2048xf32, #tpu.memory_space<hbm>> -> memref<128x256xf32, #tpu.memory_space<hbm>>
    tpu.enqueue_dma source(%arg6 : memref<128x256xf32, #tpu.memory_space<vmem>>) target(%dma_start3A_123 : memref<128x256xf32, #tpu.memory_space<hbm>>) target_semaphore(%arg10 : memref<!tpu.dma_semaphore, #tpu.memory_space<semaphore_mem>>)
    %dma_wait3A_124 = arith.constant 256 : i32
    %dma_wait3A_125 = tpu.memref_slice %arg4[%add3A_119, %dma_wait3A_124] : memref<16384x2048xf32, #tpu.memory_space<hbm>> -> memref<128x256xf32, #tpu.memory_space<hbm>>
    %dma_wait3A_126 = arith.constant 256 : i32
    %dma_wait3A_127 = tpu.memref_slice %arg4[%add3A_119, %dma_wait3A_126] : memref<16384x2048xf32, #tpu.memory_space<hbm>> -> memref<128x256xf32, #tpu.memory_space<hbm>>
    tpu.wait_dma2 semaphore(%arg10 : memref<!tpu.dma_semaphore, #tpu.memory_space<semaphore_mem>>) src(%arg6 : memref<128x256xf32, #tpu.memory_space<vmem>>) dst(%dma_wait3A_127 : memref<128x256xf32, #tpu.memory_space<hbm>>)
    %dma_start3A_128 = arith.constant 1 : i32
    %dma_start3A_129 = arith.constant 256 : i32
    %dma_start3A_130 = tpu.memref_slice %arg5[%dma_start3A_128, %dma_start3A_129] : memref<8x512xi32, #tpu.memory_space<vmem>> -> memref<1x128xi32, #tpu.memory_space<vmem>>
    %dma_start3A_131 = tpu.memref_squeeze %dma_start3A_130 : memref<1x128xi32, #tpu.memory_space<vmem>> -> memref<128xi32, #tpu.memory_space<vmem>>
    %dma_start3A_132 = arith.constant 0 : i32
    %dma_start3A_133 = arith.constant 0 : i32
    %dma_start3A_134 = tpu.memref_slice %arg2[%dma_start3A_132, %dma_start3A_133] : memref<8192x256xf32, #tpu.memory_space<hbm>> -> memref<8192x256xf32, #tpu.memory_space<hbm>>
    tpu.enqueue_indirect_dma source(%dma_start3A_134 : memref<8192x256xf32, #tpu.memory_space<hbm>>) target(%arg6 : memref<128x256xf32, #tpu.memory_space<vmem>>) offsets(%dma_start3A_131 : memref<128xi32, #tpu.memory_space<vmem>>) semaphore(%arg8 : memref<!tpu.dma_semaphore, #tpu.memory_space<semaphore_mem>>)
    %dma_wait3A_135 = arith.constant 1 : i32
    %dma_wait3A_136 = arith.constant 128 : i32
    %dma_wait3A_137 = tpu.memref_slice %arg5[%dma_wait3A_135, %dma_wait3A_136] : memref<8x512xi32, #tpu.memory_space<vmem>> -> memref<1x128xi32, #tpu.memory_space<vmem>>
    %dma_wait3A_138 = tpu.memref_squeeze %dma_wait3A_137 : memref<1x128xi32, #tpu.memory_space<vmem>> -> memref<128xi32, #tpu.memory_space<vmem>>
    %dma_wait3A_139 = arith.constant 0 : i32
    %dma_wait3A_140 = arith.constant 0 : i32
    %dma_wait3A_141 = tpu.memref_slice %arg2[%dma_wait3A_139, %dma_wait3A_140] : memref<8192x256xf32, #tpu.memory_space<hbm>> -> memref<8192x256xf32, #tpu.memory_space<hbm>>
    tpu.wait_indirect_dma semaphore(%arg9 : memref<!tpu.dma_semaphore, #tpu.memory_space<semaphore_mem>>) src(%dma_wait3A_141 : memref<8192x256xf32, #tpu.memory_space<hbm>>) dst(%arg7 : memref<128x256xf32, #tpu.memory_space<vmem>>)
    %add3A_142 = arith.constant 128 : i32
    %add3A_143 = arith.addi %mul3A_2, %add3A_142 : i32
    %dma_start3A_144 = arith.constant 256 : i32
    %dma_start3A_145 = tpu.memref_slice %arg4[%add3A_143, %dma_start3A_144] : memref<16384x2048xf32, #tpu.memory_space<hbm>> -> memref<128x256xf32, #tpu.memory_space<hbm>>
    %dma_start3A_146 = arith.constant 256 : i32
    %dma_start3A_147 = tpu.memref_slice %arg4[%add3A_143, %dma_start3A_146] : memref<16384x2048xf32, #tpu.memory_space<hbm>> -> memref<128x256xf32, #tpu.memory_space<hbm>>
    tpu.enqueue_dma source(%arg7 : memref<128x256xf32, #tpu.memory_space<vmem>>) target(%dma_start3A_147 : memref<128x256xf32, #tpu.memory_space<hbm>>) target_semaphore(%arg11 : memref<!tpu.dma_semaphore, #tpu.memory_space<semaphore_mem>>)
    %dma_wait3A_148 = arith.constant 256 : i32
    %dma_wait3A_149 = tpu.memref_slice %arg4[%add3A_143, %dma_wait3A_148] : memref<16384x2048xf32, #tpu.memory_space<hbm>> -> memref<128x256xf32, #tpu.memory_space<hbm>>
    %dma_wait3A_150 = arith.constant 256 : i32
    %dma_wait3A_151 = tpu.memref_slice %arg4[%add3A_143, %dma_wait3A_150] : memref<16384x2048xf32, #tpu.memory_space<hbm>> -> memref<128x256xf32, #tpu.memory_space<hbm>>
    tpu.wait_dma2 semaphore(%arg11 : memref<!tpu.dma_semaphore, #tpu.memory_space<semaphore_mem>>) src(%arg7 : memref<128x256xf32, #tpu.memory_space<vmem>>) dst(%dma_wait3A_151 : memref<128x256xf32, #tpu.memory_space<hbm>>)
    %dma_start3A_152 = arith.constant 1 : i32
    %dma_start3A_153 = arith.constant 384 : i32
    %dma_start3A_154 = tpu.memref_slice %arg5[%dma_start3A_152, %dma_start3A_153] : memref<8x512xi32, #tpu.memory_space<vmem>> -> memref<1x128xi32, #tpu.memory_space<vmem>>
    %dma_start3A_155 = tpu.memref_squeeze %dma_start3A_154 : memref<1x128xi32, #tpu.memory_space<vmem>> -> memref<128xi32, #tpu.memory_space<vmem>>
    %dma_start3A_156 = arith.constant 0 : i32
    %dma_start3A_157 = arith.constant 0 : i32
    %dma_start3A_158 = tpu.memref_slice %arg2[%dma_start3A_156, %dma_start3A_157] : memref<8192x256xf32, #tpu.memory_space<hbm>> -> memref<8192x256xf32, #tpu.memory_space<hbm>>
    tpu.enqueue_indirect_dma source(%dma_start3A_158 : memref<8192x256xf32, #tpu.memory_space<hbm>>) target(%arg7 : memref<128x256xf32, #tpu.memory_space<vmem>>) offsets(%dma_start3A_155 : memref<128xi32, #tpu.memory_space<vmem>>) semaphore(%arg9 : memref<!tpu.dma_semaphore, #tpu.memory_space<semaphore_mem>>)
    %dma_wait3A_159 = arith.constant 1 : i32
    %dma_wait3A_160 = arith.constant 256 : i32
    %dma_wait3A_161 = tpu.memref_slice %arg5[%dma_wait3A_159, %dma_wait3A_160] : memref<8x512xi32, #tpu.memory_space<vmem>> -> memref<1x128xi32, #tpu.memory_space<vmem>>
    %dma_wait3A_162 = tpu.memref_squeeze %dma_wait3A_161 : memref<1x128xi32, #tpu.memory_space<vmem>> -> memref<128xi32, #tpu.memory_space<vmem>>
    %dma_wait3A_163 = arith.constant 0 : i32
    %dma_wait3A_164 = arith.constant 0 : i32
    %dma_wait3A_165 = tpu.memref_slice %arg2[%dma_wait3A_163, %dma_wait3A_164] : memref<8192x256xf32, #tpu.memory_space<hbm>> -> memref<8192x256xf32, #tpu.memory_space<hbm>>
    tpu.wait_indirect_dma semaphore(%arg8 : memref<!tpu.dma_semaphore, #tpu.memory_space<semaphore_mem>>) src(%dma_wait3A_165 : memref<8192x256xf32, #tpu.memory_space<hbm>>) dst(%arg6 : memref<128x256xf32, #tpu.memory_space<vmem>>)
    %add3A_166 = arith.constant 256 : i32
    %add3A_167 = arith.addi %mul3A_2, %add3A_166 : i32
    %dma_start3A_168 = arith.constant 256 : i32
    %dma_start3A_169 = tpu.memref_slice %arg4[%add3A_167, %dma_start3A_168] : memref<16384x2048xf32, #tpu.memory_space<hbm>> -> memref<128x256xf32, #tpu.memory_space<hbm>>
    %dma_start3A_170 = arith.constant 256 : i32
    %dma_start3A_171 = tpu.memref_slice %arg4[%add3A_167, %dma_start3A_170] : memref<16384x2048xf32, #tpu.memory_space<hbm>> -> memref<128x256xf32, #tpu.memory_space<hbm>>
    tpu.enqueue_dma source(%arg6 : memref<128x256xf32, #tpu.memory_space<vmem>>) target(%dma_start3A_171 : memref<128x256xf32, #tpu.memory_space<hbm>>) target_semaphore(%arg10 : memref<!tpu.dma_semaphore, #tpu.memory_space<semaphore_mem>>)
    %dma_wait3A_172 = arith.constant 256 : i32
    %dma_wait3A_173 = tpu.memref_slice %arg4[%add3A_167, %dma_wait3A_172] : memref<16384x2048xf32, #tpu.memory_space<hbm>> -> memref<128x256xf32, #tpu.memory_space<hbm>>
    %dma_wait3A_174 = arith.constant 256 : i32
    %dma_wait3A_175 = tpu.memref_slice %arg4[%add3A_167, %dma_wait3A_174] : memref<16384x2048xf32, #tpu.memory_space<hbm>> -> memref<128x256xf32, #tpu.memory_space<hbm>>
    tpu.wait_dma2 semaphore(%arg10 : memref<!tpu.dma_semaphore, #tpu.memory_space<semaphore_mem>>) src(%arg6 : memref<128x256xf32, #tpu.memory_space<vmem>>) dst(%dma_wait3A_175 : memref<128x256xf32, #tpu.memory_space<hbm>>)
    %dma_start3A_176 = arith.constant 2 : i32
    %dma_start3A_177 = arith.constant 0 : i32
    %dma_start3A_178 = tpu.memref_slice %arg5[%dma_start3A_176, %dma_start3A_177] : memref<8x512xi32, #tpu.memory_space<vmem>> -> memref<1x128xi32, #tpu.memory_space<vmem>>
    %dma_start3A_179 = tpu.memref_squeeze %dma_start3A_178 : memref<1x128xi32, #tpu.memory_space<vmem>> -> memref<128xi32, #tpu.memory_space<vmem>>
    %dma_start3A_180 = arith.constant 0 : i32
    %dma_start3A_181 = arith.constant 0 : i32
    %dma_start3A_182 = tpu.memref_slice %arg2[%dma_start3A_180, %dma_start3A_181] : memref<8192x256xf32, #tpu.memory_space<hbm>> -> memref<8192x256xf32, #tpu.memory_space<hbm>>
    tpu.enqueue_indirect_dma source(%dma_start3A_182 : memref<8192x256xf32, #tpu.memory_space<hbm>>) target(%arg6 : memref<128x256xf32, #tpu.memory_space<vmem>>) offsets(%dma_start3A_179 : memref<128xi32, #tpu.memory_space<vmem>>) semaphore(%arg8 : memref<!tpu.dma_semaphore, #tpu.memory_space<semaphore_mem>>)
    %dma_wait3A_183 = arith.constant 1 : i32
    %dma_wait3A_184 = arith.constant 384 : i32
    %dma_wait3A_185 = tpu.memref_slice %arg5[%dma_wait3A_183, %dma_wait3A_184] : memref<8x512xi32, #tpu.memory_space<vmem>> -> memref<1x128xi32, #tpu.memory_space<vmem>>
    %dma_wait3A_186 = tpu.memref_squeeze %dma_wait3A_185 : memref<1x128xi32, #tpu.memory_space<vmem>> -> memref<128xi32, #tpu.memory_space<vmem>>
    %dma_wait3A_187 = arith.constant 0 : i32
    %dma_wait3A_188 = arith.constant 0 : i32
    %dma_wait3A_189 = tpu.memref_slice %arg2[%dma_wait3A_187, %dma_wait3A_188] : memref<8192x256xf32, #tpu.memory_space<hbm>> -> memref<8192x256xf32, #tpu.memory_space<hbm>>
    tpu.wait_indirect_dma semaphore(%arg9 : memref<!tpu.dma_semaphore, #tpu.memory_space<semaphore_mem>>) src(%dma_wait3A_189 : memref<8192x256xf32, #tpu.memory_space<hbm>>) dst(%arg7 : memref<128x256xf32, #tpu.memory_space<vmem>>)
    %add3A_190 = arith.constant 384 : i32
    %add3A_191 = arith.addi %mul3A_2, %add3A_190 : i32
    %dma_start3A_192 = arith.constant 256 : i32
    %dma_start3A_193 = tpu.memref_slice %arg4[%add3A_191, %dma_start3A_192] : memref<16384x2048xf32, #tpu.memory_space<hbm>> -> memref<128x256xf32, #tpu.memory_space<hbm>>
    %dma_start3A_194 = arith.constant 256 : i32
    %dma_start3A_195 = tpu.memref_slice %arg4[%add3A_191, %dma_start3A_194] : memref<16384x2048xf32, #tpu.memory_space<hbm>> -> memref<128x256xf32, #tpu.memory_space<hbm>>
    tpu.enqueue_dma source(%arg7 : memref<128x256xf32, #tpu.memory_space<vmem>>) target(%dma_start3A_195 : memref<128x256xf32, #tpu.memory_space<hbm>>) target_semaphore(%arg11 : memref<!tpu.dma_semaphore, #tpu.memory_space<semaphore_mem>>)
    %dma_wait3A_196 = arith.constant 256 : i32
    %dma_wait3A_197 = tpu.memref_slice %arg4[%add3A_191, %dma_wait3A_196] : memref<16384x2048xf32, #tpu.memory_space<hbm>> -> memref<128x256xf32, #tpu.memory_space<hbm>>
    %dma_wait3A_198 = arith.constant 256 : i32
    %dma_wait3A_199 = tpu.memref_slice %arg4[%add3A_191, %dma_wait3A_198] : memref<16384x2048xf32, #tpu.memory_space<hbm>> -> memref<128x256xf32, #tpu.memory_space<hbm>>
    tpu.wait_dma2 semaphore(%arg11 : memref<!tpu.dma_semaphore, #tpu.memory_space<semaphore_mem>>) src(%arg7 : memref<128x256xf32, #tpu.memory_space<vmem>>) dst(%dma_wait3A_199 : memref<128x256xf32, #tpu.memory_space<hbm>>)
    %dma_start3A_200 = arith.constant 2 : i32
    %dma_start3A_201 = arith.constant 128 : i32
    %dma_start3A_202 = tpu.memref_slice %arg5[%dma_start3A_200, %dma_start3A_201] : memref<8x512xi32, #tpu.memory_space<vmem>> -> memref<1x128xi32, #tpu.memory_space<vmem>>
    %dma_start3A_203 = tpu.memref_squeeze %dma_start3A_202 : memref<1x128xi32, #tpu.memory_space<vmem>> -> memref<128xi32, #tpu.memory_space<vmem>>
    %dma_start3A_204 = arith.constant 0 : i32
    %dma_start3A_205 = arith.constant 0 : i32
    %dma_start3A_206 = tpu.memref_slice %arg2[%dma_start3A_204, %dma_start3A_205] : memref<8192x256xf32, #tpu.memory_space<hbm>> -> memref<8192x256xf32, #tpu.memory_space<hbm>>
    tpu.enqueue_indirect_dma source(%dma_start3A_206 : memref<8192x256xf32, #tpu.memory_space<hbm>>) target(%arg7 : memref<128x256xf32, #tpu.memory_space<vmem>>) offsets(%dma_start3A_203 : memref<128xi32, #tpu.memory_space<vmem>>) semaphore(%arg9 : memref<!tpu.dma_semaphore, #tpu.memory_space<semaphore_mem>>)
    %dma_wait3A_207 = arith.constant 2 : i32
    %dma_wait3A_208 = arith.constant 0 : i32
    %dma_wait3A_209 = tpu.memref_slice %arg5[%dma_wait3A_207, %dma_wait3A_208] : memref<8x512xi32, #tpu.memory_space<vmem>> -> memref<1x128xi32, #tpu.memory_space<vmem>>
    %dma_wait3A_210 = tpu.memref_squeeze %dma_wait3A_209 : memref<1x128xi32, #tpu.memory_space<vmem>> -> memref<128xi32, #tpu.memory_space<vmem>>
    %dma_wait3A_211 = arith.constant 0 : i32
    %dma_wait3A_212 = arith.constant 0 : i32
    %dma_wait3A_213 = tpu.memref_slice %arg2[%dma_wait3A_211, %dma_wait3A_212] : memref<8192x256xf32, #tpu.memory_space<hbm>> -> memref<8192x256xf32, #tpu.memory_space<hbm>>
    tpu.wait_indirect_dma semaphore(%arg8 : memref<!tpu.dma_semaphore, #tpu.memory_space<semaphore_mem>>) src(%dma_wait3A_213 : memref<8192x256xf32, #tpu.memory_space<hbm>>) dst(%arg6 : memref<128x256xf32, #tpu.memory_space<vmem>>)
    %add3A_214 = arith.constant 0 : i32
    %add3A_215 = arith.addi %mul3A_2, %add3A_214 : i32
    %dma_start3A_216 = arith.constant 512 : i32
    %dma_start3A_217 = tpu.memref_slice %arg4[%add3A_215, %dma_start3A_216] : memref<16384x2048xf32, #tpu.memory_space<hbm>> -> memref<128x256xf32, #tpu.memory_space<hbm>>
    %dma_start3A_218 = arith.constant 512 : i32
    %dma_start3A_219 = tpu.memref_slice %arg4[%add3A_215, %dma_start3A_218] : memref<16384x2048xf32, #tpu.memory_space<hbm>> -> memref<128x256xf32, #tpu.memory_space<hbm>>
    tpu.enqueue_dma source(%arg6 : memref<128x256xf32, #tpu.memory_space<vmem>>) target(%dma_start3A_219 : memref<128x256xf32, #tpu.memory_space<hbm>>) target_semaphore(%arg10 : memref<!tpu.dma_semaphore, #tpu.memory_space<semaphore_mem>>)
    %dma_wait3A_220 = arith.constant 512 : i32
    %dma_wait3A_221 = tpu.memref_slice %arg4[%add3A_215, %dma_wait3A_220] : memref<16384x2048xf32, #tpu.memory_space<hbm>> -> memref<128x256xf32, #tpu.memory_space<hbm>>
    %dma_wait3A_222 = arith.constant 512 : i32
    %dma_wait3A_223 = tpu.memref_slice %arg4[%add3A_215, %dma_wait3A_222] : memref<16384x2048xf32, #tpu.memory_space<hbm>> -> memref<128x256xf32, #tpu.memory_space<hbm>>
    tpu.wait_dma2 semaphore(%arg10 : memref<!tpu.dma_semaphore, #tpu.memory_space<semaphore_mem>>) src(%arg6 : memref<128x256xf32, #tpu.memory_space<vmem>>) dst(%dma_wait3A_223 : memref<128x256xf32, #tpu.memory_space<hbm>>)
    %dma_start3A_224 = arith.constant 2 : i32
    %dma_start3A_225 = arith.constant 256 : i32
    %dma_start3A_226 = tpu.memref_slice %arg5[%dma_start3A_224, %dma_start3A_225] : memref<8x512xi32, #tpu.memory_space<vmem>> -> memref<1x128xi32, #tpu.memory_space<vmem>>
    %dma_start3A_227 = tpu.memref_squeeze %dma_start3A_226 : memref<1x128xi32, #tpu.memory_space<vmem>> -> memref<128xi32, #tpu.memory_space<vmem>>
    %dma_start3A_228 = arith.constant 0 : i32
    %dma_start3A_229 = arith.constant 0 : i32
    %dma_start3A_230 = tpu.memref_slice %arg2[%dma_start3A_228, %dma_start3A_229] : memref<8192x256xf32, #tpu.memory_space<hbm>> -> memref<8192x256xf32, #tpu.memory_space<hbm>>
    tpu.enqueue_indirect_dma source(%dma_start3A_230 : memref<8192x256xf32, #tpu.memory_space<hbm>>) target(%arg6 : memref<128x256xf32, #tpu.memory_space<vmem>>) offsets(%dma_start3A_227 : memref<128xi32, #tpu.memory_space<vmem>>) semaphore(%arg8 : memref<!tpu.dma_semaphore, #tpu.memory_space<semaphore_mem>>)
    %dma_wait3A_231 = arith.constant 2 : i32
    %dma_wait3A_232 = arith.constant 128 : i32
    %dma_wait3A_233 = tpu.memref_slice %arg5[%dma_wait3A_231, %dma_wait3A_232] : memref<8x512xi32, #tpu.memory_space<vmem>> -> memref<1x128xi32, #tpu.memory_space<vmem>>
    %dma_wait3A_234 = tpu.memref_squeeze %dma_wait3A_233 : memref<1x128xi32, #tpu.memory_space<vmem>> -> memref<128xi32, #tpu.memory_space<vmem>>
    %dma_wait3A_235 = arith.constant 0 : i32
    %dma_wait3A_236 = arith.constant 0 : i32
    %dma_wait3A_237 = tpu.memref_slice %arg2[%dma_wait3A_235, %dma_wait3A_236] : memref<8192x256xf32, #tpu.memory_space<hbm>> -> memref<8192x256xf32, #tpu.memory_space<hbm>>
    tpu.wait_indirect_dma semaphore(%arg9 : memref<!tpu.dma_semaphore, #tpu.memory_space<semaphore_mem>>) src(%dma_wait3A_237 : memref<8192x256xf32, #tpu.memory_space<hbm>>) dst(%arg7 : memref<128x256xf32, #tpu.memory_space<vmem>>)
    %add3A_238 = arith.constant 128 : i32
    %add3A_239 = arith.addi %mul3A_2, %add3A_238 : i32
    %dma_start3A_240 = arith.constant 512 : i32
    %dma_start3A_241 = tpu.memref_slice %arg4[%add3A_239, %dma_start3A_240] : memref<16384x2048xf32, #tpu.memory_space<hbm>> -> memref<128x256xf32, #tpu.memory_space<hbm>>
    %dma_start3A_242 = arith.constant 512 : i32
    %dma_start3A_243 = tpu.memref_slice %arg4[%add3A_239, %dma_start3A_242] : memref<16384x2048xf32, #tpu.memory_space<hbm>> -> memref<128x256xf32, #tpu.memory_space<hbm>>
    tpu.enqueue_dma source(%arg7 : memref<128x256xf32, #tpu.memory_space<vmem>>) target(%dma_start3A_243 : memref<128x256xf32, #tpu.memory_space<hbm>>) target_semaphore(%arg11 : memref<!tpu.dma_semaphore, #tpu.memory_space<semaphore_mem>>)
    %dma_wait3A_244 = arith.constant 512 : i32
    %dma_wait3A_245 = tpu.memref_slice %arg4[%add3A_239, %dma_wait3A_244] : memref<16384x2048xf32, #tpu.memory_space<hbm>> -> memref<128x256xf32, #tpu.memory_space<hbm>>
    %dma_wait3A_246 = arith.constant 512 : i32
    %dma_wait3A_247 = tpu.memref_slice %arg4[%add3A_239, %dma_wait3A_246] : memref<16384x2048xf32, #tpu.memory_space<hbm>> -> memref<128x256xf32, #tpu.memory_space<hbm>>
    tpu.wait_dma2 semaphore(%arg11 : memref<!tpu.dma_semaphore, #tpu.memory_space<semaphore_mem>>) src(%arg7 : memref<128x256xf32, #tpu.memory_space<vmem>>) dst(%dma_wait3A_247 : memref<128x256xf32, #tpu.memory_space<hbm>>)
    %dma_start3A_248 = arith.constant 2 : i32
    %dma_start3A_249 = arith.constant 384 : i32
    %dma_start3A_250 = tpu.memref_slice %arg5[%dma_start3A_248, %dma_start3A_249] : memref<8x512xi32, #tpu.memory_space<vmem>> -> memref<1x128xi32, #tpu.memory_space<vmem>>
    %dma_start3A_251 = tpu.memref_squeeze %dma_start3A_250 : memref<1x128xi32, #tpu.memory_space<vmem>> -> memref<128xi32, #tpu.memory_space<vmem>>
    %dma_start3A_252 = arith.constant 0 : i32
    %dma_start3A_253 = arith.constant 0 : i32
    %dma_start3A_254 = tpu.memref_slice %arg2[%dma_start3A_252, %dma_start3A_253] : memref<8192x256xf32, #tpu.memory_space<hbm>> -> memref<8192x256xf32, #tpu.memory_space<hbm>>
    tpu.enqueue_indirect_dma source(%dma_start3A_254 : memref<8192x256xf32, #tpu.memory_space<hbm>>) target(%arg7 : memref<128x256xf32, #tpu.memory_space<vmem>>) offsets(%dma_start3A_251 : memref<128xi32, #tpu.memory_space<vmem>>) semaphore(%arg9 : memref<!tpu.dma_semaphore, #tpu.memory_space<semaphore_mem>>)
    %dma_wait3A_255 = arith.constant 2 : i32
    %dma_wait3A_256 = arith.constant 256 : i32
    %dma_wait3A_257 = tpu.memref_slice %arg5[%dma_wait3A_255, %dma_wait3A_256] : memref<8x512xi32, #tpu.memory_space<vmem>> -> memref<1x128xi32, #tpu.memory_space<vmem>>
    %dma_wait3A_258 = tpu.memref_squeeze %dma_wait3A_257 : memref<1x128xi32, #tpu.memory_space<vmem>> -> memref<128xi32, #tpu.memory_space<vmem>>
    %dma_wait3A_259 = arith.constant 0 : i32
    %dma_wait3A_260 = arith.constant 0 : i32
    %dma_wait3A_261 = tpu.memref_slice %arg2[%dma_wait3A_259, %dma_wait3A_260] : memref<8192x256xf32, #tpu.memory_space<hbm>> -> memref<8192x256xf32, #tpu.memory_space<hbm>>
    tpu.wait_indirect_dma semaphore(%arg8 : memref<!tpu.dma_semaphore, #tpu.memory_space<semaphore_mem>>) src(%dma_wait3A_261 : memref<8192x256xf32, #tpu.memory_space<hbm>>) dst(%arg6 : memref<128x256xf32, #tpu.memory_space<vmem>>)
    %add3A_262 = arith.constant 256 : i32
    %add3A_263 = arith.addi %mul3A_2, %add3A_262 : i32
    %dma_start3A_264 = arith.constant 512 : i32
    %dma_start3A_265 = tpu.memref_slice %arg4[%add3A_263, %dma_start3A_264] : memref<16384x2048xf32, #tpu.memory_space<hbm>> -> memref<128x256xf32, #tpu.memory_space<hbm>>
    %dma_start3A_266 = arith.constant 512 : i32
    %dma_start3A_267 = tpu.memref_slice %arg4[%add3A_263, %dma_start3A_266] : memref<16384x2048xf32, #tpu.memory_space<hbm>> -> memref<128x256xf32, #tpu.memory_space<hbm>>
    tpu.enqueue_dma source(%arg6 : memref<128x256xf32, #tpu.memory_space<vmem>>) target(%dma_start3A_267 : memref<128x256xf32, #tpu.memory_space<hbm>>) target_semaphore(%arg10 : memref<!tpu.dma_semaphore, #tpu.memory_space<semaphore_mem>>)
    %dma_wait3A_268 = arith.constant 512 : i32
    %dma_wait3A_269 = tpu.memref_slice %arg4[%add3A_263, %dma_wait3A_268] : memref<16384x2048xf32, #tpu.memory_space<hbm>> -> memref<128x256xf32, #tpu.memory_space<hbm>>
    %dma_wait3A_270 = arith.constant 512 : i32
    %dma_wait3A_271 = tpu.memref_slice %arg4[%add3A_263, %dma_wait3A_270] : memref<16384x2048xf32, #tpu.memory_space<hbm>> -> memref<128x256xf32, #tpu.memory_space<hbm>>
    tpu.wait_dma2 semaphore(%arg10 : memref<!tpu.dma_semaphore, #tpu.memory_space<semaphore_mem>>) src(%arg6 : memref<128x256xf32, #tpu.memory_space<vmem>>) dst(%dma_wait3A_271 : memref<128x256xf32, #tpu.memory_space<hbm>>)
    %dma_start3A_272 = arith.constant 3 : i32
    %dma_start3A_273 = arith.constant 0 : i32
    %dma_start3A_274 = tpu.memref_slice %arg5[%dma_start3A_272, %dma_start3A_273] : memref<8x512xi32, #tpu.memory_space<vmem>> -> memref<1x128xi32, #tpu.memory_space<vmem>>
    %dma_start3A_275 = tpu.memref_squeeze %dma_start3A_274 : memref<1x128xi32, #tpu.memory_space<vmem>> -> memref<128xi32, #tpu.memory_space<vmem>>
    %dma_start3A_276 = arith.constant 0 : i32
    %dma_start3A_277 = arith.constant 0 : i32
    %dma_start3A_278 = tpu.memref_slice %arg2[%dma_start3A_276, %dma_start3A_277] : memref<8192x256xf32, #tpu.memory_space<hbm>> -> memref<8192x256xf32, #tpu.memory_space<hbm>>
    tpu.enqueue_indirect_dma source(%dma_start3A_278 : memref<8192x256xf32, #tpu.memory_space<hbm>>) target(%arg6 : memref<128x256xf32, #tpu.memory_space<vmem>>) offsets(%dma_start3A_275 : memref<128xi32, #tpu.memory_space<vmem>>) semaphore(%arg8 : memref<!tpu.dma_semaphore, #tpu.memory_space<semaphore_mem>>)
    %dma_wait3A_279 = arith.constant 2 : i32
    %dma_wait3A_280 = arith.constant 384 : i32
    %dma_wait3A_281 = tpu.memref_slice %arg5[%dma_wait3A_279, %dma_wait3A_280] : memref<8x512xi32, #tpu.memory_space<vmem>> -> memref<1x128xi32, #tpu.memory_space<vmem>>
    %dma_wait3A_282 = tpu.memref_squeeze %dma_wait3A_281 : memref<1x128xi32, #tpu.memory_space<vmem>> -> memref<128xi32, #tpu.memory_space<vmem>>
    %dma_wait3A_283 = arith.constant 0 : i32
    %dma_wait3A_284 = arith.constant 0 : i32
    %dma_wait3A_285 = tpu.memref_slice %arg2[%dma_wait3A_283, %dma_wait3A_284] : memref<8192x256xf32, #tpu.memory_space<hbm>> -> memref<8192x256xf32, #tpu.memory_space<hbm>>
    tpu.wait_indirect_dma semaphore(%arg9 : memref<!tpu.dma_semaphore, #tpu.memory_space<semaphore_mem>>) src(%dma_wait3A_285 : memref<8192x256xf32, #tpu.memory_space<hbm>>) dst(%arg7 : memref<128x256xf32, #tpu.memory_space<vmem>>)
    %add3A_286 = arith.constant 384 : i32
    %add3A_287 = arith.addi %mul3A_2, %add3A_286 : i32
    %dma_start3A_288 = arith.constant 512 : i32
    %dma_start3A_289 = tpu.memref_slice %arg4[%add3A_287, %dma_start3A_288] : memref<16384x2048xf32, #tpu.memory_space<hbm>> -> memref<128x256xf32, #tpu.memory_space<hbm>>
    %dma_start3A_290 = arith.constant 512 : i32
    %dma_start3A_291 = tpu.memref_slice %arg4[%add3A_287, %dma_start3A_290] : memref<16384x2048xf32, #tpu.memory_space<hbm>> -> memref<128x256xf32, #tpu.memory_space<hbm>>
    tpu.enqueue_dma source(%arg7 : memref<128x256xf32, #tpu.memory_space<vmem>>) target(%dma_start3A_291 : memref<128x256xf32, #tpu.memory_space<hbm>>) target_semaphore(%arg11 : memref<!tpu.dma_semaphore, #tpu.memory_space<semaphore_mem>>)
    %dma_wait3A_292 = arith.constant 512 : i32
    %dma_wait3A_293 = tpu.memref_slice %arg4[%add3A_287, %dma_wait3A_292] : memref<16384x2048xf32, #tpu.memory_space<hbm>> -> memref<128x256xf32, #tpu.memory_space<hbm>>
    %dma_wait3A_294 = arith.constant 512 : i32
    %dma_wait3A_295 = tpu.memref_slice %arg4[%add3A_287, %dma_wait3A_294] : memref<16384x2048xf32, #tpu.memory_space<hbm>> -> memref<128x256xf32, #tpu.memory_space<hbm>>
    tpu.wait_dma2 semaphore(%arg11 : memref<!tpu.dma_semaphore, #tpu.memory_space<semaphore_mem>>) src(%arg7 : memref<128x256xf32, #tpu.memory_space<vmem>>) dst(%dma_wait3A_295 : memref<128x256xf32, #tpu.memory_space<hbm>>)
    %dma_start3A_296 = arith.constant 3 : i32
    %dma_start3A_297 = arith.constant 128 : i32
    %dma_start3A_298 = tpu.memref_slice %arg5[%dma_start3A_296, %dma_start3A_297] : memref<8x512xi32, #tpu.memory_space<vmem>> -> memref<1x128xi32, #tpu.memory_space<vmem>>
    %dma_start3A_299 = tpu.memref_squeeze %dma_start3A_298 : memref<1x128xi32, #tpu.memory_space<vmem>> -> memref<128xi32, #tpu.memory_space<vmem>>
    %dma_start3A_300 = arith.constant 0 : i32
    %dma_start3A_301 = arith.constant 0 : i32
    %dma_start3A_302 = tpu.memref_slice %arg2[%dma_start3A_300, %dma_start3A_301] : memref<8192x256xf32, #tpu.memory_space<hbm>> -> memref<8192x256xf32, #tpu.memory_space<hbm>>
    tpu.enqueue_indirect_dma source(%dma_start3A_302 : memref<8192x256xf32, #tpu.memory_space<hbm>>) target(%arg7 : memref<128x256xf32, #tpu.memory_space<vmem>>) offsets(%dma_start3A_299 : memref<128xi32, #tpu.memory_space<vmem>>) semaphore(%arg9 : memref<!tpu.dma_semaphore, #tpu.memory_space<semaphore_mem>>)
    %dma_wait3A_303 = arith.constant 3 : i32
    %dma_wait3A_304 = arith.constant 0 : i32
    %dma_wait3A_305 = tpu.memref_slice %arg5[%dma_wait3A_303, %dma_wait3A_304] : memref<8x512xi32, #tpu.memory_space<vmem>> -> memref<1x128xi32, #tpu.memory_space<vmem>>
    %dma_wait3A_306 = tpu.memref_squeeze %dma_wait3A_305 : memref<1x128xi32, #tpu.memory_space<vmem>> -> memref<128xi32, #tpu.memory_space<vmem>>
    %dma_wait3A_307 = arith.constant 0 : i32
    %dma_wait3A_308 = arith.constant 0 : i32
    %dma_wait3A_309 = tpu.memref_slice %arg2[%dma_wait3A_307, %dma_wait3A_308] : memref<8192x256xf32, #tpu.memory_space<hbm>> -> memref<8192x256xf32, #tpu.memory_space<hbm>>
    tpu.wait_indirect_dma semaphore(%arg8 : memref<!tpu.dma_semaphore, #tpu.memory_space<semaphore_mem>>) src(%dma_wait3A_309 : memref<8192x256xf32, #tpu.memory_space<hbm>>) dst(%arg6 : memref<128x256xf32, #tpu.memory_space<vmem>>)
    %add3A_310 = arith.constant 0 : i32
    %add3A_311 = arith.addi %mul3A_2, %add3A_310 : i32
    %dma_start3A_312 = arith.constant 768 : i32
    %dma_start3A_313 = tpu.memref_slice %arg4[%add3A_311, %dma_start3A_312] : memref<16384x2048xf32, #tpu.memory_space<hbm>> -> memref<128x256xf32, #tpu.memory_space<hbm>>
    %dma_start3A_314 = arith.constant 768 : i32
    %dma_start3A_315 = tpu.memref_slice %arg4[%add3A_311, %dma_start3A_314] : memref<16384x2048xf32, #tpu.memory_space<hbm>> -> memref<128x256xf32, #tpu.memory_space<hbm>>
    tpu.enqueue_dma source(%arg6 : memref<128x256xf32, #tpu.memory_space<vmem>>) target(%dma_start3A_315 : memref<128x256xf32, #tpu.memory_space<hbm>>) target_semaphore(%arg10 : memref<!tpu.dma_semaphore, #tpu.memory_space<semaphore_mem>>)
    %dma_wait3A_316 = arith.constant 768 : i32
    %dma_wait3A_317 = tpu.memref_slice %arg4[%add3A_311, %dma_wait3A_316] : memref<16384x2048xf32, #tpu.memory_space<hbm>> -> memref<128x256xf32, #tpu.memory_space<hbm>>
    %dma_wait3A_318 = arith.constant 768 : i32
    %dma_wait3A_319 = tpu.memref_slice %arg4[%add3A_311, %dma_wait3A_318] : memref<16384x2048xf32, #tpu.memory_space<hbm>> -> memref<128x256xf32, #tpu.memory_space<hbm>>
    tpu.wait_dma2 semaphore(%arg10 : memref<!tpu.dma_semaphore, #tpu.memory_space<semaphore_mem>>) src(%arg6 : memref<128x256xf32, #tpu.memory_space<vmem>>) dst(%dma_wait3A_319 : memref<128x256xf32, #tpu.memory_space<hbm>>)
    %dma_start3A_320 = arith.constant 3 : i32
    %dma_start3A_321 = arith.constant 256 : i32
    %dma_start3A_322 = tpu.memref_slice %arg5[%dma_start3A_320, %dma_start3A_321] : memref<8x512xi32, #tpu.memory_space<vmem>> -> memref<1x128xi32, #tpu.memory_space<vmem>>
    %dma_start3A_323 = tpu.memref_squeeze %dma_start3A_322 : memref<1x128xi32, #tpu.memory_space<vmem>> -> memref<128xi32, #tpu.memory_space<vmem>>
    %dma_start3A_324 = arith.constant 0 : i32
    %dma_start3A_325 = arith.constant 0 : i32
    %dma_start3A_326 = tpu.memref_slice %arg2[%dma_start3A_324, %dma_start3A_325] : memref<8192x256xf32, #tpu.memory_space<hbm>> -> memref<8192x256xf32, #tpu.memory_space<hbm>>
    tpu.enqueue_indirect_dma source(%dma_start3A_326 : memref<8192x256xf32, #tpu.memory_space<hbm>>) target(%arg6 : memref<128x256xf32, #tpu.memory_space<vmem>>) offsets(%dma_start3A_323 : memref<128xi32, #tpu.memory_space<vmem>>) semaphore(%arg8 : memref<!tpu.dma_semaphore, #tpu.memory_space<semaphore_mem>>)
    %dma_wait3A_327 = arith.constant 3 : i32
    %dma_wait3A_328 = arith.constant 128 : i32
    %dma_wait3A_329 = tpu.memref_slice %arg5[%dma_wait3A_327, %dma_wait3A_328] : memref<8x512xi32, #tpu.memory_space<vmem>> -> memref<1x128xi32, #tpu.memory_space<vmem>>
    %dma_wait3A_330 = tpu.memref_squeeze %dma_wait3A_329 : memref<1x128xi32, #tpu.memory_space<vmem>> -> memref<128xi32, #tpu.memory_space<vmem>>
    %dma_wait3A_331 = arith.constant 0 : i32
    %dma_wait3A_332 = arith.constant 0 : i32
    %dma_wait3A_333 = tpu.memref_slice %arg2[%dma_wait3A_331, %dma_wait3A_332] : memref<8192x256xf32, #tpu.memory_space<hbm>> -> memref<8192x256xf32, #tpu.memory_space<hbm>>
    tpu.wait_indirect_dma semaphore(%arg9 : memref<!tpu.dma_semaphore, #tpu.memory_space<semaphore_mem>>) src(%dma_wait3A_333 : memref<8192x256xf32, #tpu.memory_space<hbm>>) dst(%arg7 : memref<128x256xf32, #tpu.memory_space<vmem>>)
    %add3A_334 = arith.constant 128 : i32
    %add3A_335 = arith.addi %mul3A_2, %add3A_334 : i32
    %dma_start3A_336 = arith.constant 768 : i32
    %dma_start3A_337 = tpu.memref_slice %arg4[%add3A_335, %dma_start3A_336] : memref<16384x2048xf32, #tpu.memory_space<hbm>> -> memref<128x256xf32, #tpu.memory_space<hbm>>
    %dma_start3A_338 = arith.constant 768 : i32
    %dma_start3A_339 = tpu.memref_slice %arg4[%add3A_335, %dma_start3A_338] : memref<16384x2048xf32, #tpu.memory_space<hbm>> -> memref<128x256xf32, #tpu.memory_space<hbm>>
    tpu.enqueue_dma source(%arg7 : memref<128x256xf32, #tpu.memory_space<vmem>>) target(%dma_start3A_339 : memref<128x256xf32, #tpu.memory_space<hbm>>) target_semaphore(%arg11 : memref<!tpu.dma_semaphore, #tpu.memory_space<semaphore_mem>>)
    %dma_wait3A_340 = arith.constant 768 : i32
    %dma_wait3A_341 = tpu.memref_slice %arg4[%add3A_335, %dma_wait3A_340] : memref<16384x2048xf32, #tpu.memory_space<hbm>> -> memref<128x256xf32, #tpu.memory_space<hbm>>
    %dma_wait3A_342 = arith.constant 768 : i32
    %dma_wait3A_343 = tpu.memref_slice %arg4[%add3A_335, %dma_wait3A_342] : memref<16384x2048xf32, #tpu.memory_space<hbm>> -> memref<128x256xf32, #tpu.memory_space<hbm>>
    tpu.wait_dma2 semaphore(%arg11 : memref<!tpu.dma_semaphore, #tpu.memory_space<semaphore_mem>>) src(%arg7 : memref<128x256xf32, #tpu.memory_space<vmem>>) dst(%dma_wait3A_343 : memref<128x256xf32, #tpu.memory_space<hbm>>)
    %dma_start3A_344 = arith.constant 3 : i32
    %dma_start3A_345 = arith.constant 384 : i32
    %dma_start3A_346 = tpu.memref_slice %arg5[%dma_start3A_344, %dma_start3A_345] : memref<8x512xi32, #tpu.memory_space<vmem>> -> memref<1x128xi32, #tpu.memory_space<vmem>>
    %dma_start3A_347 = tpu.memref_squeeze %dma_start3A_346 : memref<1x128xi32, #tpu.memory_space<vmem>> -> memref<128xi32, #tpu.memory_space<vmem>>
    %dma_start3A_348 = arith.constant 0 : i32
    %dma_start3A_349 = arith.constant 0 : i32
    %dma_start3A_350 = tpu.memref_slice %arg2[%dma_start3A_348, %dma_start3A_349] : memref<8192x256xf32, #tpu.memory_space<hbm>> -> memref<8192x256xf32, #tpu.memory_space<hbm>>
    tpu.enqueue_indirect_dma source(%dma_start3A_350 : memref<8192x256xf32, #tpu.memory_space<hbm>>) target(%arg7 : memref<128x256xf32, #tpu.memory_space<vmem>>) offsets(%dma_start3A_347 : memref<128xi32, #tpu.memory_space<vmem>>) semaphore(%arg9 : memref<!tpu.dma_semaphore, #tpu.memory_space<semaphore_mem>>)
    %dma_wait3A_351 = arith.constant 3 : i32
    %dma_wait3A_352 = arith.constant 256 : i32
    %dma_wait3A_353 = tpu.memref_slice %arg5[%dma_wait3A_351, %dma_wait3A_352] : memref<8x512xi32, #tpu.memory_space<vmem>> -> memref<1x128xi32, #tpu.memory_space<vmem>>
    %dma_wait3A_354 = tpu.memref_squeeze %dma_wait3A_353 : memref<1x128xi32, #tpu.memory_space<vmem>> -> memref<128xi32, #tpu.memory_space<vmem>>
    %dma_wait3A_355 = arith.constant 0 : i32
    %dma_wait3A_356 = arith.constant 0 : i32
    %dma_wait3A_357 = tpu.memref_slice %arg2[%dma_wait3A_355, %dma_wait3A_356] : memref<8192x256xf32, #tpu.memory_space<hbm>> -> memref<8192x256xf32, #tpu.memory_space<hbm>>
    tpu.wait_indirect_dma semaphore(%arg8 : memref<!tpu.dma_semaphore, #tpu.memory_space<semaphore_mem>>) src(%dma_wait3A_357 : memref<8192x256xf32, #tpu.memory_space<hbm>>) dst(%arg6 : memref<128x256xf32, #tpu.memory_space<vmem>>)
    %add3A_358 = arith.constant 256 : i32
    %add3A_359 = arith.addi %mul3A_2, %add3A_358 : i32
    %dma_start3A_360 = arith.constant 768 : i32
    %dma_start3A_361 = tpu.memref_slice %arg4[%add3A_359, %dma_start3A_360] : memref<16384x2048xf32, #tpu.memory_space<hbm>> -> memref<128x256xf32, #tpu.memory_space<hbm>>
    %dma_start3A_362 = arith.constant 768 : i32
    %dma_start3A_363 = tpu.memref_slice %arg4[%add3A_359, %dma_start3A_362] : memref<16384x2048xf32, #tpu.memory_space<hbm>> -> memref<128x256xf32, #tpu.memory_space<hbm>>
    tpu.enqueue_dma source(%arg6 : memref<128x256xf32, #tpu.memory_space<vmem>>) target(%dma_start3A_363 : memref<128x256xf32, #tpu.memory_space<hbm>>) target_semaphore(%arg10 : memref<!tpu.dma_semaphore, #tpu.memory_space<semaphore_mem>>)
    %dma_wait3A_364 = arith.constant 768 : i32
    %dma_wait3A_365 = tpu.memref_slice %arg4[%add3A_359, %dma_wait3A_364] : memref<16384x2048xf32, #tpu.memory_space<hbm>> -> memref<128x256xf32, #tpu.memory_space<hbm>>
    %dma_wait3A_366 = arith.constant 768 : i32
    %dma_wait3A_367 = tpu.memref_slice %arg4[%add3A_359, %dma_wait3A_366] : memref<16384x2048xf32, #tpu.memory_space<hbm>> -> memref<128x256xf32, #tpu.memory_space<hbm>>
    tpu.wait_dma2 semaphore(%arg10 : memref<!tpu.dma_semaphore, #tpu.memory_space<semaphore_mem>>) src(%arg6 : memref<128x256xf32, #tpu.memory_space<vmem>>) dst(%dma_wait3A_367 : memref<128x256xf32, #tpu.memory_space<hbm>>)
    %dma_start3A_368 = arith.constant 4 : i32
    %dma_start3A_369 = arith.constant 0 : i32
    %dma_start3A_370 = tpu.memref_slice %arg5[%dma_start3A_368, %dma_start3A_369] : memref<8x512xi32, #tpu.memory_space<vmem>> -> memref<1x128xi32, #tpu.memory_space<vmem>>
    %dma_start3A_371 = tpu.memref_squeeze %dma_start3A_370 : memref<1x128xi32, #tpu.memory_space<vmem>> -> memref<128xi32, #tpu.memory_space<vmem>>
    %dma_start3A_372 = arith.constant 0 : i32
    %dma_start3A_373 = arith.constant 0 : i32
    %dma_start3A_374 = tpu.memref_slice %arg2[%dma_start3A_372, %dma_start3A_373] : memref<8192x256xf32, #tpu.memory_space<hbm>> -> memref<8192x256xf32, #tpu.memory_space<hbm>>
    tpu.enqueue_indirect_dma source(%dma_start3A_374 : memref<8192x256xf32, #tpu.memory_space<hbm>>) target(%arg6 : memref<128x256xf32, #tpu.memory_space<vmem>>) offsets(%dma_start3A_371 : memref<128xi32, #tpu.memory_space<vmem>>) semaphore(%arg8 : memref<!tpu.dma_semaphore, #tpu.memory_space<semaphore_mem>>)
    %dma_wait3A_375 = arith.constant 3 : i32
    %dma_wait3A_376 = arith.constant 384 : i32
    %dma_wait3A_377 = tpu.memref_slice %arg5[%dma_wait3A_375, %dma_wait3A_376] : memref<8x512xi32, #tpu.memory_space<vmem>> -> memref<1x128xi32, #tpu.memory_space<vmem>>
    %dma_wait3A_378 = tpu.memref_squeeze %dma_wait3A_377 : memref<1x128xi32, #tpu.memory_space<vmem>> -> memref<128xi32, #tpu.memory_space<vmem>>
    %dma_wait3A_379 = arith.constant 0 : i32
    %dma_wait3A_380 = arith.constant 0 : i32
    %dma_wait3A_381 = tpu.memref_slice %arg2[%dma_wait3A_379, %dma_wait3A_380] : memref<8192x256xf32, #tpu.memory_space<hbm>> -> memref<8192x256xf32, #tpu.memory_space<hbm>>
    tpu.wait_indirect_dma semaphore(%arg9 : memref<!tpu.dma_semaphore, #tpu.memory_space<semaphore_mem>>) src(%dma_wait3A_381 : memref<8192x256xf32, #tpu.memory_space<hbm>>) dst(%arg7 : memref<128x256xf32, #tpu.memory_space<vmem>>)
    %add3A_382 = arith.constant 384 : i32
    %add3A_383 = arith.addi %mul3A_2, %add3A_382 : i32
    %dma_start3A_384 = arith.constant 768 : i32
    %dma_start3A_385 = tpu.memref_slice %arg4[%add3A_383, %dma_start3A_384] : memref<16384x2048xf32, #tpu.memory_space<hbm>> -> memref<128x256xf32, #tpu.memory_space<hbm>>
    %dma_start3A_386 = arith.constant 768 : i32
    %dma_start3A_387 = tpu.memref_slice %arg4[%add3A_383, %dma_start3A_386] : memref<16384x2048xf32, #tpu.memory_space<hbm>> -> memref<128x256xf32, #tpu.memory_space<hbm>>
    tpu.enqueue_dma source(%arg7 : memref<128x256xf32, #tpu.memory_space<vmem>>) target(%dma_start3A_387 : memref<128x256xf32, #tpu.memory_space<hbm>>) target_semaphore(%arg11 : memref<!tpu.dma_semaphore, #tpu.memory_space<semaphore_mem>>)
    %dma_wait3A_388 = arith.constant 768 : i32
    %dma_wait3A_389 = tpu.memref_slice %arg4[%add3A_383, %dma_wait3A_388] : memref<16384x2048xf32, #tpu.memory_space<hbm>> -> memref<128x256xf32, #tpu.memory_space<hbm>>
    %dma_wait3A_390 = arith.constant 768 : i32
    %dma_wait3A_391 = tpu.memref_slice %arg4[%add3A_383, %dma_wait3A_390] : memref<16384x2048xf32, #tpu.memory_space<hbm>> -> memref<128x256xf32, #tpu.memory_space<hbm>>
    tpu.wait_dma2 semaphore(%arg11 : memref<!tpu.dma_semaphore, #tpu.memory_space<semaphore_mem>>) src(%arg7 : memref<128x256xf32, #tpu.memory_space<vmem>>) dst(%dma_wait3A_391 : memref<128x256xf32, #tpu.memory_space<hbm>>)
    %dma_start3A_392 = arith.constant 4 : i32
    %dma_start3A_393 = arith.constant 128 : i32
    %dma_start3A_394 = tpu.memref_slice %arg5[%dma_start3A_392, %dma_start3A_393] : memref<8x512xi32, #tpu.memory_space<vmem>> -> memref<1x128xi32, #tpu.memory_space<vmem>>
    %dma_start3A_395 = tpu.memref_squeeze %dma_start3A_394 : memref<1x128xi32, #tpu.memory_space<vmem>> -> memref<128xi32, #tpu.memory_space<vmem>>
    %dma_start3A_396 = arith.constant 0 : i32
    %dma_start3A_397 = arith.constant 0 : i32
    %dma_start3A_398 = tpu.memref_slice %arg2[%dma_start3A_396, %dma_start3A_397] : memref<8192x256xf32, #tpu.memory_space<hbm>> -> memref<8192x256xf32, #tpu.memory_space<hbm>>
    tpu.enqueue_indirect_dma source(%dma_start3A_398 : memref<8192x256xf32, #tpu.memory_space<hbm>>) target(%arg7 : memref<128x256xf32, #tpu.memory_space<vmem>>) offsets(%dma_start3A_395 : memref<128xi32, #tpu.memory_space<vmem>>) semaphore(%arg9 : memref<!tpu.dma_semaphore, #tpu.memory_space<semaphore_mem>>)
    %dma_wait3A_399 = arith.constant 4 : i32
    %dma_wait3A_400 = arith.constant 0 : i32
    %dma_wait3A_401 = tpu.memref_slice %arg5[%dma_wait3A_399, %dma_wait3A_400] : memref<8x512xi32, #tpu.memory_space<vmem>> -> memref<1x128xi32, #tpu.memory_space<vmem>>
    %dma_wait3A_402 = tpu.memref_squeeze %dma_wait3A_401 : memref<1x128xi32, #tpu.memory_space<vmem>> -> memref<128xi32, #tpu.memory_space<vmem>>
    %dma_wait3A_403 = arith.constant 0 : i32
    %dma_wait3A_404 = arith.constant 0 : i32
    %dma_wait3A_405 = tpu.memref_slice %arg2[%dma_wait3A_403, %dma_wait3A_404] : memref<8192x256xf32, #tpu.memory_space<hbm>> -> memref<8192x256xf32, #tpu.memory_space<hbm>>
    tpu.wait_indirect_dma semaphore(%arg8 : memref<!tpu.dma_semaphore, #tpu.memory_space<semaphore_mem>>) src(%dma_wait3A_405 : memref<8192x256xf32, #tpu.memory_space<hbm>>) dst(%arg6 : memref<128x256xf32, #tpu.memory_space<vmem>>)
    %add3A_406 = arith.constant 0 : i32
    %add3A_407 = arith.addi %mul3A_2, %add3A_406 : i32
    %dma_start3A_408 = arith.constant 1024 : i32
    %dma_start3A_409 = tpu.memref_slice %arg4[%add3A_407, %dma_start3A_408] : memref<16384x2048xf32, #tpu.memory_space<hbm>> -> memref<128x256xf32, #tpu.memory_space<hbm>>
    %dma_start3A_410 = arith.constant 1024 : i32
    %dma_start3A_411 = tpu.memref_slice %arg4[%add3A_407, %dma_start3A_410] : memref<16384x2048xf32, #tpu.memory_space<hbm>> -> memref<128x256xf32, #tpu.memory_space<hbm>>
    tpu.enqueue_dma source(%arg6 : memref<128x256xf32, #tpu.memory_space<vmem>>) target(%dma_start3A_411 : memref<128x256xf32, #tpu.memory_space<hbm>>) target_semaphore(%arg10 : memref<!tpu.dma_semaphore, #tpu.memory_space<semaphore_mem>>)
    %dma_wait3A_412 = arith.constant 1024 : i32
    %dma_wait3A_413 = tpu.memref_slice %arg4[%add3A_407, %dma_wait3A_412] : memref<16384x2048xf32, #tpu.memory_space<hbm>> -> memref<128x256xf32, #tpu.memory_space<hbm>>
    %dma_wait3A_414 = arith.constant 1024 : i32
    %dma_wait3A_415 = tpu.memref_slice %arg4[%add3A_407, %dma_wait3A_414] : memref<16384x2048xf32, #tpu.memory_space<hbm>> -> memref<128x256xf32, #tpu.memory_space<hbm>>
    tpu.wait_dma2 semaphore(%arg10 : memref<!tpu.dma_semaphore, #tpu.memory_space<semaphore_mem>>) src(%arg6 : memref<128x256xf32, #tpu.memory_space<vmem>>) dst(%dma_wait3A_415 : memref<128x256xf32, #tpu.memory_space<hbm>>)
    %dma_start3A_416 = arith.constant 4 : i32
    %dma_start3A_417 = arith.constant 256 : i32
    %dma_start3A_418 = tpu.memref_slice %arg5[%dma_start3A_416, %dma_start3A_417] : memref<8x512xi32, #tpu.memory_space<vmem>> -> memref<1x128xi32, #tpu.memory_space<vmem>>
    %dma_start3A_419 = tpu.memref_squeeze %dma_start3A_418 : memref<1x128xi32, #tpu.memory_space<vmem>> -> memref<128xi32, #tpu.memory_space<vmem>>
    %dma_start3A_420 = arith.constant 0 : i32
    %dma_start3A_421 = arith.constant 0 : i32
    %dma_start3A_422 = tpu.memref_slice %arg2[%dma_start3A_420, %dma_start3A_421] : memref<8192x256xf32, #tpu.memory_space<hbm>> -> memref<8192x256xf32, #tpu.memory_space<hbm>>
    tpu.enqueue_indirect_dma source(%dma_start3A_422 : memref<8192x256xf32, #tpu.memory_space<hbm>>) target(%arg6 : memref<128x256xf32, #tpu.memory_space<vmem>>) offsets(%dma_start3A_419 : memref<128xi32, #tpu.memory_space<vmem>>) semaphore(%arg8 : memref<!tpu.dma_semaphore, #tpu.memory_space<semaphore_mem>>)
    %dma_wait3A_423 = arith.constant 4 : i32
    %dma_wait3A_424 = arith.constant 128 : i32
    %dma_wait3A_425 = tpu.memref_slice %arg5[%dma_wait3A_423, %dma_wait3A_424] : memref<8x512xi32, #tpu.memory_space<vmem>> -> memref<1x128xi32, #tpu.memory_space<vmem>>
    %dma_wait3A_426 = tpu.memref_squeeze %dma_wait3A_425 : memref<1x128xi32, #tpu.memory_space<vmem>> -> memref<128xi32, #tpu.memory_space<vmem>>
    %dma_wait3A_427 = arith.constant 0 : i32
    %dma_wait3A_428 = arith.constant 0 : i32
    %dma_wait3A_429 = tpu.memref_slice %arg2[%dma_wait3A_427, %dma_wait3A_428] : memref<8192x256xf32, #tpu.memory_space<hbm>> -> memref<8192x256xf32, #tpu.memory_space<hbm>>
    tpu.wait_indirect_dma semaphore(%arg9 : memref<!tpu.dma_semaphore, #tpu.memory_space<semaphore_mem>>) src(%dma_wait3A_429 : memref<8192x256xf32, #tpu.memory_space<hbm>>) dst(%arg7 : memref<128x256xf32, #tpu.memory_space<vmem>>)
    %add3A_430 = arith.constant 128 : i32
    %add3A_431 = arith.addi %mul3A_2, %add3A_430 : i32
    %dma_start3A_432 = arith.constant 1024 : i32
    %dma_start3A_433 = tpu.memref_slice %arg4[%add3A_431, %dma_start3A_432] : memref<16384x2048xf32, #tpu.memory_space<hbm>> -> memref<128x256xf32, #tpu.memory_space<hbm>>
    %dma_start3A_434 = arith.constant 1024 : i32
    %dma_start3A_435 = tpu.memref_slice %arg4[%add3A_431, %dma_start3A_434] : memref<16384x2048xf32, #tpu.memory_space<hbm>> -> memref<128x256xf32, #tpu.memory_space<hbm>>
    tpu.enqueue_dma source(%arg7 : memref<128x256xf32, #tpu.memory_space<vmem>>) target(%dma_start3A_435 : memref<128x256xf32, #tpu.memory_space<hbm>>) target_semaphore(%arg11 : memref<!tpu.dma_semaphore, #tpu.memory_space<semaphore_mem>>)
    %dma_wait3A_436 = arith.constant 1024 : i32
    %dma_wait3A_437 = tpu.memref_slice %arg4[%add3A_431, %dma_wait3A_436] : memref<16384x2048xf32, #tpu.memory_space<hbm>> -> memref<128x256xf32, #tpu.memory_space<hbm>>
    %dma_wait3A_438 = arith.constant 1024 : i32
    %dma_wait3A_439 = tpu.memref_slice %arg4[%add3A_431, %dma_wait3A_438] : memref<16384x2048xf32, #tpu.memory_space<hbm>> -> memref<128x256xf32, #tpu.memory_space<hbm>>
    tpu.wait_dma2 semaphore(%arg11 : memref<!tpu.dma_semaphore, #tpu.memory_space<semaphore_mem>>) src(%arg7 : memref<128x256xf32, #tpu.memory_space<vmem>>) dst(%dma_wait3A_439 : memref<128x256xf32, #tpu.memory_space<hbm>>)
    %dma_start3A_440 = arith.constant 4 : i32
    %dma_start3A_441 = arith.constant 384 : i32
    %dma_start3A_442 = tpu.memref_slice %arg5[%dma_start3A_440, %dma_start3A_441] : memref<8x512xi32, #tpu.memory_space<vmem>> -> memref<1x128xi32, #tpu.memory_space<vmem>>
    %dma_start3A_443 = tpu.memref_squeeze %dma_start3A_442 : memref<1x128xi32, #tpu.memory_space<vmem>> -> memref<128xi32, #tpu.memory_space<vmem>>
    %dma_start3A_444 = arith.constant 0 : i32
    %dma_start3A_445 = arith.constant 0 : i32
    %dma_start3A_446 = tpu.memref_slice %arg2[%dma_start3A_444, %dma_start3A_445] : memref<8192x256xf32, #tpu.memory_space<hbm>> -> memref<8192x256xf32, #tpu.memory_space<hbm>>
    tpu.enqueue_indirect_dma source(%dma_start3A_446 : memref<8192x256xf32, #tpu.memory_space<hbm>>) target(%arg7 : memref<128x256xf32, #tpu.memory_space<vmem>>) offsets(%dma_start3A_443 : memref<128xi32, #tpu.memory_space<vmem>>) semaphore(%arg9 : memref<!tpu.dma_semaphore, #tpu.memory_space<semaphore_mem>>)
    %dma_wait3A_447 = arith.constant 4 : i32
    %dma_wait3A_448 = arith.constant 256 : i32
    %dma_wait3A_449 = tpu.memref_slice %arg5[%dma_wait3A_447, %dma_wait3A_448] : memref<8x512xi32, #tpu.memory_space<vmem>> -> memref<1x128xi32, #tpu.memory_space<vmem>>
    %dma_wait3A_450 = tpu.memref_squeeze %dma_wait3A_449 : memref<1x128xi32, #tpu.memory_space<vmem>> -> memref<128xi32, #tpu.memory_space<vmem>>
    %dma_wait3A_451 = arith.constant 0 : i32
    %dma_wait3A_452 = arith.constant 0 : i32
    %dma_wait3A_453 = tpu.memref_slice %arg2[%dma_wait3A_451, %dma_wait3A_452] : memref<8192x256xf32, #tpu.memory_space<hbm>> -> memref<8192x256xf32, #tpu.memory_space<hbm>>
    tpu.wait_indirect_dma semaphore(%arg8 : memref<!tpu.dma_semaphore, #tpu.memory_space<semaphore_mem>>) src(%dma_wait3A_453 : memref<8192x256xf32, #tpu.memory_space<hbm>>) dst(%arg6 : memref<128x256xf32, #tpu.memory_space<vmem>>)
    %add3A_454 = arith.constant 256 : i32
    %add3A_455 = arith.addi %mul3A_2, %add3A_454 : i32
    %dma_start3A_456 = arith.constant 1024 : i32
    %dma_start3A_457 = tpu.memref_slice %arg4[%add3A_455, %dma_start3A_456] : memref<16384x2048xf32, #tpu.memory_space<hbm>> -> memref<128x256xf32, #tpu.memory_space<hbm>>
    %dma_start3A_458 = arith.constant 1024 : i32
    %dma_start3A_459 = tpu.memref_slice %arg4[%add3A_455, %dma_start3A_458] : memref<16384x2048xf32, #tpu.memory_space<hbm>> -> memref<128x256xf32, #tpu.memory_space<hbm>>
    tpu.enqueue_dma source(%arg6 : memref<128x256xf32, #tpu.memory_space<vmem>>) target(%dma_start3A_459 : memref<128x256xf32, #tpu.memory_space<hbm>>) target_semaphore(%arg10 : memref<!tpu.dma_semaphore, #tpu.memory_space<semaphore_mem>>)
    %dma_wait3A_460 = arith.constant 1024 : i32
    %dma_wait3A_461 = tpu.memref_slice %arg4[%add3A_455, %dma_wait3A_460] : memref<16384x2048xf32, #tpu.memory_space<hbm>> -> memref<128x256xf32, #tpu.memory_space<hbm>>
    %dma_wait3A_462 = arith.constant 1024 : i32
    %dma_wait3A_463 = tpu.memref_slice %arg4[%add3A_455, %dma_wait3A_462] : memref<16384x2048xf32, #tpu.memory_space<hbm>> -> memref<128x256xf32, #tpu.memory_space<hbm>>
    tpu.wait_dma2 semaphore(%arg10 : memref<!tpu.dma_semaphore, #tpu.memory_space<semaphore_mem>>) src(%arg6 : memref<128x256xf32, #tpu.memory_space<vmem>>) dst(%dma_wait3A_463 : memref<128x256xf32, #tpu.memory_space<hbm>>)
    %dma_start3A_464 = arith.constant 5 : i32
    %dma_start3A_465 = arith.constant 0 : i32
    %dma_start3A_466 = tpu.memref_slice %arg5[%dma_start3A_464, %dma_start3A_465] : memref<8x512xi32, #tpu.memory_space<vmem>> -> memref<1x128xi32, #tpu.memory_space<vmem>>
    %dma_start3A_467 = tpu.memref_squeeze %dma_start3A_466 : memref<1x128xi32, #tpu.memory_space<vmem>> -> memref<128xi32, #tpu.memory_space<vmem>>
    %dma_start3A_468 = arith.constant 0 : i32
    %dma_start3A_469 = arith.constant 0 : i32
    %dma_start3A_470 = tpu.memref_slice %arg2[%dma_start3A_468, %dma_start3A_469] : memref<8192x256xf32, #tpu.memory_space<hbm>> -> memref<8192x256xf32, #tpu.memory_space<hbm>>
    tpu.enqueue_indirect_dma source(%dma_start3A_470 : memref<8192x256xf32, #tpu.memory_space<hbm>>) target(%arg6 : memref<128x256xf32, #tpu.memory_space<vmem>>) offsets(%dma_start3A_467 : memref<128xi32, #tpu.memory_space<vmem>>) semaphore(%arg8 : memref<!tpu.dma_semaphore, #tpu.memory_space<semaphore_mem>>)
    %dma_wait3A_471 = arith.constant 4 : i32
    %dma_wait3A_472 = arith.constant 384 : i32
    %dma_wait3A_473 = tpu.memref_slice %arg5[%dma_wait3A_471, %dma_wait3A_472] : memref<8x512xi32, #tpu.memory_space<vmem>> -> memref<1x128xi32, #tpu.memory_space<vmem>>
    %dma_wait3A_474 = tpu.memref_squeeze %dma_wait3A_473 : memref<1x128xi32, #tpu.memory_space<vmem>> -> memref<128xi32, #tpu.memory_space<vmem>>
    %dma_wait3A_475 = arith.constant 0 : i32
    %dma_wait3A_476 = arith.constant 0 : i32
    %dma_wait3A_477 = tpu.memref_slice %arg2[%dma_wait3A_475, %dma_wait3A_476] : memref<8192x256xf32, #tpu.memory_space<hbm>> -> memref<8192x256xf32, #tpu.memory_space<hbm>>
    tpu.wait_indirect_dma semaphore(%arg9 : memref<!tpu.dma_semaphore, #tpu.memory_space<semaphore_mem>>) src(%dma_wait3A_477 : memref<8192x256xf32, #tpu.memory_space<hbm>>) dst(%arg7 : memref<128x256xf32, #tpu.memory_space<vmem>>)
    %add3A_478 = arith.constant 384 : i32
    %add3A_479 = arith.addi %mul3A_2, %add3A_478 : i32
    %dma_start3A_480 = arith.constant 1024 : i32
    %dma_start3A_481 = tpu.memref_slice %arg4[%add3A_479, %dma_start3A_480] : memref<16384x2048xf32, #tpu.memory_space<hbm>> -> memref<128x256xf32, #tpu.memory_space<hbm>>
    %dma_start3A_482 = arith.constant 1024 : i32
    %dma_start3A_483 = tpu.memref_slice %arg4[%add3A_479, %dma_start3A_482] : memref<16384x2048xf32, #tpu.memory_space<hbm>> -> memref<128x256xf32, #tpu.memory_space<hbm>>
    tpu.enqueue_dma source(%arg7 : memref<128x256xf32, #tpu.memory_space<vmem>>) target(%dma_start3A_483 : memref<128x256xf32, #tpu.memory_space<hbm>>) target_semaphore(%arg11 : memref<!tpu.dma_semaphore, #tpu.memory_space<semaphore_mem>>)
    %dma_wait3A_484 = arith.constant 1024 : i32
    %dma_wait3A_485 = tpu.memref_slice %arg4[%add3A_479, %dma_wait3A_484] : memref<16384x2048xf32, #tpu.memory_space<hbm>> -> memref<128x256xf32, #tpu.memory_space<hbm>>
    %dma_wait3A_486 = arith.constant 1024 : i32
    %dma_wait3A_487 = tpu.memref_slice %arg4[%add3A_479, %dma_wait3A_486] : memref<16384x2048xf32, #tpu.memory_space<hbm>> -> memref<128x256xf32, #tpu.memory_space<hbm>>
    tpu.wait_dma2 semaphore(%arg11 : memref<!tpu.dma_semaphore, #tpu.memory_space<semaphore_mem>>) src(%arg7 : memref<128x256xf32, #tpu.memory_space<vmem>>) dst(%dma_wait3A_487 : memref<128x256xf32, #tpu.memory_space<hbm>>)
    %dma_start3A_488 = arith.constant 5 : i32
    %dma_start3A_489 = arith.constant 128 : i32
    %dma_start3A_490 = tpu.memref_slice %arg5[%dma_start3A_488, %dma_start3A_489] : memref<8x512xi32, #tpu.memory_space<vmem>> -> memref<1x128xi32, #tpu.memory_space<vmem>>
    %dma_start3A_491 = tpu.memref_squeeze %dma_start3A_490 : memref<1x128xi32, #tpu.memory_space<vmem>> -> memref<128xi32, #tpu.memory_space<vmem>>
    %dma_start3A_492 = arith.constant 0 : i32
    %dma_start3A_493 = arith.constant 0 : i32
    %dma_start3A_494 = tpu.memref_slice %arg2[%dma_start3A_492, %dma_start3A_493] : memref<8192x256xf32, #tpu.memory_space<hbm>> -> memref<8192x256xf32, #tpu.memory_space<hbm>>
    tpu.enqueue_indirect_dma source(%dma_start3A_494 : memref<8192x256xf32, #tpu.memory_space<hbm>>) target(%arg7 : memref<128x256xf32, #tpu.memory_space<vmem>>) offsets(%dma_start3A_491 : memref<128xi32, #tpu.memory_space<vmem>>) semaphore(%arg9 : memref<!tpu.dma_semaphore, #tpu.memory_space<semaphore_mem>>)
    %dma_wait3A_495 = arith.constant 5 : i32
    %dma_wait3A_496 = arith.constant 0 : i32
    %dma_wait3A_497 = tpu.memref_slice %arg5[%dma_wait3A_495, %dma_wait3A_496] : memref<8x512xi32, #tpu.memory_space<vmem>> -> memref<1x128xi32, #tpu.memory_space<vmem>>
    %dma_wait3A_498 = tpu.memref_squeeze %dma_wait3A_497 : memref<1x128xi32, #tpu.memory_space<vmem>> -> memref<128xi32, #tpu.memory_space<vmem>>
    %dma_wait3A_499 = arith.constant 0 : i32
    %dma_wait3A_500 = arith.constant 0 : i32
    %dma_wait3A_501 = tpu.memref_slice %arg2[%dma_wait3A_499, %dma_wait3A_500] : memref<8192x256xf32, #tpu.memory_space<hbm>> -> memref<8192x256xf32, #tpu.memory_space<hbm>>
    tpu.wait_indirect_dma semaphore(%arg8 : memref<!tpu.dma_semaphore, #tpu.memory_space<semaphore_mem>>) src(%dma_wait3A_501 : memref<8192x256xf32, #tpu.memory_space<hbm>>) dst(%arg6 : memref<128x256xf32, #tpu.memory_space<vmem>>)
    %add3A_502 = arith.constant 0 : i32
    %add3A_503 = arith.addi %mul3A_2, %add3A_502 : i32
    %dma_start3A_504 = arith.constant 1280 : i32
    %dma_start3A_505 = tpu.memref_slice %arg4[%add3A_503, %dma_start3A_504] : memref<16384x2048xf32, #tpu.memory_space<hbm>> -> memref<128x256xf32, #tpu.memory_space<hbm>>
    %dma_start3A_506 = arith.constant 1280 : i32
    %dma_start3A_507 = tpu.memref_slice %arg4[%add3A_503, %dma_start3A_506] : memref<16384x2048xf32, #tpu.memory_space<hbm>> -> memref<128x256xf32, #tpu.memory_space<hbm>>
    tpu.enqueue_dma source(%arg6 : memref<128x256xf32, #tpu.memory_space<vmem>>) target(%dma_start3A_507 : memref<128x256xf32, #tpu.memory_space<hbm>>) target_semaphore(%arg10 : memref<!tpu.dma_semaphore, #tpu.memory_space<semaphore_mem>>)
    %dma_wait3A_508 = arith.constant 1280 : i32
    %dma_wait3A_509 = tpu.memref_slice %arg4[%add3A_503, %dma_wait3A_508] : memref<16384x2048xf32, #tpu.memory_space<hbm>> -> memref<128x256xf32, #tpu.memory_space<hbm>>
    %dma_wait3A_510 = arith.constant 1280 : i32
    %dma_wait3A_511 = tpu.memref_slice %arg4[%add3A_503, %dma_wait3A_510] : memref<16384x2048xf32, #tpu.memory_space<hbm>> -> memref<128x256xf32, #tpu.memory_space<hbm>>
    tpu.wait_dma2 semaphore(%arg10 : memref<!tpu.dma_semaphore, #tpu.memory_space<semaphore_mem>>) src(%arg6 : memref<128x256xf32, #tpu.memory_space<vmem>>) dst(%dma_wait3A_511 : memref<128x256xf32, #tpu.memory_space<hbm>>)
    %dma_start3A_512 = arith.constant 5 : i32
    %dma_start3A_513 = arith.constant 256 : i32
    %dma_start3A_514 = tpu.memref_slice %arg5[%dma_start3A_512, %dma_start3A_513] : memref<8x512xi32, #tpu.memory_space<vmem>> -> memref<1x128xi32, #tpu.memory_space<vmem>>
    %dma_start3A_515 = tpu.memref_squeeze %dma_start3A_514 : memref<1x128xi32, #tpu.memory_space<vmem>> -> memref<128xi32, #tpu.memory_space<vmem>>
    %dma_start3A_516 = arith.constant 0 : i32
    %dma_start3A_517 = arith.constant 0 : i32
    %dma_start3A_518 = tpu.memref_slice %arg2[%dma_start3A_516, %dma_start3A_517] : memref<8192x256xf32, #tpu.memory_space<hbm>> -> memref<8192x256xf32, #tpu.memory_space<hbm>>
    tpu.enqueue_indirect_dma source(%dma_start3A_518 : memref<8192x256xf32, #tpu.memory_space<hbm>>) target(%arg6 : memref<128x256xf32, #tpu.memory_space<vmem>>) offsets(%dma_start3A_515 : memref<128xi32, #tpu.memory_space<vmem>>) semaphore(%arg8 : memref<!tpu.dma_semaphore, #tpu.memory_space<semaphore_mem>>)
    %dma_wait3A_519 = arith.constant 5 : i32
    %dma_wait3A_520 = arith.constant 128 : i32
    %dma_wait3A_521 = tpu.memref_slice %arg5[%dma_wait3A_519, %dma_wait3A_520] : memref<8x512xi32, #tpu.memory_space<vmem>> -> memref<1x128xi32, #tpu.memory_space<vmem>>
    %dma_wait3A_522 = tpu.memref_squeeze %dma_wait3A_521 : memref<1x128xi32, #tpu.memory_space<vmem>> -> memref<128xi32, #tpu.memory_space<vmem>>
    %dma_wait3A_523 = arith.constant 0 : i32
    %dma_wait3A_524 = arith.constant 0 : i32
    %dma_wait3A_525 = tpu.memref_slice %arg2[%dma_wait3A_523, %dma_wait3A_524] : memref<8192x256xf32, #tpu.memory_space<hbm>> -> memref<8192x256xf32, #tpu.memory_space<hbm>>
    tpu.wait_indirect_dma semaphore(%arg9 : memref<!tpu.dma_semaphore, #tpu.memory_space<semaphore_mem>>) src(%dma_wait3A_525 : memref<8192x256xf32, #tpu.memory_space<hbm>>) dst(%arg7 : memref<128x256xf32, #tpu.memory_space<vmem>>)
    %add3A_526 = arith.constant 128 : i32
    %add3A_527 = arith.addi %mul3A_2, %add3A_526 : i32
    %dma_start3A_528 = arith.constant 1280 : i32
    %dma_start3A_529 = tpu.memref_slice %arg4[%add3A_527, %dma_start3A_528] : memref<16384x2048xf32, #tpu.memory_space<hbm>> -> memref<128x256xf32, #tpu.memory_space<hbm>>
    %dma_start3A_530 = arith.constant 1280 : i32
    %dma_start3A_531 = tpu.memref_slice %arg4[%add3A_527, %dma_start3A_530] : memref<16384x2048xf32, #tpu.memory_space<hbm>> -> memref<128x256xf32, #tpu.memory_space<hbm>>
    tpu.enqueue_dma source(%arg7 : memref<128x256xf32, #tpu.memory_space<vmem>>) target(%dma_start3A_531 : memref<128x256xf32, #tpu.memory_space<hbm>>) target_semaphore(%arg11 : memref<!tpu.dma_semaphore, #tpu.memory_space<semaphore_mem>>)
    %dma_wait3A_532 = arith.constant 1280 : i32
    %dma_wait3A_533 = tpu.memref_slice %arg4[%add3A_527, %dma_wait3A_532] : memref<16384x2048xf32, #tpu.memory_space<hbm>> -> memref<128x256xf32, #tpu.memory_space<hbm>>
    %dma_wait3A_534 = arith.constant 1280 : i32
    %dma_wait3A_535 = tpu.memref_slice %arg4[%add3A_527, %dma_wait3A_534] : memref<16384x2048xf32, #tpu.memory_space<hbm>> -> memref<128x256xf32, #tpu.memory_space<hbm>>
    tpu.wait_dma2 semaphore(%arg11 : memref<!tpu.dma_semaphore, #tpu.memory_space<semaphore_mem>>) src(%arg7 : memref<128x256xf32, #tpu.memory_space<vmem>>) dst(%dma_wait3A_535 : memref<128x256xf32, #tpu.memory_space<hbm>>)
    %dma_start3A_536 = arith.constant 5 : i32
    %dma_start3A_537 = arith.constant 384 : i32
    %dma_start3A_538 = tpu.memref_slice %arg5[%dma_start3A_536, %dma_start3A_537] : memref<8x512xi32, #tpu.memory_space<vmem>> -> memref<1x128xi32, #tpu.memory_space<vmem>>
    %dma_start3A_539 = tpu.memref_squeeze %dma_start3A_538 : memref<1x128xi32, #tpu.memory_space<vmem>> -> memref<128xi32, #tpu.memory_space<vmem>>
    %dma_start3A_540 = arith.constant 0 : i32
    %dma_start3A_541 = arith.constant 0 : i32
    %dma_start3A_542 = tpu.memref_slice %arg2[%dma_start3A_540, %dma_start3A_541] : memref<8192x256xf32, #tpu.memory_space<hbm>> -> memref<8192x256xf32, #tpu.memory_space<hbm>>
    tpu.enqueue_indirect_dma source(%dma_start3A_542 : memref<8192x256xf32, #tpu.memory_space<hbm>>) target(%arg7 : memref<128x256xf32, #tpu.memory_space<vmem>>) offsets(%dma_start3A_539 : memref<128xi32, #tpu.memory_space<vmem>>) semaphore(%arg9 : memref<!tpu.dma_semaphore, #tpu.memory_space<semaphore_mem>>)
    %dma_wait3A_543 = arith.constant 5 : i32
    %dma_wait3A_544 = arith.constant 256 : i32
    %dma_wait3A_545 = tpu.memref_slice %arg5[%dma_wait3A_543, %dma_wait3A_544] : memref<8x512xi32, #tpu.memory_space<vmem>> -> memref<1x128xi32, #tpu.memory_space<vmem>>
    %dma_wait3A_546 = tpu.memref_squeeze %dma_wait3A_545 : memref<1x128xi32, #tpu.memory_space<vmem>> -> memref<128xi32, #tpu.memory_space<vmem>>
    %dma_wait3A_547 = arith.constant 0 : i32
    %dma_wait3A_548 = arith.constant 0 : i32
    %dma_wait3A_549 = tpu.memref_slice %arg2[%dma_wait3A_547, %dma_wait3A_548] : memref<8192x256xf32, #tpu.memory_space<hbm>> -> memref<8192x256xf32, #tpu.memory_space<hbm>>
    tpu.wait_indirect_dma semaphore(%arg8 : memref<!tpu.dma_semaphore, #tpu.memory_space<semaphore_mem>>) src(%dma_wait3A_549 : memref<8192x256xf32, #tpu.memory_space<hbm>>) dst(%arg6 : memref<128x256xf32, #tpu.memory_space<vmem>>)
    %add3A_550 = arith.constant 256 : i32
    %add3A_551 = arith.addi %mul3A_2, %add3A_550 : i32
    %dma_start3A_552 = arith.constant 1280 : i32
    %dma_start3A_553 = tpu.memref_slice %arg4[%add3A_551, %dma_start3A_552] : memref<16384x2048xf32, #tpu.memory_space<hbm>> -> memref<128x256xf32, #tpu.memory_space<hbm>>
    %dma_start3A_554 = arith.constant 1280 : i32
    %dma_start3A_555 = tpu.memref_slice %arg4[%add3A_551, %dma_start3A_554] : memref<16384x2048xf32, #tpu.memory_space<hbm>> -> memref<128x256xf32, #tpu.memory_space<hbm>>
    tpu.enqueue_dma source(%arg6 : memref<128x256xf32, #tpu.memory_space<vmem>>) target(%dma_start3A_555 : memref<128x256xf32, #tpu.memory_space<hbm>>) target_semaphore(%arg10 : memref<!tpu.dma_semaphore, #tpu.memory_space<semaphore_mem>>)
    %dma_wait3A_556 = arith.constant 1280 : i32
    %dma_wait3A_557 = tpu.memref_slice %arg4[%add3A_551, %dma_wait3A_556] : memref<16384x2048xf32, #tpu.memory_space<hbm>> -> memref<128x256xf32, #tpu.memory_space<hbm>>
    %dma_wait3A_558 = arith.constant 1280 : i32
    %dma_wait3A_559 = tpu.memref_slice %arg4[%add3A_551, %dma_wait3A_558] : memref<16384x2048xf32, #tpu.memory_space<hbm>> -> memref<128x256xf32, #tpu.memory_space<hbm>>
    tpu.wait_dma2 semaphore(%arg10 : memref<!tpu.dma_semaphore, #tpu.memory_space<semaphore_mem>>) src(%arg6 : memref<128x256xf32, #tpu.memory_space<vmem>>) dst(%dma_wait3A_559 : memref<128x256xf32, #tpu.memory_space<hbm>>)
    %dma_start3A_560 = arith.constant 6 : i32
    %dma_start3A_561 = arith.constant 0 : i32
    %dma_start3A_562 = tpu.memref_slice %arg5[%dma_start3A_560, %dma_start3A_561] : memref<8x512xi32, #tpu.memory_space<vmem>> -> memref<1x128xi32, #tpu.memory_space<vmem>>
    %dma_start3A_563 = tpu.memref_squeeze %dma_start3A_562 : memref<1x128xi32, #tpu.memory_space<vmem>> -> memref<128xi32, #tpu.memory_space<vmem>>
    %dma_start3A_564 = arith.constant 0 : i32
    %dma_start3A_565 = arith.constant 0 : i32
    %dma_start3A_566 = tpu.memref_slice %arg2[%dma_start3A_564, %dma_start3A_565] : memref<8192x256xf32, #tpu.memory_space<hbm>> -> memref<8192x256xf32, #tpu.memory_space<hbm>>
    tpu.enqueue_indirect_dma source(%dma_start3A_566 : memref<8192x256xf32, #tpu.memory_space<hbm>>) target(%arg6 : memref<128x256xf32, #tpu.memory_space<vmem>>) offsets(%dma_start3A_563 : memref<128xi32, #tpu.memory_space<vmem>>) semaphore(%arg8 : memref<!tpu.dma_semaphore, #tpu.memory_space<semaphore_mem>>)
    %dma_wait3A_567 = arith.constant 5 : i32
    %dma_wait3A_568 = arith.constant 384 : i32
    %dma_wait3A_569 = tpu.memref_slice %arg5[%dma_wait3A_567, %dma_wait3A_568] : memref<8x512xi32, #tpu.memory_space<vmem>> -> memref<1x128xi32, #tpu.memory_space<vmem>>
    %dma_wait3A_570 = tpu.memref_squeeze %dma_wait3A_569 : memref<1x128xi32, #tpu.memory_space<vmem>> -> memref<128xi32, #tpu.memory_space<vmem>>
    %dma_wait3A_571 = arith.constant 0 : i32
    %dma_wait3A_572 = arith.constant 0 : i32
    %dma_wait3A_573 = tpu.memref_slice %arg2[%dma_wait3A_571, %dma_wait3A_572] : memref<8192x256xf32, #tpu.memory_space<hbm>> -> memref<8192x256xf32, #tpu.memory_space<hbm>>
    tpu.wait_indirect_dma semaphore(%arg9 : memref<!tpu.dma_semaphore, #tpu.memory_space<semaphore_mem>>) src(%dma_wait3A_573 : memref<8192x256xf32, #tpu.memory_space<hbm>>) dst(%arg7 : memref<128x256xf32, #tpu.memory_space<vmem>>)
    %add3A_574 = arith.constant 384 : i32
    %add3A_575 = arith.addi %mul3A_2, %add3A_574 : i32
    %dma_start3A_576 = arith.constant 1280 : i32
    %dma_start3A_577 = tpu.memref_slice %arg4[%add3A_575, %dma_start3A_576] : memref<16384x2048xf32, #tpu.memory_space<hbm>> -> memref<128x256xf32, #tpu.memory_space<hbm>>
    %dma_start3A_578 = arith.constant 1280 : i32
    %dma_start3A_579 = tpu.memref_slice %arg4[%add3A_575, %dma_start3A_578] : memref<16384x2048xf32, #tpu.memory_space<hbm>> -> memref<128x256xf32, #tpu.memory_space<hbm>>
    tpu.enqueue_dma source(%arg7 : memref<128x256xf32, #tpu.memory_space<vmem>>) target(%dma_start3A_579 : memref<128x256xf32, #tpu.memory_space<hbm>>) target_semaphore(%arg11 : memref<!tpu.dma_semaphore, #tpu.memory_space<semaphore_mem>>)
    %dma_wait3A_580 = arith.constant 1280 : i32
    %dma_wait3A_581 = tpu.memref_slice %arg4[%add3A_575, %dma_wait3A_580] : memref<16384x2048xf32, #tpu.memory_space<hbm>> -> memref<128x256xf32, #tpu.memory_space<hbm>>
    %dma_wait3A_582 = arith.constant 1280 : i32
    %dma_wait3A_583 = tpu.memref_slice %arg4[%add3A_575, %dma_wait3A_582] : memref<16384x2048xf32, #tpu.memory_space<hbm>> -> memref<128x256xf32, #tpu.memory_space<hbm>>
    tpu.wait_dma2 semaphore(%arg11 : memref<!tpu.dma_semaphore, #tpu.memory_space<semaphore_mem>>) src(%arg7 : memref<128x256xf32, #tpu.memory_space<vmem>>) dst(%dma_wait3A_583 : memref<128x256xf32, #tpu.memory_space<hbm>>)
    %dma_start3A_584 = arith.constant 6 : i32
    %dma_start3A_585 = arith.constant 128 : i32
    %dma_start3A_586 = tpu.memref_slice %arg5[%dma_start3A_584, %dma_start3A_585] : memref<8x512xi32, #tpu.memory_space<vmem>> -> memref<1x128xi32, #tpu.memory_space<vmem>>
    %dma_start3A_587 = tpu.memref_squeeze %dma_start3A_586 : memref<1x128xi32, #tpu.memory_space<vmem>> -> memref<128xi32, #tpu.memory_space<vmem>>
    %dma_start3A_588 = arith.constant 0 : i32
    %dma_start3A_589 = arith.constant 0 : i32
    %dma_start3A_590 = tpu.memref_slice %arg2[%dma_start3A_588, %dma_start3A_589] : memref<8192x256xf32, #tpu.memory_space<hbm>> -> memref<8192x256xf32, #tpu.memory_space<hbm>>
    tpu.enqueue_indirect_dma source(%dma_start3A_590 : memref<8192x256xf32, #tpu.memory_space<hbm>>) target(%arg7 : memref<128x256xf32, #tpu.memory_space<vmem>>) offsets(%dma_start3A_587 : memref<128xi32, #tpu.memory_space<vmem>>) semaphore(%arg9 : memref<!tpu.dma_semaphore, #tpu.memory_space<semaphore_mem>>)
    %dma_wait3A_591 = arith.constant 6 : i32
    %dma_wait3A_592 = arith.constant 0 : i32
    %dma_wait3A_593 = tpu.memref_slice %arg5[%dma_wait3A_591, %dma_wait3A_592] : memref<8x512xi32, #tpu.memory_space<vmem>> -> memref<1x128xi32, #tpu.memory_space<vmem>>
    %dma_wait3A_594 = tpu.memref_squeeze %dma_wait3A_593 : memref<1x128xi32, #tpu.memory_space<vmem>> -> memref<128xi32, #tpu.memory_space<vmem>>
    %dma_wait3A_595 = arith.constant 0 : i32
    %dma_wait3A_596 = arith.constant 0 : i32
    %dma_wait3A_597 = tpu.memref_slice %arg2[%dma_wait3A_595, %dma_wait3A_596] : memref<8192x256xf32, #tpu.memory_space<hbm>> -> memref<8192x256xf32, #tpu.memory_space<hbm>>
    tpu.wait_indirect_dma semaphore(%arg8 : memref<!tpu.dma_semaphore, #tpu.memory_space<semaphore_mem>>) src(%dma_wait3A_597 : memref<8192x256xf32, #tpu.memory_space<hbm>>) dst(%arg6 : memref<128x256xf32, #tpu.memory_space<vmem>>)
    %add3A_598 = arith.constant 0 : i32
    %add3A_599 = arith.addi %mul3A_2, %add3A_598 : i32
    %dma_start3A_600 = arith.constant 1536 : i32
    %dma_start3A_601 = tpu.memref_slice %arg4[%add3A_599, %dma_start3A_600] : memref<16384x2048xf32, #tpu.memory_space<hbm>> -> memref<128x256xf32, #tpu.memory_space<hbm>>
    %dma_start3A_602 = arith.constant 1536 : i32
    %dma_start3A_603 = tpu.memref_slice %arg4[%add3A_599, %dma_start3A_602] : memref<16384x2048xf32, #tpu.memory_space<hbm>> -> memref<128x256xf32, #tpu.memory_space<hbm>>
    tpu.enqueue_dma source(%arg6 : memref<128x256xf32, #tpu.memory_space<vmem>>) target(%dma_start3A_603 : memref<128x256xf32, #tpu.memory_space<hbm>>) target_semaphore(%arg10 : memref<!tpu.dma_semaphore, #tpu.memory_space<semaphore_mem>>)
    %dma_wait3A_604 = arith.constant 1536 : i32
    %dma_wait3A_605 = tpu.memref_slice %arg4[%add3A_599, %dma_wait3A_604] : memref<16384x2048xf32, #tpu.memory_space<hbm>> -> memref<128x256xf32, #tpu.memory_space<hbm>>
    %dma_wait3A_606 = arith.constant 1536 : i32
    %dma_wait3A_607 = tpu.memref_slice %arg4[%add3A_599, %dma_wait3A_606] : memref<16384x2048xf32, #tpu.memory_space<hbm>> -> memref<128x256xf32, #tpu.memory_space<hbm>>
    tpu.wait_dma2 semaphore(%arg10 : memref<!tpu.dma_semaphore, #tpu.memory_space<semaphore_mem>>) src(%arg6 : memref<128x256xf32, #tpu.memory_space<vmem>>) dst(%dma_wait3A_607 : memref<128x256xf32, #tpu.memory_space<hbm>>)
    %dma_start3A_608 = arith.constant 6 : i32
    %dma_start3A_609 = arith.constant 256 : i32
    %dma_start3A_610 = tpu.memref_slice %arg5[%dma_start3A_608, %dma_start3A_609] : memref<8x512xi32, #tpu.memory_space<vmem>> -> memref<1x128xi32, #tpu.memory_space<vmem>>
    %dma_start3A_611 = tpu.memref_squeeze %dma_start3A_610 : memref<1x128xi32, #tpu.memory_space<vmem>> -> memref<128xi32, #tpu.memory_space<vmem>>
    %dma_start3A_612 = arith.constant 0 : i32
    %dma_start3A_613 = arith.constant 0 : i32
    %dma_start3A_614 = tpu.memref_slice %arg2[%dma_start3A_612, %dma_start3A_613] : memref<8192x256xf32, #tpu.memory_space<hbm>> -> memref<8192x256xf32, #tpu.memory_space<hbm>>
    tpu.enqueue_indirect_dma source(%dma_start3A_614 : memref<8192x256xf32, #tpu.memory_space<hbm>>) target(%arg6 : memref<128x256xf32, #tpu.memory_space<vmem>>) offsets(%dma_start3A_611 : memref<128xi32, #tpu.memory_space<vmem>>) semaphore(%arg8 : memref<!tpu.dma_semaphore, #tpu.memory_space<semaphore_mem>>)
    %dma_wait3A_615 = arith.constant 6 : i32
    %dma_wait3A_616 = arith.constant 128 : i32
    %dma_wait3A_617 = tpu.memref_slice %arg5[%dma_wait3A_615, %dma_wait3A_616] : memref<8x512xi32, #tpu.memory_space<vmem>> -> memref<1x128xi32, #tpu.memory_space<vmem>>
    %dma_wait3A_618 = tpu.memref_squeeze %dma_wait3A_617 : memref<1x128xi32, #tpu.memory_space<vmem>> -> memref<128xi32, #tpu.memory_space<vmem>>
    %dma_wait3A_619 = arith.constant 0 : i32
    %dma_wait3A_620 = arith.constant 0 : i32
    %dma_wait3A_621 = tpu.memref_slice %arg2[%dma_wait3A_619, %dma_wait3A_620] : memref<8192x256xf32, #tpu.memory_space<hbm>> -> memref<8192x256xf32, #tpu.memory_space<hbm>>
    tpu.wait_indirect_dma semaphore(%arg9 : memref<!tpu.dma_semaphore, #tpu.memory_space<semaphore_mem>>) src(%dma_wait3A_621 : memref<8192x256xf32, #tpu.memory_space<hbm>>) dst(%arg7 : memref<128x256xf32, #tpu.memory_space<vmem>>)
    %add3A_622 = arith.constant 128 : i32
    %add3A_623 = arith.addi %mul3A_2, %add3A_622 : i32
    %dma_start3A_624 = arith.constant 1536 : i32
    %dma_start3A_625 = tpu.memref_slice %arg4[%add3A_623, %dma_start3A_624] : memref<16384x2048xf32, #tpu.memory_space<hbm>> -> memref<128x256xf32, #tpu.memory_space<hbm>>
    %dma_start3A_626 = arith.constant 1536 : i32
    %dma_start3A_627 = tpu.memref_slice %arg4[%add3A_623, %dma_start3A_626] : memref<16384x2048xf32, #tpu.memory_space<hbm>> -> memref<128x256xf32, #tpu.memory_space<hbm>>
    tpu.enqueue_dma source(%arg7 : memref<128x256xf32, #tpu.memory_space<vmem>>) target(%dma_start3A_627 : memref<128x256xf32, #tpu.memory_space<hbm>>) target_semaphore(%arg11 : memref<!tpu.dma_semaphore, #tpu.memory_space<semaphore_mem>>)
    %dma_wait3A_628 = arith.constant 1536 : i32
    %dma_wait3A_629 = tpu.memref_slice %arg4[%add3A_623, %dma_wait3A_628] : memref<16384x2048xf32, #tpu.memory_space<hbm>> -> memref<128x256xf32, #tpu.memory_space<hbm>>
    %dma_wait3A_630 = arith.constant 1536 : i32
    %dma_wait3A_631 = tpu.memref_slice %arg4[%add3A_623, %dma_wait3A_630] : memref<16384x2048xf32, #tpu.memory_space<hbm>> -> memref<128x256xf32, #tpu.memory_space<hbm>>
    tpu.wait_dma2 semaphore(%arg11 : memref<!tpu.dma_semaphore, #tpu.memory_space<semaphore_mem>>) src(%arg7 : memref<128x256xf32, #tpu.memory_space<vmem>>) dst(%dma_wait3A_631 : memref<128x256xf32, #tpu.memory_space<hbm>>)
    %dma_start3A_632 = arith.constant 6 : i32
    %dma_start3A_633 = arith.constant 384 : i32
    %dma_start3A_634 = tpu.memref_slice %arg5[%dma_start3A_632, %dma_start3A_633] : memref<8x512xi32, #tpu.memory_space<vmem>> -> memref<1x128xi32, #tpu.memory_space<vmem>>
    %dma_start3A_635 = tpu.memref_squeeze %dma_start3A_634 : memref<1x128xi32, #tpu.memory_space<vmem>> -> memref<128xi32, #tpu.memory_space<vmem>>
    %dma_start3A_636 = arith.constant 0 : i32
    %dma_start3A_637 = arith.constant 0 : i32
    %dma_start3A_638 = tpu.memref_slice %arg2[%dma_start3A_636, %dma_start3A_637] : memref<8192x256xf32, #tpu.memory_space<hbm>> -> memref<8192x256xf32, #tpu.memory_space<hbm>>
    tpu.enqueue_indirect_dma source(%dma_start3A_638 : memref<8192x256xf32, #tpu.memory_space<hbm>>) target(%arg7 : memref<128x256xf32, #tpu.memory_space<vmem>>) offsets(%dma_start3A_635 : memref<128xi32, #tpu.memory_space<vmem>>) semaphore(%arg9 : memref<!tpu.dma_semaphore, #tpu.memory_space<semaphore_mem>>)
    %dma_wait3A_639 = arith.constant 6 : i32
    %dma_wait3A_640 = arith.constant 256 : i32
    %dma_wait3A_641 = tpu.memref_slice %arg5[%dma_wait3A_639, %dma_wait3A_640] : memref<8x512xi32, #tpu.memory_space<vmem>> -> memref<1x128xi32, #tpu.memory_space<vmem>>
    %dma_wait3A_642 = tpu.memref_squeeze %dma_wait3A_641 : memref<1x128xi32, #tpu.memory_space<vmem>> -> memref<128xi32, #tpu.memory_space<vmem>>
    %dma_wait3A_643 = arith.constant 0 : i32
    %dma_wait3A_644 = arith.constant 0 : i32
    %dma_wait3A_645 = tpu.memref_slice %arg2[%dma_wait3A_643, %dma_wait3A_644] : memref<8192x256xf32, #tpu.memory_space<hbm>> -> memref<8192x256xf32, #tpu.memory_space<hbm>>
    tpu.wait_indirect_dma semaphore(%arg8 : memref<!tpu.dma_semaphore, #tpu.memory_space<semaphore_mem>>) src(%dma_wait3A_645 : memref<8192x256xf32, #tpu.memory_space<hbm>>) dst(%arg6 : memref<128x256xf32, #tpu.memory_space<vmem>>)
    %add3A_646 = arith.constant 256 : i32
    %add3A_647 = arith.addi %mul3A_2, %add3A_646 : i32
    %dma_start3A_648 = arith.constant 1536 : i32
    %dma_start3A_649 = tpu.memref_slice %arg4[%add3A_647, %dma_start3A_648] : memref<16384x2048xf32, #tpu.memory_space<hbm>> -> memref<128x256xf32, #tpu.memory_space<hbm>>
    %dma_start3A_650 = arith.constant 1536 : i32
    %dma_start3A_651 = tpu.memref_slice %arg4[%add3A_647, %dma_start3A_650] : memref<16384x2048xf32, #tpu.memory_space<hbm>> -> memref<128x256xf32, #tpu.memory_space<hbm>>
    tpu.enqueue_dma source(%arg6 : memref<128x256xf32, #tpu.memory_space<vmem>>) target(%dma_start3A_651 : memref<128x256xf32, #tpu.memory_space<hbm>>) target_semaphore(%arg10 : memref<!tpu.dma_semaphore, #tpu.memory_space<semaphore_mem>>)
    %dma_wait3A_652 = arith.constant 1536 : i32
    %dma_wait3A_653 = tpu.memref_slice %arg4[%add3A_647, %dma_wait3A_652] : memref<16384x2048xf32, #tpu.memory_space<hbm>> -> memref<128x256xf32, #tpu.memory_space<hbm>>
    %dma_wait3A_654 = arith.constant 1536 : i32
    %dma_wait3A_655 = tpu.memref_slice %arg4[%add3A_647, %dma_wait3A_654] : memref<16384x2048xf32, #tpu.memory_space<hbm>> -> memref<128x256xf32, #tpu.memory_space<hbm>>
    tpu.wait_dma2 semaphore(%arg10 : memref<!tpu.dma_semaphore, #tpu.memory_space<semaphore_mem>>) src(%arg6 : memref<128x256xf32, #tpu.memory_space<vmem>>) dst(%dma_wait3A_655 : memref<128x256xf32, #tpu.memory_space<hbm>>)
    %dma_start3A_656 = arith.constant 7 : i32
    %dma_start3A_657 = arith.constant 0 : i32
    %dma_start3A_658 = tpu.memref_slice %arg5[%dma_start3A_656, %dma_start3A_657] : memref<8x512xi32, #tpu.memory_space<vmem>> -> memref<1x128xi32, #tpu.memory_space<vmem>>
    %dma_start3A_659 = tpu.memref_squeeze %dma_start3A_658 : memref<1x128xi32, #tpu.memory_space<vmem>> -> memref<128xi32, #tpu.memory_space<vmem>>
    %dma_start3A_660 = arith.constant 0 : i32
    %dma_start3A_661 = arith.constant 0 : i32
    %dma_start3A_662 = tpu.memref_slice %arg2[%dma_start3A_660, %dma_start3A_661] : memref<8192x256xf32, #tpu.memory_space<hbm>> -> memref<8192x256xf32, #tpu.memory_space<hbm>>
    tpu.enqueue_indirect_dma source(%dma_start3A_662 : memref<8192x256xf32, #tpu.memory_space<hbm>>) target(%arg6 : memref<128x256xf32, #tpu.memory_space<vmem>>) offsets(%dma_start3A_659 : memref<128xi32, #tpu.memory_space<vmem>>) semaphore(%arg8 : memref<!tpu.dma_semaphore, #tpu.memory_space<semaphore_mem>>)
    %dma_wait3A_663 = arith.constant 6 : i32
    %dma_wait3A_664 = arith.constant 384 : i32
    %dma_wait3A_665 = tpu.memref_slice %arg5[%dma_wait3A_663, %dma_wait3A_664] : memref<8x512xi32, #tpu.memory_space<vmem>> -> memref<1x128xi32, #tpu.memory_space<vmem>>
    %dma_wait3A_666 = tpu.memref_squeeze %dma_wait3A_665 : memref<1x128xi32, #tpu.memory_space<vmem>> -> memref<128xi32, #tpu.memory_space<vmem>>
    %dma_wait3A_667 = arith.constant 0 : i32
    %dma_wait3A_668 = arith.constant 0 : i32
    %dma_wait3A_669 = tpu.memref_slice %arg2[%dma_wait3A_667, %dma_wait3A_668] : memref<8192x256xf32, #tpu.memory_space<hbm>> -> memref<8192x256xf32, #tpu.memory_space<hbm>>
    tpu.wait_indirect_dma semaphore(%arg9 : memref<!tpu.dma_semaphore, #tpu.memory_space<semaphore_mem>>) src(%dma_wait3A_669 : memref<8192x256xf32, #tpu.memory_space<hbm>>) dst(%arg7 : memref<128x256xf32, #tpu.memory_space<vmem>>)
    %add3A_670 = arith.constant 384 : i32
    %add3A_671 = arith.addi %mul3A_2, %add3A_670 : i32
    %dma_start3A_672 = arith.constant 1536 : i32
    %dma_start3A_673 = tpu.memref_slice %arg4[%add3A_671, %dma_start3A_672] : memref<16384x2048xf32, #tpu.memory_space<hbm>> -> memref<128x256xf32, #tpu.memory_space<hbm>>
    %dma_start3A_674 = arith.constant 1536 : i32
    %dma_start3A_675 = tpu.memref_slice %arg4[%add3A_671, %dma_start3A_674] : memref<16384x2048xf32, #tpu.memory_space<hbm>> -> memref<128x256xf32, #tpu.memory_space<hbm>>
    tpu.enqueue_dma source(%arg7 : memref<128x256xf32, #tpu.memory_space<vmem>>) target(%dma_start3A_675 : memref<128x256xf32, #tpu.memory_space<hbm>>) target_semaphore(%arg11 : memref<!tpu.dma_semaphore, #tpu.memory_space<semaphore_mem>>)
    %dma_wait3A_676 = arith.constant 1536 : i32
    %dma_wait3A_677 = tpu.memref_slice %arg4[%add3A_671, %dma_wait3A_676] : memref<16384x2048xf32, #tpu.memory_space<hbm>> -> memref<128x256xf32, #tpu.memory_space<hbm>>
    %dma_wait3A_678 = arith.constant 1536 : i32
    %dma_wait3A_679 = tpu.memref_slice %arg4[%add3A_671, %dma_wait3A_678] : memref<16384x2048xf32, #tpu.memory_space<hbm>> -> memref<128x256xf32, #tpu.memory_space<hbm>>
    tpu.wait_dma2 semaphore(%arg11 : memref<!tpu.dma_semaphore, #tpu.memory_space<semaphore_mem>>) src(%arg7 : memref<128x256xf32, #tpu.memory_space<vmem>>) dst(%dma_wait3A_679 : memref<128x256xf32, #tpu.memory_space<hbm>>)
    %dma_start3A_680 = arith.constant 7 : i32
    %dma_start3A_681 = arith.constant 128 : i32
    %dma_start3A_682 = tpu.memref_slice %arg5[%dma_start3A_680, %dma_start3A_681] : memref<8x512xi32, #tpu.memory_space<vmem>> -> memref<1x128xi32, #tpu.memory_space<vmem>>
    %dma_start3A_683 = tpu.memref_squeeze %dma_start3A_682 : memref<1x128xi32, #tpu.memory_space<vmem>> -> memref<128xi32, #tpu.memory_space<vmem>>
    %dma_start3A_684 = arith.constant 0 : i32
    %dma_start3A_685 = arith.constant 0 : i32
    %dma_start3A_686 = tpu.memref_slice %arg2[%dma_start3A_684, %dma_start3A_685] : memref<8192x256xf32, #tpu.memory_space<hbm>> -> memref<8192x256xf32, #tpu.memory_space<hbm>>
    tpu.enqueue_indirect_dma source(%dma_start3A_686 : memref<8192x256xf32, #tpu.memory_space<hbm>>) target(%arg7 : memref<128x256xf32, #tpu.memory_space<vmem>>) offsets(%dma_start3A_683 : memref<128xi32, #tpu.memory_space<vmem>>) semaphore(%arg9 : memref<!tpu.dma_semaphore, #tpu.memory_space<semaphore_mem>>)
    %dma_wait3A_687 = arith.constant 7 : i32
    %dma_wait3A_688 = arith.constant 0 : i32
    %dma_wait3A_689 = tpu.memref_slice %arg5[%dma_wait3A_687, %dma_wait3A_688] : memref<8x512xi32, #tpu.memory_space<vmem>> -> memref<1x128xi32, #tpu.memory_space<vmem>>
    %dma_wait3A_690 = tpu.memref_squeeze %dma_wait3A_689 : memref<1x128xi32, #tpu.memory_space<vmem>> -> memref<128xi32, #tpu.memory_space<vmem>>
    %dma_wait3A_691 = arith.constant 0 : i32
    %dma_wait3A_692 = arith.constant 0 : i32
    %dma_wait3A_693 = tpu.memref_slice %arg2[%dma_wait3A_691, %dma_wait3A_692] : memref<8192x256xf32, #tpu.memory_space<hbm>> -> memref<8192x256xf32, #tpu.memory_space<hbm>>
    tpu.wait_indirect_dma semaphore(%arg8 : memref<!tpu.dma_semaphore, #tpu.memory_space<semaphore_mem>>) src(%dma_wait3A_693 : memref<8192x256xf32, #tpu.memory_space<hbm>>) dst(%arg6 : memref<128x256xf32, #tpu.memory_space<vmem>>)
    %add3A_694 = arith.constant 0 : i32
    %add3A_695 = arith.addi %mul3A_2, %add3A_694 : i32
    %dma_start3A_696 = arith.constant 1792 : i32
    %dma_start3A_697 = tpu.memref_slice %arg4[%add3A_695, %dma_start3A_696] : memref<16384x2048xf32, #tpu.memory_space<hbm>> -> memref<128x256xf32, #tpu.memory_space<hbm>>
    %dma_start3A_698 = arith.constant 1792 : i32
    %dma_start3A_699 = tpu.memref_slice %arg4[%add3A_695, %dma_start3A_698] : memref<16384x2048xf32, #tpu.memory_space<hbm>> -> memref<128x256xf32, #tpu.memory_space<hbm>>
    tpu.enqueue_dma source(%arg6 : memref<128x256xf32, #tpu.memory_space<vmem>>) target(%dma_start3A_699 : memref<128x256xf32, #tpu.memory_space<hbm>>) target_semaphore(%arg10 : memref<!tpu.dma_semaphore, #tpu.memory_space<semaphore_mem>>)
    %dma_wait3A_700 = arith.constant 1792 : i32
    %dma_wait3A_701 = tpu.memref_slice %arg4[%add3A_695, %dma_wait3A_700] : memref<16384x2048xf32, #tpu.memory_space<hbm>> -> memref<128x256xf32, #tpu.memory_space<hbm>>
    %dma_wait3A_702 = arith.constant 1792 : i32
    %dma_wait3A_703 = tpu.memref_slice %arg4[%add3A_695, %dma_wait3A_702] : memref<16384x2048xf32, #tpu.memory_space<hbm>> -> memref<128x256xf32, #tpu.memory_space<hbm>>
    tpu.wait_dma2 semaphore(%arg10 : memref<!tpu.dma_semaphore, #tpu.memory_space<semaphore_mem>>) src(%arg6 : memref<128x256xf32, #tpu.memory_space<vmem>>) dst(%dma_wait3A_703 : memref<128x256xf32, #tpu.memory_space<hbm>>)
    %dma_start3A_704 = arith.constant 7 : i32
    %dma_start3A_705 = arith.constant 256 : i32
    %dma_start3A_706 = tpu.memref_slice %arg5[%dma_start3A_704, %dma_start3A_705] : memref<8x512xi32, #tpu.memory_space<vmem>> -> memref<1x128xi32, #tpu.memory_space<vmem>>
    %dma_start3A_707 = tpu.memref_squeeze %dma_start3A_706 : memref<1x128xi32, #tpu.memory_space<vmem>> -> memref<128xi32, #tpu.memory_space<vmem>>
    %dma_start3A_708 = arith.constant 0 : i32
    %dma_start3A_709 = arith.constant 0 : i32
    %dma_start3A_710 = tpu.memref_slice %arg2[%dma_start3A_708, %dma_start3A_709] : memref<8192x256xf32, #tpu.memory_space<hbm>> -> memref<8192x256xf32, #tpu.memory_space<hbm>>
    tpu.enqueue_indirect_dma source(%dma_start3A_710 : memref<8192x256xf32, #tpu.memory_space<hbm>>) target(%arg6 : memref<128x256xf32, #tpu.memory_space<vmem>>) offsets(%dma_start3A_707 : memref<128xi32, #tpu.memory_space<vmem>>) semaphore(%arg8 : memref<!tpu.dma_semaphore, #tpu.memory_space<semaphore_mem>>)
    %dma_wait3A_711 = arith.constant 7 : i32
    %dma_wait3A_712 = arith.constant 128 : i32
    %dma_wait3A_713 = tpu.memref_slice %arg5[%dma_wait3A_711, %dma_wait3A_712] : memref<8x512xi32, #tpu.memory_space<vmem>> -> memref<1x128xi32, #tpu.memory_space<vmem>>
    %dma_wait3A_714 = tpu.memref_squeeze %dma_wait3A_713 : memref<1x128xi32, #tpu.memory_space<vmem>> -> memref<128xi32, #tpu.memory_space<vmem>>
    %dma_wait3A_715 = arith.constant 0 : i32
    %dma_wait3A_716 = arith.constant 0 : i32
    %dma_wait3A_717 = tpu.memref_slice %arg2[%dma_wait3A_715, %dma_wait3A_716] : memref<8192x256xf32, #tpu.memory_space<hbm>> -> memref<8192x256xf32, #tpu.memory_space<hbm>>
    tpu.wait_indirect_dma semaphore(%arg9 : memref<!tpu.dma_semaphore, #tpu.memory_space<semaphore_mem>>) src(%dma_wait3A_717 : memref<8192x256xf32, #tpu.memory_space<hbm>>) dst(%arg7 : memref<128x256xf32, #tpu.memory_space<vmem>>)
    %add3A_718 = arith.constant 128 : i32
    %add3A_719 = arith.addi %mul3A_2, %add3A_718 : i32
    %dma_start3A_720 = arith.constant 1792 : i32
    %dma_start3A_721 = tpu.memref_slice %arg4[%add3A_719, %dma_start3A_720] : memref<16384x2048xf32, #tpu.memory_space<hbm>> -> memref<128x256xf32, #tpu.memory_space<hbm>>
    %dma_start3A_722 = arith.constant 1792 : i32
    %dma_start3A_723 = tpu.memref_slice %arg4[%add3A_719, %dma_start3A_722] : memref<16384x2048xf32, #tpu.memory_space<hbm>> -> memref<128x256xf32, #tpu.memory_space<hbm>>
    tpu.enqueue_dma source(%arg7 : memref<128x256xf32, #tpu.memory_space<vmem>>) target(%dma_start3A_723 : memref<128x256xf32, #tpu.memory_space<hbm>>) target_semaphore(%arg11 : memref<!tpu.dma_semaphore, #tpu.memory_space<semaphore_mem>>)
    %dma_wait3A_724 = arith.constant 1792 : i32
    %dma_wait3A_725 = tpu.memref_slice %arg4[%add3A_719, %dma_wait3A_724] : memref<16384x2048xf32, #tpu.memory_space<hbm>> -> memref<128x256xf32, #tpu.memory_space<hbm>>
    %dma_wait3A_726 = arith.constant 1792 : i32
    %dma_wait3A_727 = tpu.memref_slice %arg4[%add3A_719, %dma_wait3A_726] : memref<16384x2048xf32, #tpu.memory_space<hbm>> -> memref<128x256xf32, #tpu.memory_space<hbm>>
    tpu.wait_dma2 semaphore(%arg11 : memref<!tpu.dma_semaphore, #tpu.memory_space<semaphore_mem>>) src(%arg7 : memref<128x256xf32, #tpu.memory_space<vmem>>) dst(%dma_wait3A_727 : memref<128x256xf32, #tpu.memory_space<hbm>>)
    %dma_start3A_728 = arith.constant 7 : i32
    %dma_start3A_729 = arith.constant 384 : i32
    %dma_start3A_730 = tpu.memref_slice %arg5[%dma_start3A_728, %dma_start3A_729] : memref<8x512xi32, #tpu.memory_space<vmem>> -> memref<1x128xi32, #tpu.memory_space<vmem>>
    %dma_start3A_731 = tpu.memref_squeeze %dma_start3A_730 : memref<1x128xi32, #tpu.memory_space<vmem>> -> memref<128xi32, #tpu.memory_space<vmem>>
    %dma_start3A_732 = arith.constant 0 : i32
    %dma_start3A_733 = arith.constant 0 : i32
    %dma_start3A_734 = tpu.memref_slice %arg2[%dma_start3A_732, %dma_start3A_733] : memref<8192x256xf32, #tpu.memory_space<hbm>> -> memref<8192x256xf32, #tpu.memory_space<hbm>>
    tpu.enqueue_indirect_dma source(%dma_start3A_734 : memref<8192x256xf32, #tpu.memory_space<hbm>>) target(%arg7 : memref<128x256xf32, #tpu.memory_space<vmem>>) offsets(%dma_start3A_731 : memref<128xi32, #tpu.memory_space<vmem>>) semaphore(%arg9 : memref<!tpu.dma_semaphore, #tpu.memory_space<semaphore_mem>>)
    %dma_wait3A_735 = arith.constant 7 : i32
    %dma_wait3A_736 = arith.constant 256 : i32
    %dma_wait3A_737 = tpu.memref_slice %arg5[%dma_wait3A_735, %dma_wait3A_736] : memref<8x512xi32, #tpu.memory_space<vmem>> -> memref<1x128xi32, #tpu.memory_space<vmem>>
    %dma_wait3A_738 = tpu.memref_squeeze %dma_wait3A_737 : memref<1x128xi32, #tpu.memory_space<vmem>> -> memref<128xi32, #tpu.memory_space<vmem>>
    %dma_wait3A_739 = arith.constant 0 : i32
    %dma_wait3A_740 = arith.constant 0 : i32
    %dma_wait3A_741 = tpu.memref_slice %arg2[%dma_wait3A_739, %dma_wait3A_740] : memref<8192x256xf32, #tpu.memory_space<hbm>> -> memref<8192x256xf32, #tpu.memory_space<hbm>>
    tpu.wait_indirect_dma semaphore(%arg8 : memref<!tpu.dma_semaphore, #tpu.memory_space<semaphore_mem>>) src(%dma_wait3A_741 : memref<8192x256xf32, #tpu.memory_space<hbm>>) dst(%arg6 : memref<128x256xf32, #tpu.memory_space<vmem>>)
    %add3A_742 = arith.constant 256 : i32
    %add3A_743 = arith.addi %mul3A_2, %add3A_742 : i32
    %dma_start3A_744 = arith.constant 1792 : i32
    %dma_start3A_745 = tpu.memref_slice %arg4[%add3A_743, %dma_start3A_744] : memref<16384x2048xf32, #tpu.memory_space<hbm>> -> memref<128x256xf32, #tpu.memory_space<hbm>>
    %dma_start3A_746 = arith.constant 1792 : i32
    %dma_start3A_747 = tpu.memref_slice %arg4[%add3A_743, %dma_start3A_746] : memref<16384x2048xf32, #tpu.memory_space<hbm>> -> memref<128x256xf32, #tpu.memory_space<hbm>>
    tpu.enqueue_dma source(%arg6 : memref<128x256xf32, #tpu.memory_space<vmem>>) target(%dma_start3A_747 : memref<128x256xf32, #tpu.memory_space<hbm>>) target_semaphore(%arg10 : memref<!tpu.dma_semaphore, #tpu.memory_space<semaphore_mem>>)
    %dma_wait3A_748 = arith.constant 7 : i32
    %dma_wait3A_749 = arith.constant 384 : i32
    %dma_wait3A_750 = tpu.memref_slice %arg5[%dma_wait3A_748, %dma_wait3A_749] : memref<8x512xi32, #tpu.memory_space<vmem>> -> memref<1x128xi32, #tpu.memory_space<vmem>>
    %dma_wait3A_751 = tpu.memref_squeeze %dma_wait3A_750 : memref<1x128xi32, #tpu.memory_space<vmem>> -> memref<128xi32, #tpu.memory_space<vmem>>
    %dma_wait3A_752 = arith.constant 0 : i32
    %dma_wait3A_753 = arith.constant 0 : i32
    %dma_wait3A_754 = tpu.memref_slice %arg2[%dma_wait3A_752, %dma_wait3A_753] : memref<8192x256xf32, #tpu.memory_space<hbm>> -> memref<8192x256xf32, #tpu.memory_space<hbm>>
    tpu.wait_indirect_dma semaphore(%arg9 : memref<!tpu.dma_semaphore, #tpu.memory_space<semaphore_mem>>) src(%dma_wait3A_754 : memref<8192x256xf32, #tpu.memory_space<hbm>>) dst(%arg7 : memref<128x256xf32, #tpu.memory_space<vmem>>)
    %add3A_755 = arith.constant 384 : i32
    %add3A_756 = arith.addi %mul3A_2, %add3A_755 : i32
    %dma_start3A_757 = arith.constant 1792 : i32
    %dma_start3A_758 = tpu.memref_slice %arg4[%add3A_756, %dma_start3A_757] : memref<16384x2048xf32, #tpu.memory_space<hbm>> -> memref<128x256xf32, #tpu.memory_space<hbm>>
    %dma_start3A_759 = arith.constant 1792 : i32
    %dma_start3A_760 = tpu.memref_slice %arg4[%add3A_756, %dma_start3A_759] : memref<16384x2048xf32, #tpu.memory_space<hbm>> -> memref<128x256xf32, #tpu.memory_space<hbm>>
    tpu.enqueue_dma source(%arg7 : memref<128x256xf32, #tpu.memory_space<vmem>>) target(%dma_start3A_760 : memref<128x256xf32, #tpu.memory_space<hbm>>) target_semaphore(%arg11 : memref<!tpu.dma_semaphore, #tpu.memory_space<semaphore_mem>>)
    %dma_wait3A_761 = arith.constant 1792 : i32
    %dma_wait3A_762 = tpu.memref_slice %arg4[%add3A_743, %dma_wait3A_761] : memref<16384x2048xf32, #tpu.memory_space<hbm>> -> memref<128x256xf32, #tpu.memory_space<hbm>>
    %dma_wait3A_763 = arith.constant 1792 : i32
    %dma_wait3A_764 = tpu.memref_slice %arg4[%add3A_743, %dma_wait3A_763] : memref<16384x2048xf32, #tpu.memory_space<hbm>> -> memref<128x256xf32, #tpu.memory_space<hbm>>
    tpu.wait_dma2 semaphore(%arg10 : memref<!tpu.dma_semaphore, #tpu.memory_space<semaphore_mem>>) src(%arg6 : memref<128x256xf32, #tpu.memory_space<vmem>>) dst(%dma_wait3A_764 : memref<128x256xf32, #tpu.memory_space<hbm>>)
    %dma_wait3A_765 = arith.constant 1792 : i32
    %dma_wait3A_766 = tpu.memref_slice %arg4[%add3A_756, %dma_wait3A_765] : memref<16384x2048xf32, #tpu.memory_space<hbm>> -> memref<128x256xf32, #tpu.memory_space<hbm>>
    %dma_wait3A_767 = arith.constant 1792 : i32
    %dma_wait3A_768 = tpu.memref_slice %arg4[%add3A_756, %dma_wait3A_767] : memref<16384x2048xf32, #tpu.memory_space<hbm>> -> memref<128x256xf32, #tpu.memory_space<hbm>>
    tpu.wait_dma2 semaphore(%arg11 : memref<!tpu.dma_semaphore, #tpu.memory_space<semaphore_mem>>) src(%arg7 : memref<128x256xf32, #tpu.memory_space<vmem>>) dst(%dma_wait3A_768 : memref<128x256xf32, #tpu.memory_space<hbm>>)
    return
  }
}

module attributes {stable_mosaic.version = 14 : i64} {
  func.func @_vq_idx_block(%arg0: i32, %arg1: i32, %arg2: memref<2048x256xf32, #tpu.memory_space<vmem>>, %arg3: memref<1x1024x256xf32, #tpu.memory_space<vmem>>, %arg4: memref<1x1x2048xi32, #tpu.memory_space<vmem>>, %arg5: memref<1x1x2048xi32, #tpu.memory_space<vmem>>) attributes {dimension_semantics = [#tpu.dimension_semantics<arbitrary>, #tpu.dimension_semantics<arbitrary>], iteration_bounds = array<i64: 8, 8>, scalar_prefetch = 0 : i64, scratch_operands = 0 : i64, tpu.core_type = #tpu.core_type<tc>, window_params = [{transform_indices = @transform_0, window_bounds = array<i64: 2048, 256>}, {transform_indices = @transform_1, window_bounds = array<i64: 1, 1024, 256>}, {transform_indices = @transform_2, window_bounds = array<i64: 1, 1, 2048>}, {transform_indices = @transform_3, window_bounds = array<i64: 1, 1, 2048>}]} {
    %get3A = arith.constant 0 : index
    %get3A_0 = arith.constant 0 : index
    %get3A_1 = vector.load %arg2[%get3A, %get3A_0] : memref<2048x256xf32, #tpu.memory_space<vmem>>, vector<2048x256xf32>
    %get3A_2 = arith.constant 0 : index
    %get3A_3 = arith.constant 0 : index
    %get3A_4 = arith.constant 0 : index
    %get3A_5 = vector.load %arg3[%get3A_2, %get3A_3, %get3A_4] : memref<1x1024x256xf32, #tpu.memory_space<vmem>>, vector<1x1024x256xf32>
    %get3A_6 = vector.shape_cast %get3A_5 : vector<1x1024x256xf32> to vector<1024x256xf32>
    %mul3A = arith.mulf %get3A_1, %get3A_1 : vector<2048x256xf32>
    %reduce_sum3A = arith.constant dense<0.000000e+00> : vector<2048xf32>
    %reduce_sum3A_7 = vector.multi_reduction <add>, %mul3A, %reduce_sum3A [1] : vector<2048x256xf32> to vector<2048xf32>
    %broadcast_in_dim3A = vector.shape_cast %reduce_sum3A_7 : vector<2048xf32> to vector<1x2048xf32>
    %mul3A_8 = arith.mulf %get3A_6, %get3A_6 : vector<1024x256xf32>
    %reduce_sum3A_9 = arith.constant dense<0.000000e+00> : vector<1024xf32>
    %reduce_sum3A_10 = vector.multi_reduction <add>, %mul3A_8, %reduce_sum3A_9 [1] : vector<1024x256xf32> to vector<1024xf32>
    %broadcast_in_dim3A_11 = vector.shape_cast %reduce_sum3A_10 : vector<1024xf32> to vector<1024x1xf32>
    %mul3A_12 = arith.constant 2.000000e+00 : f32
    %mul3A_13 = vector.broadcast %mul3A_12 : f32 to vector<1024x256xf32>
    %mul3A_14 = arith.mulf %mul3A_13, %get3A_6 : vector<1024x256xf32>
    %dot_general3A = arith.constant dense<0.000000e+00> : vector<1024x2048xf32>
    %dot_general3A_15 = tpu.matmul %mul3A_14, %get3A_1, %dot_general3A {dimension_numbers = #tpu.dot_dimension_numbers<[1], [1], [0], [0], [0, 0, 1, 0], [], []>, transpose_lhs_hint = false} : vector<1024x256xf32>, vector<2048x256xf32>, vector<1024x2048xf32> -> vector<1024x2048xf32>
    %add3A = vector.broadcast %broadcast_in_dim3A_11 : vector<1024x1xf32> to vector<1024x2048xf32>
    %add3A_16 = vector.broadcast %broadcast_in_dim3A : vector<1x2048xf32> to vector<1024x2048xf32>
    %add3A_17 = arith.addf %add3A, %add3A_16 : vector<1024x2048xf32>
    %sub3A = arith.subf %add3A_17, %dot_general3A_15 : vector<1024x2048xf32>
    %max3A = arith.constant 0.000000e+00 : f32
    %max3A_18 = vector.broadcast %max3A : f32 to vector<1024x2048xf32>
    %max3A_19 = arith.maximumf %sub3A, %max3A_18 : vector<1024x2048xf32>
    %reduce_min3A = arith.constant dense<0x7F800000> : vector<2048xf32>
    %reduce_min3A_20 = vector.multi_reduction <minimumf>, %max3A_19, %reduce_min3A [0] : vector<1024x2048xf32> to vector<2048xf32>
    %broadcast_in_dim3A_21 = vector.shape_cast %reduce_min3A_20 : vector<2048xf32> to vector<1x2048xf32>
    %iota3A = tpu.iota {dimensions = array<i32: 0>} : vector<1024x1xi32>
    %convert_element_type3A = arith.sitofp %iota3A : vector<1024x1xi32> to vector<1024x1xf32>
    %eq3A = vector.broadcast %broadcast_in_dim3A_21 : vector<1x2048xf32> to vector<1024x2048xf32>
    %eq3A_22 = arith.cmpf oeq, %max3A_19, %eq3A : vector<1024x2048xf32>
    %jit3A = arith.constant 1.024000e+03 : f32
    %broadcast_in_dim3A_23 = vector.shape_cast %convert_element_type3A : vector<1024x1xf32> to vector<1024x1xf32>
    %broadcast_in_dim3A_24 = vector.broadcast %broadcast_in_dim3A_23 : vector<1024x1xf32> to vector<1024x2048xf32>
    %broadcast_in_dim3A_25 = vector.broadcast %jit3A : f32 to vector<1024x2048xf32>
    %select_n3A = arith.select %eq3A_22, %broadcast_in_dim3A_24, %broadcast_in_dim3A_25 : vector<1024x2048xi1>, vector<1024x2048xf32>
    %reduce_min3A_26 = arith.constant dense<0x7F800000> : vector<2048xf32>
    %reduce_min3A_27 = vector.multi_reduction <minimumf>, %select_n3A, %reduce_min3A_26 [0] : vector<1024x2048xf32> to vector<2048xf32>
    %convert_element_type3A_28 = arith.fptosi %reduce_min3A_27 : vector<2048xf32> to vector<2048xi32>
    %swap3A = arith.constant 0 : index
    %swap3A_29 = arith.constant 0 : index
    %swap3A_30 = arith.constant 0 : index
    %swap3A_31 = vector.load %arg4[%swap3A, %swap3A_29, %swap3A_30] : memref<1x1x2048xi32, #tpu.memory_space<vmem>>, vector<1x1x2048xi32>
    %swap3A_32 = vector.shape_cast %swap3A_31 : vector<1x1x2048xi32> to vector<2048xi32>
    %swap3A_33 = vector.shape_cast %convert_element_type3A_28 : vector<2048xi32> to vector<1x1x2048xi32>
    tpu.vector_store %arg4[%swap3A, %swap3A_29, %swap3A_30], %swap3A_33 {strides = array<i32>} : memref<1x1x2048xi32, #tpu.memory_space<vmem>>, vector<1x1x2048xi32>,
    %mul3A_34 = arith.constant 1024 : i32
    %mul3A_35 = arith.muli %arg0, %mul3A_34 : i32
    %add3A_36 = vector.broadcast %mul3A_35 : i32 to vector<2048xi32>
    %add3A_37 = arith.addi %convert_element_type3A_28, %add3A_36 : vector<2048xi32>
    %swap3A_38 = arith.constant 0 : index
    %swap3A_39 = arith.constant 0 : index
    %swap3A_40 = arith.constant 0 : index
    %swap3A_41 = vector.load %arg5[%swap3A_38, %swap3A_39, %swap3A_40] : memref<1x1x2048xi32, #tpu.memory_space<vmem>>, vector<1x1x2048xi32>
    %swap3A_42 = vector.shape_cast %swap3A_41 : vector<1x1x2048xi32> to vector<2048xi32>
    %swap3A_43 = vector.shape_cast %add3A_37 : vector<2048xi32> to vector<1x1x2048xi32>
    tpu.vector_store %arg5[%swap3A_38, %swap3A_39, %swap3A_40], %swap3A_43 {strides = array<i32>} : memref<1x1x2048xi32, #tpu.memory_space<vmem>>, vector<1x1x2048xi32>,
    return
  }
  func.func @transform_0(%arg0: i32, %arg1: i32) -> (i32, i32) {
    %c0_i32 = arith.constant 0 : i32
    return %arg1, %arg0 : i32, i32
  }
  func.func @transform_1(%arg0: i32, %arg1: i32) -> (i32, i32, i32) {
    %c0_i32 = arith.constant 0 : i32
    %c0_i32_0 = arith.constant 0 : i32
    %c0_i32_1 = arith.constant 0 : i32
    return %arg0, %c0_i32, %c0_i32_0 : i32, i32, i32
  }
  func.func @transform_2(%arg0: i32, %arg1: i32) -> (i32, i32, i32) {
    %c0_i32 = arith.constant 0 : i32
    %c0_i32_0 = arith.constant 0 : i32
    return %arg0, %c0_i32, %arg1 : i32, i32, i32
  }
  func.func @transform_3(%arg0: i32, %arg1: i32) -> (i32, i32, i32) {
    %c0_i32 = arith.constant 0 : i32
    %c0_i32_0 = arith.constant 0 : i32
    return %arg0, %c0_i32, %arg1 : i32, i32, i32
  }
}

</mosaic_0001>

<sc_bundles>
// kernel: kernel.4.cloned.1.call-start
scs
__scs_entry_jumppad:
0x0: {  	(pc) =	sbr.rel $0x88, $3  }
0x1: {  	(tag) =	ssettag $0x0;
	lr =	simm.s32 $0x1  }
0x2: {  	[smem:$0x3F9F] =	sst lr;
	_ =	strace $0xD0000000  }
0x3: {  	_ = 	snop  }
0x4: {  	_ = 	snop  }
0x5: {  	_ = 	snop  }
0x6: {  	_ = 	snop  }
0x7: {  	_ = 	snop  }
__scs_overlays_trampoline_lowered:
0x8: {  	[smem:$0x3FAE] =	sst s0  }
0x9: {  	[smem:$0x3FAF] =	sst s1  }
0xa: {  	[smem:$0x3FB0] =	sst s2  }
0xb: {  	[smem:$0x3FB1] =	sst s3  }
0xc: {  	[smem:$0x3FB2] =	sst s4  }
0xd: {  	[smem:$0x3FB3] =	sst s5  }
0xe: {  	[smem:$0x3FB4] =	sst s6  }
0xf: {  	[smem:$0x3FB5] =	sst s7  }
0x10: {  	[smem:$0x3FB6] =	sst s8  }
0x11: {  	[smem:$0x3FB7] =	sst s9;
	s0 =	simm.s32 @!p0 $0x0  }
0x12: {  	s1 =	sld [smem:$0x3F9D];
	s0 =	simm.s32 @p0 $0x1  }
0x13: {  	[smem:$0x3FB8] =	sst s0;
	s0 =	simm.s32 @!p1 $0x0  }
0x14: {  	s2 =	sld [smem:$0x3F9C];
	s0 =	simm.s32 @p1 $0x1  }
0x15: {  	[smem:$0x3FB9] =	sst s0;
	s0 =	simm.s32 @!p2 $0x0  }
0x16: {  	s3 =	sld [smem:$0x3FDB];
	s0 =	simm.s32 @p2 $0x1  }
0x17: {  	s4 =	simm.s32 $0x1BF5;
	[smem:$0x3FBB] =	sst s0  }
0x18: {  	s0 =	sld [smem:$0x3F9E];
	_ =	swait.ge [sflag:s4], $0x0  }
0x19: {  	s7 =	sld [smem:$0x3F9F]  }
0x1a: {  	s8 =	sadd.s32 $0xFFFFE003, lr  }
0x1b: {  	s9 =	sadd.s32 $0xFFFFFEF7, lr;
	s5 =	simm.s32 $0xFFFFFFFF;
	p2 =	slt.u32 s8, $0xFFFFF086  }
0x1c: {  	p1 =	slt.u32 s9, $0xF7A;
	s5 =	simm.s32 @!p2 $0x0  }
0x1d: {  	s5 =	simm.s32 @p1 $0x1;
	p0 =	seq.s32 s7, s2  }
0x1e: {  	s7 =	smul.u32 @!p0 $0xF7A, s2;
	p2 =	seq.s32 @!p0 s5, $0x0  }
0x1f: {  	s9 =	smul.u32 $0xF7A, s1;
	s8 =	simm.s32 @!p0 $0x1BF5;
	p2 =	por !p2, p0  }
0x20: {  	[sflag:s8] =	ssyncset.s32 @!p0 $0xFFFFF086;
	s6 =	sadd.s32 @!p0 s3, s7;
	s7 =	simm.s32 @!p0 $0x108  }
0x21: {  	s3 =	sadd.s32 s3, s9;
	s6 =	sadd.s32 @!p0 $0x88, s6;
	s7 =	simm.s32 @p2 $0x1082  }
0x22: {  	[simem:s7], [sflag:s8] =	dma.local @!p0 [hbm:s6], $0xF7A  }
0x23: {  	s9 =	sor.u32 $0xD0000000, s2;
	s6 =	simm.s32 $0x108;
	_ =	swait.ge @!p0 [sflag:s8], $0x0  }
0x24: {  	s3 =	sadd.s32 $0x88, s3;
	s6 =	simm.s32 @!p1 $0x1082;
	[sflag:s4] =	ssyncset.s32 $0xFFFFF086  }
0x25: {  	[simem:s6], [sflag:s4] =	dma.local [hbm:s3], $0xF7A  }
0x26: {  	[smem:$0x3F9F] =	sst s1;
	(tag) =	ssettag s2;
	_ =	strace s9  }
0x27: {  	s1 =	sld [smem:$0x3FAF]  }
0x28: {  	s2 =	sld [smem:$0x3FB0]  }
0x29: {  	s4 =	sld [smem:$0x3FB2]  }
0x2a: {  	p0 =	seq.s32 s5, $0x0;
	s5 =	sld [smem:$0x3FB3]  }
0x2b: {  	s6 =	sld [smem:$0x3FB4]  }
0x2c: {  	s7 =	sld [smem:$0x3FB5]  }
0x2d: {  	s3 =	simm.s32 $0x108;
	s8 =	sld [smem:$0x3FB6]  }
0x2e: {  	s3 =	simm.s32 @!p0 $0x1082;
	s9 =	sld [smem:$0x3FB7]  }
0x2f: {  	lr =	sadd.s32 s0, s3;
	s0 =	sld [smem:$0x3FAE]  }
0x30: {  	s3 =	sld [smem:$0x3FB1]  }
0x31: {  	[smem:$0x3FBA] =	sst s10  }
0x32: {  	s10 =	sld [smem:$0x3FB8];
	_ =	sdelay $0x3  }
0x33: {  	p0 =	seq.s32 s10, $0x1;
	s10 =	sld [smem:$0x3FBA];
	_ =	sdelay $0x3  }
0x34: {  	[smem:$0x3FBA] =	sst s10  }
0x35: {  	s10 =	sld [smem:$0x3FB9];
	_ =	sdelay $0x3  }
0x36: {  	p1 =	seq.s32 s10, $0x1;
	s10 =	sld [smem:$0x3FBA];
	_ =	sdelay $0x3  }
0x37: {  	[smem:$0x3FBA] =	sst s10  }
0x38: {  	s10 =	sld [smem:$0x3FBB]  }
0x39: {  	_ = 	snop;
	(pc) =	sbr.ind lr, $3  }
0x3a: {  	_ = 	snop  }
0x3b: {  	_ = 	snop  }
0x3c: {  	p2 =	seq.s32 s10, $0x1;
	s10 =	sld [smem:$0x3FBA]  }
0x3d: {  	_ =	shalt  }
0x3e: {  	_ =	shalt  }
0x3f: {  	_ =	shalt  }
0x40: {  	_ =	shalt  }
0x41: {  	_ =	shalt  }
0x42: {  	_ =	shalt  }
0x43: {  	_ =	shalt  }
0x44: {  	_ =	shalt  }
0x45: {  	_ =	shalt  }
0x46: {  	_ =	shalt  }
0x47: {  	_ =	shalt  }
0x48: {  	_ =	shalt  }
0x49: {  	_ =	shalt  }
0x4a: {  	_ =	shalt  }
0x4b: {  	_ =	shalt  }
0x4c: {  	_ =	shalt  }
0x4d: {  	_ =	shalt  }
0x4e: {  	_ =	shalt  }
0x4f: {  	_ =	shalt  }
0x50: {  	_ =	shalt  }
0x51: {  	_ =	shalt  }
0x52: {  	_ =	shalt  }
0x53: {  	_ =	shalt  }
0x54: {  	_ =	shalt  }
0x55: {  	_ =	shalt  }
0x56: {  	_ =	shalt  }
0x57: {  	_ =	shalt  }
0x58: {  	_ =	shalt  }
0x59: {  	_ =	shalt  }
0x5a: {  	_ =	shalt  }
0x5b: {  	_ =	shalt  }
0x5c: {  	_ =	shalt  }
0x5d: {  	_ =	shalt  }
0x5e: {  	_ =	shalt  }
0x5f: {  	_ =	shalt  }
0x60: {  	_ =	shalt  }
0x61: {  	_ =	shalt  }
0x62: {  	_ =	shalt  }
0x63: {  	_ =	shalt  }
0x64: {  	_ =	shalt  }
0x65: {  	_ =	shalt  }
0x66: {  	_ =	shalt  }
0x67: {  	_ =	shalt  }
0x68: {  	_ =	shalt  }
0x69: {  	_ =	shalt  }
0x6a: {  	_ =	shalt  }
0x6b: {  	_ =	shalt  }
0x6c: {  	_ =	shalt  }
0x6d: {  	_ =	shalt  }
0x6e: {  	_ =	shalt  }
0x6f: {  	_ =	shalt  }
0x70: {  	_ =	shalt  }
0x71: {  	_ =	shalt  }
0x72: {  	_ =	shalt  }
0x73: {  	_ =	shalt  }
0x74: {  	_ =	shalt  }
0x75: {  	_ =	shalt  }
0x76: {  	_ =	shalt  }
0x77: {  	_ =	shalt  }
0x78: {  	_ =	shalt  }
0x79: {  	_ =	shalt  }
0x7a: {  	_ =	shalt  }
0x7b: {  	_ =	shalt  }
0x7c: {  	_ =	shalt  }
0x7d: {  	_ =	shalt  }
0x7e: {  	_ =	shalt  }
0x7f: {  	_ =	shalt  }
0x80: {  	_ =	shalt  }
0x81: {  	_ =	shalt  }
0x82: {  	_ =	shalt  }
0x83: {  	_ =	shalt  }
0x84: {  	_ =	shalt  }
0x85: {  	_ =	shalt  }
0x86: {  	_ =	shalt  }
0x87: {  	_ =	shalt  }
.Lfunc_end0:
.L_simem_size_0:
called_computation_lowered:
.L_overlay_start_0:
0x88: {  	s2 =	sld [smem:$0x3FD9]  }
0x89: {  	s3 =	sld [smem:$0x3FFE];
	_ =	sdelay $0x1  }
0x8a: {  	s1 =	srdreg.scid  }
0x8b: {  	s0 =	sand.u32 $0x1, s1  }
0x8c: {  	s14 =	sshll.u32 s0, $0xA;
	s2 =	sadd.s32 s3, s2  }
0x8d: {  	s2 =	sadd.s32 s2, s14  }
0x8e: {  	[smem:$0x3FC6] =	sst s2  }
0x8f: {  	_ = 	snop  }
0x90: {  	s2 =	sld [smem:$0x3FD0];
	_ =	sdelay $0x2  }
0x91: {  	s4 =	simm.s32 $0xA;
	s5 =	simm.s32 $0x10;
	s15 =	sld [smem:$0x3FC8]  }
0x92: {  	[smem:s5], [sflag:s4] =	dma.local [hbm:s2], $0x1  }
0x93: {  	_ =	swait.eq [sflag:s4], $0x1  }
0x94: {  	[sflag:s4] =	ssyncset.done $0x0  }
0x95: {  	[sflag:s4] =	ssyncadd.s32 $0xFFFFFFFF  }
0x96: {  	s16 =	sld [smem:$0x10];
	(tm) =	ssettm $0x1  }
0x97: {  	s17 =	sld [smem:$0x3FFB];
	_ =	sdelay $0x3  }
0x98: {  	_ =	strace s17  }
0x99: {  	s4 =	sld [smem:$0x3FFC];
	_ =	sdelay $0x3  }
0x9a: {  	_ =	strace s4  }
0x9b: {  	s4 =	sld [smem:$0x3FFD];
	_ =	sdelay $0x3  }
0x9c: {  	_ =	strace s4  }
0x9d: {  	_ =	strace $0x8FFFFFFF  }
0x9e: {  	s18 =	sld [smem:$0x3FDB];
	_ =	sdelay $0x1  }
0x9f: {  	s19 =	simm.s32 $_scs_section_size  }
0xa0: {  	s6 =	simm.s32 $_size__tile_overlayer_lowered;
	s7 =	simm.s32 $_tile_overlayer_lowered  }
0xa1: {  	s22 =	simm.s32 $0x1BFF;
	s21 =	sshll.u32 s7, $0x1;
	s4 =	sadd.s32 s19, s18  }
0xa2: {  	s8 =	simm.s32 $0x0;
	s20 =	sshll.u32 s6, $0x1;
	s6 =	sadd.s32 s21, s4  }
0xa3: {  	[timem:s8], [sflag:s22] =	dma.local [hbm:s6], s20  }
0xa4: {  	_ =	swait.ge [sflag:s22], s20  }
0xa5: {  	s5 =	ssub.s32 $0x0, s20;
	[sflag:s22] =	ssyncset.done $0x0  }
0xa6: {  	[sflag:s22] =	ssyncadd.s32 s5;
	_ =	sdelay $0x1  }
0xa7: {  	s23 =	simm.s32 $0x1B8B  }
0xa8: {  	_ =	swait.ge [sflag:s23], $0x1  }
0xa9: {  	[sflag:s23] =	ssyncset.done $0x0  }
0xaa: {  	s25 =	simm.s32 $0x1B8E;
	s24 =	sld [smem:$0x3FFE];
	[sflag:s23] =	ssyncadd.s32 $0xFFFFFFFF  }
0xab: {  	s26 =	simm.s32 $execute0_lowered;
	[smem:$0x3FD2] =	sst s25  }
0xac: {  	s6 =	sshll.u32 s26, $0x1;
	_ =	strace $0x80000046;
	[dreg:$0x1] =	wrdreg $0xFFFFFFFF  }
0xad: {  	s28 =	simm.s32 $_size_execute0_lowered;
	s4 =	sadd.s32 s4, s6;
	[dreg:$0x0] =	wrdreg $0x0  }
0xae: {  	s6 =	sshll.u32 s28, $0x1;
	[dreg:$0x2] =	wrdreg s4  }
0xaf: {  	[dreg:$0x3] =	wrdreg s6  }
0xb0: {  	[dreg:$0x4] =	wrdreg $0xC0  }
0xb1: {  	_ =	task [dreg:s8], $0x5FFFF  }
0xb2: {  	[dreg:$0x1] =	wrdreg $0xFFFFFFFF  }
0xb3: {  	[dreg:$0x0] =	wrdreg $0x60  }
0xb4: {  	[dreg:$0x2] =	wrdreg s15  }
0xb5: {  	[dreg:$0x3] =	wrdreg s24  }
0xb6: {  	[dreg:$0x4] =	wrdreg s16  }
0xb7: {  	[dreg:$0x5] =	wrdreg $0x9  }
0xb8: {  	_ =	task.clear_ibuf [dreg:s8], $0x6FFFF;
	_ =	strace $0x90000046  }
0xb9: {  	s29 =	simm.s32 $0x9;
	_ =	strace $0x80000048  }
0xba: {  	_ =	swait.ge [sflag:s29], $0x1  }
0xbb: {  	[sflag:s29] =	ssyncadd.s32 $0xFFFFFFFF  }
0xbc: {  	_ =	strace $0x90000048  }
0xbd: {  	_ =	sfence  }
0xbe: {  	s30 =	sld [smem:$0x0];
	_ =	sdelay $0x2  }
0xbf: {  	s31 =	sshll.u32 s1, $0xD;
	s1 =	sshrl.u32 s1, $0x2  }
0xc0: {  	s3 =	sand.u32 $0x4000, s31;
	s1 =	sadd.s32 s1, s30  }
0xc1: {  	s0 =	sor.u32 s3, s0;
	s1 =	sshll.u32 s1, $0x11  }
0xc2: {  	s0 =	sor.u32 s1, s0  }
0xc3: {  	s0 =	sadd.s32 $0x8F2B, s0  }
0xc4: {  	[sflag:s0] =	ssyncadd.remote.s32 $0x1  }
0xc5: {  	_ =	sfence.sel $0xFFFF  }
0xc6: {  	[dreg:$0x0] =	wrdreg $0xFFFFFFFF;
	(pc) =	sbr.abs _section_cstart, $3  }
0xc7: {  	[dreg:$0x1] =	wrdreg $0xFFFFFFFF  }
0xc8: {  	_ =	task.clear_ibuf [dreg:s8], $0x2FFFF;
	_ =	strace $0x9FFFFFFF  }
0xc9: {  	(tm) =	ssettm $0x7FFFFFFF  }
tec
execute0_lowered:
.L_overlay_start_1:
0x0: {  	(tag) =	ssettag $0x1  }
0x1: {  	s0 =	srdreg.scid  }
0x2: {  	s3 =	stileid.u32;
	s0 =	sand.u32 $0x1, s0  }
0x3: {  	s1 =	rddreg [dreg:$0x0];
	s5 =	sshll.u32 s3, $0xA;
	s6 =	sshll.u32 s0, $0x9  }
0x4: {  	s2 =	rddreg [dreg:$0x1];
	s5 =	sor.u32 s6, s5  }
0x5: {  	s4 =	rddreg [dreg:$0x2];
	s3 =	simm.s32 $0x0;
	s2 =	sadd.s32 s5, s2  }
0x6: {  	[smem:$0x7FF] =	sst s3;
	s5 =	sshll.u32 s5, $0x8;
	s2 =	sadd.s32 $0x4A00, s2  }
0x7: {  	_ =	strace $0x80000047;
	s5 =	sadd.s32 s4, s5;
	[dreg:$0x4] =	wrdreg s2  }
0x8: {  	s23 =	sadd.s32 $0x8000, s5;
	[smem:$0x7FC] =	sst s5  }
0x9: {  	s24 =	sadd.s32 $0x10000, s5;
	[dreg:$0x5] =	wrdreg s23  }
0xa: {  	s25 =	sadd.s32 $0x18000, s5;
	[dreg:$0x6] =	wrdreg s24  }
0xb: {  	s26 =	sadd.s32 $0x100, s5;
	[dreg:$0x7] =	wrdreg s25  }
0xc: {  	s29 =	sadd.s32 $0x8100, s5;
	[dreg:$0x8] =	wrdreg s26  }
0xd: {  	s30 =	sadd.s32 $0x10100, s5;
	[dreg:$0x9] =	wrdreg s29  }
0xe: {  	s31 =	sadd.s32 $0x18100, s5;
	[dreg:$0xa] =	wrdreg s30  }
0xf: {  	s4 =	sadd.s32 $0x200, s5;
	[dreg:$0xb] =	wrdreg s31  }
0x10: {  	s6 =	sadd.s32 $0x8200, s5;
	[dreg:$0xc] =	wrdreg s4  }
0x11: {  	s7 =	sadd.s32 $0x10200, s5;
	[dreg:$0xd] =	wrdreg s6  }
0x12: {  	s8 =	sadd.s32 $0x18200, s5;
	[dreg:$0xe] =	wrdreg s7  }
0x13: {  	s9 =	sadd.s32 $0x300, s5;
	[dreg:$0xf] =	wrdreg s8  }
0x14: {  	s10 =	sadd.s32 $0x8300, s5;
	[dreg:$0x10] =	wrdreg s9  }
0x15: {  	s11 =	sadd.s32 $0x10300, s5;
	[dreg:$0x11] =	wrdreg s10  }
0x16: {  	s12 =	sadd.s32 $0x18300, s5;
	[dreg:$0x12] =	wrdreg s11  }
0x17: {  	s13 =	sadd.s32 $0x400, s5;
	[dreg:$0x13] =	wrdreg s12  }
0x18: {  	s14 =	sadd.s32 $0x8400, s5;
	[dreg:$0x14] =	wrdreg s13  }
0x19: {  	s15 =	sadd.s32 $0x10400, s5;
	[dreg:$0x15] =	wrdreg s14  }
0x1a: {  	s16 =	sadd.s32 $0x18400, s5;
	[dreg:$0x16] =	wrdreg s15  }
0x1b: {  	s17 =	sadd.s32 $0x500, s5;
	[dreg:$0x17] =	wrdreg s16  }
0x1c: {  	s18 =	sadd.s32 $0x8500, s5;
	[dreg:$0x18] =	wrdreg s17  }
0x1d: {  	s19 =	sadd.s32 $0x10500, s5;
	[dreg:$0x19] =	wrdreg s18  }
0x1e: {  	s20 =	sadd.s32 $0x18500, s5;
	[dreg:$0x1a] =	wrdreg s19  }
0x1f: {  	s21 =	sadd.s32 $0x600, s5;
	[dreg:$0x1b] =	wrdreg s20  }
0x20: {  	s28 =	simm.s32 $0x1000;
	s22 =	sadd.s32 $0x8600, s5;
	[dreg:$0x1c] =	wrdreg s21  }
0x21: {  	s0 =	ssub.s32 $0x2, s0;
	[dreg:$0x1d] =	wrdreg s22;
	s23 =	sadd.s32 $0x10600, s5  }
0x22: {  	s24 =	sadd.s32 $0x18600, s5;
	s25 =	sadd.s32 $0x700, s5;
	s26 =	sadd.s32 $0x8700, s5  }
0x23: {  	s29 =	sadd.s32 $0x10700, s5;
	s30 =	sshrl.u32 s0, $0x1;
	[dreg:$0x1e] =	wrdreg s23  }
0x24: {  	s31 =	sadd.s32 $0x18700, s5;
	s13 =	simm.s32 $0x4000;
	[dreg:$0x1f] =	wrdreg s24  }
0x25: {  	s11 =	simm.s32 $0x1;
	s12 =	simm.s32 $0x800;
	[smem:$0x7F9] =	sst s25  }
0x26: {  	v2 =	vlaneseq.u32;
	s14 =	simm.s32 $0x3;
	s15 =	simm.s32 $0x2;
	[smem:$0x7FA] =	sst s26  }
0x27: {  	vm0 =	vmmov $0xffff;
	v1 =	vshrl.u32 v2, $0x3;
	s16 =	simm.s32 $0x4;
	[smem:$0x7FB] =	sst s29;
	s0 =	ssub.s32 s0, s30  }
0x28: {  	v0 =	vand.u32 $0x7, v2;
	v2 =	vor.u32 $0x8, v2;
	v1 =	vmul.u32 $0x8, v1;
	[smem:$0x7FD] =	sst s31;
	s23 =	simm.s32 $0x9000;
	s17 =	smax.u32 s0, $0x1  }
.LBB2_1:
0x29: {  	[smem:$0x7F8] =	sst s17  }
0x2a: {  	s24 =	rddreg [dreg:$0x4];
	s25 =	simm.s32 $0x5  }
0x2b: {  	[tilespmem:s3], [sflag:$0x5] =	stream.linear.gather [hbm4b:s24+s3], $0x1000, $0x38;
	[tilespmem:$0x11000] =	vst v63  }
0x2c: {  	_ =	swait.ge [sflag:s25], $0x1000  }
0x2d: {  	[sflag:s25] =	ssyncset.done $0x0  }
0x2e: {  	[sflag:s25] =	ssyncadd.s32 $0xFFFFF000  }
0x2f: {  	v3 =	vld [tilespmem:$0x0];
	_ =	sdelay $0x4  }
0x30: {  	v4 =	vshll.u32 v3, $0x1  }
0x31: {  	v3 =	vand.u32 $0x7, v3;
	v4 =	vand.u32 $0xFFFFFFF0, v4  }
0x32: {  	v3 =	vor.u32 v3, v4  }
0x33: {  	v4 =	vperm.xlane v3, v0;
	_ =	sdelay $0x1  }
0x34: {  	v3 =	vperm.xlane v3, v2;
	v4 =	vadd.s32 v1, v4;
	_ =	sdelay $0x1  }
0x35: {  	v3 =	vadd.s32 v1, v3;
	_ =	sdelay $0x2  }
0x36: {  	[tilespmem:s28], [sflag:$0x1] =	stream.indirect_vreg.gather [hbm4b:s1+s3], $0x80, v4, vm0, $0xb8;
	[tilespmem:$0x11000] =	vst v63  }
0x37: {  	s0 =	simm.s32 $0x1800  }
0x38: {  	[tilespmem:s0], [sflag:$0x1] =	stream.indirect_vreg.gather [hbm4b:s1+s3], $0x80, v3, vm0, $0xb8;
	[tilespmem:$0x11000] =	vst v63  }
0x39: {  	v3 =	vld [tilespmem:$0x10];
	_ =	sdelay $0x4  }
0x3a: {  	v33 =	vshll.u32 v3, $0x1  }
0x3b: {  	v3 =	vand.u32 $0x7, v3;
	v4 =	vand.u32 $0xFFFFFFF0, v33  }
0x3c: {  	v3 =	vor.u32 v3, v4  }
0x3d: {  	v4 =	vperm.xlane v3, v0;
	_ =	sdelay $0x1  }
0x3e: {  	v3 =	vperm.xlane v3, v2;
	v4 =	vadd.s32 v1, v4;
	_ =	sdelay $0x1  }
0x3f: {  	v3 =	vadd.s32 v1, v3;
	_ =	sdelay $0x1  }
0x40: {  	s26 =	simm.s32 $0x2000  }
0x41: {  	[tilespmem:s26], [sflag:$0x1] =	stream.indirect_vreg.gather [hbm4b:s1+s3], $0x80, v4, vm0, $0xb8;
	[tilespmem:$0x11000] =	vst v63  }
0x42: {  	s29 =	simm.s32 $0x2800  }
0x43: {  	[tilespmem:s29], [sflag:$0x1] =	stream.indirect_vreg.gather [hbm4b:s1+s3], $0x80, v3, vm0, $0xb8;
	[tilespmem:$0x11000] =	vst v63  }
0x44: {  	v3 =	vld [tilespmem:$0x20];
	_ =	sdelay $0x4  }
0x45: {  	v34 =	vshll.u32 v3, $0x1  }
0x46: {  	v3 =	vand.u32 $0x7, v3;
	v4 =	vand.u32 $0xFFFFFFF0, v34  }
0x47: {  	v3 =	vor.u32 v3, v4  }
0x48: {  	v4 =	vperm.xlane v3, v0;
	_ =	sdelay $0x1  }
0x49: {  	v3 =	vperm.xlane v3, v2;
	v4 =	vadd.s32 v1, v4;
	_ =	sdelay $0x1  }
0x4a: {  	v3 =	vadd.s32 v1, v3;
	_ =	sdelay $0x1  }
0x4b: {  	s30 =	simm.s32 $0x3000  }
0x4c: {  	[tilespmem:s30], [sflag:$0x1] =	stream.indirect_vreg.gather [hbm4b:s1+s3], $0x80, v4, vm0, $0xb8;
	[tilespmem:$0x11000] =	vst v63  }
0x4d: {  	s31 =	simm.s32 $0x3800  }
0x4e: {  	[tilespmem:s31], [sflag:$0x1] =	stream.indirect_vreg.gather [hbm4b:s1+s3], $0x80, v3, vm0, $0xb8;
	[tilespmem:$0x11000] =	vst v63  }
0x4f: {  	v3 =	vld [tilespmem:$0x30];
	_ =	sdelay $0x4  }
0x50: {  	v35 =	vshll.u32 v3, $0x1  }
0x51: {  	v3 =	vand.u32 $0x7, v3;
	v4 =	vand.u32 $0xFFFFFFF0, v35  }
0x52: {  	v3 =	vor.u32 v3, v4  }
0x53: {  	v4 =	vperm.xlane v3, v0;
	_ =	sdelay $0x1  }
0x54: {  	v3 =	vperm.xlane v3, v2;
	v4 =	vadd.s32 v1, v4;
	_ =	sdelay $0x1  }
0x55: {  	v3 =	vadd.s32 v1, v3;
	_ =	sdelay $0x2  }
0x56: {  	[tilespmem:s13], [sflag:$0x1] =	stream.indirect_vreg.gather [hbm4b:s1+s3], $0x80, v4, vm0, $0xb8;
	[tilespmem:$0x11000] =	vst v63  }
0x57: {  	s6 =	simm.s32 $0x4800  }
0x58: {  	[tilespmem:s6], [sflag:$0x1] =	stream.indirect_vreg.gather [hbm4b:s1+s3], $0x80, v3, vm0, $0xb8;
	[tilespmem:$0x11000] =	vst v63  }
0x59: {  	v3 =	vld [tilespmem:$0x40];
	_ =	sdelay $0x4  }
0x5a: {  	v36 =	vshll.u32 v3, $0x1  }
0x5b: {  	v3 =	vand.u32 $0x7, v3;
	v4 =	vand.u32 $0xFFFFFFF0, v36  }
0x5c: {  	v3 =	vor.u32 v3, v4  }
0x5d: {  	v4 =	vperm.xlane v3, v0;
	_ =	sdelay $0x1  }
0x5e: {  	v3 =	vperm.xlane v3, v2;
	v4 =	vadd.s32 v1, v4;
	_ =	sdelay $0x1  }
0x5f: {  	v3 =	vadd.s32 v1, v3;
	_ =	sdelay $0x1  }
0x60: {  	s7 =	simm.s32 $0x5000  }
0x61: {  	[tilespmem:s7], [sflag:$0x1] =	stream.indirect_vreg.gather [hbm4b:s1+s3], $0x80, v4, vm0, $0xb8;
	[tilespmem:$0x11000] =	vst v63  }
0x62: {  	s8 =	simm.s32 $0x5800  }
0x63: {  	[tilespmem:s8], [sflag:$0x1] =	stream.indirect_vreg.gather [hbm4b:s1+s3], $0x80, v3, vm0, $0xb8;
	[tilespmem:$0x11000] =	vst v63  }
0x64: {  	v3 =	vld [tilespmem:$0x50];
	_ =	sdelay $0x4  }
0x65: {  	v37 =	vshll.u32 v3, $0x1  }
0x66: {  	v3 =	vand.u32 $0x7, v3;
	v4 =	vand.u32 $0xFFFFFFF0, v37  }
0x67: {  	v3 =	vor.u32 v3, v4  }
0x68: {  	v4 =	vperm.xlane v3, v0;
	_ =	sdelay $0x1  }
0x69: {  	v3 =	vperm.xlane v3, v2;
	v4 =	vadd.s32 v1, v4;
	_ =	sdelay $0x1  }
0x6a: {  	v3 =	vadd.s32 v1, v3;
	_ =	sdelay $0x1  }
0x6b: {  	s9 =	simm.s32 $0x6000  }
0x6c: {  	[tilespmem:s9], [sflag:$0x1] =	stream.indirect_vreg.gather [hbm4b:s1+s3], $0x80, v4, vm0, $0xb8;
	[tilespmem:$0x11000] =	vst v63  }
0x6d: {  	s17 =	simm.s32 $0x6800  }
0x6e: {  	[tilespmem:s17], [sflag:$0x1] =	stream.indirect_vreg.gather [hbm4b:s1+s3], $0x80, v3, vm0, $0xb8;
	[tilespmem:$0x11000] =	vst v63  }
0x6f: {  	v3 =	vld [tilespmem:$0x60];
	_ =	sdelay $0x4  }
0x70: {  	v38 =	vshll.u32 v3, $0x1  }
0x71: {  	v3 =	vand.u32 $0x7, v3;
	v4 =	vand.u32 $0xFFFFFFF0, v38  }
0x72: {  	v3 =	vor.u32 v3, v4  }
0x73: {  	v4 =	vperm.xlane v3, v0;
	_ =	sdelay $0x1  }
0x74: {  	v3 =	vperm.xlane v3, v2;
	v4 =	vadd.s32 v1, v4;
	_ =	sdelay $0x1  }
0x75: {  	v3 =	vadd.s32 v1, v3;
	_ =	sdelay $0x1  }
0x76: {  	s18 =	simm.s32 $0x7000  }
0x77: {  	[tilespmem:s18], [sflag:$0x1] =	stream.indirect_vreg.gather [hbm4b:s1+s3], $0x80, v4, vm0, $0xb8;
	[tilespmem:$0x11000] =	vst v63  }
0x78: {  	s20 =	simm.s32 $0x7800  }
0x79: {  	[tilespmem:s20], [sflag:$0x1] =	stream.indirect_vreg.gather [hbm4b:s1+s3], $0x80, v3, vm0, $0xb8;
	[tilespmem:$0x11000] =	vst v63  }
0x7a: {  	v3 =	vld [tilespmem:$0x70];
	_ =	sdelay $0x4  }
0x7b: {  	v39 =	vshll.u32 v3, $0x1  }
0x7c: {  	v3 =	vand.u32 $0x7, v3;
	v4 =	vand.u32 $0xFFFFFFF0, v39  }
0x7d: {  	v3 =	vor.u32 v3, v4  }
0x7e: {  	v4 =	vperm.xlane v3, v0;
	_ =	sdelay $0x1  }
0x7f: {  	v3 =	vperm.xlane v3, v2;
	v4 =	vadd.s32 v1, v4;
	_ =	sdelay $0x1  }
0x80: {  	v3 =	vadd.s32 v1, v3;
	_ =	sdelay $0x1  }
0x81: {  	s21 =	simm.s32 $0x8000  }
0x82: {  	[tilespmem:s21], [sflag:$0x1] =	stream.indirect_vreg.gather [hbm4b:s1+s3], $0x80, v4, vm0, $0xb8;
	[tilespmem:$0x11000] =	vst v63  }
0x83: {  	s22 =	simm.s32 $0x8800  }
0x84: {  	[tilespmem:s22], [sflag:$0x1] =	stream.indirect_vreg.gather [hbm4b:s1+s3], $0x80, v3, vm0, $0xb8;
	[tilespmem:$0x11000] =	vst v63  }
0x85: {  	v3 =	vld [tilespmem:$0x400];
	_ =	sdelay $0x4  }
0x86: {  	v40 =	vshll.u32 v3, $0x1  }
0x87: {  	v3 =	vand.u32 $0x7, v3;
	v4 =	vand.u32 $0xFFFFFFF0, v40  }
0x88: {  	v3 =	vor.u32 v3, v4  }
0x89: {  	v4 =	vperm.xlane v3, v0;
	_ =	sdelay $0x1  }
0x8a: {  	v3 =	vperm.xlane v3, v2;
	v4 =	vadd.s32 v1, v4;
	_ =	sdelay $0x1  }
0x8b: {  	v3 =	vadd.s32 v1, v3;
	_ =	sdelay $0x2  }
0x8c: {  	[tilespmem:s23], [sflag:$0x2] =	stream.indirect_vreg.gather [hbm4b:s1+s3], $0x80, v4, vm0, $0xb8;
	[tilespmem:$0x11000] =	vst v63  }
0x8d: {  	s24 =	simm.s32 $0x9800  }
0x8e: {  	[tilespmem:s24], [sflag:$0x2] =	stream.indirect_vreg.gather [hbm4b:s1+s3], $0x80, v3, vm0, $0xb8;
	[tilespmem:$0x11000] =	vst v63  }
0x8f: {  	v3 =	vld [tilespmem:$0x410];
	_ =	sdelay $0x4  }
0x90: {  	v41 =	vshll.u32 v3, $0x1  }
0x91: {  	v3 =	vand.u32 $0x7, v3;
	v4 =	vand.u32 $0xFFFFFFF0, v41  }
0x92: {  	v3 =	vor.u32 v3, v4  }
0x93: {  	v4 =	vperm.xlane v3, v0;
	_ =	sdelay $0x1  }
0x94: {  	v3 =	vperm.xlane v3, v2;
	v4 =	vadd.s32 v1, v4;
	_ =	sdelay $0x1  }
0x95: {  	v3 =	vadd.s32 v1, v3;
	_ =	sdelay $0x1  }
0x96: {  	s25 =	simm.s32 $0xA000  }
0x97: {  	[tilespmem:s25], [sflag:$0x2] =	stream.indirect_vreg.gather [hbm4b:s1+s3], $0x80, v4, vm0, $0xb8;
	[tilespmem:$0x11000] =	vst v63  }
0x98: {  	s26 =	simm.s32 $0xA800  }
0x99: {  	[tilespmem:s26], [sflag:$0x2] =	stream.indirect_vreg.gather [hbm4b:s1+s3], $0x80, v3, vm0, $0xb8;
	[tilespmem:$0x11000] =	vst v63  }
0x9a: {  	v3 =	vld [tilespmem:$0x420];
	_ =	sdelay $0x4  }
0x9b: {  	v42 =	vshll.u32 v3, $0x1  }
0x9c: {  	v3 =	vand.u32 $0x7, v3;
	v4 =	vand.u32 $0xFFFFFFF0, v42  }
0x9d: {  	v3 =	vor.u32 v3, v4  }
0x9e: {  	v4 =	vperm.xlane v3, v0;
	_ =	sdelay $0x1  }
0x9f: {  	v3 =	vperm.xlane v3, v2;
	v4 =	vadd.s32 v1, v4;
	_ =	sdelay $0x1  }
0xa0: {  	v3 =	vadd.s32 v1, v3;
	_ =	sdelay $0x1  }
0xa1: {  	s29 =	simm.s32 $0xB000  }
0xa2: {  	[tilespmem:s29], [sflag:$0x2] =	stream.indirect_vreg.gather [hbm4b:s1+s3], $0x80, v4, vm0, $0xb8;
	[tilespmem:$0x11000] =	vst v63  }
0xa3: {  	s30 =	simm.s32 $0xB800  }
0xa4: {  	[tilespmem:s30], [sflag:$0x2] =	stream.indirect_vreg.gather [hbm4b:s1+s3], $0x80, v3, vm0, $0xb8;
	[tilespmem:$0x11000] =	vst v63  }
0xa5: {  	v3 =	vld [tilespmem:$0x430];
	_ =	sdelay $0x4  }
0xa6: {  	v43 =	vshll.u32 v3, $0x1  }
0xa7: {  	v3 =	vand.u32 $0x7, v3;
	v4 =	vand.u32 $0xFFFFFFF0, v43  }
0xa8: {  	v3 =	vor.u32 v3, v4  }
0xa9: {  	v4 =	vperm.xlane v3, v0;
	_ =	sdelay $0x1  }
0xaa: {  	v3 =	vperm.xlane v3, v2;
	v4 =	vadd.s32 v1, v4;
	_ =	sdelay $0x1  }
0xab: {  	v3 =	vadd.s32 v1, v3;
	_ =	sdelay $0x1  }
0xac: {  	s31 =	simm.s32 $0xC000  }
0xad: {  	[tilespmem:s31], [sflag:$0x2] =	stream.indirect_vreg.gather [hbm4b:s1+s3], $0x80, v4, vm0, $0xb8;
	[tilespmem:$0x11000] =	vst v63  }
0xae: {  	s6 =	simm.s32 $0xC800  }
0xaf: {  	[tilespmem:s6], [sflag:$0x2] =	stream.indirect_vreg.gather [hbm4b:s1+s3], $0x80, v3, vm0, $0xb8;
	[tilespmem:$0x11000] =	vst v63  }
0xb0: {  	v3 =	vld [tilespmem:$0x440];
	_ =	sdelay $0x4  }
0xb1: {  	v44 =	vshll.u32 v3, $0x1  }
0xb2: {  	v3 =	vand.u32 $0x7, v3;
	v4 =	vand.u32 $0xFFFFFFF0, v44  }
0xb3: {  	v3 =	vor.u32 v3, v4  }
0xb4: {  	v4 =	vperm.xlane v3, v0;
	_ =	sdelay $0x1  }
0xb5: {  	v3 =	vperm.xlane v3, v2;
	v4 =	vadd.s32 v1, v4;
	_ =	sdelay $0x1  }
0xb6: {  	v3 =	vadd.s32 v1, v3;
	_ =	sdelay $0x1  }
0xb7: {  	s7 =	simm.s32 $0xD000  }
0xb8: {  	[tilespmem:s7], [sflag:$0x2] =	stream.indirect_vreg.gather [hbm4b:s1+s3], $0x80, v4, vm0, $0xb8;
	[tilespmem:$0x11000] =	vst v63  }
0xb9: {  	s20 =	simm.s32 $0xD800  }
0xba: {  	[tilespmem:s20], [sflag:$0x2] =	stream.indirect_vreg.gather [hbm4b:s1+s3], $0x80, v3, vm0, $0xb8;
	[tilespmem:$0x11000] =	vst v63  }
0xbb: {  	v3 =	vld [tilespmem:$0x450];
	_ =	sdelay $0x4  }
0xbc: {  	v45 =	vshll.u32 v3, $0x1  }
0xbd: {  	v3 =	vand.u32 $0x7, v3;
	v4 =	vand.u32 $0xFFFFFFF0, v45  }
0xbe: {  	v3 =	vor.u32 v3, v4  }
0xbf: {  	v4 =	vperm.xlane v3, v0;
	_ =	sdelay $0x1  }
0xc0: {  	v3 =	vperm.xlane v3, v2;
	v4 =	vadd.s32 v1, v4;
	_ =	sdelay $0x1  }
0xc1: {  	v3 =	vadd.s32 v1, v3;
	_ =	sdelay $0x1  }
0xc2: {  	s21 =	simm.s32 $0xE000  }
0xc3: {  	[tilespmem:s21], [sflag:$0x2] =	stream.indirect_vreg.gather [hbm4b:s1+s3], $0x80, v4, vm0, $0xb8;
	[tilespmem:$0x11000] =	vst v63  }
0xc4: {  	s22 =	simm.s32 $0xE800  }
0xc5: {  	[tilespmem:s22], [sflag:$0x2] =	stream.indirect_vreg.gather [hbm4b:s1+s3], $0x80, v3, vm0, $0xb8;
	[tilespmem:$0x11000] =	vst v63  }
0xc6: {  	v3 =	vld [tilespmem:$0x460];
	_ =	sdelay $0x4  }
0xc7: {  	v46 =	vshll.u32 v3, $0x1  }
0xc8: {  	v3 =	vand.u32 $0x7, v3;
	v4 =	vand.u32 $0xFFFFFFF0, v46  }
0xc9: {  	v3 =	vor.u32 v3, v4  }
0xca: {  	v4 =	vperm.xlane v3, v0;
	_ =	sdelay $0x1  }
0xcb: {  	v3 =	vperm.xlane v3, v2;
	v4 =	vadd.s32 v1, v4;
	_ =	sdelay $0x1  }
0xcc: {  	v3 =	vadd.s32 v1, v3;
	_ =	sdelay $0x1  }
0xcd: {  	s29 =	simm.s32 $0xF000  }
0xce: {  	[tilespmem:s29], [sflag:$0x2] =	stream.indirect_vreg.gather [hbm4b:s1+s3], $0x80, v4, vm0, $0xb8;
	[tilespmem:$0x11000] =	vst v63  }
0xcf: {  	s30 =	simm.s32 $0xF800  }
0xd0: {  	[tilespmem:s30], [sflag:$0x2] =	stream.indirect_vreg.gather [hbm4b:s1+s3], $0x80, v3, vm0, $0xb8;
	[tilespmem:$0x11000] =	vst v63  }
0xd1: {  	v3 =	vld [tilespmem:$0x470];
	_ =	sdelay $0x4  }
0xd2: {  	v47 =	vshll.u32 v3, $0x1  }
0xd3: {  	v3 =	vand.u32 $0x7, v3;
	v4 =	vand.u32 $0xFFFFFFF0, v47  }
0xd4: {  	v3 =	vor.u32 v3, v4  }
0xd5: {  	v4 =	vperm.xlane v3, v0;
	_ =	sdelay $0x1  }
0xd6: {  	v3 =	vperm.xlane v3, v2;
	v4 =	vadd.s32 v1, v4;
	_ =	sdelay $0x1  }
0xd7: {  	v3 =	vadd.s32 v1, v3;
	_ =	sdelay $0x1  }
0xd8: {  	s0 =	simm.s32 $0x10000  }
0xd9: {  	[tilespmem:s0], [sflag:$0x2] =	stream.indirect_vreg.gather [hbm4b:s1+s3], $0x80, v4, vm0, $0xb8;
	[tilespmem:$0x11000] =	vst v63  }
0xda: {  	s6 =	simm.s32 $0x10800  }
0xdb: {  	[tilespmem:s6], [sflag:$0x2] =	stream.indirect_vreg.gather [hbm4b:s1+s3], $0x80, v3, vm0, $0xb8;
	[tilespmem:$0x11000] =	vst v63  }
0xdc: {  	_ =	swait.ge [sflag:s11], $0x8000  }
0xdd: {  	s7 =	sld [smem:$0x7FC]  }
0xde: {  	[sflag:s11] =	ssyncset.done $0x0  }
0xdf: {  	[sflag:s11] =	ssyncadd.s32 $0xFFFF8000  }
0xe0: {  	[hbm4b:s7+s12] =	stream.strided.scatter [tilespmem:s28], [sflag:$0x3], $0x8000, s13, s12, $0x38;
	[tilespmem:$0x11000] =	vst v63  }
0xe1: {  	_ =	swait.ge [sflag:s14], $0x8000  }
0xe2: {  	[sflag:s14] =	ssyncset.done $0x0  }
0xe3: {  	[sflag:s14] =	ssyncadd.s32 $0xFFFF8000  }
0xe4: {  	v3 =	vld [tilespmem:$0x800];
	_ =	sdelay $0x4  }
0xe5: {  	v48 =	vshll.u32 v3, $0x1  }
0xe6: {  	v3 =	vand.u32 $0x7, v3;
	v4 =	vand.u32 $0xFFFFFFF0, v48  }
0xe7: {  	v3 =	vor.u32 v3, v4  }
0xe8: {  	v4 =	vperm.xlane v3, v0;
	_ =	sdelay $0x1  }
0xe9: {  	v3 =	vperm.xlane v3, v2;
	v4 =	vadd.s32 v1, v4;
	_ =	sdelay $0x1  }
0xea: {  	v3 =	vadd.s32 v1, v3;
	_ =	sdelay $0x2  }
0xeb: {  	[tilespmem:s28], [sflag:$0x1] =	stream.indirect_vreg.gather [hbm4b:s1+s3], $0x80, v4, vm0, $0xb8;
	[tilespmem:$0x11000] =	vst v63  }
0xec: {  	s2 =	simm.s32 $0x1800  }
0xed: {  	[tilespmem:s2], [sflag:$0x1] =	stream.indirect_vreg.gather [hbm4b:s1+s3], $0x80, v3, vm0, $0xb8;
	[tilespmem:$0x11000] =	vst v63  }
0xee: {  	v3 =	vld [tilespmem:$0x810];
	_ =	sdelay $0x4  }
0xef: {  	v49 =	vshll.u32 v3, $0x1  }
0xf0: {  	v3 =	vand.u32 $0x7, v3;
	v4 =	vand.u32 $0xFFFFFFF0, v49  }
0xf1: {  	v3 =	vor.u32 v3, v4  }
0xf2: {  	v4 =	vperm.xlane v3, v0;
	_ =	sdelay $0x1  }
0xf3: {  	v3 =	vperm.xlane v3, v2;
	v4 =	vadd.s32 v1, v4;
	_ =	sdelay $0x1  }
0xf4: {  	v3 =	vadd.s32 v1, v3;
	_ =	sdelay $0x1  }
0xf5: {  	s10 =	simm.s32 $0x2000  }
0xf6: {  	[tilespmem:s10], [sflag:$0x1] =	stream.indirect_vreg.gather [hbm4b:s1+s3], $0x80, v4, vm0, $0xb8;
	[tilespmem:$0x11000] =	vst v63  }
0xf7: {  	s4 =	simm.s32 $0x2800  }
0xf8: {  	[tilespmem:s4], [sflag:$0x1] =	stream.indirect_vreg.gather [hbm4b:s1+s3], $0x80, v3, vm0, $0xb8;
	[tilespmem:$0x11000] =	vst v63  }
0xf9: {  	v3 =	vld [tilespmem:$0x820];
	_ =	sdelay $0x4  }
0xfa: {  	v50 =	vshll.u32 v3, $0x1  }
0xfb: {  	v3 =	vand.u32 $0x7, v3;
	v4 =	vand.u32 $0xFFFFFFF0, v50  }
0xfc: {  	v3 =	vor.u32 v3, v4  }
0xfd: {  	v4 =	vperm.xlane v3, v0;
	_ =	sdelay $0x1  }
0xfe: {  	v3 =	vperm.xlane v3, v2;
	v4 =	vadd.s32 v1, v4;
	_ =	sdelay $0x1  }
0xff: {  	v3 =	vadd.s32 v1, v3;
	_ =	sdelay $0x1  }
0x100: {  	s5 =	simm.s32 $0x3000  }
0x101: {  	[tilespmem:s5], [sflag:$0x1] =	stream.indirect_vreg.gather [hbm4b:s1+s3], $0x80, v4, vm0, $0xb8;
	[tilespmem:$0x11000] =	vst v63  }
0x102: {  	s10 =	simm.s32 $0x3800  }
0x103: {  	[tilespmem:s10], [sflag:$0x1] =	stream.indirect_vreg.gather [hbm4b:s1+s3], $0x80, v3, vm0, $0xb8;
	[tilespmem:$0x11000] =	vst v63  }
0x104: {  	v3 =	vld [tilespmem:$0x830];
	_ =	sdelay $0x4  }
0x105: {  	v51 =	vshll.u32 v3, $0x1  }
0x106: {  	v3 =	vand.u32 $0x7, v3;
	v4 =	vand.u32 $0xFFFFFFF0, v51  }
0x107: {  	v3 =	vor.u32 v3, v4  }
0x108: {  	v4 =	vperm.xlane v3, v0;
	_ =	sdelay $0x1  }
0x109: {  	v3 =	vperm.xlane v3, v2;
	v4 =	vadd.s32 v1, v4;
	_ =	sdelay $0x1  }
0x10a: {  	v3 =	vadd.s32 v1, v3;
	_ =	sdelay $0x2  }
0x10b: {  	[tilespmem:s13], [sflag:$0x1] =	stream.indirect_vreg.gather [hbm4b:s1+s3], $0x80, v4, vm0, $0xb8;
	[tilespmem:$0x11000] =	vst v63  }
0x10c: {  	s6 =	simm.s32 $0x4800  }
0x10d: {  	[tilespmem:s6], [sflag:$0x1] =	stream.indirect_vreg.gather [hbm4b:s1+s3], $0x80, v3, vm0, $0xb8;
	[tilespmem:$0x11000] =	vst v63  }
0x10e: {  	v3 =	vld [tilespmem:$0x840];
	_ =	sdelay $0x4  }
0x10f: {  	v52 =	vshll.u32 v3, $0x1  }
0x110: {  	v3 =	vand.u32 $0x7, v3;
	v4 =	vand.u32 $0xFFFFFFF0, v52  }
0x111: {  	v3 =	vor.u32 v3, v4  }
0x112: {  	v4 =	vperm.xlane v3, v0;
	_ =	sdelay $0x1  }
0x113: {  	v3 =	vperm.xlane v3, v2;
	v4 =	vadd.s32 v1, v4;
	_ =	sdelay $0x1  }
0x114: {  	v3 =	vadd.s32 v1, v3;
	_ =	sdelay $0x1  }
0x115: {  	s19 =	simm.s32 $0x5000  }
0x116: {  	[tilespmem:s19], [sflag:$0x1] =	stream.indirect_vreg.gather [hbm4b:s1+s3], $0x80, v4, vm0, $0xb8;
	[tilespmem:$0x11000] =	vst v63  }
0x117: {  	s19 =	simm.s32 $0x5800  }
0x118: {  	[tilespmem:s19], [sflag:$0x1] =	stream.indirect_vreg.gather [hbm4b:s1+s3], $0x80, v3, vm0, $0xb8;
	[tilespmem:$0x11000] =	vst v63  }
0x119: {  	v3 =	vld [tilespmem:$0x850];
	_ =	sdelay $0x4  }
0x11a: {  	v53 =	vshll.u32 v3, $0x1  }
0x11b: {  	v3 =	vand.u32 $0x7, v3;
	v4 =	vand.u32 $0xFFFFFFF0, v53  }
0x11c: {  	v3 =	vor.u32 v3, v4  }
0x11d: {  	v4 =	vperm.xlane v3, v0;
	_ =	sdelay $0x1  }
0x11e: {  	v3 =	vperm.xlane v3, v2;
	v4 =	vadd.s32 v1, v4;
	_ =	sdelay $0x1  }
0x11f: {  	v3 =	vadd.s32 v1, v3;
	_ =	sdelay $0x1  }
0x120: {  	s9 =	simm.s32 $0x6000  }
0x121: {  	[tilespmem:s9], [sflag:$0x1] =	stream.indirect_vreg.gather [hbm4b:s1+s3], $0x80, v4, vm0, $0xb8;
	[tilespmem:$0x11000] =	vst v63  }
0x122: {  	s7 =	simm.s32 $0x6800  }
0x123: {  	[tilespmem:s7], [sflag:$0x1] =	stream.indirect_vreg.gather [hbm4b:s1+s3], $0x80, v3, vm0, $0xb8;
	[tilespmem:$0x11000] =	vst v63  }
0x124: {  	v3 =	vld [tilespmem:$0x860];
	_ =	sdelay $0x4  }
0x125: {  	v54 =	vshll.u32 v3, $0x1  }
0x126: {  	v3 =	vand.u32 $0x7, v3;
	v4 =	vand.u32 $0xFFFFFFF0, v54  }
0x127: {  	v3 =	vor.u32 v3, v4  }
0x128: {  	v4 =	vperm.xlane v3, v0;
	_ =	sdelay $0x1  }
0x129: {  	v3 =	vperm.xlane v3, v2;
	v4 =	vadd.s32 v1, v4;
	_ =	sdelay $0x1  }
0x12a: {  	v3 =	vadd.s32 v1, v3;
	_ =	sdelay $0x1  }
0x12b: {  	s18 =	simm.s32 $0x7000  }
0x12c: {  	[tilespmem:s18], [sflag:$0x1] =	stream.indirect_vreg.gather [hbm4b:s1+s3], $0x80, v4, vm0, $0xb8;
	[tilespmem:$0x11000] =	vst v63  }
0x12d: {  	s18 =	simm.s32 $0x7800  }
0x12e: {  	[tilespmem:s18], [sflag:$0x1] =	stream.indirect_vreg.gather [hbm4b:s1+s3], $0x80, v3, vm0, $0xb8;
	[tilespmem:$0x11000] =	vst v63  }
0x12f: {  	v3 =	vld [tilespmem:$0x870];
	_ =	sdelay $0x4  }
0x130: {  	v55 =	vshll.u32 v3, $0x1  }
0x131: {  	v3 =	vand.u32 $0x7, v3;
	v4 =	vand.u32 $0xFFFFFFF0, v55  }
0x132: {  	v3 =	vor.u32 v3, v4  }
0x133: {  	v4 =	vperm.xlane v3, v0;
	_ =	sdelay $0x1  }
0x134: {  	v3 =	vperm.xlane v3, v2;
	v4 =	vadd.s32 v1, v4;
	_ =	sdelay $0x1  }
0x135: {  	v3 =	vadd.s32 v1, v3;
	_ =	sdelay $0x1  }
0x136: {  	s8 =	simm.s32 $0x8000  }
0x137: {  	[tilespmem:s8], [sflag:$0x1] =	stream.indirect_vreg.gather [hbm4b:s1+s3], $0x80, v4, vm0, $0xb8;
	[tilespmem:$0x11000] =	vst v63  }
0x138: {  	s9 =	simm.s32 $0x8800  }
0x139: {  	[tilespmem:s9], [sflag:$0x1] =	stream.indirect_vreg.gather [hbm4b:s1+s3], $0x80, v3, vm0, $0xb8;
	[tilespmem:$0x11000] =	vst v63  }
0x13a: {  	_ =	swait.ge [sflag:s15], $0x8000  }
0x13b: {  	[sflag:s15] =	ssyncset.done $0x0  }
0x13c: {  	s8 =	rddreg [dreg:$0x5];
	[sflag:s15] =	ssyncadd.s32 $0xFFFF8000  }
0x13d: {  	[hbm4b:s8+s12] =	stream.strided.scatter [tilespmem:s23], [sflag:$0x4], $0x8000, s13, s12, $0x38;
	[tilespmem:$0x11000] =	vst v63  }
0x13e: {  	_ =	swait.ge [sflag:s16], $0x8000  }
0x13f: {  	[sflag:s16] =	ssyncset.done $0x0  }
0x140: {  	[sflag:s16] =	ssyncadd.s32 $0xFFFF8000  }
0x141: {  	v3 =	vld [tilespmem:$0xC00];
	_ =	sdelay $0x4  }
0x142: {  	v56 =	vshll.u32 v3, $0x1  }
0x143: {  	v3 =	vand.u32 $0x7, v3;
	v4 =	vand.u32 $0xFFFFFFF0, v56  }
0x144: {  	v3 =	vor.u32 v3, v4  }
0x145: {  	v4 =	vperm.xlane v3, v0;
	_ =	sdelay $0x1  }
0x146: {  	v3 =	vperm.xlane v3, v2;
	v4 =	vadd.s32 v1, v4;
	_ =	sdelay $0x1  }
0x147: {  	v3 =	vadd.s32 v1, v3;
	_ =	sdelay $0x2  }
0x148: {  	[tilespmem:s23], [sflag:$0x2] =	stream.indirect_vreg.gather [hbm4b:s1+s3], $0x80, v4, vm0, $0xb8;
	[tilespmem:$0x11000] =	vst v63  }
0x149: {  	s4 =	simm.s32 $0x9800  }
0x14a: {  	[tilespmem:s4], [sflag:$0x2] =	stream.indirect_vreg.gather [hbm4b:s1+s3], $0x80, v3, vm0, $0xb8;
	[tilespmem:$0x11000] =	vst v63  }
0x14b: {  	v3 =	vld [tilespmem:$0xC10];
	_ =	sdelay $0x4  }
0x14c: {  	v57 =	vshll.u32 v3, $0x1  }
0x14d: {  	v3 =	vand.u32 $0x7, v3;
	v4 =	vand.u32 $0xFFFFFFF0, v57  }
0x14e: {  	v3 =	vor.u32 v3, v4  }
0x14f: {  	v4 =	vperm.xlane v3, v0;
	_ =	sdelay $0x1  }
0x150: {  	v3 =	vperm.xlane v3, v2;
	v4 =	vadd.s32 v1, v4;
	_ =	sdelay $0x1  }
0x151: {  	v3 =	vadd.s32 v1, v3;
	_ =	sdelay $0x1  }
0x152: {  	s0 =	simm.s32 $0xA000  }
0x153: {  	[tilespmem:s0], [sflag:$0x2] =	stream.indirect_vreg.gather [hbm4b:s1+s3], $0x80, v4, vm0, $0xb8;
	[tilespmem:$0x11000] =	vst v63  }
0x154: {  	s26 =	simm.s32 $0xA800  }
0x155: {  	[tilespmem:s26], [sflag:$0x2] =	stream.indirect_vreg.gather [hbm4b:s1+s3], $0x80, v3, vm0, $0xb8;
	[tilespmem:$0x11000] =	vst v63  }
0x156: {  	v3 =	vld [tilespmem:$0xC20];
	_ =	sdelay $0x4  }
0x157: {  	v58 =	vshll.u32 v3, $0x1  }
0x158: {  	v3 =	vand.u32 $0x7, v3;
	v4 =	vand.u32 $0xFFFFFFF0, v58  }
0x159: {  	v3 =	vor.u32 v3, v4  }
0x15a: {  	v4 =	vperm.xlane v3, v0;
	_ =	sdelay $0x1  }
0x15b: {  	v3 =	vperm.xlane v3, v2;
	v4 =	vadd.s32 v1, v4;
	_ =	sdelay $0x1  }
0x15c: {  	v3 =	vadd.s32 v1, v3;
	_ =	sdelay $0x1  }
0x15d: {  	s2 =	simm.s32 $0xB000  }
0x15e: {  	[tilespmem:s2], [sflag:$0x2] =	stream.indirect_vreg.gather [hbm4b:s1+s3], $0x80, v4, vm0, $0xb8;
	[tilespmem:$0x11000] =	vst v63  }
0x15f: {  	s5 =	simm.s32 $0xB800  }
0x160: {  	[tilespmem:s5], [sflag:$0x2] =	stream.indirect_vreg.gather [hbm4b:s1+s3], $0x80, v3, vm0, $0xb8;
	[tilespmem:$0x11000] =	vst v63  }
0x161: {  	v3 =	vld [tilespmem:$0xC30];
	_ =	sdelay $0x4  }
0x162: {  	v59 =	vshll.u32 v3, $0x1  }
0x163: {  	v3 =	vand.u32 $0x7, v3;
	v4 =	vand.u32 $0xFFFFFFF0, v59  }
0x164: {  	v3 =	vor.u32 v3, v4  }
0x165: {  	v4 =	vperm.xlane v3, v0;
	_ =	sdelay $0x1  }
0x166: {  	v3 =	vperm.xlane v3, v2;
	v4 =	vadd.s32 v1, v4;
	_ =	sdelay $0x1  }
0x167: {  	v3 =	vadd.s32 v1, v3;
	_ =	sdelay $0x1  }
0x168: {  	s26 =	simm.s32 $0xC000  }
0x169: {  	[tilespmem:s26], [sflag:$0x2] =	stream.indirect_vreg.gather [hbm4b:s1+s3], $0x80, v4, vm0, $0xb8;
	[tilespmem:$0x11000] =	vst v63  }
0x16a: {  	s24 =	simm.s32 $0xC800  }
0x16b: {  	[tilespmem:s24], [sflag:$0x2] =	stream.indirect_vreg.gather [hbm4b:s1+s3], $0x80, v3, vm0, $0xb8;
	[tilespmem:$0x11000] =	vst v63  }
0x16c: {  	v3 =	vld [tilespmem:$0xC40];
	_ =	sdelay $0x4  }
0x16d: {  	v60 =	vshll.u32 v3, $0x1  }
0x16e: {  	v3 =	vand.u32 $0x7, v3;
	v4 =	vand.u32 $0xFFFFFFF0, v60  }
0x16f: {  	v3 =	vor.u32 v3, v4  }
0x170: {  	v4 =	vperm.xlane v3, v0;
	_ =	sdelay $0x1  }
0x171: {  	v3 =	vperm.xlane v3, v2;
	v4 =	vadd.s32 v1, v4;
	_ =	sdelay $0x1  }
0x172: {  	v3 =	vadd.s32 v1, v3;
	_ =	sdelay $0x1  }
0x173: {  	s31 =	simm.s32 $0xD000  }
0x174: {  	[tilespmem:s31], [sflag:$0x2] =	stream.indirect_vreg.gather [hbm4b:s1+s3], $0x80, v4, vm0, $0xb8;
	[tilespmem:$0x11000] =	vst v63  }
0x175: {  	s25 =	simm.s32 $0xD800  }
0x176: {  	[tilespmem:s25], [sflag:$0x2] =	stream.indirect_vreg.gather [hbm4b:s1+s3], $0x80, v3, vm0, $0xb8;
	[tilespmem:$0x11000] =	vst v63  }
0x177: {  	v3 =	vld [tilespmem:$0xC50];
	_ =	sdelay $0x4  }
0x178: {  	v61 =	vshll.u32 v3, $0x1  }
0x179: {  	v3 =	vand.u32 $0x7, v3;
	v4 =	vand.u32 $0xFFFFFFF0, v61  }
0x17a: {  	v3 =	vor.u32 v3, v4  }
0x17b: {  	v4 =	vperm.xlane v3, v0;
	_ =	sdelay $0x1  }
0x17c: {  	v3 =	vperm.xlane v3, v2;
	v4 =	vadd.s32 v1, v4;
	_ =	sdelay $0x1  }
0x17d: {  	v3 =	vadd.s32 v1, v3;
	_ =	sdelay $0x1  }
0x17e: {  	s17 =	simm.s32 $0xE000  }
0x17f: {  	[tilespmem:s17], [sflag:$0x2] =	stream.indirect_vreg.gather [hbm4b:s1+s3], $0x80, v4, vm0, $0xb8;
	[tilespmem:$0x11000] =	vst v63  }
0x180: {  	s20 =	simm.s32 $0xE800  }
0x181: {  	[tilespmem:s20], [sflag:$0x2] =	stream.indirect_vreg.gather [hbm4b:s1+s3], $0x80, v3, vm0, $0xb8;
	[tilespmem:$0x11000] =	vst v63  }
0x182: {  	v3 =	vld [tilespmem:$0xC60];
	_ =	sdelay $0x4  }
0x183: {  	v62 =	vshll.u32 v3, $0x1  }
0x184: {  	v3 =	vand.u32 $0x7, v3;
	v4 =	vand.u32 $0xFFFFFFF0, v62  }
0x185: {  	v3 =	vor.u32 v3, v4  }
0x186: {  	v4 =	vperm.xlane v3, v0;
	_ =	sdelay $0x1  }
0x187: {  	v3 =	vperm.xlane v3, v2;
	v4 =	vadd.s32 v1, v4;
	_ =	sdelay $0x1  }
0x188: {  	v3 =	vadd.s32 v1, v3;
	_ =	sdelay $0x1  }
0x189: {  	s29 =	simm.s32 $0xF000  }
0x18a: {  	[tilespmem:s29], [sflag:$0x2] =	stream.indirect_vreg.gather [hbm4b:s1+s3], $0x80, v4, vm0, $0xb8;
	[tilespmem:$0x11000] =	vst v63  }
0x18b: {  	s21 =	simm.s32 $0xF800  }
0x18c: {  	[tilespmem:s21], [sflag:$0x2] =	stream.indirect_vreg.gather [hbm4b:s1+s3], $0x80, v3, vm0, $0xb8;
	[tilespmem:$0x11000] =	vst v63  }
0x18d: {  	v3 =	vld [tilespmem:$0xC70];
	_ =	sdelay $0x4  }
0x18e: {  	v63 =	vshll.u32 v3, $0x1  }
0x18f: {  	v3 =	vand.u32 $0x7, v3;
	v4 =	vand.u32 $0xFFFFFFF0, v63  }
0x190: {  	v3 =	vor.u32 v3, v4  }
0x191: {  	v4 =	vperm.xlane v3, v0;
	_ =	sdelay $0x1  }
0x192: {  	v3 =	vperm.xlane v3, v2;
	v4 =	vadd.s32 v1, v4;
	_ =	sdelay $0x1  }
0x193: {  	v3 =	vadd.s32 v1, v3;
	_ =	sdelay $0x1  }
0x194: {  	s30 =	simm.s32 $0x10000  }
0x195: {  	[tilespmem:s30], [sflag:$0x2] =	stream.indirect_vreg.gather [hbm4b:s1+s3], $0x80, v4, vm0, $0xb8;
	[tilespmem:$0x11000] =	vst v63  }
0x196: {  	s22 =	simm.s32 $0x10800  }
0x197: {  	[tilespmem:s22], [sflag:$0x2] =	stream.indirect_vreg.gather [hbm4b:s1+s3], $0x80, v3, vm0, $0xb8;
	[tilespmem:$0x11000] =	vst v63  }
0x198: {  	_ =	swait.ge [sflag:s11], $0x8000  }
0x199: {  	[sflag:s11] =	ssyncset.done $0x0  }
0x19a: {  	s30 =	rddreg [dreg:$0x6];
	[sflag:s11] =	ssyncadd.s32 $0xFFFF8000  }
0x19b: {  	[hbm4b:s30+s12] =	stream.strided.scatter [tilespmem:s28], [sflag:$0x3], $0x8000, s13, s12, $0x38;
	[tilespmem:$0x11000] =	vst v63  }
0x19c: {  	_ =	swait.ge [sflag:s14], $0x8000  }
0x19d: {  	[sflag:s14] =	ssyncset.done $0x0  }
0x19e: {  	[sflag:s14] =	ssyncadd.s32 $0xFFFF8000  }
0x19f: {  	v3 =	vld [tilespmem:$0x80];
	_ =	sdelay $0x4  }
0x1a0: {  	v8 =	vshll.u32 v3, $0x1  }
0x1a1: {  	v3 =	vand.u32 $0x7, v3;
	v4 =	vand.u32 $0xFFFFFFF0, v8  }
0x1a2: {  	v3 =	vor.u32 v3, v4  }
0x1a3: {  	v4 =	vperm.xlane v3, v0;
	_ =	sdelay $0x1  }
0x1a4: {  	v3 =	vperm.xlane v3, v2;
	v4 =	vadd.s32 v1, v4;
	_ =	sdelay $0x1  }
0x1a5: {  	v3 =	vadd.s32 v1, v3;
	_ =	sdelay $0x2  }
0x1a6: {  	[tilespmem:s28], [sflag:$0x1] =	stream.indirect_vreg.gather [hbm4b:s1+s3], $0x80, v4, vm0, $0xb8;
	[tilespmem:$0x11000] =	vst v63  }
0x1a7: {  	s30 =	simm.s32 $0x1800  }
0x1a8: {  	[tilespmem:s30], [sflag:$0x1] =	stream.indirect_vreg.gather [hbm4b:s1+s3], $0x80, v3, vm0, $0xb8;
	[tilespmem:$0x11000] =	vst v63  }
0x1a9: {  	v3 =	vld [tilespmem:$0x90];
	_ =	sdelay $0x4  }
0x1aa: {  	v9 =	vshll.u32 v3, $0x1  }
0x1ab: {  	v3 =	vand.u32 $0x7, v3;
	v4 =	vand.u32 $0xFFFFFFF0, v9  }
0x1ac: {  	v3 =	vor.u32 v3, v4  }
0x1ad: {  	v4 =	vperm.xlane v3, v0;
	_ =	sdelay $0x1  }
0x1ae: {  	v3 =	vperm.xlane v3, v2;
	v4 =	vadd.s32 v1, v4;
	_ =	sdelay $0x1  }
0x1af: {  	v3 =	vadd.s32 v1, v3;
	_ =	sdelay $0x1  }
0x1b0: {  	s30 =	simm.s32 $0x2000  }
0x1b1: {  	[tilespmem:s30], [sflag:$0x1] =	stream.indirect_vreg.gather [hbm4b:s1+s3], $0x80, v4, vm0, $0xb8;
	[tilespmem:$0x11000] =	vst v63  }
0x1b2: {  	s30 =	simm.s32 $0x2800  }
0x1b3: {  	[tilespmem:s30], [sflag:$0x1] =	stream.indirect_vreg.gather [hbm4b:s1+s3], $0x80, v3, vm0, $0xb8;
	[tilespmem:$0x11000] =	vst v63  }
0x1b4: {  	v3 =	vld [tilespmem:$0xA0];
	_ =	sdelay $0x4  }
0x1b5: {  	v10 =	vshll.u32 v3, $0x1  }
0x1b6: {  	v3 =	vand.u32 $0x7, v3;
	v4 =	vand.u32 $0xFFFFFFF0, v10  }
0x1b7: {  	v3 =	vor.u32 v3, v4  }
0x1b8: {  	v4 =	vperm.xlane v3, v0;
	_ =	sdelay $0x1  }
0x1b9: {  	v3 =	vperm.xlane v3, v2;
	v4 =	vadd.s32 v1, v4;
	_ =	sdelay $0x1  }
0x1ba: {  	v3 =	vadd.s32 v1, v3;
	_ =	sdelay $0x1  }
0x1bb: {  	s30 =	simm.s32 $0x3000  }
0x1bc: {  	[tilespmem:s30], [sflag:$0x1] =	stream.indirect_vreg.gather [hbm4b:s1+s3], $0x80, v4, vm0, $0xb8;
	[tilespmem:$0x11000] =	vst v63  }
0x1bd: {  	_ = 	snop  }
0x1be: {  	[tilespmem:s10], [sflag:$0x1] =	stream.indirect_vreg.gather [hbm4b:s1+s3], $0x80, v3, vm0, $0xb8;
	[tilespmem:$0x11000] =	vst v63  }
0x1bf: {  	v3 =	vld [tilespmem:$0xB0];
	_ =	sdelay $0x4  }
0x1c0: {  	v11 =	vshll.u32 v3, $0x1  }
0x1c1: {  	v3 =	vand.u32 $0x7, v3;
	v4 =	vand.u32 $0xFFFFFFF0, v11  }
0x1c2: {  	v3 =	vor.u32 v3, v4  }
0x1c3: {  	v4 =	vperm.xlane v3, v0;
	_ =	sdelay $0x1  }
0x1c4: {  	v3 =	vperm.xlane v3, v2;
	v4 =	vadd.s32 v1, v4;
	_ =	sdelay $0x1  }
0x1c5: {  	v3 =	vadd.s32 v1, v3;
	_ =	sdelay $0x2  }
0x1c6: {  	[tilespmem:s13], [sflag:$0x1] =	stream.indirect_vreg.gather [hbm4b:s1+s3], $0x80, v4, vm0, $0xb8;
	[tilespmem:$0x11000] =	vst v63  }
0x1c7: {  	_ = 	snop  }
0x1c8: {  	[tilespmem:s6], [sflag:$0x1] =	stream.indirect_vreg.gather [hbm4b:s1+s3], $0x80, v3, vm0, $0xb8;
	[tilespmem:$0x11000] =	vst v63  }
0x1c9: {  	v3 =	vld [tilespmem:$0xC0];
	_ =	sdelay $0x4  }
0x1ca: {  	v12 =	vshll.u32 v3, $0x1  }
0x1cb: {  	v3 =	vand.u32 $0x7, v3;
	v4 =	vand.u32 $0xFFFFFFF0, v12  }
0x1cc: {  	v3 =	vor.u32 v3, v4  }
0x1cd: {  	v4 =	vperm.xlane v3, v0;
	_ =	sdelay $0x1  }
0x1ce: {  	v3 =	vperm.xlane v3, v2;
	v4 =	vadd.s32 v1, v4;
	_ =	sdelay $0x1  }
0x1cf: {  	v3 =	vadd.s32 v1, v3;
	_ =	sdelay $0x1  }
0x1d0: {  	s17 =	simm.s32 $0x5000  }
0x1d1: {  	[tilespmem:s17], [sflag:$0x1] =	stream.indirect_vreg.gather [hbm4b:s1+s3], $0x80, v4, vm0, $0xb8;
	[tilespmem:$0x11000] =	vst v63  }
0x1d2: {  	_ = 	snop  }
0x1d3: {  	[tilespmem:s19], [sflag:$0x1] =	stream.indirect_vreg.gather [hbm4b:s1+s3], $0x80, v3, vm0, $0xb8;
	[tilespmem:$0x11000] =	vst v63  }
0x1d4: {  	v3 =	vld [tilespmem:$0xD0];
	_ =	sdelay $0x4  }
0x1d5: {  	v13 =	vshll.u32 v3, $0x1  }
0x1d6: {  	v3 =	vand.u32 $0x7, v3;
	v4 =	vand.u32 $0xFFFFFFF0, v13  }
0x1d7: {  	v3 =	vor.u32 v3, v4  }
0x1d8: {  	v4 =	vperm.xlane v3, v0;
	_ =	sdelay $0x1  }
0x1d9: {  	v3 =	vperm.xlane v3, v2;
	v4 =	vadd.s32 v1, v4;
	_ =	sdelay $0x1  }
0x1da: {  	v3 =	vadd.s32 v1, v3;
	_ =	sdelay $0x1  }
0x1db: {  	s19 =	simm.s32 $0x6000  }
0x1dc: {  	[tilespmem:s19], [sflag:$0x1] =	stream.indirect_vreg.gather [hbm4b:s1+s3], $0x80, v4, vm0, $0xb8;
	[tilespmem:$0x11000] =	vst v63  }
0x1dd: {  	_ = 	snop  }
0x1de: {  	[tilespmem:s7], [sflag:$0x1] =	stream.indirect_vreg.gather [hbm4b:s1+s3], $0x80, v3, vm0, $0xb8;
	[tilespmem:$0x11000] =	vst v63  }
0x1df: {  	v3 =	vld [tilespmem:$0xE0];
	_ =	sdelay $0x4  }
0x1e0: {  	v14 =	vshll.u32 v3, $0x1  }
0x1e1: {  	v3 =	vand.u32 $0x7, v3;
	v4 =	vand.u32 $0xFFFFFFF0, v14  }
0x1e2: {  	v3 =	vor.u32 v3, v4  }
0x1e3: {  	v4 =	vperm.xlane v3, v0;
	_ =	sdelay $0x1  }
0x1e4: {  	v3 =	vperm.xlane v3, v2;
	v4 =	vadd.s32 v1, v4;
	_ =	sdelay $0x1  }
0x1e5: {  	v3 =	vadd.s32 v1, v3;
	_ =	sdelay $0x1  }
0x1e6: {  	s10 =	simm.s32 $0x7000  }
0x1e7: {  	[tilespmem:s10], [sflag:$0x1] =	stream.indirect_vreg.gather [hbm4b:s1+s3], $0x80, v4, vm0, $0xb8;
	[tilespmem:$0x11000] =	vst v63  }
0x1e8: {  	_ = 	snop  }
0x1e9: {  	[tilespmem:s18], [sflag:$0x1] =	stream.indirect_vreg.gather [hbm4b:s1+s3], $0x80, v3, vm0, $0xb8;
	[tilespmem:$0x11000] =	vst v63  }
0x1ea: {  	v3 =	vld [tilespmem:$0xF0];
	_ =	sdelay $0x4  }
0x1eb: {  	v15 =	vshll.u32 v3, $0x1  }
0x1ec: {  	v3 =	vand.u32 $0x7, v3;
	v4 =	vand.u32 $0xFFFFFFF0, v15  }
0x1ed: {  	v3 =	vor.u32 v3, v4  }
0x1ee: {  	v4 =	vperm.xlane v3, v0;
	_ =	sdelay $0x1  }
0x1ef: {  	v3 =	vperm.xlane v3, v2;
	v4 =	vadd.s32 v1, v4;
	_ =	sdelay $0x1  }
0x1f0: {  	v3 =	vadd.s32 v1, v3;
	_ =	sdelay $0x1  }
0x1f1: {  	s17 =	simm.s32 $0x8000  }
0x1f2: {  	[tilespmem:s17], [sflag:$0x1] =	stream.indirect_vreg.gather [hbm4b:s1+s3], $0x80, v4, vm0, $0xb8;
	[tilespmem:$0x11000] =	vst v63  }
0x1f3: {  	_ = 	snop  }
0x1f4: {  	[tilespmem:s9], [sflag:$0x1] =	stream.indirect_vreg.gather [hbm4b:s1+s3], $0x80, v3, vm0, $0xb8;
	[tilespmem:$0x11000] =	vst v63  }
0x1f5: {  	_ =	swait.ge [sflag:s15], $0x8000  }
0x1f6: {  	[sflag:s15] =	ssyncset.done $0x0  }
0x1f7: {  	s18 =	rddreg [dreg:$0x7];
	[sflag:s15] =	ssyncadd.s32 $0xFFFF8000  }
0x1f8: {  	[hbm4b:s18+s12] =	stream.strided.scatter [tilespmem:s23], [sflag:$0x4], $0x8000, s13, s12, $0x38;
	[tilespmem:$0x11000] =	vst v63  }
0x1f9: {  	_ =	swait.ge [sflag:s16], $0x8000  }
0x1fa: {  	[sflag:s16] =	ssyncset.done $0x0  }
0x1fb: {  	[sflag:s16] =	ssyncadd.s32 $0xFFFF8000  }
0x1fc: {  	v3 =	vld [tilespmem:$0x480];
	_ =	sdelay $0x4  }
0x1fd: {  	v16 =	vshll.u32 v3, $0x1  }
0x1fe: {  	v3 =	vand.u32 $0x7, v3;
	v4 =	vand.u32 $0xFFFFFFF0, v16  }
0x1ff: {  	v3 =	vor.u32 v3, v4  }
0x200: {  	v4 =	vperm.xlane v3, v0;
	_ =	sdelay $0x1  }
0x201: {  	v3 =	vperm.xlane v3, v2;
	v4 =	vadd.s32 v1, v4;
	_ =	sdelay $0x1  }
0x202: {  	v3 =	vadd.s32 v1, v3;
	_ =	sdelay $0x2  }
0x203: {  	[tilespmem:s23], [sflag:$0x2] =	stream.indirect_vreg.gather [hbm4b:s1+s3], $0x80, v4, vm0, $0xb8;
	[tilespmem:$0x11000] =	vst v63  }
0x204: {  	_ = 	snop  }
0x205: {  	[tilespmem:s4], [sflag:$0x2] =	stream.indirect_vreg.gather [hbm4b:s1+s3], $0x80, v3, vm0, $0xb8;
	[tilespmem:$0x11000] =	vst v63  }
0x206: {  	v3 =	vld [tilespmem:$0x490];
	_ =	sdelay $0x4  }
0x207: {  	v17 =	vshll.u32 v3, $0x1  }
0x208: {  	v3 =	vand.u32 $0x7, v3;
	v4 =	vand.u32 $0xFFFFFFF0, v17  }
0x209: {  	v3 =	vor.u32 v3, v4  }
0x20a: {  	v4 =	vperm.xlane v3, v0;
	_ =	sdelay $0x1  }
0x20b: {  	v3 =	vperm.xlane v3, v2;
	v4 =	vadd.s32 v1, v4;
	_ =	sdelay $0x1  }
0x20c: {  	v3 =	vadd.s32 v1, v3;
	_ =	sdelay $0x2  }
0x20d: {  	[tilespmem:s0], [sflag:$0x2] =	stream.indirect_vreg.gather [hbm4b:s1+s3], $0x80, v4, vm0, $0xb8;
	[tilespmem:$0x11000] =	vst v63  }
0x20e: {  	s19 =	simm.s32 $0xA800  }
0x20f: {  	[tilespmem:s19], [sflag:$0x2] =	stream.indirect_vreg.gather [hbm4b:s1+s3], $0x80, v3, vm0, $0xb8;
	[tilespmem:$0x11000] =	vst v63  }
0x210: {  	v3 =	vld [tilespmem:$0x4A0];
	_ =	sdelay $0x4  }
0x211: {  	v18 =	vshll.u32 v3, $0x1  }
0x212: {  	v3 =	vand.u32 $0x7, v3;
	v4 =	vand.u32 $0xFFFFFFF0, v18  }
0x213: {  	v3 =	vor.u32 v3, v4  }
0x214: {  	v4 =	vperm.xlane v3, v0;
	_ =	sdelay $0x1  }
0x215: {  	v3 =	vperm.xlane v3, v2;
	v4 =	vadd.s32 v1, v4;
	_ =	sdelay $0x1  }
0x216: {  	v3 =	vadd.s32 v1, v3;
	_ =	sdelay $0x2  }
0x217: {  	[tilespmem:s2], [sflag:$0x2] =	stream.indirect_vreg.gather [hbm4b:s1+s3], $0x80, v4, vm0, $0xb8;
	[tilespmem:$0x11000] =	vst v63  }
0x218: {  	_ = 	snop  }
0x219: {  	[tilespmem:s5], [sflag:$0x2] =	stream.indirect_vreg.gather [hbm4b:s1+s3], $0x80, v3, vm0, $0xb8;
	[tilespmem:$0x11000] =	vst v63  }
0x21a: {  	v3 =	vld [tilespmem:$0x4B0];
	_ =	sdelay $0x4  }
0x21b: {  	v19 =	vshll.u32 v3, $0x1  }
0x21c: {  	v3 =	vand.u32 $0x7, v3;
	v4 =	vand.u32 $0xFFFFFFF0, v19  }
0x21d: {  	v3 =	vor.u32 v3, v4  }
0x21e: {  	v4 =	vperm.xlane v3, v0;
	_ =	sdelay $0x1  }
0x21f: {  	v3 =	vperm.xlane v3, v2;
	v4 =	vadd.s32 v1, v4;
	_ =	sdelay $0x1  }
0x220: {  	v3 =	vadd.s32 v1, v3;
	_ =	sdelay $0x1  }
0x221: {  	s26 =	simm.s32 $0xC000  }
0x222: {  	[tilespmem:s26], [sflag:$0x2] =	stream.indirect_vreg.gather [hbm4b:s1+s3], $0x80, v4, vm0, $0xb8;
	[tilespmem:$0x11000] =	vst v63  }
0x223: {  	s24 =	simm.s32 $0xC800  }
0x224: {  	[tilespmem:s24], [sflag:$0x2] =	stream.indirect_vreg.gather [hbm4b:s1+s3], $0x80, v3, vm0, $0xb8;
	[tilespmem:$0x11000] =	vst v63  }
0x225: {  	v3 =	vld [tilespmem:$0x4C0];
	_ =	sdelay $0x4  }
0x226: {  	v20 =	vshll.u32 v3, $0x1  }
0x227: {  	v3 =	vand.u32 $0x7, v3;
	v4 =	vand.u32 $0xFFFFFFF0, v20  }
0x228: {  	v3 =	vor.u32 v3, v4  }
0x229: {  	v4 =	vperm.xlane v3, v0;
	_ =	sdelay $0x1  }
0x22a: {  	v3 =	vperm.xlane v3, v2;
	v4 =	vadd.s32 v1, v4;
	_ =	sdelay $0x1  }
0x22b: {  	v3 =	vadd.s32 v1, v3;
	_ =	sdelay $0x1  }
0x22c: {  	s24 =	simm.s32 $0xD000  }
0x22d: {  	[tilespmem:s24], [sflag:$0x2] =	stream.indirect_vreg.gather [hbm4b:s1+s3], $0x80, v4, vm0, $0xb8;
	[tilespmem:$0x11000] =	vst v63  }
0x22e: {  	s25 =	simm.s32 $0xD800  }
0x22f: {  	[tilespmem:s25], [sflag:$0x2] =	stream.indirect_vreg.gather [hbm4b:s1+s3], $0x80, v3, vm0, $0xb8;
	[tilespmem:$0x11000] =	vst v63  }
0x230: {  	v3 =	vld [tilespmem:$0x4D0];
	_ =	sdelay $0x4  }
0x231: {  	v21 =	vshll.u32 v3, $0x1  }
0x232: {  	v3 =	vand.u32 $0x7, v3;
	v4 =	vand.u32 $0xFFFFFFF0, v21  }
0x233: {  	v3 =	vor.u32 v3, v4  }
0x234: {  	v4 =	vperm.xlane v3, v0;
	_ =	sdelay $0x1  }
0x235: {  	v3 =	vperm.xlane v3, v2;
	v4 =	vadd.s32 v1, v4;
	_ =	sdelay $0x1  }
0x236: {  	v3 =	vadd.s32 v1, v3;
	_ =	sdelay $0x1  }
0x237: {  	s8 =	simm.s32 $0xE000  }
0x238: {  	[tilespmem:s8], [sflag:$0x2] =	stream.indirect_vreg.gather [hbm4b:s1+s3], $0x80, v4, vm0, $0xb8;
	[tilespmem:$0x11000] =	vst v63  }
0x239: {  	s31 =	simm.s32 $0xE800  }
0x23a: {  	[tilespmem:s31], [sflag:$0x2] =	stream.indirect_vreg.gather [hbm4b:s1+s3], $0x80, v3, vm0, $0xb8;
	[tilespmem:$0x11000] =	vst v63  }
0x23b: {  	v3 =	vld [tilespmem:$0x4E0];
	_ =	sdelay $0x4  }
0x23c: {  	v22 =	vshll.u32 v3, $0x1  }
0x23d: {  	v3 =	vand.u32 $0x7, v3;
	v4 =	vand.u32 $0xFFFFFFF0, v22  }
0x23e: {  	v3 =	vor.u32 v3, v4  }
0x23f: {  	v4 =	vperm.xlane v3, v0;
	_ =	sdelay $0x1  }
0x240: {  	v3 =	vperm.xlane v3, v2;
	v4 =	vadd.s32 v1, v4;
	_ =	sdelay $0x1  }
0x241: {  	v3 =	vadd.s32 v1, v3;
	_ =	sdelay $0x1  }
0x242: {  	s20 =	simm.s32 $0xF000  }
0x243: {  	[tilespmem:s20], [sflag:$0x2] =	stream.indirect_vreg.gather [hbm4b:s1+s3], $0x80, v4, vm0, $0xb8;
	[tilespmem:$0x11000] =	vst v63  }
0x244: {  	s21 =	simm.s32 $0xF800  }
0x245: {  	[tilespmem:s21], [sflag:$0x2] =	stream.indirect_vreg.gather [hbm4b:s1+s3], $0x80, v3, vm0, $0xb8;
	[tilespmem:$0x11000] =	vst v63  }
0x246: {  	v3 =	vld [tilespmem:$0x4F0];
	_ =	sdelay $0x4  }
0x247: {  	v23 =	vshll.u32 v3, $0x1  }
0x248: {  	v3 =	vand.u32 $0x7, v3;
	v4 =	vand.u32 $0xFFFFFFF0, v23  }
0x249: {  	v3 =	vor.u32 v3, v4  }
0x24a: {  	v4 =	vperm.xlane v3, v0;
	_ =	sdelay $0x1  }
0x24b: {  	v3 =	vperm.xlane v3, v2;
	v4 =	vadd.s32 v1, v4;
	_ =	sdelay $0x1  }
0x24c: {  	v3 =	vadd.s32 v1, v3;
	_ =	sdelay $0x1  }
0x24d: {  	s29 =	simm.s32 $0x10000  }
0x24e: {  	[tilespmem:s29], [sflag:$0x2] =	stream.indirect_vreg.gather [hbm4b:s1+s3], $0x80, v4, vm0, $0xb8;
	[tilespmem:$0x11000] =	vst v63  }
0x24f: {  	s22 =	simm.s32 $0x10800  }
0x250: {  	[tilespmem:s22], [sflag:$0x2] =	stream.indirect_vreg.gather [hbm4b:s1+s3], $0x80, v3, vm0, $0xb8;
	[tilespmem:$0x11000] =	vst v63  }
0x251: {  	_ =	swait.ge [sflag:s11], $0x8000  }
0x252: {  	[sflag:s11] =	ssyncset.done $0x0  }
0x253: {  	s31 =	rddreg [dreg:$0x8];
	[sflag:s11] =	ssyncadd.s32 $0xFFFF8000  }
0x254: {  	[hbm4b:s31+s12] =	stream.strided.scatter [tilespmem:s28], [sflag:$0x3], $0x8000, s13, s12, $0x38;
	[tilespmem:$0x11000] =	vst v63  }
0x255: {  	_ =	swait.ge [sflag:s14], $0x8000  }
0x256: {  	[sflag:s14] =	ssyncset.done $0x0  }
0x257: {  	[sflag:s14] =	ssyncadd.s32 $0xFFFF8000  }
0x258: {  	v3 =	vld [tilespmem:$0x880];
	_ =	sdelay $0x4  }
0x259: {  	v24 =	vshll.u32 v3, $0x1  }
0x25a: {  	v3 =	vand.u32 $0x7, v3;
	v4 =	vand.u32 $0xFFFFFFF0, v24  }
0x25b: {  	v3 =	vor.u32 v3, v4  }
0x25c: {  	v4 =	vperm.xlane v3, v0;
	_ =	sdelay $0x1  }
0x25d: {  	v3 =	vperm.xlane v3, v2;
	v4 =	vadd.s32 v1, v4;
	_ =	sdelay $0x1  }
0x25e: {  	v3 =	vadd.s32 v1, v3;
	_ =	sdelay $0x2  }
0x25f: {  	[tilespmem:s28], [sflag:$0x1] =	stream.indirect_vreg.gather [hbm4b:s1+s3], $0x80, v4, vm0, $0xb8;
	[tilespmem:$0x11000] =	vst v63  }
0x260: {  	s29 =	simm.s32 $0x1800  }
0x261: {  	[tilespmem:s29], [sflag:$0x1] =	stream.indirect_vreg.gather [hbm4b:s1+s3], $0x80, v3, vm0, $0xb8;
	[tilespmem:$0x11000] =	vst v63  }
0x262: {  	v3 =	vld [tilespmem:$0x890];
	_ =	sdelay $0x4  }
0x263: {  	v25 =	vshll.u32 v3, $0x1  }
0x264: {  	v3 =	vand.u32 $0x7, v3;
	v4 =	vand.u32 $0xFFFFFFF0, v25  }
0x265: {  	v3 =	vor.u32 v3, v4  }
0x266: {  	v4 =	vperm.xlane v3, v0;
	_ =	sdelay $0x1  }
0x267: {  	v3 =	vperm.xlane v3, v2;
	v4 =	vadd.s32 v1, v4;
	_ =	sdelay $0x1  }
0x268: {  	v3 =	vadd.s32 v1, v3;
	_ =	sdelay $0x1  }
0x269: {  	s31 =	simm.s32 $0x2000  }
0x26a: {  	[tilespmem:s31], [sflag:$0x1] =	stream.indirect_vreg.gather [hbm4b:s1+s3], $0x80, v4, vm0, $0xb8;
	[tilespmem:$0x11000] =	vst v63  }
0x26b: {  	s29 =	simm.s32 $0x2800  }
0x26c: {  	[tilespmem:s29], [sflag:$0x1] =	stream.indirect_vreg.gather [hbm4b:s1+s3], $0x80, v3, vm0, $0xb8;
	[tilespmem:$0x11000] =	vst v63  }
0x26d: {  	v3 =	vld [tilespmem:$0x8A0];
	_ =	sdelay $0x4  }
0x26e: {  	v26 =	vshll.u32 v3, $0x1  }
0x26f: {  	v3 =	vand.u32 $0x7, v3;
	v4 =	vand.u32 $0xFFFFFFF0, v26  }
0x270: {  	v3 =	vor.u32 v3, v4  }
0x271: {  	v4 =	vperm.xlane v3, v0;
	_ =	sdelay $0x1  }
0x272: {  	v3 =	vperm.xlane v3, v2;
	v4 =	vadd.s32 v1, v4;
	_ =	sdelay $0x1  }
0x273: {  	v3 =	vadd.s32 v1, v3;
	_ =	sdelay $0x1  }
0x274: {  	s31 =	simm.s32 $0x3000  }
0x275: {  	[tilespmem:s31], [sflag:$0x1] =	stream.indirect_vreg.gather [hbm4b:s1+s3], $0x80, v4, vm0, $0xb8;
	[tilespmem:$0x11000] =	vst v63  }
0x276: {  	s29 =	simm.s32 $0x3800  }
0x277: {  	[tilespmem:s29], [sflag:$0x1] =	stream.indirect_vreg.gather [hbm4b:s1+s3], $0x80, v3, vm0, $0xb8;
	[tilespmem:$0x11000] =	vst v63  }
0x278: {  	v3 =	vld [tilespmem:$0x8B0];
	_ =	sdelay $0x4  }
0x279: {  	v27 =	vshll.u32 v3, $0x1  }
0x27a: {  	v3 =	vand.u32 $0x7, v3;
	v4 =	vand.u32 $0xFFFFFFF0, v27  }
0x27b: {  	v3 =	vor.u32 v3, v4  }
0x27c: {  	v4 =	vperm.xlane v3, v0;
	_ =	sdelay $0x1  }
0x27d: {  	v3 =	vperm.xlane v3, v2;
	v4 =	vadd.s32 v1, v4;
	_ =	sdelay $0x1  }
0x27e: {  	v3 =	vadd.s32 v1, v3;
	_ =	sdelay $0x2  }
0x27f: {  	[tilespmem:s13], [sflag:$0x1] =	stream.indirect_vreg.gather [hbm4b:s1+s3], $0x80, v4, vm0, $0xb8;
	[tilespmem:$0x11000] =	vst v63  }
0x280: {  	s30 =	simm.s32 $0x4800  }
0x281: {  	[tilespmem:s30], [sflag:$0x1] =	stream.indirect_vreg.gather [hbm4b:s1+s3], $0x80, v3, vm0, $0xb8;
	[tilespmem:$0x11000] =	vst v63  }
0x282: {  	v3 =	vld [tilespmem:$0x8C0];
	_ =	sdelay $0x4  }
0x283: {  	v28 =	vshll.u32 v3, $0x1  }
0x284: {  	v3 =	vand.u32 $0x7, v3;
	v4 =	vand.u32 $0xFFFFFFF0, v28  }
0x285: {  	v3 =	vor.u32 v3, v4  }
0x286: {  	v4 =	vperm.xlane v3, v0;
	_ =	sdelay $0x1  }
0x287: {  	v3 =	vperm.xlane v3, v2;
	v4 =	vadd.s32 v1, v4;
	_ =	sdelay $0x1  }
0x288: {  	v3 =	vadd.s32 v1, v3;
	_ =	sdelay $0x1  }
0x289: {  	s30 =	simm.s32 $0x5000  }
0x28a: {  	[tilespmem:s30], [sflag:$0x1] =	stream.indirect_vreg.gather [hbm4b:s1+s3], $0x80, v4, vm0, $0xb8;
	[tilespmem:$0x11000] =	vst v63  }
0x28b: {  	s6 =	simm.s32 $0x5800  }
0x28c: {  	[tilespmem:s6], [sflag:$0x1] =	stream.indirect_vreg.gather [hbm4b:s1+s3], $0x80, v3, vm0, $0xb8;
	[tilespmem:$0x11000] =	vst v63  }
0x28d: {  	v3 =	vld [tilespmem:$0x8D0];
	_ =	sdelay $0x4  }
0x28e: {  	v29 =	vshll.u32 v3, $0x1  }
0x28f: {  	v3 =	vand.u32 $0x7, v3;
	v4 =	vand.u32 $0xFFFFFFF0, v29  }
0x290: {  	v3 =	vor.u32 v3, v4  }
0x291: {  	v4 =	vperm.xlane v3, v0;
	_ =	sdelay $0x1  }
0x292: {  	v3 =	vperm.xlane v3, v2;
	v4 =	vadd.s32 v1, v4;
	_ =	sdelay $0x1  }
0x293: {  	v3 =	vadd.s32 v1, v3;
	_ =	sdelay $0x1  }
0x294: {  	s30 =	simm.s32 $0x6000  }
0x295: {  	[tilespmem:s30], [sflag:$0x1] =	stream.indirect_vreg.gather [hbm4b:s1+s3], $0x80, v4, vm0, $0xb8;
	[tilespmem:$0x11000] =	vst v63  }
0x296: {  	s30 =	simm.s32 $0x6800  }
0x297: {  	[tilespmem:s30], [sflag:$0x1] =	stream.indirect_vreg.gather [hbm4b:s1+s3], $0x80, v3, vm0, $0xb8;
	[tilespmem:$0x11000] =	vst v63  }
0x298: {  	v3 =	vld [tilespmem:$0x8E0];
	_ =	sdelay $0x4  }
0x299: {  	v30 =	vshll.u32 v3, $0x1  }
0x29a: {  	v3 =	vand.u32 $0x7, v3;
	v4 =	vand.u32 $0xFFFFFFF0, v30  }
0x29b: {  	v3 =	vor.u32 v3, v4  }
0x29c: {  	v4 =	vperm.xlane v3, v0;
	_ =	sdelay $0x1  }
0x29d: {  	v3 =	vperm.xlane v3, v2;
	v4 =	vadd.s32 v1, v4;
	_ =	sdelay $0x1  }
0x29e: {  	v3 =	vadd.s32 v1, v3;
	_ =	sdelay $0x1  }
0x29f: {  	s17 =	simm.s32 $0x7000  }
0x2a0: {  	[tilespmem:s17], [sflag:$0x1] =	stream.indirect_vreg.gather [hbm4b:s1+s3], $0x80, v4, vm0, $0xb8;
	[tilespmem:$0x11000] =	vst v63  }
0x2a1: {  	s10 =	simm.s32 $0x7800  }
0x2a2: {  	[tilespmem:s10], [sflag:$0x1] =	stream.indirect_vreg.gather [hbm4b:s1+s3], $0x80, v3, vm0, $0xb8;
	[tilespmem:$0x11000] =	vst v63  }
0x2a3: {  	v3 =	vld [tilespmem:$0x8F0];
	_ =	sdelay $0x4  }
0x2a4: {  	v31 =	vshll.u32 v3, $0x1  }
0x2a5: {  	v3 =	vand.u32 $0x7, v3;
	v4 =	vand.u32 $0xFFFFFFF0, v31  }
0x2a6: {  	v3 =	vor.u32 v3, v4  }
0x2a7: {  	v4 =	vperm.xlane v3, v0;
	_ =	sdelay $0x1  }
0x2a8: {  	v3 =	vperm.xlane v3, v2;
	v4 =	vadd.s32 v1, v4;
	_ =	sdelay $0x1  }
0x2a9: {  	v3 =	vadd.s32 v1, v3;
	_ =	sdelay $0x1  }
0x2aa: {  	s17 =	simm.s32 $0x8000  }
0x2ab: {  	[tilespmem:s17], [sflag:$0x1] =	stream.indirect_vreg.gather [hbm4b:s1+s3], $0x80, v4, vm0, $0xb8;
	[tilespmem:$0x11000] =	vst v63  }
0x2ac: {  	s7 =	simm.s32 $0x8800  }
0x2ad: {  	[tilespmem:s7], [sflag:$0x1] =	stream.indirect_vreg.gather [hbm4b:s1+s3], $0x80, v3, vm0, $0xb8;
	[tilespmem:$0x11000] =	vst v63  }
0x2ae: {  	_ =	swait.ge [sflag:s15], $0x8000  }
0x2af: {  	[sflag:s15] =	ssyncset.done $0x0  }
0x2b0: {  	s17 =	rddreg [dreg:$0x9];
	[sflag:s15] =	ssyncadd.s32 $0xFFFF8000  }
0x2b1: {  	[hbm4b:s17+s12] =	stream.strided.scatter [tilespmem:s23], [sflag:$0x4], $0x8000, s13, s12, $0x38;
	[tilespmem:$0x11000] =	vst v63  }
0x2b2: {  	_ =	swait.ge [sflag:s16], $0x8000  }
0x2b3: {  	[sflag:s16] =	ssyncset.done $0x0  }
0x2b4: {  	[sflag:s16] =	ssyncadd.s32 $0xFFFF8000  }
0x2b5: {  	v3 =	vld [tilespmem:$0xC80];
	_ =	sdelay $0x4  }
0x2b6: {  	v32 =	vshll.u32 v3, $0x1  }
0x2b7: {  	v3 =	vand.u32 $0x7, v3;
	v4 =	vand.u32 $0xFFFFFFF0, v32  }
0x2b8: {  	v3 =	vor.u32 v3, v4  }
0x2b9: {  	v4 =	vperm.xlane v3, v0;
	_ =	sdelay $0x1  }
0x2ba: {  	v3 =	vperm.xlane v3, v2;
	v4 =	vadd.s32 v1, v4;
	_ =	sdelay $0x1  }
0x2bb: {  	v3 =	vadd.s32 v1, v3;
	_ =	sdelay $0x2  }
0x2bc: {  	[tilespmem:s23], [sflag:$0x2] =	stream.indirect_vreg.gather [hbm4b:s1+s3], $0x80, v4, vm0, $0xb8;
	[tilespmem:$0x11000] =	vst v63  }
0x2bd: {  	s18 =	simm.s32 $0x9800  }
0x2be: {  	[tilespmem:s18], [sflag:$0x2] =	stream.indirect_vreg.gather [hbm4b:s1+s3], $0x80, v3, vm0, $0xb8;
	[tilespmem:$0x11000] =	vst v63  }
0x2bf: {  	v3 =	vld [tilespmem:$0xC90];
	_ =	sdelay $0x4  }
0x2c0: {  	v33 =	vshll.u32 v3, $0x1  }
0x2c1: {  	v3 =	vand.u32 $0x7, v3;
	v4 =	vand.u32 $0xFFFFFFF0, v33  }
0x2c2: {  	v3 =	vor.u32 v3, v4  }
0x2c3: {  	v4 =	vperm.xlane v3, v0;
	_ =	sdelay $0x1  }
0x2c4: {  	v3 =	vperm.xlane v3, v2;
	v4 =	vadd.s32 v1, v4;
	_ =	sdelay $0x1  }
0x2c5: {  	v3 =	vadd.s32 v1, v3;
	_ =	sdelay $0x1  }
0x2c6: {  	s4 =	simm.s32 $0xA000  }
0x2c7: {  	[tilespmem:s4], [sflag:$0x2] =	stream.indirect_vreg.gather [hbm4b:s1+s3], $0x80, v4, vm0, $0xb8;
	[tilespmem:$0x11000] =	vst v63  }
0x2c8: {  	s17 =	simm.s32 $0xA800  }
0x2c9: {  	[tilespmem:s17], [sflag:$0x2] =	stream.indirect_vreg.gather [hbm4b:s1+s3], $0x80, v3, vm0, $0xb8;
	[tilespmem:$0x11000] =	vst v63  }
0x2ca: {  	v3 =	vld [tilespmem:$0xCA0];
	_ =	sdelay $0x4  }
0x2cb: {  	v34 =	vshll.u32 v3, $0x1  }
0x2cc: {  	v3 =	vand.u32 $0x7, v3;
	v4 =	vand.u32 $0xFFFFFFF0, v34  }
0x2cd: {  	v3 =	vor.u32 v3, v4  }
0x2ce: {  	v4 =	vperm.xlane v3, v0;
	_ =	sdelay $0x1  }
0x2cf: {  	v3 =	vperm.xlane v3, v2;
	v4 =	vadd.s32 v1, v4;
	_ =	sdelay $0x1  }
0x2d0: {  	v3 =	vadd.s32 v1, v3;
	_ =	sdelay $0x1  }
0x2d1: {  	s0 =	simm.s32 $0xB000  }
0x2d2: {  	[tilespmem:s0], [sflag:$0x2] =	stream.indirect_vreg.gather [hbm4b:s1+s3], $0x80, v4, vm0, $0xb8;
	[tilespmem:$0x11000] =	vst v63  }
0x2d3: {  	s2 =	simm.s32 $0xB800  }
0x2d4: {  	[tilespmem:s2], [sflag:$0x2] =	stream.indirect_vreg.gather [hbm4b:s1+s3], $0x80, v3, vm0, $0xb8;
	[tilespmem:$0x11000] =	vst v63  }
0x2d5: {  	v3 =	vld [tilespmem:$0xCB0];
	_ =	sdelay $0x4  }
0x2d6: {  	v35 =	vshll.u32 v3, $0x1  }
0x2d7: {  	v3 =	vand.u32 $0x7, v3;
	v4 =	vand.u32 $0xFFFFFFF0, v35  }
0x2d8: {  	v3 =	vor.u32 v3, v4  }
0x2d9: {  	v4 =	vperm.xlane v3, v0;
	_ =	sdelay $0x1  }
0x2da: {  	v3 =	vperm.xlane v3, v2;
	v4 =	vadd.s32 v1, v4;
	_ =	sdelay $0x1  }
0x2db: {  	v3 =	vadd.s32 v1, v3;
	_ =	sdelay $0x1  }
0x2dc: {  	s19 =	simm.s32 $0xC000  }
0x2dd: {  	[tilespmem:s19], [sflag:$0x2] =	stream.indirect_vreg.gather [hbm4b:s1+s3], $0x80, v4, vm0, $0xb8;
	[tilespmem:$0x11000] =	vst v63  }
0x2de: {  	s26 =	simm.s32 $0xC800  }
0x2df: {  	[tilespmem:s26], [sflag:$0x2] =	stream.indirect_vreg.gather [hbm4b:s1+s3], $0x80, v3, vm0, $0xb8;
	[tilespmem:$0x11000] =	vst v63  }
0x2e0: {  	v3 =	vld [tilespmem:$0xCC0];
	_ =	sdelay $0x4  }
0x2e1: {  	v36 =	vshll.u32 v3, $0x1  }
0x2e2: {  	v3 =	vand.u32 $0x7, v3;
	v4 =	vand.u32 $0xFFFFFFF0, v36  }
0x2e3: {  	v3 =	vor.u32 v3, v4  }
0x2e4: {  	v4 =	vperm.xlane v3, v0;
	_ =	sdelay $0x1  }
0x2e5: {  	v3 =	vperm.xlane v3, v2;
	v4 =	vadd.s32 v1, v4;
	_ =	sdelay $0x1  }
0x2e6: {  	v3 =	vadd.s32 v1, v3;
	_ =	sdelay $0x1  }
0x2e7: {  	s9 =	simm.s32 $0xD000  }
0x2e8: {  	[tilespmem:s9], [sflag:$0x2] =	stream.indirect_vreg.gather [hbm4b:s1+s3], $0x80, v4, vm0, $0xb8;
	[tilespmem:$0x11000] =	vst v63  }
0x2e9: {  	s24 =	simm.s32 $0xD800  }
0x2ea: {  	[tilespmem:s24], [sflag:$0x2] =	stream.indirect_vreg.gather [hbm4b:s1+s3], $0x80, v3, vm0, $0xb8;
	[tilespmem:$0x11000] =	vst v63  }
0x2eb: {  	v3 =	vld [tilespmem:$0xCD0];
	_ =	sdelay $0x4  }
0x2ec: {  	v37 =	vshll.u32 v3, $0x1  }
0x2ed: {  	v3 =	vand.u32 $0x7, v3;
	v4 =	vand.u32 $0xFFFFFFF0, v37  }
0x2ee: {  	v3 =	vor.u32 v3, v4  }
0x2ef: {  	v4 =	vperm.xlane v3, v0;
	_ =	sdelay $0x1  }
0x2f0: {  	v3 =	vperm.xlane v3, v2;
	v4 =	vadd.s32 v1, v4;
	_ =	sdelay $0x1  }
0x2f1: {  	v3 =	vadd.s32 v1, v3;
	_ =	sdelay $0x1  }
0x2f2: {  	s5 =	simm.s32 $0xE000  }
0x2f3: {  	[tilespmem:s5], [sflag:$0x2] =	stream.indirect_vreg.gather [hbm4b:s1+s3], $0x80, v4, vm0, $0xb8;
	[tilespmem:$0x11000] =	vst v63  }
0x2f4: {  	s25 =	simm.s32 $0xE800  }
0x2f5: {  	[tilespmem:s25], [sflag:$0x2] =	stream.indirect_vreg.gather [hbm4b:s1+s3], $0x80, v3, vm0, $0xb8;
	[tilespmem:$0x11000] =	vst v63  }
0x2f6: {  	v3 =	vld [tilespmem:$0xCE0];
	_ =	sdelay $0x4  }
0x2f7: {  	v38 =	vshll.u32 v3, $0x1  }
0x2f8: {  	v3 =	vand.u32 $0x7, v3;
	v4 =	vand.u32 $0xFFFFFFF0, v38  }
0x2f9: {  	v3 =	vor.u32 v3, v4  }
0x2fa: {  	v4 =	vperm.xlane v3, v0;
	_ =	sdelay $0x1  }
0x2fb: {  	v3 =	vperm.xlane v3, v2;
	v4 =	vadd.s32 v1, v4;
	_ =	sdelay $0x1  }
0x2fc: {  	v3 =	vadd.s32 v1, v3;
	_ =	sdelay $0x1  }
0x2fd: {  	s8 =	simm.s32 $0xF000  }
0x2fe: {  	[tilespmem:s8], [sflag:$0x2] =	stream.indirect_vreg.gather [hbm4b:s1+s3], $0x80, v4, vm0, $0xb8;
	[tilespmem:$0x11000] =	vst v63  }
0x2ff: {  	s20 =	simm.s32 $0xF800  }
0x300: {  	[tilespmem:s20], [sflag:$0x2] =	stream.indirect_vreg.gather [hbm4b:s1+s3], $0x80, v3, vm0, $0xb8;
	[tilespmem:$0x11000] =	vst v63  }
0x301: {  	v3 =	vld [tilespmem:$0xCF0];
	_ =	sdelay $0x4  }
0x302: {  	v39 =	vshll.u32 v3, $0x1  }
0x303: {  	v3 =	vand.u32 $0x7, v3;
	v4 =	vand.u32 $0xFFFFFFF0, v39  }
0x304: {  	v3 =	vor.u32 v3, v4  }
0x305: {  	v4 =	vperm.xlane v3, v0;
	_ =	sdelay $0x1  }
0x306: {  	v3 =	vperm.xlane v3, v2;
	v4 =	vadd.s32 v1, v4;
	_ =	sdelay $0x1  }
0x307: {  	v3 =	vadd.s32 v1, v3;
	_ =	sdelay $0x1  }
0x308: {  	s21 =	simm.s32 $0x10000  }
0x309: {  	[tilespmem:s21], [sflag:$0x2] =	stream.indirect_vreg.gather [hbm4b:s1+s3], $0x80, v4, vm0, $0xb8;
	[tilespmem:$0x11000] =	vst v63  }
0x30a: {  	s22 =	simm.s32 $0x10800  }
0x30b: {  	[tilespmem:s22], [sflag:$0x2] =	stream.indirect_vreg.gather [hbm4b:s1+s3], $0x80, v3, vm0, $0xb8;
	[tilespmem:$0x11000] =	vst v63  }
0x30c: {  	_ =	swait.ge [sflag:s11], $0x8000  }
0x30d: {  	[sflag:s11] =	ssyncset.done $0x0  }
0x30e: {  	s25 =	rddreg [dreg:$0xa];
	[sflag:s11] =	ssyncadd.s32 $0xFFFF8000  }
0x30f: {  	[hbm4b:s25+s12] =	stream.strided.scatter [tilespmem:s28], [sflag:$0x3], $0x8000, s13, s12, $0x38;
	[tilespmem:$0x11000] =	vst v63  }
0x310: {  	_ =	swait.ge [sflag:s14], $0x8000  }
0x311: {  	[sflag:s14] =	ssyncset.done $0x0  }
0x312: {  	[sflag:s14] =	ssyncadd.s32 $0xFFFF8000  }
0x313: {  	v3 =	vld [tilespmem:$0x100];
	_ =	sdelay $0x4  }
0x314: {  	v40 =	vshll.u32 v3, $0x1  }
0x315: {  	v3 =	vand.u32 $0x7, v3;
	v4 =	vand.u32 $0xFFFFFFF0, v40  }
0x316: {  	v3 =	vor.u32 v3, v4  }
0x317: {  	v4 =	vperm.xlane v3, v0;
	_ =	sdelay $0x1  }
0x318: {  	v3 =	vperm.xlane v3, v2;
	v4 =	vadd.s32 v1, v4;
	_ =	sdelay $0x1  }
0x319: {  	v3 =	vadd.s32 v1, v3;
	_ =	sdelay $0x2  }
0x31a: {  	[tilespmem:s28], [sflag:$0x1] =	stream.indirect_vreg.gather [hbm4b:s1+s3], $0x80, v4, vm0, $0xb8;
	[tilespmem:$0x11000] =	vst v63  }
0x31b: {  	s22 =	simm.s32 $0x1800  }
0x31c: {  	[tilespmem:s22], [sflag:$0x1] =	stream.indirect_vreg.gather [hbm4b:s1+s3], $0x80, v3, vm0, $0xb8;
	[tilespmem:$0x11000] =	vst v63  }
0x31d: {  	v3 =	vld [tilespmem:$0x110];
	_ =	sdelay $0x4  }
0x31e: {  	v41 =	vshll.u32 v3, $0x1  }
0x31f: {  	v3 =	vand.u32 $0x7, v3;
	v4 =	vand.u32 $0xFFFFFFF0, v41  }
0x320: {  	v3 =	vor.u32 v3, v4  }
0x321: {  	v4 =	vperm.xlane v3, v0;
	_ =	sdelay $0x1  }
0x322: {  	v3 =	vperm.xlane v3, v2;
	v4 =	vadd.s32 v1, v4;
	_ =	sdelay $0x1  }
0x323: {  	v3 =	vadd.s32 v1, v3;
	_ =	sdelay $0x1  }
0x324: {  	s25 =	simm.s32 $0x2000  }
0x325: {  	[tilespmem:s25], [sflag:$0x1] =	stream.indirect_vreg.gather [hbm4b:s1+s3], $0x80, v4, vm0, $0xb8;
	[tilespmem:$0x11000] =	vst v63  }
0x326: {  	s22 =	simm.s32 $0x2800  }
0x327: {  	[tilespmem:s22], [sflag:$0x1] =	stream.indirect_vreg.gather [hbm4b:s1+s3], $0x80, v3, vm0, $0xb8;
	[tilespmem:$0x11000] =	vst v63  }
0x328: {  	v3 =	vld [tilespmem:$0x120];
	_ =	sdelay $0x4  }
0x329: {  	v42 =	vshll.u32 v3, $0x1  }
0x32a: {  	v3 =	vand.u32 $0x7, v3;
	v4 =	vand.u32 $0xFFFFFFF0, v42  }
0x32b: {  	v3 =	vor.u32 v3, v4  }
0x32c: {  	v4 =	vperm.xlane v3, v0;
	_ =	sdelay $0x1  }
0x32d: {  	v3 =	vperm.xlane v3, v2;
	v4 =	vadd.s32 v1, v4;
	_ =	sdelay $0x1  }
0x32e: {  	v3 =	vadd.s32 v1, v3;
	_ =	sdelay $0x1  }
0x32f: {  	s25 =	simm.s32 $0x3000  }
0x330: {  	[tilespmem:s25], [sflag:$0x1] =	stream.indirect_vreg.gather [hbm4b:s1+s3], $0x80, v4, vm0, $0xb8;
	[tilespmem:$0x11000] =	vst v63  }
0x331: {  	s29 =	simm.s32 $0x3800  }
0x332: {  	[tilespmem:s29], [sflag:$0x1] =	stream.indirect_vreg.gather [hbm4b:s1+s3], $0x80, v3, vm0, $0xb8;
	[tilespmem:$0x11000] =	vst v63  }
0x333: {  	v3 =	vld [tilespmem:$0x130];
	_ =	sdelay $0x4  }
0x334: {  	v43 =	vshll.u32 v3, $0x1  }
0x335: {  	v3 =	vand.u32 $0x7, v3;
	v4 =	vand.u32 $0xFFFFFFF0, v43  }
0x336: {  	v3 =	vor.u32 v3, v4  }
0x337: {  	v4 =	vperm.xlane v3, v0;
	_ =	sdelay $0x1  }
0x338: {  	v3 =	vperm.xlane v3, v2;
	v4 =	vadd.s32 v1, v4;
	_ =	sdelay $0x1  }
0x339: {  	v3 =	vadd.s32 v1, v3;
	_ =	sdelay $0x2  }
0x33a: {  	[tilespmem:s13], [sflag:$0x1] =	stream.indirect_vreg.gather [hbm4b:s1+s3], $0x80, v4, vm0, $0xb8;
	[tilespmem:$0x11000] =	vst v63  }
0x33b: {  	s31 =	simm.s32 $0x4800  }
0x33c: {  	[tilespmem:s31], [sflag:$0x1] =	stream.indirect_vreg.gather [hbm4b:s1+s3], $0x80, v3, vm0, $0xb8;
	[tilespmem:$0x11000] =	vst v63  }
0x33d: {  	v3 =	vld [tilespmem:$0x140];
	_ =	sdelay $0x4  }
0x33e: {  	v44 =	vshll.u32 v3, $0x1  }
0x33f: {  	v3 =	vand.u32 $0x7, v3;
	v4 =	vand.u32 $0xFFFFFFF0, v44  }
0x340: {  	v3 =	vor.u32 v3, v4  }
0x341: {  	v4 =	vperm.xlane v3, v0;
	_ =	sdelay $0x1  }
0x342: {  	v3 =	vperm.xlane v3, v2;
	v4 =	vadd.s32 v1, v4;
	_ =	sdelay $0x1  }
0x343: {  	v3 =	vadd.s32 v1, v3;
	_ =	sdelay $0x1  }
0x344: {  	s31 =	simm.s32 $0x5000  }
0x345: {  	[tilespmem:s31], [sflag:$0x1] =	stream.indirect_vreg.gather [hbm4b:s1+s3], $0x80, v4, vm0, $0xb8;
	[tilespmem:$0x11000] =	vst v63  }
0x346: {  	s6 =	simm.s32 $0x5800  }
0x347: {  	[tilespmem:s6], [sflag:$0x1] =	stream.indirect_vreg.gather [hbm4b:s1+s3], $0x80, v3, vm0, $0xb8;
	[tilespmem:$0x11000] =	vst v63  }
0x348: {  	v3 =	vld [tilespmem:$0x150];
	_ =	sdelay $0x4  }
0x349: {  	v45 =	vshll.u32 v3, $0x1  }
0x34a: {  	v3 =	vand.u32 $0x7, v3;
	v4 =	vand.u32 $0xFFFFFFF0, v45  }
0x34b: {  	v3 =	vor.u32 v3, v4  }
0x34c: {  	v4 =	vperm.xlane v3, v0;
	_ =	sdelay $0x1  }
0x34d: {  	v3 =	vperm.xlane v3, v2;
	v4 =	vadd.s32 v1, v4;
	_ =	sdelay $0x1  }
0x34e: {  	v3 =	vadd.s32 v1, v3;
	_ =	sdelay $0x1  }
0x34f: {  	s29 =	simm.s32 $0x6000  }
0x350: {  	[tilespmem:s29], [sflag:$0x1] =	stream.indirect_vreg.gather [hbm4b:s1+s3], $0x80, v4, vm0, $0xb8;
	[tilespmem:$0x11000] =	vst v63  }
0x351: {  	s30 =	simm.s32 $0x6800  }
0x352: {  	[tilespmem:s30], [sflag:$0x1] =	stream.indirect_vreg.gather [hbm4b:s1+s3], $0x80, v3, vm0, $0xb8;
	[tilespmem:$0x11000] =	vst v63  }
0x353: {  	v3 =	vld [tilespmem:$0x160];
	_ =	sdelay $0x4  }
0x354: {  	v46 =	vshll.u32 v3, $0x1  }
0x355: {  	v3 =	vand.u32 $0x7, v3;
	v4 =	vand.u32 $0xFFFFFFF0, v46  }
0x356: {  	v3 =	vor.u32 v3, v4  }
0x357: {  	v4 =	vperm.xlane v3, v0;
	_ =	sdelay $0x1  }
0x358: {  	v3 =	vperm.xlane v3, v2;
	v4 =	vadd.s32 v1, v4;
	_ =	sdelay $0x1  }
0x359: {  	v3 =	vadd.s32 v1, v3;
	_ =	sdelay $0x1  }
0x35a: {  	s31 =	simm.s32 $0x7000  }
0x35b: {  	[tilespmem:s31], [sflag:$0x1] =	stream.indirect_vreg.gather [hbm4b:s1+s3], $0x80, v4, vm0, $0xb8;
	[tilespmem:$0x11000] =	vst v63  }
0x35c: {  	s10 =	simm.s32 $0x7800  }
0x35d: {  	[tilespmem:s10], [sflag:$0x1] =	stream.indirect_vreg.gather [hbm4b:s1+s3], $0x80, v3, vm0, $0xb8;
	[tilespmem:$0x11000] =	vst v63  }
0x35e: {  	v3 =	vld [tilespmem:$0x170];
	_ =	sdelay $0x4  }
0x35f: {  	v47 =	vshll.u32 v3, $0x1  }
0x360: {  	v3 =	vand.u32 $0x7, v3;
	v4 =	vand.u32 $0xFFFFFFF0, v47  }
0x361: {  	v3 =	vor.u32 v3, v4  }
0x362: {  	v4 =	vperm.xlane v3, v0;
	_ =	sdelay $0x1  }
0x363: {  	v3 =	vperm.xlane v3, v2;
	v4 =	vadd.s32 v1, v4;
	_ =	sdelay $0x1  }
0x364: {  	v3 =	vadd.s32 v1, v3;
	_ =	sdelay $0x1  }
0x365: {  	s29 =	simm.s32 $0x8000  }
0x366: {  	[tilespmem:s29], [sflag:$0x1] =	stream.indirect_vreg.gather [hbm4b:s1+s3], $0x80, v4, vm0, $0xb8;
	[tilespmem:$0x11000] =	vst v63  }
0x367: {  	s7 =	simm.s32 $0x8800  }
0x368: {  	[tilespmem:s7], [sflag:$0x1] =	stream.indirect_vreg.gather [hbm4b:s1+s3], $0x80, v3, vm0, $0xb8;
	[tilespmem:$0x11000] =	vst v63  }
0x369: {  	_ =	swait.ge [sflag:s15], $0x8000  }
0x36a: {  	[sflag:s15] =	ssyncset.done $0x0  }
0x36b: {  	s10 =	rddreg [dreg:$0xb];
	[sflag:s15] =	ssyncadd.s32 $0xFFFF8000  }
0x36c: {  	[hbm4b:s10+s12] =	stream.strided.scatter [tilespmem:s23], [sflag:$0x4], $0x8000, s13, s12, $0x38;
	[tilespmem:$0x11000] =	vst v63  }
0x36d: {  	_ =	swait.ge [sflag:s16], $0x8000  }
0x36e: {  	[sflag:s16] =	ssyncset.done $0x0  }
0x36f: {  	[sflag:s16] =	ssyncadd.s32 $0xFFFF8000  }
0x370: {  	v3 =	vld [tilespmem:$0x500];
	_ =	sdelay $0x4  }
0x371: {  	v48 =	vshll.u32 v3, $0x1  }
0x372: {  	v3 =	vand.u32 $0x7, v3;
	v4 =	vand.u32 $0xFFFFFFF0, v48  }
0x373: {  	v3 =	vor.u32 v3, v4  }
0x374: {  	v4 =	vperm.xlane v3, v0;
	_ =	sdelay $0x1  }
0x375: {  	v3 =	vperm.xlane v3, v2;
	v4 =	vadd.s32 v1, v4;
	_ =	sdelay $0x1  }
0x376: {  	v3 =	vadd.s32 v1, v3;
	_ =	sdelay $0x2  }
0x377: {  	[tilespmem:s23], [sflag:$0x2] =	stream.indirect_vreg.gather [hbm4b:s1+s3], $0x80, v4, vm0, $0xb8;
	[tilespmem:$0x11000] =	vst v63  }
0x378: {  	s17 =	simm.s32 $0x9800  }
0x379: {  	[tilespmem:s17], [sflag:$0x2] =	stream.indirect_vreg.gather [hbm4b:s1+s3], $0x80, v3, vm0, $0xb8;
	[tilespmem:$0x11000] =	vst v63  }
0x37a: {  	v3 =	vld [tilespmem:$0x510];
	_ =	sdelay $0x4  }
0x37b: {  	v49 =	vshll.u32 v3, $0x1  }
0x37c: {  	v3 =	vand.u32 $0x7, v3;
	v4 =	vand.u32 $0xFFFFFFF0, v49  }
0x37d: {  	v3 =	vor.u32 v3, v4  }
0x37e: {  	v4 =	vperm.xlane v3, v0;
	_ =	sdelay $0x1  }
0x37f: {  	v3 =	vperm.xlane v3, v2;
	v4 =	vadd.s32 v1, v4;
	_ =	sdelay $0x1  }
0x380: {  	v3 =	vadd.s32 v1, v3;
	_ =	sdelay $0x1  }
0x381: {  	s18 =	simm.s32 $0xA000  }
0x382: {  	[tilespmem:s18], [sflag:$0x2] =	stream.indirect_vreg.gather [hbm4b:s1+s3], $0x80, v4, vm0, $0xb8;
	[tilespmem:$0x11000] =	vst v63  }
0x383: {  	s29 =	simm.s32 $0xA800  }
0x384: {  	[tilespmem:s29], [sflag:$0x2] =	stream.indirect_vreg.gather [hbm4b:s1+s3], $0x80, v3, vm0, $0xb8;
	[tilespmem:$0x11000] =	vst v63  }
0x385: {  	v3 =	vld [tilespmem:$0x520];
	_ =	sdelay $0x4  }
0x386: {  	v50 =	vshll.u32 v3, $0x1  }
0x387: {  	v3 =	vand.u32 $0x7, v3;
	v4 =	vand.u32 $0xFFFFFFF0, v50  }
0x388: {  	v3 =	vor.u32 v3, v4  }
0x389: {  	v4 =	vperm.xlane v3, v0;
	_ =	sdelay $0x1  }
0x38a: {  	v3 =	vperm.xlane v3, v2;
	v4 =	vadd.s32 v1, v4;
	_ =	sdelay $0x1  }
0x38b: {  	v3 =	vadd.s32 v1, v3;
	_ =	sdelay $0x1  }
0x38c: {  	s0 =	simm.s32 $0xB000  }
0x38d: {  	[tilespmem:s0], [sflag:$0x2] =	stream.indirect_vreg.gather [hbm4b:s1+s3], $0x80, v4, vm0, $0xb8;
	[tilespmem:$0x11000] =	vst v63  }
0x38e: {  	s2 =	simm.s32 $0xB800  }
0x38f: {  	[tilespmem:s2], [sflag:$0x2] =	stream.indirect_vreg.gather [hbm4b:s1+s3], $0x80, v3, vm0, $0xb8;
	[tilespmem:$0x11000] =	vst v63  }
0x390: {  	v3 =	vld [tilespmem:$0x530];
	_ =	sdelay $0x4  }
0x391: {  	v51 =	vshll.u32 v3, $0x1  }
0x392: {  	v3 =	vand.u32 $0x7, v3;
	v4 =	vand.u32 $0xFFFFFFF0, v51  }
0x393: {  	v3 =	vor.u32 v3, v4  }
0x394: {  	v4 =	vperm.xlane v3, v0;
	_ =	sdelay $0x1  }
0x395: {  	v3 =	vperm.xlane v3, v2;
	v4 =	vadd.s32 v1, v4;
	_ =	sdelay $0x1  }
0x396: {  	v3 =	vadd.s32 v1, v3;
	_ =	sdelay $0x1  }
0x397: {  	s17 =	simm.s32 $0xC000  }
0x398: {  	[tilespmem:s17], [sflag:$0x2] =	stream.indirect_vreg.gather [hbm4b:s1+s3], $0x80, v4, vm0, $0xb8;
	[tilespmem:$0x11000] =	vst v63  }
0x399: {  	s19 =	simm.s32 $0xC800  }
0x39a: {  	[tilespmem:s19], [sflag:$0x2] =	stream.indirect_vreg.gather [hbm4b:s1+s3], $0x80, v3, vm0, $0xb8;
	[tilespmem:$0x11000] =	vst v63  }
0x39b: {  	v3 =	vld [tilespmem:$0x540];
	_ =	sdelay $0x4  }
0x39c: {  	v52 =	vshll.u32 v3, $0x1  }
0x39d: {  	v3 =	vand.u32 $0x7, v3;
	v4 =	vand.u32 $0xFFFFFFF0, v52  }
0x39e: {  	v3 =	vor.u32 v3, v4  }
0x39f: {  	v4 =	vperm.xlane v3, v0;
	_ =	sdelay $0x1  }
0x3a0: {  	v3 =	vperm.xlane v3, v2;
	v4 =	vadd.s32 v1, v4;
	_ =	sdelay $0x1  }
0x3a1: {  	v3 =	vadd.s32 v1, v3;
	_ =	sdelay $0x1  }
0x3a2: {  	s26 =	simm.s32 $0xD000  }
0x3a3: {  	[tilespmem:s26], [sflag:$0x2] =	stream.indirect_vreg.gather [hbm4b:s1+s3], $0x80, v4, vm0, $0xb8;
	[tilespmem:$0x11000] =	vst v63  }
0x3a4: {  	s9 =	simm.s32 $0xD800  }
0x3a5: {  	[tilespmem:s9], [sflag:$0x2] =	stream.indirect_vreg.gather [hbm4b:s1+s3], $0x80, v3, vm0, $0xb8;
	[tilespmem:$0x11000] =	vst v63  }
0x3a6: {  	v3 =	vld [tilespmem:$0x550];
	_ =	sdelay $0x4  }
0x3a7: {  	v53 =	vshll.u32 v3, $0x1  }
0x3a8: {  	v3 =	vand.u32 $0x7, v3;
	v4 =	vand.u32 $0xFFFFFFF0, v53  }
0x3a9: {  	v3 =	vor.u32 v3, v4  }
0x3aa: {  	v4 =	vperm.xlane v3, v0;
	_ =	sdelay $0x1  }
0x3ab: {  	v3 =	vperm.xlane v3, v2;
	v4 =	vadd.s32 v1, v4;
	_ =	sdelay $0x1  }
0x3ac: {  	v3 =	vadd.s32 v1, v3;
	_ =	sdelay $0x1  }
0x3ad: {  	s4 =	simm.s32 $0xE000  }
0x3ae: {  	[tilespmem:s4], [sflag:$0x2] =	stream.indirect_vreg.gather [hbm4b:s1+s3], $0x80, v4, vm0, $0xb8;
	[tilespmem:$0x11000] =	vst v63  }
0x3af: {  	s5 =	simm.s32 $0xE800  }
0x3b0: {  	[tilespmem:s5], [sflag:$0x2] =	stream.indirect_vreg.gather [hbm4b:s1+s3], $0x80, v3, vm0, $0xb8;
	[tilespmem:$0x11000] =	vst v63  }
0x3b1: {  	v3 =	vld [tilespmem:$0x560];
	_ =	sdelay $0x4  }
0x3b2: {  	v54 =	vshll.u32 v3, $0x1  }
0x3b3: {  	v3 =	vand.u32 $0x7, v3;
	v4 =	vand.u32 $0xFFFFFFF0, v54  }
0x3b4: {  	v3 =	vor.u32 v3, v4  }
0x3b5: {  	v4 =	vperm.xlane v3, v0;
	_ =	sdelay $0x1  }
0x3b6: {  	v3 =	vperm.xlane v3, v2;
	v4 =	vadd.s32 v1, v4;
	_ =	sdelay $0x1  }
0x3b7: {  	v3 =	vadd.s32 v1, v3;
	_ =	sdelay $0x1  }
0x3b8: {  	s24 =	simm.s32 $0xF000  }
0x3b9: {  	[tilespmem:s24], [sflag:$0x2] =	stream.indirect_vreg.gather [hbm4b:s1+s3], $0x80, v4, vm0, $0xb8;
	[tilespmem:$0x11000] =	vst v63  }
0x3ba: {  	s8 =	simm.s32 $0xF800  }
0x3bb: {  	[tilespmem:s8], [sflag:$0x2] =	stream.indirect_vreg.gather [hbm4b:s1+s3], $0x80, v3, vm0, $0xb8;
	[tilespmem:$0x11000] =	vst v63  }
0x3bc: {  	v3 =	vld [tilespmem:$0x570];
	_ =	sdelay $0x4  }
0x3bd: {  	v55 =	vshll.u32 v3, $0x1  }
0x3be: {  	v3 =	vand.u32 $0x7, v3;
	v4 =	vand.u32 $0xFFFFFFF0, v55  }
0x3bf: {  	v3 =	vor.u32 v3, v4  }
0x3c0: {  	v4 =	vperm.xlane v3, v0;
	_ =	sdelay $0x1  }
0x3c1: {  	v3 =	vperm.xlane v3, v2;
	v4 =	vadd.s32 v1, v4;
	_ =	sdelay $0x1  }
0x3c2: {  	v3 =	vadd.s32 v1, v3;
	_ =	sdelay $0x1  }
0x3c3: {  	s20 =	simm.s32 $0x10000  }
0x3c4: {  	[tilespmem:s20], [sflag:$0x2] =	stream.indirect_vreg.gather [hbm4b:s1+s3], $0x80, v4, vm0, $0xb8;
	[tilespmem:$0x11000] =	vst v63  }
0x3c5: {  	s21 =	simm.s32 $0x10800  }
0x3c6: {  	[tilespmem:s21], [sflag:$0x2] =	stream.indirect_vreg.gather [hbm4b:s1+s3], $0x80, v3, vm0, $0xb8;
	[tilespmem:$0x11000] =	vst v63  }
0x3c7: {  	_ =	swait.ge [sflag:s11], $0x8000  }
0x3c8: {  	[sflag:s11] =	ssyncset.done $0x0  }
0x3c9: {  	s24 =	rddreg [dreg:$0xc];
	[sflag:s11] =	ssyncadd.s32 $0xFFFF8000  }
0x3ca: {  	[hbm4b:s24+s12] =	stream.strided.scatter [tilespmem:s28], [sflag:$0x3], $0x8000, s13, s12, $0x38;
	[tilespmem:$0x11000] =	vst v63  }
0x3cb: {  	_ =	swait.ge [sflag:s14], $0x8000  }
0x3cc: {  	[sflag:s14] =	ssyncset.done $0x0  }
0x3cd: {  	[sflag:s14] =	ssyncadd.s32 $0xFFFF8000  }
0x3ce: {  	v3 =	vld [tilespmem:$0x900];
	_ =	sdelay $0x4  }
0x3cf: {  	v56 =	vshll.u32 v3, $0x1  }
0x3d0: {  	v3 =	vand.u32 $0x7, v3;
	v4 =	vand.u32 $0xFFFFFFF0, v56  }
0x3d1: {  	v3 =	vor.u32 v3, v4  }
0x3d2: {  	v4 =	vperm.xlane v3, v0;
	_ =	sdelay $0x1  }
0x3d3: {  	v3 =	vperm.xlane v3, v2;
	v4 =	vadd.s32 v1, v4;
	_ =	sdelay $0x1  }
0x3d4: {  	v3 =	vadd.s32 v1, v3;
	_ =	sdelay $0x2  }
0x3d5: {  	[tilespmem:s28], [sflag:$0x1] =	stream.indirect_vreg.gather [hbm4b:s1+s3], $0x80, v4, vm0, $0xb8;
	[tilespmem:$0x11000] =	vst v63  }
0x3d6: {  	s24 =	simm.s32 $0x1800  }
0x3d7: {  	[tilespmem:s24], [sflag:$0x1] =	stream.indirect_vreg.gather [hbm4b:s1+s3], $0x80, v3, vm0, $0xb8;
	[tilespmem:$0x11000] =	vst v63  }
0x3d8: {  	v3 =	vld [tilespmem:$0x910];
	_ =	sdelay $0x4  }
0x3d9: {  	v57 =	vshll.u32 v3, $0x1  }
0x3da: {  	v3 =	vand.u32 $0x7, v3;
	v4 =	vand.u32 $0xFFFFFFF0, v57  }
0x3db: {  	v3 =	vor.u32 v3, v4  }
0x3dc: {  	v4 =	vperm.xlane v3, v0;
	_ =	sdelay $0x1  }
0x3dd: {  	v3 =	vperm.xlane v3, v2;
	v4 =	vadd.s32 v1, v4;
	_ =	sdelay $0x1  }
0x3de: {  	v3 =	vadd.s32 v1, v3;
	_ =	sdelay $0x1  }
0x3df: {  	s24 =	simm.s32 $0x2000  }
0x3e0: {  	[tilespmem:s24], [sflag:$0x1] =	stream.indirect_vreg.gather [hbm4b:s1+s3], $0x80, v4, vm0, $0xb8;
	[tilespmem:$0x11000] =	vst v63  }
0x3e1: {  	s24 =	simm.s32 $0x2800  }
0x3e2: {  	[tilespmem:s24], [sflag:$0x1] =	stream.indirect_vreg.gather [hbm4b:s1+s3], $0x80, v3, vm0, $0xb8;
	[tilespmem:$0x11000] =	vst v63  }
0x3e3: {  	v3 =	vld [tilespmem:$0x920];
	_ =	sdelay $0x4  }
0x3e4: {  	v58 =	vshll.u32 v3, $0x1  }
0x3e5: {  	v3 =	vand.u32 $0x7, v3;
	v4 =	vand.u32 $0xFFFFFFF0, v58  }
0x3e6: {  	v3 =	vor.u32 v3, v4  }
0x3e7: {  	v4 =	vperm.xlane v3, v0;
	_ =	sdelay $0x1  }
0x3e8: {  	v3 =	vperm.xlane v3, v2;
	v4 =	vadd.s32 v1, v4;
	_ =	sdelay $0x1  }
0x3e9: {  	v3 =	vadd.s32 v1, v3;
	_ =	sdelay $0x1  }
0x3ea: {  	s24 =	simm.s32 $0x3000  }
0x3eb: {  	[tilespmem:s24], [sflag:$0x1] =	stream.indirect_vreg.gather [hbm4b:s1+s3], $0x80, v4, vm0, $0xb8;
	[tilespmem:$0x11000] =	vst v63  }
0x3ec: {  	s22 =	simm.s32 $0x3800  }
0x3ed: {  	[tilespmem:s22], [sflag:$0x1] =	stream.indirect_vreg.gather [hbm4b:s1+s3], $0x80, v3, vm0, $0xb8;
	[tilespmem:$0x11000] =	vst v63  }
0x3ee: {  	v3 =	vld [tilespmem:$0x930];
	_ =	sdelay $0x4  }
0x3ef: {  	v59 =	vshll.u32 v3, $0x1  }
0x3f0: {  	v3 =	vand.u32 $0x7, v3;
	v4 =	vand.u32 $0xFFFFFFF0, v59  }
0x3f1: {  	v3 =	vor.u32 v3, v4  }
0x3f2: {  	v4 =	vperm.xlane v3, v0;
	_ =	sdelay $0x1  }
0x3f3: {  	v3 =	vperm.xlane v3, v2;
	v4 =	vadd.s32 v1, v4;
	_ =	sdelay $0x1  }
0x3f4: {  	v3 =	vadd.s32 v1, v3;
	_ =	sdelay $0x2  }
0x3f5: {  	[tilespmem:s13], [sflag:$0x1] =	stream.indirect_vreg.gather [hbm4b:s1+s3], $0x80, v4, vm0, $0xb8;
	[tilespmem:$0x11000] =	vst v63  }
0x3f6: {  	s25 =	simm.s32 $0x4800  }
0x3f7: {  	[tilespmem:s25], [sflag:$0x1] =	stream.indirect_vreg.gather [hbm4b:s1+s3], $0x80, v3, vm0, $0xb8;
	[tilespmem:$0x11000] =	vst v63  }
0x3f8: {  	v3 =	vld [tilespmem:$0x940];
	_ =	sdelay $0x4  }
0x3f9: {  	v60 =	vshll.u32 v3, $0x1  }
0x3fa: {  	v3 =	vand.u32 $0x7, v3;
	v4 =	vand.u32 $0xFFFFFFF0, v60  }
0x3fb: {  	v3 =	vor.u32 v3, v4  }
0x3fc: {  	v4 =	vperm.xlane v3, v0;
	_ =	sdelay $0x1  }
0x3fd: {  	v3 =	vperm.xlane v3, v2;
	v4 =	vadd.s32 v1, v4;
	_ =	sdelay $0x1  }
0x3fe: {  	v3 =	vadd.s32 v1, v3;
	_ =	sdelay $0x1  }
0x3ff: {  	s24 =	simm.s32 $0x5000  }
0x400: {  	[tilespmem:s24], [sflag:$0x1] =	stream.indirect_vreg.gather [hbm4b:s1+s3], $0x80, v4, vm0, $0xb8;
	[tilespmem:$0x11000] =	vst v63  }
0x401: {  	s6 =	simm.s32 $0x5800  }
0x402: {  	[tilespmem:s6], [sflag:$0x1] =	stream.indirect_vreg.gather [hbm4b:s1+s3], $0x80, v3, vm0, $0xb8;
	[tilespmem:$0x11000] =	vst v63  }
0x403: {  	v3 =	vld [tilespmem:$0x950];
	_ =	sdelay $0x4  }
0x404: {  	v61 =	vshll.u32 v3, $0x1  }
0x405: {  	v3 =	vand.u32 $0x7, v3;
	v4 =	vand.u32 $0xFFFFFFF0, v61  }
0x406: {  	v3 =	vor.u32 v3, v4  }
0x407: {  	v4 =	vperm.xlane v3, v0;
	_ =	sdelay $0x1  }
0x408: {  	v3 =	vperm.xlane v3, v2;
	v4 =	vadd.s32 v1, v4;
	_ =	sdelay $0x1  }
0x409: {  	v3 =	vadd.s32 v1, v3;
	_ =	sdelay $0x1  }
0x40a: {  	s24 =	simm.s32 $0x6000  }
0x40b: {  	[tilespmem:s24], [sflag:$0x1] =	stream.indirect_vreg.gather [hbm4b:s1+s3], $0x80, v4, vm0, $0xb8;
	[tilespmem:$0x11000] =	vst v63  }
0x40c: {  	s30 =	simm.s32 $0x6800  }
0x40d: {  	[tilespmem:s30], [sflag:$0x1] =	stream.indirect_vreg.gather [hbm4b:s1+s3], $0x80, v3, vm0, $0xb8;
	[tilespmem:$0x11000] =	vst v63  }
0x40e: {  	v3 =	vld [tilespmem:$0x960];
	_ =	sdelay $0x4  }
0x40f: {  	v62 =	vshll.u32 v3, $0x1  }
0x410: {  	v3 =	vand.u32 $0x7, v3;
	v4 =	vand.u32 $0xFFFFFFF0, v62  }
0x411: {  	v3 =	vor.u32 v3, v4  }
0x412: {  	v4 =	vperm.xlane v3, v0;
	_ =	sdelay $0x1  }
0x413: {  	v3 =	vperm.xlane v3, v2;
	v4 =	vadd.s32 v1, v4;
	_ =	sdelay $0x1  }
0x414: {  	v3 =	vadd.s32 v1, v3;
	_ =	sdelay $0x1  }
0x415: {  	s24 =	simm.s32 $0x7000  }
0x416: {  	[tilespmem:s24], [sflag:$0x1] =	stream.indirect_vreg.gather [hbm4b:s1+s3], $0x80, v4, vm0, $0xb8;
	[tilespmem:$0x11000] =	vst v63  }
0x417: {  	s31 =	simm.s32 $0x7800  }
0x418: {  	[tilespmem:s31], [sflag:$0x1] =	stream.indirect_vreg.gather [hbm4b:s1+s3], $0x80, v3, vm0, $0xb8;
	[tilespmem:$0x11000] =	vst v63  }
0x419: {  	v3 =	vld [tilespmem:$0x970];
	_ =	sdelay $0x4  }
0x41a: {  	v63 =	vshll.u32 v3, $0x1  }
0x41b: {  	v3 =	vand.u32 $0x7, v3;
	v4 =	vand.u32 $0xFFFFFFF0, v63  }
0x41c: {  	v3 =	vor.u32 v3, v4  }
0x41d: {  	v4 =	vperm.xlane v3, v0;
	_ =	sdelay $0x1  }
0x41e: {  	v3 =	vperm.xlane v3, v2;
	v4 =	vadd.s32 v1, v4;
	_ =	sdelay $0x1  }
0x41f: {  	v3 =	vadd.s32 v1, v3;
	_ =	sdelay $0x1  }
0x420: {  	s30 =	simm.s32 $0x8000  }
0x421: {  	[tilespmem:s30], [sflag:$0x1] =	stream.indirect_vreg.gather [hbm4b:s1+s3], $0x80, v4, vm0, $0xb8;
	[tilespmem:$0x11000] =	vst v63  }
0x422: {  	s7 =	simm.s32 $0x8800  }
0x423: {  	[tilespmem:s7], [sflag:$0x1] =	stream.indirect_vreg.gather [hbm4b:s1+s3], $0x80, v3, vm0, $0xb8;
	[tilespmem:$0x11000] =	vst v63  }
0x424: {  	_ =	swait.ge [sflag:s15], $0x8000  }
0x425: {  	[sflag:s15] =	ssyncset.done $0x0  }
0x426: {  	s24 =	rddreg [dreg:$0xd];
	[sflag:s15] =	ssyncadd.s32 $0xFFFF8000  }
0x427: {  	[hbm4b:s24+s12] =	stream.strided.scatter [tilespmem:s23], [sflag:$0x4], $0x8000, s13, s12, $0x38;
	[tilespmem:$0x11000] =	vst v63  }
0x428: {  	_ =	swait.ge [sflag:s16], $0x8000  }
0x429: {  	[sflag:s16] =	ssyncset.done $0x0  }
0x42a: {  	[sflag:s16] =	ssyncadd.s32 $0xFFFF8000  }
0x42b: {  	v3 =	vld [tilespmem:$0xD00];
	_ =	sdelay $0x4  }
0x42c: {  	v8 =	vshll.u32 v3, $0x1  }
0x42d: {  	v3 =	vand.u32 $0x7, v3;
	v4 =	vand.u32 $0xFFFFFFF0, v8  }
0x42e: {  	v3 =	vor.u32 v3, v4  }
0x42f: {  	v4 =	vperm.xlane v3, v0;
	_ =	sdelay $0x1  }
0x430: {  	v3 =	vperm.xlane v3, v2;
	v4 =	vadd.s32 v1, v4;
	_ =	sdelay $0x1  }
0x431: {  	v3 =	vadd.s32 v1, v3;
	_ =	sdelay $0x2  }
0x432: {  	[tilespmem:s23], [sflag:$0x2] =	stream.indirect_vreg.gather [hbm4b:s1+s3], $0x80, v4, vm0, $0xb8;
	[tilespmem:$0x11000] =	vst v63  }
0x433: {  	s30 =	simm.s32 $0x9800  }
0x434: {  	[tilespmem:s30], [sflag:$0x2] =	stream.indirect_vreg.gather [hbm4b:s1+s3], $0x80, v3, vm0, $0xb8;
	[tilespmem:$0x11000] =	vst v63  }
0x435: {  	v3 =	vld [tilespmem:$0xD10];
	_ =	sdelay $0x4  }
0x436: {  	v9 =	vshll.u32 v3, $0x1  }
0x437: {  	v3 =	vand.u32 $0x7, v3;
	v4 =	vand.u32 $0xFFFFFFF0, v9  }
0x438: {  	v3 =	vor.u32 v3, v4  }
0x439: {  	v4 =	vperm.xlane v3, v0;
	_ =	sdelay $0x1  }
0x43a: {  	v3 =	vperm.xlane v3, v2;
	v4 =	vadd.s32 v1, v4;
	_ =	sdelay $0x1  }
0x43b: {  	v3 =	vadd.s32 v1, v3;
	_ =	sdelay $0x1  }
0x43c: {  	s18 =	simm.s32 $0xA000  }
0x43d: {  	[tilespmem:s18], [sflag:$0x2] =	stream.indirect_vreg.gather [hbm4b:s1+s3], $0x80, v4, vm0, $0xb8;
	[tilespmem:$0x11000] =	vst v63  }
0x43e: {  	s18 =	simm.s32 $0xA800  }
0x43f: {  	[tilespmem:s18], [sflag:$0x2] =	stream.indirect_vreg.gather [hbm4b:s1+s3], $0x80, v3, vm0, $0xb8;
	[tilespmem:$0x11000] =	vst v63  }
0x440: {  	v3 =	vld [tilespmem:$0xD20];
	_ =	sdelay $0x4  }
0x441: {  	v10 =	vshll.u32 v3, $0x1  }
0x442: {  	v3 =	vand.u32 $0x7, v3;
	v4 =	vand.u32 $0xFFFFFFF0, v10  }
0x443: {  	v3 =	vor.u32 v3, v4  }
0x444: {  	v4 =	vperm.xlane v3, v0;
	_ =	sdelay $0x1  }
0x445: {  	v3 =	vperm.xlane v3, v2;
	v4 =	vadd.s32 v1, v4;
	_ =	sdelay $0x1  }
0x446: {  	v3 =	vadd.s32 v1, v3;
	_ =	sdelay $0x1  }
0x447: {  	s0 =	simm.s32 $0xB000  }
0x448: {  	[tilespmem:s0], [sflag:$0x2] =	stream.indirect_vreg.gather [hbm4b:s1+s3], $0x80, v4, vm0, $0xb8;
	[tilespmem:$0x11000] =	vst v63  }
0x449: {  	s2 =	simm.s32 $0xB800  }
0x44a: {  	[tilespmem:s2], [sflag:$0x2] =	stream.indirect_vreg.gather [hbm4b:s1+s3], $0x80, v3, vm0, $0xb8;
	[tilespmem:$0x11000] =	vst v63  }
0x44b: {  	v3 =	vld [tilespmem:$0xD30];
	_ =	sdelay $0x4  }
0x44c: {  	v11 =	vshll.u32 v3, $0x1  }
0x44d: {  	v3 =	vand.u32 $0x7, v3;
	v4 =	vand.u32 $0xFFFFFFF0, v11  }
0x44e: {  	v3 =	vor.u32 v3, v4  }
0x44f: {  	v4 =	vperm.xlane v3, v0;
	_ =	sdelay $0x1  }
0x450: {  	v3 =	vperm.xlane v3, v2;
	v4 =	vadd.s32 v1, v4;
	_ =	sdelay $0x1  }
0x451: {  	v3 =	vadd.s32 v1, v3;
	_ =	sdelay $0x1  }
0x452: {  	s10 =	simm.s32 $0xC000  }
0x453: {  	[tilespmem:s10], [sflag:$0x2] =	stream.indirect_vreg.gather [hbm4b:s1+s3], $0x80, v4, vm0, $0xb8;
	[tilespmem:$0x11000] =	vst v63  }
0x454: {  	s19 =	simm.s32 $0xC800  }
0x455: {  	[tilespmem:s19], [sflag:$0x2] =	stream.indirect_vreg.gather [hbm4b:s1+s3], $0x80, v3, vm0, $0xb8;
	[tilespmem:$0x11000] =	vst v63  }
0x456: {  	v3 =	vld [tilespmem:$0xD40];
	_ =	sdelay $0x4  }
0x457: {  	v12 =	vshll.u32 v3, $0x1  }
0x458: {  	v3 =	vand.u32 $0x7, v3;
	v4 =	vand.u32 $0xFFFFFFF0, v12  }
0x459: {  	v3 =	vor.u32 v3, v4  }
0x45a: {  	v4 =	vperm.xlane v3, v0;
	_ =	sdelay $0x1  }
0x45b: {  	v3 =	vperm.xlane v3, v2;
	v4 =	vadd.s32 v1, v4;
	_ =	sdelay $0x1  }
0x45c: {  	v3 =	vadd.s32 v1, v3;
	_ =	sdelay $0x1  }
0x45d: {  	s26 =	simm.s32 $0xD000  }
0x45e: {  	[tilespmem:s26], [sflag:$0x2] =	stream.indirect_vreg.gather [hbm4b:s1+s3], $0x80, v4, vm0, $0xb8;
	[tilespmem:$0x11000] =	vst v63  }
0x45f: {  	s9 =	simm.s32 $0xD800  }
0x460: {  	[tilespmem:s9], [sflag:$0x2] =	stream.indirect_vreg.gather [hbm4b:s1+s3], $0x80, v3, vm0, $0xb8;
	[tilespmem:$0x11000] =	vst v63  }
0x461: {  	v3 =	vld [tilespmem:$0xD50];
	_ =	sdelay $0x4  }
0x462: {  	v13 =	vshll.u32 v3, $0x1  }
0x463: {  	v3 =	vand.u32 $0x7, v3;
	v4 =	vand.u32 $0xFFFFFFF0, v13  }
0x464: {  	v3 =	vor.u32 v3, v4  }
0x465: {  	v4 =	vperm.xlane v3, v0;
	_ =	sdelay $0x1  }
0x466: {  	v3 =	vperm.xlane v3, v2;
	v4 =	vadd.s32 v1, v4;
	_ =	sdelay $0x1  }
0x467: {  	v3 =	vadd.s32 v1, v3;
	_ =	sdelay $0x1  }
0x468: {  	s29 =	simm.s32 $0xE000  }
0x469: {  	[tilespmem:s29], [sflag:$0x2] =	stream.indirect_vreg.gather [hbm4b:s1+s3], $0x80, v4, vm0, $0xb8;
	[tilespmem:$0x11000] =	vst v63  }
0x46a: {  	s5 =	simm.s32 $0xE800  }
0x46b: {  	[tilespmem:s5], [sflag:$0x2] =	stream.indirect_vreg.gather [hbm4b:s1+s3], $0x80, v3, vm0, $0xb8;
	[tilespmem:$0x11000] =	vst v63  }
0x46c: {  	v3 =	vld [tilespmem:$0xD60];
	_ =	sdelay $0x4  }
0x46d: {  	v14 =	vshll.u32 v3, $0x1  }
0x46e: {  	v3 =	vand.u32 $0x7, v3;
	v4 =	vand.u32 $0xFFFFFFF0, v14  }
0x46f: {  	v3 =	vor.u32 v3, v4  }
0x470: {  	v4 =	vperm.xlane v3, v0;
	_ =	sdelay $0x1  }
0x471: {  	v3 =	vperm.xlane v3, v2;
	v4 =	vadd.s32 v1, v4;
	_ =	sdelay $0x1  }
0x472: {  	v3 =	vadd.s32 v1, v3;
	_ =	sdelay $0x1  }
0x473: {  	s4 =	simm.s32 $0xF000  }
0x474: {  	[tilespmem:s4], [sflag:$0x2] =	stream.indirect_vreg.gather [hbm4b:s1+s3], $0x80, v4, vm0, $0xb8;
	[tilespmem:$0x11000] =	vst v63  }
0x475: {  	s8 =	simm.s32 $0xF800  }
0x476: {  	[tilespmem:s8], [sflag:$0x2] =	stream.indirect_vreg.gather [hbm4b:s1+s3], $0x80, v3, vm0, $0xb8;
	[tilespmem:$0x11000] =	vst v63  }
0x477: {  	v3 =	vld [tilespmem:$0xD70];
	_ =	sdelay $0x4  }
0x478: {  	v15 =	vshll.u32 v3, $0x1  }
0x479: {  	v3 =	vand.u32 $0x7, v3;
	v4 =	vand.u32 $0xFFFFFFF0, v15  }
0x47a: {  	v3 =	vor.u32 v3, v4  }
0x47b: {  	v4 =	vperm.xlane v3, v0;
	_ =	sdelay $0x1  }
0x47c: {  	v3 =	vperm.xlane v3, v2;
	v4 =	vadd.s32 v1, v4;
	_ =	sdelay $0x1  }
0x47d: {  	v3 =	vadd.s32 v1, v3;
	_ =	sdelay $0x1  }
0x47e: {  	s20 =	simm.s32 $0x10000  }
0x47f: {  	[tilespmem:s20], [sflag:$0x2] =	stream.indirect_vreg.gather [hbm4b:s1+s3], $0x80, v4, vm0, $0xb8;
	[tilespmem:$0x11000] =	vst v63  }
0x480: {  	s21 =	simm.s32 $0x10800  }
0x481: {  	[tilespmem:s21], [sflag:$0x2] =	stream.indirect_vreg.gather [hbm4b:s1+s3], $0x80, v3, vm0, $0xb8;
	[tilespmem:$0x11000] =	vst v63  }
0x482: {  	_ =	swait.ge [sflag:s11], $0x8000  }
0x483: {  	[sflag:s11] =	ssyncset.done $0x0  }
0x484: {  	s21 =	rddreg [dreg:$0xe];
	[sflag:s11] =	ssyncadd.s32 $0xFFFF8000  }
0x485: {  	[hbm4b:s21+s12] =	stream.strided.scatter [tilespmem:s28], [sflag:$0x3], $0x8000, s13, s12, $0x38;
	[tilespmem:$0x11000] =	vst v63  }
0x486: {  	_ =	swait.ge [sflag:s14], $0x8000  }
0x487: {  	[sflag:s14] =	ssyncset.done $0x0  }
0x488: {  	[sflag:s14] =	ssyncadd.s32 $0xFFFF8000  }
0x489: {  	v3 =	vld [tilespmem:$0x180];
	_ =	sdelay $0x4  }
0x48a: {  	v16 =	vshll.u32 v3, $0x1  }
0x48b: {  	v3 =	vand.u32 $0x7, v3;
	v4 =	vand.u32 $0xFFFFFFF0, v16  }
0x48c: {  	v3 =	vor.u32 v3, v4  }
0x48d: {  	v4 =	vperm.xlane v3, v0;
	_ =	sdelay $0x1  }
0x48e: {  	v3 =	vperm.xlane v3, v2;
	v4 =	vadd.s32 v1, v4;
	_ =	sdelay $0x1  }
0x48f: {  	v3 =	vadd.s32 v1, v3;
	_ =	sdelay $0x2  }
0x490: {  	[tilespmem:s28], [sflag:$0x1] =	stream.indirect_vreg.gather [hbm4b:s1+s3], $0x80, v4, vm0, $0xb8;
	[tilespmem:$0x11000] =	vst v63  }
0x491: {  	s21 =	simm.s32 $0x1800  }
0x492: {  	[tilespmem:s21], [sflag:$0x1] =	stream.indirect_vreg.gather [hbm4b:s1+s3], $0x80, v3, vm0, $0xb8;
	[tilespmem:$0x11000] =	vst v63  }
0x493: {  	v3 =	vld [tilespmem:$0x190];
	_ =	sdelay $0x4  }
0x494: {  	v17 =	vshll.u32 v3, $0x1  }
0x495: {  	v3 =	vand.u32 $0x7, v3;
	v4 =	vand.u32 $0xFFFFFFF0, v17  }
0x496: {  	v3 =	vor.u32 v3, v4  }
0x497: {  	v4 =	vperm.xlane v3, v0;
	_ =	sdelay $0x1  }
0x498: {  	v3 =	vperm.xlane v3, v2;
	v4 =	vadd.s32 v1, v4;
	_ =	sdelay $0x1  }
0x499: {  	v3 =	vadd.s32 v1, v3;
	_ =	sdelay $0x1  }
0x49a: {  	s21 =	simm.s32 $0x2000  }
0x49b: {  	[tilespmem:s21], [sflag:$0x1] =	stream.indirect_vreg.gather [hbm4b:s1+s3], $0x80, v4, vm0, $0xb8;
	[tilespmem:$0x11000] =	vst v63  }
0x49c: {  	s21 =	simm.s32 $0x2800  }
0x49d: {  	[tilespmem:s21], [sflag:$0x1] =	stream.indirect_vreg.gather [hbm4b:s1+s3], $0x80, v3, vm0, $0xb8;
	[tilespmem:$0x11000] =	vst v63  }
0x49e: {  	v3 =	vld [tilespmem:$0x1A0];
	_ =	sdelay $0x4  }
0x49f: {  	v18 =	vshll.u32 v3, $0x1  }
0x4a0: {  	v3 =	vand.u32 $0x7, v3;
	v4 =	vand.u32 $0xFFFFFFF0, v18  }
0x4a1: {  	v3 =	vor.u32 v3, v4  }
0x4a2: {  	v4 =	vperm.xlane v3, v0;
	_ =	sdelay $0x1  }
0x4a3: {  	v3 =	vperm.xlane v3, v2;
	v4 =	vadd.s32 v1, v4;
	_ =	sdelay $0x1  }
0x4a4: {  	v3 =	vadd.s32 v1, v3;
	_ =	sdelay $0x1  }
0x4a5: {  	s21 =	simm.s32 $0x3000  }
0x4a6: {  	[tilespmem:s21], [sflag:$0x1] =	stream.indirect_vreg.gather [hbm4b:s1+s3], $0x80, v4, vm0, $0xb8;
	[tilespmem:$0x11000] =	vst v63  }
0x4a7: {  	s22 =	simm.s32 $0x3800  }
0x4a8: {  	[tilespmem:s22], [sflag:$0x1] =	stream.indirect_vreg.gather [hbm4b:s1+s3], $0x80, v3, vm0, $0xb8;
	[tilespmem:$0x11000] =	vst v63  }
0x4a9: {  	v3 =	vld [tilespmem:$0x1B0];
	_ =	sdelay $0x4  }
0x4aa: {  	v19 =	vshll.u32 v3, $0x1  }
0x4ab: {  	v3 =	vand.u32 $0x7, v3;
	v4 =	vand.u32 $0xFFFFFFF0, v19  }
0x4ac: {  	v3 =	vor.u32 v3, v4  }
0x4ad: {  	v4 =	vperm.xlane v3, v0;
	_ =	sdelay $0x1  }
0x4ae: {  	v3 =	vperm.xlane v3, v2;
	v4 =	vadd.s32 v1, v4;
	_ =	sdelay $0x1  }
0x4af: {  	v3 =	vadd.s32 v1, v3;
	_ =	sdelay $0x2  }
0x4b0: {  	[tilespmem:s13], [sflag:$0x1] =	stream.indirect_vreg.gather [hbm4b:s1+s3], $0x80, v4, vm0, $0xb8;
	[tilespmem:$0x11000] =	vst v63  }
0x4b1: {  	s25 =	simm.s32 $0x4800  }
0x4b2: {  	[tilespmem:s25], [sflag:$0x1] =	stream.indirect_vreg.gather [hbm4b:s1+s3], $0x80, v3, vm0, $0xb8;
	[tilespmem:$0x11000] =	vst v63  }
0x4b3: {  	v3 =	vld [tilespmem:$0x1C0];
	_ =	sdelay $0x4  }
0x4b4: {  	v20 =	vshll.u32 v3, $0x1  }
0x4b5: {  	v3 =	vand.u32 $0x7, v3;
	v4 =	vand.u32 $0xFFFFFFF0, v20  }
0x4b6: {  	v3 =	vor.u32 v3, v4  }
0x4b7: {  	v4 =	vperm.xlane v3, v0;
	_ =	sdelay $0x1  }
0x4b8: {  	v3 =	vperm.xlane v3, v2;
	v4 =	vadd.s32 v1, v4;
	_ =	sdelay $0x1  }
0x4b9: {  	v3 =	vadd.s32 v1, v3;
	_ =	sdelay $0x1  }
0x4ba: {  	s25 =	simm.s32 $0x5000  }
0x4bb: {  	[tilespmem:s25], [sflag:$0x1] =	stream.indirect_vreg.gather [hbm4b:s1+s3], $0x80, v4, vm0, $0xb8;
	[tilespmem:$0x11000] =	vst v63  }
0x4bc: {  	s6 =	simm.s32 $0x5800  }
0x4bd: {  	[tilespmem:s6], [sflag:$0x1] =	stream.indirect_vreg.gather [hbm4b:s1+s3], $0x80, v3, vm0, $0xb8;
	[tilespmem:$0x11000] =	vst v63  }
0x4be: {  	v3 =	vld [tilespmem:$0x1D0];
	_ =	sdelay $0x4  }
0x4bf: {  	v21 =	vshll.u32 v3, $0x1  }
0x4c0: {  	v3 =	vand.u32 $0x7, v3;
	v4 =	vand.u32 $0xFFFFFFF0, v21  }
0x4c1: {  	v3 =	vor.u32 v3, v4  }
0x4c2: {  	v4 =	vperm.xlane v3, v0;
	_ =	sdelay $0x1  }
0x4c3: {  	v3 =	vperm.xlane v3, v2;
	v4 =	vadd.s32 v1, v4;
	_ =	sdelay $0x1  }
0x4c4: {  	v3 =	vadd.s32 v1, v3;
	_ =	sdelay $0x1  }
0x4c5: {  	s25 =	simm.s32 $0x6000  }
0x4c6: {  	[tilespmem:s25], [sflag:$0x1] =	stream.indirect_vreg.gather [hbm4b:s1+s3], $0x80, v4, vm0, $0xb8;
	[tilespmem:$0x11000] =	vst v63  }
0x4c7: {  	s25 =	simm.s32 $0x6800  }
0x4c8: {  	[tilespmem:s25], [sflag:$0x1] =	stream.indirect_vreg.gather [hbm4b:s1+s3], $0x80, v3, vm0, $0xb8;
	[tilespmem:$0x11000] =	vst v63  }
0x4c9: {  	v3 =	vld [tilespmem:$0x1E0];
	_ =	sdelay $0x4  }
0x4ca: {  	v22 =	vshll.u32 v3, $0x1  }
0x4cb: {  	v3 =	vand.u32 $0x7, v3;
	v4 =	vand.u32 $0xFFFFFFF0, v22  }
0x4cc: {  	v3 =	vor.u32 v3, v4  }
0x4cd: {  	v4 =	vperm.xlane v3, v0;
	_ =	sdelay $0x1  }
0x4ce: {  	v3 =	vperm.xlane v3, v2;
	v4 =	vadd.s32 v1, v4;
	_ =	sdelay $0x1  }
0x4cf: {  	v3 =	vadd.s32 v1, v3;
	_ =	sdelay $0x1  }
0x4d0: {  	s25 =	simm.s32 $0x7000  }
0x4d1: {  	[tilespmem:s25], [sflag:$0x1] =	stream.indirect_vreg.gather [hbm4b:s1+s3], $0x80, v4, vm0, $0xb8;
	[tilespmem:$0x11000] =	vst v63  }
0x4d2: {  	s31 =	simm.s32 $0x7800  }
0x4d3: {  	[tilespmem:s31], [sflag:$0x1] =	stream.indirect_vreg.gather [hbm4b:s1+s3], $0x80, v3, vm0, $0xb8;
	[tilespmem:$0x11000] =	vst v63  }
0x4d4: {  	v3 =	vld [tilespmem:$0x1F0];
	_ =	sdelay $0x4  }
0x4d5: {  	v23 =	vshll.u32 v3, $0x1  }
0x4d6: {  	v3 =	vand.u32 $0x7, v3;
	v4 =	vand.u32 $0xFFFFFFF0, v23  }
0x4d7: {  	v3 =	vor.u32 v3, v4  }
0x4d8: {  	v4 =	vperm.xlane v3, v0;
	_ =	sdelay $0x1  }
0x4d9: {  	v3 =	vperm.xlane v3, v2;
	v4 =	vadd.s32 v1, v4;
	_ =	sdelay $0x1  }
0x4da: {  	v3 =	vadd.s32 v1, v3;
	_ =	sdelay $0x1  }
0x4db: {  	s31 =	simm.s32 $0x8000  }
0x4dc: {  	[tilespmem:s31], [sflag:$0x1] =	stream.indirect_vreg.gather [hbm4b:s1+s3], $0x80, v4, vm0, $0xb8;
	[tilespmem:$0x11000] =	vst v63  }
0x4dd: {  	s7 =	simm.s32 $0x8800  }
0x4de: {  	[tilespmem:s7], [sflag:$0x1] =	stream.indirect_vreg.gather [hbm4b:s1+s3], $0x80, v3, vm0, $0xb8;
	[tilespmem:$0x11000] =	vst v63  }
0x4df: {  	_ =	swait.ge [sflag:s15], $0x8000  }
0x4e0: {  	[sflag:s15] =	ssyncset.done $0x0  }
0x4e1: {  	s25 =	rddreg [dreg:$0xf];
	[sflag:s15] =	ssyncadd.s32 $0xFFFF8000  }
0x4e2: {  	[hbm4b:s25+s12] =	stream.strided.scatter [tilespmem:s23], [sflag:$0x4], $0x8000, s13, s12, $0x38;
	[tilespmem:$0x11000] =	vst v63  }
0x4e3: {  	_ =	swait.ge [sflag:s16], $0x8000  }
0x4e4: {  	[sflag:s16] =	ssyncset.done $0x0  }
0x4e5: {  	[sflag:s16] =	ssyncadd.s32 $0xFFFF8000  }
0x4e6: {  	v3 =	vld [tilespmem:$0x580];
	_ =	sdelay $0x4  }
0x4e7: {  	v24 =	vshll.u32 v3, $0x1  }
0x4e8: {  	v3 =	vand.u32 $0x7, v3;
	v4 =	vand.u32 $0xFFFFFFF0, v24  }
0x4e9: {  	v3 =	vor.u32 v3, v4  }
0x4ea: {  	v4 =	vperm.xlane v3, v0;
	_ =	sdelay $0x1  }
0x4eb: {  	v3 =	vperm.xlane v3, v2;
	v4 =	vadd.s32 v1, v4;
	_ =	sdelay $0x1  }
0x4ec: {  	v3 =	vadd.s32 v1, v3;
	_ =	sdelay $0x2  }
0x4ed: {  	[tilespmem:s23], [sflag:$0x2] =	stream.indirect_vreg.gather [hbm4b:s1+s3], $0x80, v4, vm0, $0xb8;
	[tilespmem:$0x11000] =	vst v63  }
0x4ee: {  	s24 =	simm.s32 $0x9800  }
0x4ef: {  	[tilespmem:s24], [sflag:$0x2] =	stream.indirect_vreg.gather [hbm4b:s1+s3], $0x80, v3, vm0, $0xb8;
	[tilespmem:$0x11000] =	vst v63  }
0x4f0: {  	v3 =	vld [tilespmem:$0x590];
	_ =	sdelay $0x4  }
0x4f1: {  	v25 =	vshll.u32 v3, $0x1  }
0x4f2: {  	v3 =	vand.u32 $0x7, v3;
	v4 =	vand.u32 $0xFFFFFFF0, v25  }
0x4f3: {  	v3 =	vor.u32 v3, v4  }
0x4f4: {  	v4 =	vperm.xlane v3, v0;
	_ =	sdelay $0x1  }
0x4f5: {  	v3 =	vperm.xlane v3, v2;
	v4 =	vadd.s32 v1, v4;
	_ =	sdelay $0x1  }
0x4f6: {  	v3 =	vadd.s32 v1, v3;
	_ =	sdelay $0x1  }
0x4f7: {  	s30 =	simm.s32 $0xA000  }
0x4f8: {  	[tilespmem:s30], [sflag:$0x2] =	stream.indirect_vreg.gather [hbm4b:s1+s3], $0x80, v4, vm0, $0xb8;
	[tilespmem:$0x11000] =	vst v63  }
0x4f9: {  	s31 =	simm.s32 $0xA800  }
0x4fa: {  	[tilespmem:s31], [sflag:$0x2] =	stream.indirect_vreg.gather [hbm4b:s1+s3], $0x80, v3, vm0, $0xb8;
	[tilespmem:$0x11000] =	vst v63  }
0x4fb: {  	v3 =	vld [tilespmem:$0x5A0];
	_ =	sdelay $0x4  }
0x4fc: {  	v26 =	vshll.u32 v3, $0x1  }
0x4fd: {  	v3 =	vand.u32 $0x7, v3;
	v4 =	vand.u32 $0xFFFFFFF0, v26  }
0x4fe: {  	v3 =	vor.u32 v3, v4  }
0x4ff: {  	v4 =	vperm.xlane v3, v0;
	_ =	sdelay $0x1  }
0x500: {  	v3 =	vperm.xlane v3, v2;
	v4 =	vadd.s32 v1, v4;
	_ =	sdelay $0x1  }
0x501: {  	v3 =	vadd.s32 v1, v3;
	_ =	sdelay $0x1  }
0x502: {  	s0 =	simm.s32 $0xB000  }
0x503: {  	[tilespmem:s0], [sflag:$0x2] =	stream.indirect_vreg.gather [hbm4b:s1+s3], $0x80, v4, vm0, $0xb8;
	[tilespmem:$0x11000] =	vst v63  }
0x504: {  	s2 =	simm.s32 $0xB800  }
0x505: {  	[tilespmem:s2], [sflag:$0x2] =	stream.indirect_vreg.gather [hbm4b:s1+s3], $0x80, v3, vm0, $0xb8;
	[tilespmem:$0x11000] =	vst v63  }
0x506: {  	v3 =	vld [tilespmem:$0x5B0];
	_ =	sdelay $0x4  }
0x507: {  	v27 =	vshll.u32 v3, $0x1  }
0x508: {  	v3 =	vand.u32 $0x7, v3;
	v4 =	vand.u32 $0xFFFFFFF0, v27  }
0x509: {  	v3 =	vor.u32 v3, v4  }
0x50a: {  	v4 =	vperm.xlane v3, v0;
	_ =	sdelay $0x1  }
0x50b: {  	v3 =	vperm.xlane v3, v2;
	v4 =	vadd.s32 v1, v4;
	_ =	sdelay $0x1  }
0x50c: {  	v3 =	vadd.s32 v1, v3;
	_ =	sdelay $0x1  }
0x50d: {  	s10 =	simm.s32 $0xC000  }
0x50e: {  	[tilespmem:s10], [sflag:$0x2] =	stream.indirect_vreg.gather [hbm4b:s1+s3], $0x80, v4, vm0, $0xb8;
	[tilespmem:$0x11000] =	vst v63  }
0x50f: {  	s18 =	simm.s32 $0xC800  }
0x510: {  	[tilespmem:s18], [sflag:$0x2] =	stream.indirect_vreg.gather [hbm4b:s1+s3], $0x80, v3, vm0, $0xb8;
	[tilespmem:$0x11000] =	vst v63  }
0x511: {  	v3 =	vld [tilespmem:$0x5C0];
	_ =	sdelay $0x4  }
0x512: {  	v28 =	vshll.u32 v3, $0x1  }
0x513: {  	v3 =	vand.u32 $0x7, v3;
	v4 =	vand.u32 $0xFFFFFFF0, v28  }
0x514: {  	v3 =	vor.u32 v3, v4  }
0x515: {  	v4 =	vperm.xlane v3, v0;
	_ =	sdelay $0x1  }
0x516: {  	v3 =	vperm.xlane v3, v2;
	v4 =	vadd.s32 v1, v4;
	_ =	sdelay $0x1  }
0x517: {  	v3 =	vadd.s32 v1, v3;
	_ =	sdelay $0x1  }
0x518: {  	s26 =	simm.s32 $0xD000  }
0x519: {  	[tilespmem:s26], [sflag:$0x2] =	stream.indirect_vreg.gather [hbm4b:s1+s3], $0x80, v4, vm0, $0xb8;
	[tilespmem:$0x11000] =	vst v63  }
0x51a: {  	s9 =	simm.s32 $0xD800  }
0x51b: {  	[tilespmem:s9], [sflag:$0x2] =	stream.indirect_vreg.gather [hbm4b:s1+s3], $0x80, v3, vm0, $0xb8;
	[tilespmem:$0x11000] =	vst v63  }
0x51c: {  	v3 =	vld [tilespmem:$0x5D0];
	_ =	sdelay $0x4  }
0x51d: {  	v29 =	vshll.u32 v3, $0x1  }
0x51e: {  	v3 =	vand.u32 $0x7, v3;
	v4 =	vand.u32 $0xFFFFFFF0, v29  }
0x51f: {  	v3 =	vor.u32 v3, v4  }
0x520: {  	v4 =	vperm.xlane v3, v0;
	_ =	sdelay $0x1  }
0x521: {  	v3 =	vperm.xlane v3, v2;
	v4 =	vadd.s32 v1, v4;
	_ =	sdelay $0x1  }
0x522: {  	v3 =	vadd.s32 v1, v3;
	_ =	sdelay $0x1  }
0x523: {  	s29 =	simm.s32 $0xE000  }
0x524: {  	[tilespmem:s29], [sflag:$0x2] =	stream.indirect_vreg.gather [hbm4b:s1+s3], $0x80, v4, vm0, $0xb8;
	[tilespmem:$0x11000] =	vst v63  }
0x525: {  	s19 =	simm.s32 $0xE800  }
0x526: {  	[tilespmem:s19], [sflag:$0x2] =	stream.indirect_vreg.gather [hbm4b:s1+s3], $0x80, v3, vm0, $0xb8;
	[tilespmem:$0x11000] =	vst v63  }
0x527: {  	v3 =	vld [tilespmem:$0x5E0];
	_ =	sdelay $0x4  }
0x528: {  	v30 =	vshll.u32 v3, $0x1  }
0x529: {  	v3 =	vand.u32 $0x7, v3;
	v4 =	vand.u32 $0xFFFFFFF0, v30  }
0x52a: {  	v3 =	vor.u32 v3, v4  }
0x52b: {  	v4 =	vperm.xlane v3, v0;
	_ =	sdelay $0x1  }
0x52c: {  	v3 =	vperm.xlane v3, v2;
	v4 =	vadd.s32 v1, v4;
	_ =	sdelay $0x1  }
0x52d: {  	v3 =	vadd.s32 v1, v3;
	_ =	sdelay $0x1  }
0x52e: {  	s4 =	simm.s32 $0xF000  }
0x52f: {  	[tilespmem:s4], [sflag:$0x2] =	stream.indirect_vreg.gather [hbm4b:s1+s3], $0x80, v4, vm0, $0xb8;
	[tilespmem:$0x11000] =	vst v63  }
0x530: {  	s5 =	simm.s32 $0xF800  }
0x531: {  	[tilespmem:s5], [sflag:$0x2] =	stream.indirect_vreg.gather [hbm4b:s1+s3], $0x80, v3, vm0, $0xb8;
	[tilespmem:$0x11000] =	vst v63  }
0x532: {  	v3 =	vld [tilespmem:$0x5F0];
	_ =	sdelay $0x4  }
0x533: {  	v31 =	vshll.u32 v3, $0x1  }
0x534: {  	v3 =	vand.u32 $0x7, v3;
	v4 =	vand.u32 $0xFFFFFFF0, v31  }
0x535: {  	v3 =	vor.u32 v3, v4  }
0x536: {  	v4 =	vperm.xlane v3, v0;
	_ =	sdelay $0x1  }
0x537: {  	v3 =	vperm.xlane v3, v2;
	v4 =	vadd.s32 v1, v4;
	_ =	sdelay $0x1  }
0x538: {  	v3 =	vadd.s32 v1, v3;
	_ =	sdelay $0x1  }
0x539: {  	s8 =	simm.s32 $0x10000  }
0x53a: {  	[tilespmem:s8], [sflag:$0x2] =	stream.indirect_vreg.gather [hbm4b:s1+s3], $0x80, v4, vm0, $0xb8;
	[tilespmem:$0x11000] =	vst v63  }
0x53b: {  	s20 =	simm.s32 $0x10800  }
0x53c: {  	[tilespmem:s20], [sflag:$0x2] =	stream.indirect_vreg.gather [hbm4b:s1+s3], $0x80, v3, vm0, $0xb8;
	[tilespmem:$0x11000] =	vst v63  }
0x53d: {  	_ =	swait.ge [sflag:s11], $0x8000  }
0x53e: {  	[sflag:s11] =	ssyncset.done $0x0  }
0x53f: {  	s20 =	rddreg [dreg:$0x10];
	[sflag:s11] =	ssyncadd.s32 $0xFFFF8000  }
0x540: {  	[hbm4b:s20+s12] =	stream.strided.scatter [tilespmem:s28], [sflag:$0x3], $0x8000, s13, s12, $0x38;
	[tilespmem:$0x11000] =	vst v63  }
0x541: {  	_ =	swait.ge [sflag:s14], $0x8000  }
0x542: {  	[sflag:s14] =	ssyncset.done $0x0  }
0x543: {  	[sflag:s14] =	ssyncadd.s32 $0xFFFF8000  }
0x544: {  	v3 =	vld [tilespmem:$0x980];
	_ =	sdelay $0x4  }
0x545: {  	v32 =	vshll.u32 v3, $0x1  }
0x546: {  	v3 =	vand.u32 $0x7, v3;
	v4 =	vand.u32 $0xFFFFFFF0, v32  }
0x547: {  	v3 =	vor.u32 v3, v4  }
0x548: {  	v4 =	vperm.xlane v3, v0;
	_ =	sdelay $0x1  }
0x549: {  	v3 =	vperm.xlane v3, v2;
	v4 =	vadd.s32 v1, v4;
	_ =	sdelay $0x1  }
0x54a: {  	v3 =	vadd.s32 v1, v3;
	_ =	sdelay $0x2  }
0x54b: {  	[tilespmem:s28], [sflag:$0x1] =	stream.indirect_vreg.gather [hbm4b:s1+s3], $0x80, v4, vm0, $0xb8;
	[tilespmem:$0x11000] =	vst v63  }
0x54c: {  	s20 =	simm.s32 $0x1800  }
0x54d: {  	[tilespmem:s20], [sflag:$0x1] =	stream.indirect_vreg.gather [hbm4b:s1+s3], $0x80, v3, vm0, $0xb8;
	[tilespmem:$0x11000] =	vst v63  }
0x54e: {  	v3 =	vld [tilespmem:$0x990];
	_ =	sdelay $0x4  }
0x54f: {  	v33 =	vshll.u32 v3, $0x1  }
0x550: {  	v3 =	vand.u32 $0x7, v3;
	v4 =	vand.u32 $0xFFFFFFF0, v33  }
0x551: {  	v3 =	vor.u32 v3, v4  }
0x552: {  	v4 =	vperm.xlane v3, v0;
	_ =	sdelay $0x1  }
0x553: {  	v3 =	vperm.xlane v3, v2;
	v4 =	vadd.s32 v1, v4;
	_ =	sdelay $0x1  }
0x554: {  	v3 =	vadd.s32 v1, v3;
	_ =	sdelay $0x1  }
0x555: {  	s20 =	simm.s32 $0x2000  }
0x556: {  	[tilespmem:s20], [sflag:$0x1] =	stream.indirect_vreg.gather [hbm4b:s1+s3], $0x80, v4, vm0, $0xb8;
	[tilespmem:$0x11000] =	vst v63  }
0x557: {  	s20 =	simm.s32 $0x2800  }
0x558: {  	[tilespmem:s20], [sflag:$0x1] =	stream.indirect_vreg.gather [hbm4b:s1+s3], $0x80, v3, vm0, $0xb8;
	[tilespmem:$0x11000] =	vst v63  }
0x559: {  	v3 =	vld [tilespmem:$0x9A0];
	_ =	sdelay $0x4  }
0x55a: {  	v34 =	vshll.u32 v3, $0x1  }
0x55b: {  	v3 =	vand.u32 $0x7, v3;
	v4 =	vand.u32 $0xFFFFFFF0, v34  }
0x55c: {  	v3 =	vor.u32 v3, v4  }
0x55d: {  	v4 =	vperm.xlane v3, v0;
	_ =	sdelay $0x1  }
0x55e: {  	v3 =	vperm.xlane v3, v2;
	v4 =	vadd.s32 v1, v4;
	_ =	sdelay $0x1  }
0x55f: {  	v3 =	vadd.s32 v1, v3;
	_ =	sdelay $0x1  }
0x560: {  	s20 =	simm.s32 $0x3000  }
0x561: {  	[tilespmem:s20], [sflag:$0x1] =	stream.indirect_vreg.gather [hbm4b:s1+s3], $0x80, v4, vm0, $0xb8;
	[tilespmem:$0x11000] =	vst v63  }
0x562: {  	s21 =	simm.s32 $0x3800  }
0x563: {  	[tilespmem:s21], [sflag:$0x1] =	stream.indirect_vreg.gather [hbm4b:s1+s3], $0x80, v3, vm0, $0xb8;
	[tilespmem:$0x11000] =	vst v63  }
0x564: {  	v3 =	vld [tilespmem:$0x9B0];
	_ =	sdelay $0x4  }
0x565: {  	v35 =	vshll.u32 v3, $0x1  }
0x566: {  	v3 =	vand.u32 $0x7, v3;
	v4 =	vand.u32 $0xFFFFFFF0, v35  }
0x567: {  	v3 =	vor.u32 v3, v4  }
0x568: {  	v4 =	vperm.xlane v3, v0;
	_ =	sdelay $0x1  }
0x569: {  	v3 =	vperm.xlane v3, v2;
	v4 =	vadd.s32 v1, v4;
	_ =	sdelay $0x1  }
0x56a: {  	v3 =	vadd.s32 v1, v3;
	_ =	sdelay $0x2  }
0x56b: {  	[tilespmem:s13], [sflag:$0x1] =	stream.indirect_vreg.gather [hbm4b:s1+s3], $0x80, v4, vm0, $0xb8;
	[tilespmem:$0x11000] =	vst v63  }
0x56c: {  	s22 =	simm.s32 $0x4800  }
0x56d: {  	[tilespmem:s22], [sflag:$0x1] =	stream.indirect_vreg.gather [hbm4b:s1+s3], $0x80, v3, vm0, $0xb8;
	[tilespmem:$0x11000] =	vst v63  }
0x56e: {  	v3 =	vld [tilespmem:$0x9C0];
	_ =	sdelay $0x4  }
0x56f: {  	v36 =	vshll.u32 v3, $0x1  }
0x570: {  	v3 =	vand.u32 $0x7, v3;
	v4 =	vand.u32 $0xFFFFFFF0, v36  }
0x571: {  	v3 =	vor.u32 v3, v4  }
0x572: {  	v4 =	vperm.xlane v3, v0;
	_ =	sdelay $0x1  }
0x573: {  	v3 =	vperm.xlane v3, v2;
	v4 =	vadd.s32 v1, v4;
	_ =	sdelay $0x1  }
0x574: {  	v3 =	vadd.s32 v1, v3;
	_ =	sdelay $0x1  }
0x575: {  	s21 =	simm.s32 $0x5000  }
0x576: {  	[tilespmem:s21], [sflag:$0x1] =	stream.indirect_vreg.gather [hbm4b:s1+s3], $0x80, v4, vm0, $0xb8;
	[tilespmem:$0x11000] =	vst v63  }
0x577: {  	s6 =	simm.s32 $0x5800  }
0x578: {  	[tilespmem:s6], [sflag:$0x1] =	stream.indirect_vreg.gather [hbm4b:s1+s3], $0x80, v3, vm0, $0xb8;
	[tilespmem:$0x11000] =	vst v63  }
0x579: {  	v3 =	vld [tilespmem:$0x9D0];
	_ =	sdelay $0x4  }
0x57a: {  	v37 =	vshll.u32 v3, $0x1  }
0x57b: {  	v3 =	vand.u32 $0x7, v3;
	v4 =	vand.u32 $0xFFFFFFF0, v37  }
0x57c: {  	v3 =	vor.u32 v3, v4  }
0x57d: {  	v4 =	vperm.xlane v3, v0;
	_ =	sdelay $0x1  }
0x57e: {  	v3 =	vperm.xlane v3, v2;
	v4 =	vadd.s32 v1, v4;
	_ =	sdelay $0x1  }
0x57f: {  	v3 =	vadd.s32 v1, v3;
	_ =	sdelay $0x1  }
0x580: {  	s21 =	simm.s32 $0x6000  }
0x581: {  	[tilespmem:s21], [sflag:$0x1] =	stream.indirect_vreg.gather [hbm4b:s1+s3], $0x80, v4, vm0, $0xb8;
	[tilespmem:$0x11000] =	vst v63  }
0x582: {  	s21 =	simm.s32 $0x6800  }
0x583: {  	[tilespmem:s21], [sflag:$0x1] =	stream.indirect_vreg.gather [hbm4b:s1+s3], $0x80, v3, vm0, $0xb8;
	[tilespmem:$0x11000] =	vst v63  }
0x584: {  	v3 =	vld [tilespmem:$0x9E0];
	_ =	sdelay $0x4  }
0x585: {  	v38 =	vshll.u32 v3, $0x1  }
0x586: {  	v3 =	vand.u32 $0x7, v3;
	v4 =	vand.u32 $0xFFFFFFF0, v38  }
0x587: {  	v3 =	vor.u32 v3, v4  }
0x588: {  	v4 =	vperm.xlane v3, v0;
	_ =	sdelay $0x1  }
0x589: {  	v3 =	vperm.xlane v3, v2;
	v4 =	vadd.s32 v1, v4;
	_ =	sdelay $0x1  }
0x58a: {  	v3 =	vadd.s32 v1, v3;
	_ =	sdelay $0x1  }
0x58b: {  	s17 =	simm.s32 $0x7000  }
0x58c: {  	[tilespmem:s17], [sflag:$0x1] =	stream.indirect_vreg.gather [hbm4b:s1+s3], $0x80, v4, vm0, $0xb8;
	[tilespmem:$0x11000] =	vst v63  }
0x58d: {  	s17 =	simm.s32 $0x7800  }
0x58e: {  	[tilespmem:s17], [sflag:$0x1] =	stream.indirect_vreg.gather [hbm4b:s1+s3], $0x80, v3, vm0, $0xb8;
	[tilespmem:$0x11000] =	vst v63  }
0x58f: {  	v3 =	vld [tilespmem:$0x9F0];
	_ =	sdelay $0x4  }
0x590: {  	v39 =	vshll.u32 v3, $0x1  }
0x591: {  	v3 =	vand.u32 $0x7, v3;
	v4 =	vand.u32 $0xFFFFFFF0, v39  }
0x592: {  	v3 =	vor.u32 v3, v4  }
0x593: {  	v4 =	vperm.xlane v3, v0;
	_ =	sdelay $0x1  }
0x594: {  	v3 =	vperm.xlane v3, v2;
	v4 =	vadd.s32 v1, v4;
	_ =	sdelay $0x1  }
0x595: {  	v3 =	vadd.s32 v1, v3;
	_ =	sdelay $0x1  }
0x596: {  	s17 =	simm.s32 $0x8000  }
0x597: {  	[tilespmem:s17], [sflag:$0x1] =	stream.indirect_vreg.gather [hbm4b:s1+s3], $0x80, v4, vm0, $0xb8;
	[tilespmem:$0x11000] =	vst v63  }
0x598: {  	s7 =	simm.s32 $0x8800  }
0x599: {  	[tilespmem:s7], [sflag:$0x1] =	stream.indirect_vreg.gather [hbm4b:s1+s3], $0x80, v3, vm0, $0xb8;
	[tilespmem:$0x11000] =	vst v63  }
0x59a: {  	_ =	swait.ge [sflag:s15], $0x8000  }
0x59b: {  	[sflag:s15] =	ssyncset.done $0x0  }
0x59c: {  	s17 =	rddreg [dreg:$0x11];
	[sflag:s15] =	ssyncadd.s32 $0xFFFF8000  }
0x59d: {  	[hbm4b:s17+s12] =	stream.strided.scatter [tilespmem:s23], [sflag:$0x4], $0x8000, s13, s12, $0x38;
	[tilespmem:$0x11000] =	vst v63  }
0x59e: {  	_ =	swait.ge [sflag:s16], $0x8000  }
0x59f: {  	[sflag:s16] =	ssyncset.done $0x0  }
0x5a0: {  	[sflag:s16] =	ssyncadd.s32 $0xFFFF8000  }
0x5a1: {  	v3 =	vld [tilespmem:$0xD80];
	_ =	sdelay $0x4  }
0x5a2: {  	v40 =	vshll.u32 v3, $0x1  }
0x5a3: {  	v3 =	vand.u32 $0x7, v3;
	v4 =	vand.u32 $0xFFFFFFF0, v40  }
0x5a4: {  	v3 =	vor.u32 v3, v4  }
0x5a5: {  	v4 =	vperm.xlane v3, v0;
	_ =	sdelay $0x1  }
0x5a6: {  	v3 =	vperm.xlane v3, v2;
	v4 =	vadd.s32 v1, v4;
	_ =	sdelay $0x1  }
0x5a7: {  	v3 =	vadd.s32 v1, v3;
	_ =	sdelay $0x2  }
0x5a8: {  	[tilespmem:s23], [sflag:$0x2] =	stream.indirect_vreg.gather [hbm4b:s1+s3], $0x80, v4, vm0, $0xb8;
	[tilespmem:$0x11000] =	vst v63  }
0x5a9: {  	s24 =	simm.s32 $0x9800  }
0x5aa: {  	[tilespmem:s24], [sflag:$0x2] =	stream.indirect_vreg.gather [hbm4b:s1+s3], $0x80, v3, vm0, $0xb8;
	[tilespmem:$0x11000] =	vst v63  }
0x5ab: {  	v3 =	vld [tilespmem:$0xD90];
	_ =	sdelay $0x4  }
0x5ac: {  	v41 =	vshll.u32 v3, $0x1  }
0x5ad: {  	v3 =	vand.u32 $0x7, v3;
	v4 =	vand.u32 $0xFFFFFFF0, v41  }
0x5ae: {  	v3 =	vor.u32 v3, v4  }
0x5af: {  	v4 =	vperm.xlane v3, v0;
	_ =	sdelay $0x1  }
0x5b0: {  	v3 =	vperm.xlane v3, v2;
	v4 =	vadd.s32 v1, v4;
	_ =	sdelay $0x1  }
0x5b1: {  	v3 =	vadd.s32 v1, v3;
	_ =	sdelay $0x1  }
0x5b2: {  	s25 =	simm.s32 $0xA000  }
0x5b3: {  	[tilespmem:s25], [sflag:$0x2] =	stream.indirect_vreg.gather [hbm4b:s1+s3], $0x80, v4, vm0, $0xb8;
	[tilespmem:$0x11000] =	vst v63  }
0x5b4: {  	s30 =	simm.s32 $0xA800  }
0x5b5: {  	[tilespmem:s30], [sflag:$0x2] =	stream.indirect_vreg.gather [hbm4b:s1+s3], $0x80, v3, vm0, $0xb8;
	[tilespmem:$0x11000] =	vst v63  }
0x5b6: {  	v3 =	vld [tilespmem:$0xDA0];
	_ =	sdelay $0x4  }
0x5b7: {  	v42 =	vshll.u32 v3, $0x1  }
0x5b8: {  	v3 =	vand.u32 $0x7, v3;
	v4 =	vand.u32 $0xFFFFFFF0, v42  }
0x5b9: {  	v3 =	vor.u32 v3, v4  }
0x5ba: {  	v4 =	vperm.xlane v3, v0;
	_ =	sdelay $0x1  }
0x5bb: {  	v3 =	vperm.xlane v3, v2;
	v4 =	vadd.s32 v1, v4;
	_ =	sdelay $0x1  }
0x5bc: {  	v3 =	vadd.s32 v1, v3;
	_ =	sdelay $0x1  }
0x5bd: {  	s0 =	simm.s32 $0xB000  }
0x5be: {  	[tilespmem:s0], [sflag:$0x2] =	stream.indirect_vreg.gather [hbm4b:s1+s3], $0x80, v4, vm0, $0xb8;
	[tilespmem:$0x11000] =	vst v63  }
0x5bf: {  	s2 =	simm.s32 $0xB800  }
0x5c0: {  	[tilespmem:s2], [sflag:$0x2] =	stream.indirect_vreg.gather [hbm4b:s1+s3], $0x80, v3, vm0, $0xb8;
	[tilespmem:$0x11000] =	vst v63  }
0x5c1: {  	v3 =	vld [tilespmem:$0xDB0];
	_ =	sdelay $0x4  }
0x5c2: {  	v43 =	vshll.u32 v3, $0x1  }
0x5c3: {  	v3 =	vand.u32 $0x7, v3;
	v4 =	vand.u32 $0xFFFFFFF0, v43  }
0x5c4: {  	v3 =	vor.u32 v3, v4  }
0x5c5: {  	v4 =	vperm.xlane v3, v0;
	_ =	sdelay $0x1  }
0x5c6: {  	v3 =	vperm.xlane v3, v2;
	v4 =	vadd.s32 v1, v4;
	_ =	sdelay $0x1  }
0x5c7: {  	v3 =	vadd.s32 v1, v3;
	_ =	sdelay $0x1  }
0x5c8: {  	s10 =	simm.s32 $0xC000  }
0x5c9: {  	[tilespmem:s10], [sflag:$0x2] =	stream.indirect_vreg.gather [hbm4b:s1+s3], $0x80, v4, vm0, $0xb8;
	[tilespmem:$0x11000] =	vst v63  }
0x5ca: {  	s18 =	simm.s32 $0xC800  }
0x5cb: {  	[tilespmem:s18], [sflag:$0x2] =	stream.indirect_vreg.gather [hbm4b:s1+s3], $0x80, v3, vm0, $0xb8;
	[tilespmem:$0x11000] =	vst v63  }
0x5cc: {  	v3 =	vld [tilespmem:$0xDC0];
	_ =	sdelay $0x4  }
0x5cd: {  	v44 =	vshll.u32 v3, $0x1  }
0x5ce: {  	v3 =	vand.u32 $0x7, v3;
	v4 =	vand.u32 $0xFFFFFFF0, v44  }
0x5cf: {  	v3 =	vor.u32 v3, v4  }
0x5d0: {  	v4 =	vperm.xlane v3, v0;
	_ =	sdelay $0x1  }
0x5d1: {  	v3 =	vperm.xlane v3, v2;
	v4 =	vadd.s32 v1, v4;
	_ =	sdelay $0x1  }
0x5d2: {  	v3 =	vadd.s32 v1, v3;
	_ =	sdelay $0x1  }
0x5d3: {  	s31 =	simm.s32 $0xD000  }
0x5d4: {  	[tilespmem:s31], [sflag:$0x2] =	stream.indirect_vreg.gather [hbm4b:s1+s3], $0x80, v4, vm0, $0xb8;
	[tilespmem:$0x11000] =	vst v63  }
0x5d5: {  	s9 =	simm.s32 $0xD800  }
0x5d6: {  	[tilespmem:s9], [sflag:$0x2] =	stream.indirect_vreg.gather [hbm4b:s1+s3], $0x80, v3, vm0, $0xb8;
	[tilespmem:$0x11000] =	vst v63  }
0x5d7: {  	v3 =	vld [tilespmem:$0xDD0];
	_ =	sdelay $0x4  }
0x5d8: {  	v45 =	vshll.u32 v3, $0x1  }
0x5d9: {  	v3 =	vand.u32 $0x7, v3;
	v4 =	vand.u32 $0xFFFFFFF0, v45  }
0x5da: {  	v3 =	vor.u32 v3, v4  }
0x5db: {  	v4 =	vperm.xlane v3, v0;
	_ =	sdelay $0x1  }
0x5dc: {  	v3 =	vperm.xlane v3, v2;
	v4 =	vadd.s32 v1, v4;
	_ =	sdelay $0x1  }
0x5dd: {  	v3 =	vadd.s32 v1, v3;
	_ =	sdelay $0x1  }
0x5de: {  	s26 =	simm.s32 $0xE000  }
0x5df: {  	[tilespmem:s26], [sflag:$0x2] =	stream.indirect_vreg.gather [hbm4b:s1+s3], $0x80, v4, vm0, $0xb8;
	[tilespmem:$0x11000] =	vst v63  }
0x5e0: {  	s19 =	simm.s32 $0xE800  }
0x5e1: {  	[tilespmem:s19], [sflag:$0x2] =	stream.indirect_vreg.gather [hbm4b:s1+s3], $0x80, v3, vm0, $0xb8;
	[tilespmem:$0x11000] =	vst v63  }
0x5e2: {  	v3 =	vld [tilespmem:$0xDE0];
	_ =	sdelay $0x4  }
0x5e3: {  	v46 =	vshll.u32 v3, $0x1  }
0x5e4: {  	v3 =	vand.u32 $0x7, v3;
	v4 =	vand.u32 $0xFFFFFFF0, v46  }
0x5e5: {  	v3 =	vor.u32 v3, v4  }
0x5e6: {  	v4 =	vperm.xlane v3, v0;
	_ =	sdelay $0x1  }
0x5e7: {  	v3 =	vperm.xlane v3, v2;
	v4 =	vadd.s32 v1, v4;
	_ =	sdelay $0x1  }
0x5e8: {  	v3 =	vadd.s32 v1, v3;
	_ =	sdelay $0x1  }
0x5e9: {  	s29 =	simm.s32 $0xF000  }
0x5ea: {  	[tilespmem:s29], [sflag:$0x2] =	stream.indirect_vreg.gather [hbm4b:s1+s3], $0x80, v4, vm0, $0xb8;
	[tilespmem:$0x11000] =	vst v63  }
0x5eb: {  	s4 =	simm.s32 $0xF800  }
0x5ec: {  	[tilespmem:s4], [sflag:$0x2] =	stream.indirect_vreg.gather [hbm4b:s1+s3], $0x80, v3, vm0, $0xb8;
	[tilespmem:$0x11000] =	vst v63  }
0x5ed: {  	v3 =	vld [tilespmem:$0xDF0];
	_ =	sdelay $0x4  }
0x5ee: {  	v47 =	vshll.u32 v3, $0x1  }
0x5ef: {  	v3 =	vand.u32 $0x7, v3;
	v4 =	vand.u32 $0xFFFFFFF0, v47  }
0x5f0: {  	v3 =	vor.u32 v3, v4  }
0x5f1: {  	v4 =	vperm.xlane v3, v0;
	_ =	sdelay $0x1  }
0x5f2: {  	v3 =	vperm.xlane v3, v2;
	v4 =	vadd.s32 v1, v4;
	_ =	sdelay $0x1  }
0x5f3: {  	v3 =	vadd.s32 v1, v3;
	_ =	sdelay $0x1  }
0x5f4: {  	s5 =	simm.s32 $0x10000  }
0x5f5: {  	[tilespmem:s5], [sflag:$0x2] =	stream.indirect_vreg.gather [hbm4b:s1+s3], $0x80, v4, vm0, $0xb8;
	[tilespmem:$0x11000] =	vst v63  }
0x5f6: {  	s8 =	simm.s32 $0x10800  }
0x5f7: {  	[tilespmem:s8], [sflag:$0x2] =	stream.indirect_vreg.gather [hbm4b:s1+s3], $0x80, v3, vm0, $0xb8;
	[tilespmem:$0x11000] =	vst v63  }
0x5f8: {  	_ =	swait.ge [sflag:s11], $0x8000  }
0x5f9: {  	[sflag:s11] =	ssyncset.done $0x0  }
0x5fa: {  	s29 =	rddreg [dreg:$0x12];
	[sflag:s11] =	ssyncadd.s32 $0xFFFF8000  }
0x5fb: {  	[hbm4b:s29+s12] =	stream.strided.scatter [tilespmem:s28], [sflag:$0x3], $0x8000, s13, s12, $0x38;
	[tilespmem:$0x11000] =	vst v63  }
0x5fc: {  	_ =	swait.ge [sflag:s14], $0x8000  }
0x5fd: {  	[sflag:s14] =	ssyncset.done $0x0  }
0x5fe: {  	[sflag:s14] =	ssyncadd.s32 $0xFFFF8000  }
0x5ff: {  	v3 =	vld [tilespmem:$0x200];
	_ =	sdelay $0x4  }
0x600: {  	v48 =	vshll.u32 v3, $0x1  }
0x601: {  	v3 =	vand.u32 $0x7, v3;
	v4 =	vand.u32 $0xFFFFFFF0, v48  }
0x602: {  	v3 =	vor.u32 v3, v4  }
0x603: {  	v4 =	vperm.xlane v3, v0;
	_ =	sdelay $0x1  }
0x604: {  	v3 =	vperm.xlane v3, v2;
	v4 =	vadd.s32 v1, v4;
	_ =	sdelay $0x1  }
0x605: {  	v3 =	vadd.s32 v1, v3;
	_ =	sdelay $0x2  }
0x606: {  	[tilespmem:s28], [sflag:$0x1] =	stream.indirect_vreg.gather [hbm4b:s1+s3], $0x80, v4, vm0, $0xb8;
	[tilespmem:$0x11000] =	vst v63  }
0x607: {  	s29 =	simm.s32 $0x1800  }
0x608: {  	[tilespmem:s29], [sflag:$0x1] =	stream.indirect_vreg.gather [hbm4b:s1+s3], $0x80, v3, vm0, $0xb8;
	[tilespmem:$0x11000] =	vst v63  }
0x609: {  	v3 =	vld [tilespmem:$0x210];
	_ =	sdelay $0x4  }
0x60a: {  	v49 =	vshll.u32 v3, $0x1  }
0x60b: {  	v3 =	vand.u32 $0x7, v3;
	v4 =	vand.u32 $0xFFFFFFF0, v49  }
0x60c: {  	v3 =	vor.u32 v3, v4  }
0x60d: {  	v4 =	vperm.xlane v3, v0;
	_ =	sdelay $0x1  }
0x60e: {  	v3 =	vperm.xlane v3, v2;
	v4 =	vadd.s32 v1, v4;
	_ =	sdelay $0x1  }
0x60f: {  	v3 =	vadd.s32 v1, v3;
	_ =	sdelay $0x1  }
0x610: {  	s29 =	simm.s32 $0x2000  }
0x611: {  	[tilespmem:s29], [sflag:$0x1] =	stream.indirect_vreg.gather [hbm4b:s1+s3], $0x80, v4, vm0, $0xb8;
	[tilespmem:$0x11000] =	vst v63  }
0x612: {  	s29 =	simm.s32 $0x2800  }
0x613: {  	[tilespmem:s29], [sflag:$0x1] =	stream.indirect_vreg.gather [hbm4b:s1+s3], $0x80, v3, vm0, $0xb8;
	[tilespmem:$0x11000] =	vst v63  }
0x614: {  	v3 =	vld [tilespmem:$0x220];
	_ =	sdelay $0x4  }
0x615: {  	v50 =	vshll.u32 v3, $0x1  }
0x616: {  	v3 =	vand.u32 $0x7, v3;
	v4 =	vand.u32 $0xFFFFFFF0, v50  }
0x617: {  	v3 =	vor.u32 v3, v4  }
0x618: {  	v4 =	vperm.xlane v3, v0;
	_ =	sdelay $0x1  }
0x619: {  	v3 =	vperm.xlane v3, v2;
	v4 =	vadd.s32 v1, v4;
	_ =	sdelay $0x1  }
0x61a: {  	v3 =	vadd.s32 v1, v3;
	_ =	sdelay $0x1  }
0x61b: {  	s29 =	simm.s32 $0x3000  }
0x61c: {  	[tilespmem:s29], [sflag:$0x1] =	stream.indirect_vreg.gather [hbm4b:s1+s3], $0x80, v4, vm0, $0xb8;
	[tilespmem:$0x11000] =	vst v63  }
0x61d: {  	s20 =	simm.s32 $0x3800  }
0x61e: {  	[tilespmem:s20], [sflag:$0x1] =	stream.indirect_vreg.gather [hbm4b:s1+s3], $0x80, v3, vm0, $0xb8;
	[tilespmem:$0x11000] =	vst v63  }
0x61f: {  	v3 =	vld [tilespmem:$0x230];
	_ =	sdelay $0x4  }
0x620: {  	v51 =	vshll.u32 v3, $0x1  }
0x621: {  	v3 =	vand.u32 $0x7, v3;
	v4 =	vand.u32 $0xFFFFFFF0, v51  }
0x622: {  	v3 =	vor.u32 v3, v4  }
0x623: {  	v4 =	vperm.xlane v3, v0;
	_ =	sdelay $0x1  }
0x624: {  	v3 =	vperm.xlane v3, v2;
	v4 =	vadd.s32 v1, v4;
	_ =	sdelay $0x1  }
0x625: {  	v3 =	vadd.s32 v1, v3;
	_ =	sdelay $0x2  }
0x626: {  	[tilespmem:s13], [sflag:$0x1] =	stream.indirect_vreg.gather [hbm4b:s1+s3], $0x80, v4, vm0, $0xb8;
	[tilespmem:$0x11000] =	vst v63  }
0x627: {  	s22 =	simm.s32 $0x4800  }
0x628: {  	[tilespmem:s22], [sflag:$0x1] =	stream.indirect_vreg.gather [hbm4b:s1+s3], $0x80, v3, vm0, $0xb8;
	[tilespmem:$0x11000] =	vst v63  }
0x629: {  	v3 =	vld [tilespmem:$0x240];
	_ =	sdelay $0x4  }
0x62a: {  	v52 =	vshll.u32 v3, $0x1  }
0x62b: {  	v3 =	vand.u32 $0x7, v3;
	v4 =	vand.u32 $0xFFFFFFF0, v52  }
0x62c: {  	v3 =	vor.u32 v3, v4  }
0x62d: {  	v4 =	vperm.xlane v3, v0;
	_ =	sdelay $0x1  }
0x62e: {  	v3 =	vperm.xlane v3, v2;
	v4 =	vadd.s32 v1, v4;
	_ =	sdelay $0x1  }
0x62f: {  	v3 =	vadd.s32 v1, v3;
	_ =	sdelay $0x1  }
0x630: {  	s22 =	simm.s32 $0x5000  }
0x631: {  	[tilespmem:s22], [sflag:$0x1] =	stream.indirect_vreg.gather [hbm4b:s1+s3], $0x80, v4, vm0, $0xb8;
	[tilespmem:$0x11000] =	vst v63  }
0x632: {  	s6 =	simm.s32 $0x5800  }
0x633: {  	[tilespmem:s6], [sflag:$0x1] =	stream.indirect_vreg.gather [hbm4b:s1+s3], $0x80, v3, vm0, $0xb8;
	[tilespmem:$0x11000] =	vst v63  }
0x634: {  	v3 =	vld [tilespmem:$0x250];
	_ =	sdelay $0x4  }
0x635: {  	v53 =	vshll.u32 v3, $0x1  }
0x636: {  	v3 =	vand.u32 $0x7, v3;
	v4 =	vand.u32 $0xFFFFFFF0, v53  }
0x637: {  	v3 =	vor.u32 v3, v4  }
0x638: {  	v4 =	vperm.xlane v3, v0;
	_ =	sdelay $0x1  }
0x639: {  	v3 =	vperm.xlane v3, v2;
	v4 =	vadd.s32 v1, v4;
	_ =	sdelay $0x1  }
0x63a: {  	v3 =	vadd.s32 v1, v3;
	_ =	sdelay $0x1  }
0x63b: {  	s22 =	simm.s32 $0x6000  }
0x63c: {  	[tilespmem:s22], [sflag:$0x1] =	stream.indirect_vreg.gather [hbm4b:s1+s3], $0x80, v4, vm0, $0xb8;
	[tilespmem:$0x11000] =	vst v63  }
0x63d: {  	s21 =	simm.s32 $0x6800  }
0x63e: {  	[tilespmem:s21], [sflag:$0x1] =	stream.indirect_vreg.gather [hbm4b:s1+s3], $0x80, v3, vm0, $0xb8;
	[tilespmem:$0x11000] =	vst v63  }
0x63f: {  	v3 =	vld [tilespmem:$0x260];
	_ =	sdelay $0x4  }
0x640: {  	v54 =	vshll.u32 v3, $0x1  }
0x641: {  	v3 =	vand.u32 $0x7, v3;
	v4 =	vand.u32 $0xFFFFFFF0, v54  }
0x642: {  	v3 =	vor.u32 v3, v4  }
0x643: {  	v4 =	vperm.xlane v3, v0;
	_ =	sdelay $0x1  }
0x644: {  	v3 =	vperm.xlane v3, v2;
	v4 =	vadd.s32 v1, v4;
	_ =	sdelay $0x1  }
0x645: {  	v3 =	vadd.s32 v1, v3;
	_ =	sdelay $0x1  }
0x646: {  	s22 =	simm.s32 $0x7000  }
0x647: {  	[tilespmem:s22], [sflag:$0x1] =	stream.indirect_vreg.gather [hbm4b:s1+s3], $0x80, v4, vm0, $0xb8;
	[tilespmem:$0x11000] =	vst v63  }
0x648: {  	s21 =	simm.s32 $0x7800  }
0x649: {  	[tilespmem:s21], [sflag:$0x1] =	stream.indirect_vreg.gather [hbm4b:s1+s3], $0x80, v3, vm0, $0xb8;
	[tilespmem:$0x11000] =	vst v63  }
0x64a: {  	v3 =	vld [tilespmem:$0x270];
	_ =	sdelay $0x4  }
0x64b: {  	v55 =	vshll.u32 v3, $0x1  }
0x64c: {  	v3 =	vand.u32 $0x7, v3;
	v4 =	vand.u32 $0xFFFFFFF0, v55  }
0x64d: {  	v3 =	vor.u32 v3, v4  }
0x64e: {  	v4 =	vperm.xlane v3, v0;
	_ =	sdelay $0x1  }
0x64f: {  	v3 =	vperm.xlane v3, v2;
	v4 =	vadd.s32 v1, v4;
	_ =	sdelay $0x1  }
0x650: {  	v3 =	vadd.s32 v1, v3;
	_ =	sdelay $0x1  }
0x651: {  	s22 =	simm.s32 $0x8000  }
0x652: {  	[tilespmem:s22], [sflag:$0x1] =	stream.indirect_vreg.gather [hbm4b:s1+s3], $0x80, v4, vm0, $0xb8;
	[tilespmem:$0x11000] =	vst v63  }
0x653: {  	s7 =	simm.s32 $0x8800  }
0x654: {  	[tilespmem:s7], [sflag:$0x1] =	stream.indirect_vreg.gather [hbm4b:s1+s3], $0x80, v3, vm0, $0xb8;
	[tilespmem:$0x11000] =	vst v63  }
0x655: {  	_ =	swait.ge [sflag:s15], $0x8000  }
0x656: {  	[sflag:s15] =	ssyncset.done $0x0  }
0x657: {  	s22 =	rddreg [dreg:$0x13];
	[sflag:s15] =	ssyncadd.s32 $0xFFFF8000  }
0x658: {  	[hbm4b:s22+s12] =	stream.strided.scatter [tilespmem:s23], [sflag:$0x4], $0x8000, s13, s12, $0x38;
	[tilespmem:$0x11000] =	vst v63  }
0x659: {  	_ =	swait.ge [sflag:s16], $0x8000  }
0x65a: {  	[sflag:s16] =	ssyncset.done $0x0  }
0x65b: {  	[sflag:s16] =	ssyncadd.s32 $0xFFFF8000  }
0x65c: {  	v3 =	vld [tilespmem:$0x600];
	_ =	sdelay $0x4  }
0x65d: {  	v56 =	vshll.u32 v3, $0x1  }
0x65e: {  	v3 =	vand.u32 $0x7, v3;
	v4 =	vand.u32 $0xFFFFFFF0, v56  }
0x65f: {  	v3 =	vor.u32 v3, v4  }
0x660: {  	v4 =	vperm.xlane v3, v0;
	_ =	sdelay $0x1  }
0x661: {  	v3 =	vperm.xlane v3, v2;
	v4 =	vadd.s32 v1, v4;
	_ =	sdelay $0x1  }
0x662: {  	v3 =	vadd.s32 v1, v3;
	_ =	sdelay $0x2  }
0x663: {  	[tilespmem:s23], [sflag:$0x2] =	stream.indirect_vreg.gather [hbm4b:s1+s3], $0x80, v4, vm0, $0xb8;
	[tilespmem:$0x11000] =	vst v63  }
0x664: {  	s24 =	simm.s32 $0x9800  }
0x665: {  	[tilespmem:s24], [sflag:$0x2] =	stream.indirect_vreg.gather [hbm4b:s1+s3], $0x80, v3, vm0, $0xb8;
	[tilespmem:$0x11000] =	vst v63  }
0x666: {  	v3 =	vld [tilespmem:$0x610];
	_ =	sdelay $0x4  }
0x667: {  	v57 =	vshll.u32 v3, $0x1  }
0x668: {  	v3 =	vand.u32 $0x7, v3;
	v4 =	vand.u32 $0xFFFFFFF0, v57  }
0x669: {  	v3 =	vor.u32 v3, v4  }
0x66a: {  	v4 =	vperm.xlane v3, v0;
	_ =	sdelay $0x1  }
0x66b: {  	v3 =	vperm.xlane v3, v2;
	v4 =	vadd.s32 v1, v4;
	_ =	sdelay $0x1  }
0x66c: {  	v3 =	vadd.s32 v1, v3;
	_ =	sdelay $0x1  }
0x66d: {  	s25 =	simm.s32 $0xA000  }
0x66e: {  	[tilespmem:s25], [sflag:$0x2] =	stream.indirect_vreg.gather [hbm4b:s1+s3], $0x80, v4, vm0, $0xb8;
	[tilespmem:$0x11000] =	vst v63  }
0x66f: {  	s24 =	simm.s32 $0xA800  }
0x670: {  	[tilespmem:s24], [sflag:$0x2] =	stream.indirect_vreg.gather [hbm4b:s1+s3], $0x80, v3, vm0, $0xb8;
	[tilespmem:$0x11000] =	vst v63  }
0x671: {  	v3 =	vld [tilespmem:$0x620];
	_ =	sdelay $0x4  }
0x672: {  	v58 =	vshll.u32 v3, $0x1  }
0x673: {  	v3 =	vand.u32 $0x7, v3;
	v4 =	vand.u32 $0xFFFFFFF0, v58  }
0x674: {  	v3 =	vor.u32 v3, v4  }
0x675: {  	v4 =	vperm.xlane v3, v0;
	_ =	sdelay $0x1  }
0x676: {  	v3 =	vperm.xlane v3, v2;
	v4 =	vadd.s32 v1, v4;
	_ =	sdelay $0x1  }
0x677: {  	v3 =	vadd.s32 v1, v3;
	_ =	sdelay $0x1  }
0x678: {  	s30 =	simm.s32 $0xB000  }
0x679: {  	[tilespmem:s30], [sflag:$0x2] =	stream.indirect_vreg.gather [hbm4b:s1+s3], $0x80, v4, vm0, $0xb8;
	[tilespmem:$0x11000] =	vst v63  }
0x67a: {  	s0 =	simm.s32 $0xB800  }
0x67b: {  	[tilespmem:s0], [sflag:$0x2] =	stream.indirect_vreg.gather [hbm4b:s1+s3], $0x80, v3, vm0, $0xb8;
	[tilespmem:$0x11000] =	vst v63  }
0x67c: {  	v3 =	vld [tilespmem:$0x630];
	_ =	sdelay $0x4  }
0x67d: {  	v59 =	vshll.u32 v3, $0x1  }
0x67e: {  	v3 =	vand.u32 $0x7, v3;
	v4 =	vand.u32 $0xFFFFFFF0, v59  }
0x67f: {  	v3 =	vor.u32 v3, v4  }
0x680: {  	v4 =	vperm.xlane v3, v0;
	_ =	sdelay $0x1  }
0x681: {  	v3 =	vperm.xlane v3, v2;
	v4 =	vadd.s32 v1, v4;
	_ =	sdelay $0x1  }
0x682: {  	v3 =	vadd.s32 v1, v3;
	_ =	sdelay $0x1  }
0x683: {  	s10 =	simm.s32 $0xC000  }
0x684: {  	[tilespmem:s10], [sflag:$0x2] =	stream.indirect_vreg.gather [hbm4b:s1+s3], $0x80, v4, vm0, $0xb8;
	[tilespmem:$0x11000] =	vst v63  }
0x685: {  	s18 =	simm.s32 $0xC800  }
0x686: {  	[tilespmem:s18], [sflag:$0x2] =	stream.indirect_vreg.gather [hbm4b:s1+s3], $0x80, v3, vm0, $0xb8;
	[tilespmem:$0x11000] =	vst v63  }
0x687: {  	v3 =	vld [tilespmem:$0x640];
	_ =	sdelay $0x4  }
0x688: {  	v60 =	vshll.u32 v3, $0x1  }
0x689: {  	v3 =	vand.u32 $0x7, v3;
	v4 =	vand.u32 $0xFFFFFFF0, v60  }
0x68a: {  	v3 =	vor.u32 v3, v4  }
0x68b: {  	v4 =	vperm.xlane v3, v0;
	_ =	sdelay $0x1  }
0x68c: {  	v3 =	vperm.xlane v3, v2;
	v4 =	vadd.s32 v1, v4;
	_ =	sdelay $0x1  }
0x68d: {  	v3 =	vadd.s32 v1, v3;
	_ =	sdelay $0x1  }
0x68e: {  	s31 =	simm.s32 $0xD000  }
0x68f: {  	[tilespmem:s31], [sflag:$0x2] =	stream.indirect_vreg.gather [hbm4b:s1+s3], $0x80, v4, vm0, $0xb8;
	[tilespmem:$0x11000] =	vst v63  }
0x690: {  	s9 =	simm.s32 $0xD800  }
0x691: {  	[tilespmem:s9], [sflag:$0x2] =	stream.indirect_vreg.gather [hbm4b:s1+s3], $0x80, v3, vm0, $0xb8;
	[tilespmem:$0x11000] =	vst v63  }
0x692: {  	v3 =	vld [tilespmem:$0x650];
	_ =	sdelay $0x4  }
0x693: {  	v61 =	vshll.u32 v3, $0x1  }
0x694: {  	v3 =	vand.u32 $0x7, v3;
	v4 =	vand.u32 $0xFFFFFFF0, v61  }
0x695: {  	v3 =	vor.u32 v3, v4  }
0x696: {  	v4 =	vperm.xlane v3, v0;
	_ =	sdelay $0x1  }
0x697: {  	v3 =	vperm.xlane v3, v2;
	v4 =	vadd.s32 v1, v4;
	_ =	sdelay $0x1  }
0x698: {  	v3 =	vadd.s32 v1, v3;
	_ =	sdelay $0x1  }
0x699: {  	s2 =	simm.s32 $0xE000  }
0x69a: {  	[tilespmem:s2], [sflag:$0x2] =	stream.indirect_vreg.gather [hbm4b:s1+s3], $0x80, v4, vm0, $0xb8;
	[tilespmem:$0x11000] =	vst v63  }
0x69b: {  	s19 =	simm.s32 $0xE800  }
0x69c: {  	[tilespmem:s19], [sflag:$0x2] =	stream.indirect_vreg.gather [hbm4b:s1+s3], $0x80, v3, vm0, $0xb8;
	[tilespmem:$0x11000] =	vst v63  }
0x69d: {  	v3 =	vld [tilespmem:$0x660];
	_ =	sdelay $0x4  }
0x69e: {  	v62 =	vshll.u32 v3, $0x1  }
0x69f: {  	v3 =	vand.u32 $0x7, v3;
	v4 =	vand.u32 $0xFFFFFFF0, v62  }
0x6a0: {  	v3 =	vor.u32 v3, v4  }
0x6a1: {  	v4 =	vperm.xlane v3, v0;
	_ =	sdelay $0x1  }
0x6a2: {  	v3 =	vperm.xlane v3, v2;
	v4 =	vadd.s32 v1, v4;
	_ =	sdelay $0x1  }
0x6a3: {  	v3 =	vadd.s32 v1, v3;
	_ =	sdelay $0x1  }
0x6a4: {  	s26 =	simm.s32 $0xF000  }
0x6a5: {  	[tilespmem:s26], [sflag:$0x2] =	stream.indirect_vreg.gather [hbm4b:s1+s3], $0x80, v4, vm0, $0xb8;
	[tilespmem:$0x11000] =	vst v63  }
0x6a6: {  	s4 =	simm.s32 $0xF800  }
0x6a7: {  	[tilespmem:s4], [sflag:$0x2] =	stream.indirect_vreg.gather [hbm4b:s1+s3], $0x80, v3, vm0, $0xb8;
	[tilespmem:$0x11000] =	vst v63  }
0x6a8: {  	v3 =	vld [tilespmem:$0x670];
	_ =	sdelay $0x4  }
0x6a9: {  	v63 =	vshll.u32 v3, $0x1  }
0x6aa: {  	v3 =	vand.u32 $0x7, v3;
	v4 =	vand.u32 $0xFFFFFFF0, v63  }
0x6ab: {  	v3 =	vor.u32 v3, v4  }
0x6ac: {  	v4 =	vperm.xlane v3, v0;
	_ =	sdelay $0x1  }
0x6ad: {  	v3 =	vperm.xlane v3, v2;
	v4 =	vadd.s32 v1, v4;
	_ =	sdelay $0x1  }
0x6ae: {  	v3 =	vadd.s32 v1, v3;
	_ =	sdelay $0x1  }
0x6af: {  	s5 =	simm.s32 $0x10000  }
0x6b0: {  	[tilespmem:s5], [sflag:$0x2] =	stream.indirect_vreg.gather [hbm4b:s1+s3], $0x80, v4, vm0, $0xb8;
	[tilespmem:$0x11000] =	vst v63  }
0x6b1: {  	s8 =	simm.s32 $0x10800  }
0x6b2: {  	[tilespmem:s8], [sflag:$0x2] =	stream.indirect_vreg.gather [hbm4b:s1+s3], $0x80, v3, vm0, $0xb8;
	[tilespmem:$0x11000] =	vst v63  }
0x6b3: {  	_ =	swait.ge [sflag:s11], $0x8000  }
0x6b4: {  	[sflag:s11] =	ssyncset.done $0x0  }
0x6b5: {  	s8 =	rddreg [dreg:$0x14];
	[sflag:s11] =	ssyncadd.s32 $0xFFFF8000  }
0x6b6: {  	[hbm4b:s8+s12] =	stream.strided.scatter [tilespmem:s28], [sflag:$0x3], $0x8000, s13, s12, $0x38;
	[tilespmem:$0x11000] =	vst v63  }
0x6b7: {  	_ =	swait.ge [sflag:s14], $0x8000  }
0x6b8: {  	[sflag:s14] =	ssyncset.done $0x0  }
0x6b9: {  	[sflag:s14] =	ssyncadd.s32 $0xFFFF8000  }
0x6ba: {  	v3 =	vld [tilespmem:$0xA00];
	_ =	sdelay $0x4  }
0x6bb: {  	v8 =	vshll.u32 v3, $0x1  }
0x6bc: {  	v3 =	vand.u32 $0x7, v3;
	v4 =	vand.u32 $0xFFFFFFF0, v8  }
0x6bd: {  	v3 =	vor.u32 v3, v4  }
0x6be: {  	v4 =	vperm.xlane v3, v0;
	_ =	sdelay $0x1  }
0x6bf: {  	v3 =	vperm.xlane v3, v2;
	v4 =	vadd.s32 v1, v4;
	_ =	sdelay $0x1  }
0x6c0: {  	v3 =	vadd.s32 v1, v3;
	_ =	sdelay $0x2  }
0x6c1: {  	[tilespmem:s28], [sflag:$0x1] =	stream.indirect_vreg.gather [hbm4b:s1+s3], $0x80, v4, vm0, $0xb8;
	[tilespmem:$0x11000] =	vst v63  }
0x6c2: {  	s26 =	simm.s32 $0x1800  }
0x6c3: {  	[tilespmem:s26], [sflag:$0x1] =	stream.indirect_vreg.gather [hbm4b:s1+s3], $0x80, v3, vm0, $0xb8;
	[tilespmem:$0x11000] =	vst v63  }
0x6c4: {  	v3 =	vld [tilespmem:$0xA10];
	_ =	sdelay $0x4  }
0x6c5: {  	v9 =	vshll.u32 v3, $0x1  }
0x6c6: {  	v3 =	vand.u32 $0x7, v3;
	v4 =	vand.u32 $0xFFFFFFF0, v9  }
0x6c7: {  	v3 =	vor.u32 v3, v4  }
0x6c8: {  	v4 =	vperm.xlane v3, v0;
	_ =	sdelay $0x1  }
0x6c9: {  	v3 =	vperm.xlane v3, v2;
	v4 =	vadd.s32 v1, v4;
	_ =	sdelay $0x1  }
0x6ca: {  	v3 =	vadd.s32 v1, v3;
	_ =	sdelay $0x1  }
0x6cb: {  	s17 =	simm.s32 $0x2000  }
0x6cc: {  	[tilespmem:s17], [sflag:$0x1] =	stream.indirect_vreg.gather [hbm4b:s1+s3], $0x80, v4, vm0, $0xb8;
	[tilespmem:$0x11000] =	vst v63  }
0x6cd: {  	s26 =	simm.s32 $0x2800  }
0x6ce: {  	[tilespmem:s26], [sflag:$0x1] =	stream.indirect_vreg.gather [hbm4b:s1+s3], $0x80, v3, vm0, $0xb8;
	[tilespmem:$0x11000] =	vst v63  }
0x6cf: {  	v3 =	vld [tilespmem:$0xA20];
	_ =	sdelay $0x4  }
0x6d0: {  	v10 =	vshll.u32 v3, $0x1  }
0x6d1: {  	v3 =	vand.u32 $0x7, v3;
	v4 =	vand.u32 $0xFFFFFFF0, v10  }
0x6d2: {  	v3 =	vor.u32 v3, v4  }
0x6d3: {  	v4 =	vperm.xlane v3, v0;
	_ =	sdelay $0x1  }
0x6d4: {  	v3 =	vperm.xlane v3, v2;
	v4 =	vadd.s32 v1, v4;
	_ =	sdelay $0x1  }
0x6d5: {  	v3 =	vadd.s32 v1, v3;
	_ =	sdelay $0x1  }
0x6d6: {  	s17 =	simm.s32 $0x3000  }
0x6d7: {  	[tilespmem:s17], [sflag:$0x1] =	stream.indirect_vreg.gather [hbm4b:s1+s3], $0x80, v4, vm0, $0xb8;
	[tilespmem:$0x11000] =	vst v63  }
0x6d8: {  	s20 =	simm.s32 $0x3800  }
0x6d9: {  	[tilespmem:s20], [sflag:$0x1] =	stream.indirect_vreg.gather [hbm4b:s1+s3], $0x80, v3, vm0, $0xb8;
	[tilespmem:$0x11000] =	vst v63  }
0x6da: {  	v3 =	vld [tilespmem:$0xA30];
	_ =	sdelay $0x4  }
0x6db: {  	v11 =	vshll.u32 v3, $0x1  }
0x6dc: {  	v3 =	vand.u32 $0x7, v3;
	v4 =	vand.u32 $0xFFFFFFF0, v11  }
0x6dd: {  	v3 =	vor.u32 v3, v4  }
0x6de: {  	v4 =	vperm.xlane v3, v0;
	_ =	sdelay $0x1  }
0x6df: {  	v3 =	vperm.xlane v3, v2;
	v4 =	vadd.s32 v1, v4;
	_ =	sdelay $0x1  }
0x6e0: {  	v3 =	vadd.s32 v1, v3;
	_ =	sdelay $0x2  }
0x6e1: {  	[tilespmem:s13], [sflag:$0x1] =	stream.indirect_vreg.gather [hbm4b:s1+s3], $0x80, v4, vm0, $0xb8;
	[tilespmem:$0x11000] =	vst v63  }
0x6e2: {  	s29 =	simm.s32 $0x4800  }
0x6e3: {  	[tilespmem:s29], [sflag:$0x1] =	stream.indirect_vreg.gather [hbm4b:s1+s3], $0x80, v3, vm0, $0xb8;
	[tilespmem:$0x11000] =	vst v63  }
0x6e4: {  	v3 =	vld [tilespmem:$0xA40];
	_ =	sdelay $0x4  }
0x6e5: {  	v12 =	vshll.u32 v3, $0x1  }
0x6e6: {  	v3 =	vand.u32 $0x7, v3;
	v4 =	vand.u32 $0xFFFFFFF0, v12  }
0x6e7: {  	v3 =	vor.u32 v3, v4  }
0x6e8: {  	v4 =	vperm.xlane v3, v0;
	_ =	sdelay $0x1  }
0x6e9: {  	v3 =	vperm.xlane v3, v2;
	v4 =	vadd.s32 v1, v4;
	_ =	sdelay $0x1  }
0x6ea: {  	v3 =	vadd.s32 v1, v3;
	_ =	sdelay $0x1  }
0x6eb: {  	s26 =	simm.s32 $0x5000  }
0x6ec: {  	[tilespmem:s26], [sflag:$0x1] =	stream.indirect_vreg.gather [hbm4b:s1+s3], $0x80, v4, vm0, $0xb8;
	[tilespmem:$0x11000] =	vst v63  }
0x6ed: {  	s6 =	simm.s32 $0x5800  }
0x6ee: {  	[tilespmem:s6], [sflag:$0x1] =	stream.indirect_vreg.gather [hbm4b:s1+s3], $0x80, v3, vm0, $0xb8;
	[tilespmem:$0x11000] =	vst v63  }
0x6ef: {  	v3 =	vld [tilespmem:$0xA50];
	_ =	sdelay $0x4  }
0x6f0: {  	v13 =	vshll.u32 v3, $0x1  }
0x6f1: {  	v3 =	vand.u32 $0x7, v3;
	v4 =	vand.u32 $0xFFFFFFF0, v13  }
0x6f2: {  	v3 =	vor.u32 v3, v4  }
0x6f3: {  	v4 =	vperm.xlane v3, v0;
	_ =	sdelay $0x1  }
0x6f4: {  	v3 =	vperm.xlane v3, v2;
	v4 =	vadd.s32 v1, v4;
	_ =	sdelay $0x1  }
0x6f5: {  	v3 =	vadd.s32 v1, v3;
	_ =	sdelay $0x1  }
0x6f6: {  	s29 =	simm.s32 $0x6000  }
0x6f7: {  	[tilespmem:s29], [sflag:$0x1] =	stream.indirect_vreg.gather [hbm4b:s1+s3], $0x80, v4, vm0, $0xb8;
	[tilespmem:$0x11000] =	vst v63  }
0x6f8: {  	s26 =	simm.s32 $0x6800  }
0x6f9: {  	[tilespmem:s26], [sflag:$0x1] =	stream.indirect_vreg.gather [hbm4b:s1+s3], $0x80, v3, vm0, $0xb8;
	[tilespmem:$0x11000] =	vst v63  }
0x6fa: {  	v3 =	vld [tilespmem:$0xA60];
	_ =	sdelay $0x4  }
0x6fb: {  	v14 =	vshll.u32 v3, $0x1  }
0x6fc: {  	v3 =	vand.u32 $0x7, v3;
	v4 =	vand.u32 $0xFFFFFFF0, v14  }
0x6fd: {  	v3 =	vor.u32 v3, v4  }
0x6fe: {  	v4 =	vperm.xlane v3, v0;
	_ =	sdelay $0x1  }
0x6ff: {  	v3 =	vperm.xlane v3, v2;
	v4 =	vadd.s32 v1, v4;
	_ =	sdelay $0x1  }
0x700: {  	v3 =	vadd.s32 v1, v3;
	_ =	sdelay $0x1  }
0x701: {  	s29 =	simm.s32 $0x7000  }
0x702: {  	[tilespmem:s29], [sflag:$0x1] =	stream.indirect_vreg.gather [hbm4b:s1+s3], $0x80, v4, vm0, $0xb8;
	[tilespmem:$0x11000] =	vst v63  }
0x703: {  	s21 =	simm.s32 $0x7800  }
0x704: {  	[tilespmem:s21], [sflag:$0x1] =	stream.indirect_vreg.gather [hbm4b:s1+s3], $0x80, v3, vm0, $0xb8;
	[tilespmem:$0x11000] =	vst v63  }
0x705: {  	v3 =	vld [tilespmem:$0xA70];
	_ =	sdelay $0x4  }
0x706: {  	v15 =	vshll.u32 v3, $0x1  }
0x707: {  	v3 =	vand.u32 $0x7, v3;
	v4 =	vand.u32 $0xFFFFFFF0, v15  }
0x708: {  	v3 =	vor.u32 v3, v4  }
0x709: {  	v4 =	vperm.xlane v3, v0;
	_ =	sdelay $0x1  }
0x70a: {  	v3 =	vperm.xlane v3, v2;
	v4 =	vadd.s32 v1, v4;
	_ =	sdelay $0x1  }
0x70b: {  	v3 =	vadd.s32 v1, v3;
	_ =	sdelay $0x1  }
0x70c: {  	s26 =	simm.s32 $0x8000  }
0x70d: {  	[tilespmem:s26], [sflag:$0x1] =	stream.indirect_vreg.gather [hbm4b:s1+s3], $0x80, v4, vm0, $0xb8;
	[tilespmem:$0x11000] =	vst v63  }
0x70e: {  	s7 =	simm.s32 $0x8800  }
0x70f: {  	[tilespmem:s7], [sflag:$0x1] =	stream.indirect_vreg.gather [hbm4b:s1+s3], $0x80, v3, vm0, $0xb8;
	[tilespmem:$0x11000] =	vst v63  }
0x710: {  	_ =	swait.ge [sflag:s15], $0x8000  }
0x711: {  	[sflag:s15] =	ssyncset.done $0x0  }
0x712: {  	s21 =	rddreg [dreg:$0x15];
	[sflag:s15] =	ssyncadd.s32 $0xFFFF8000  }
0x713: {  	[hbm4b:s21+s12] =	stream.strided.scatter [tilespmem:s23], [sflag:$0x4], $0x8000, s13, s12, $0x38;
	[tilespmem:$0x11000] =	vst v63  }
0x714: {  	_ =	swait.ge [sflag:s16], $0x8000  }
0x715: {  	[sflag:s16] =	ssyncset.done $0x0  }
0x716: {  	[sflag:s16] =	ssyncadd.s32 $0xFFFF8000  }
0x717: {  	v3 =	vld [tilespmem:$0xE00];
	_ =	sdelay $0x4  }
0x718: {  	v16 =	vshll.u32 v3, $0x1  }
0x719: {  	v3 =	vand.u32 $0x7, v3;
	v4 =	vand.u32 $0xFFFFFFF0, v16  }
0x71a: {  	v3 =	vor.u32 v3, v4  }
0x71b: {  	v4 =	vperm.xlane v3, v0;
	_ =	sdelay $0x1  }
0x71c: {  	v3 =	vperm.xlane v3, v2;
	v4 =	vadd.s32 v1, v4;
	_ =	sdelay $0x1  }
0x71d: {  	v3 =	vadd.s32 v1, v3;
	_ =	sdelay $0x2  }
0x71e: {  	[tilespmem:s23], [sflag:$0x2] =	stream.indirect_vreg.gather [hbm4b:s1+s3], $0x80, v4, vm0, $0xb8;
	[tilespmem:$0x11000] =	vst v63  }
0x71f: {  	s22 =	simm.s32 $0x9800  }
0x720: {  	[tilespmem:s22], [sflag:$0x2] =	stream.indirect_vreg.gather [hbm4b:s1+s3], $0x80, v3, vm0, $0xb8;
	[tilespmem:$0x11000] =	vst v63  }
0x721: {  	v3 =	vld [tilespmem:$0xE10];
	_ =	sdelay $0x4  }
0x722: {  	v17 =	vshll.u32 v3, $0x1  }
0x723: {  	v3 =	vand.u32 $0x7, v3;
	v4 =	vand.u32 $0xFFFFFFF0, v17  }
0x724: {  	v3 =	vor.u32 v3, v4  }
0x725: {  	v4 =	vperm.xlane v3, v0;
	_ =	sdelay $0x1  }
0x726: {  	v3 =	vperm.xlane v3, v2;
	v4 =	vadd.s32 v1, v4;
	_ =	sdelay $0x1  }
0x727: {  	v3 =	vadd.s32 v1, v3;
	_ =	sdelay $0x1  }
0x728: {  	s25 =	simm.s32 $0xA000  }
0x729: {  	[tilespmem:s25], [sflag:$0x2] =	stream.indirect_vreg.gather [hbm4b:s1+s3], $0x80, v4, vm0, $0xb8;
	[tilespmem:$0x11000] =	vst v63  }
0x72a: {  	s25 =	simm.s32 $0xA800  }
0x72b: {  	[tilespmem:s25], [sflag:$0x2] =	stream.indirect_vreg.gather [hbm4b:s1+s3], $0x80, v3, vm0, $0xb8;
	[tilespmem:$0x11000] =	vst v63  }
0x72c: {  	v3 =	vld [tilespmem:$0xE20];
	_ =	sdelay $0x4  }
0x72d: {  	v18 =	vshll.u32 v3, $0x1  }
0x72e: {  	v3 =	vand.u32 $0x7, v3;
	v4 =	vand.u32 $0xFFFFFFF0, v18  }
0x72f: {  	v3 =	vor.u32 v3, v4  }
0x730: {  	v4 =	vperm.xlane v3, v0;
	_ =	sdelay $0x1  }
0x731: {  	v3 =	vperm.xlane v3, v2;
	v4 =	vadd.s32 v1, v4;
	_ =	sdelay $0x1  }
0x732: {  	v3 =	vadd.s32 v1, v3;
	_ =	sdelay $0x1  }
0x733: {  	s24 =	simm.s32 $0xB000  }
0x734: {  	[tilespmem:s24], [sflag:$0x2] =	stream.indirect_vreg.gather [hbm4b:s1+s3], $0x80, v4, vm0, $0xb8;
	[tilespmem:$0x11000] =	vst v63  }
0x735: {  	s0 =	simm.s32 $0xB800  }
0x736: {  	[tilespmem:s0], [sflag:$0x2] =	stream.indirect_vreg.gather [hbm4b:s1+s3], $0x80, v3, vm0, $0xb8;
	[tilespmem:$0x11000] =	vst v63  }
0x737: {  	v3 =	vld [tilespmem:$0xE30];
	_ =	sdelay $0x4  }
0x738: {  	v19 =	vshll.u32 v3, $0x1  }
0x739: {  	v3 =	vand.u32 $0x7, v3;
	v4 =	vand.u32 $0xFFFFFFF0, v19  }
0x73a: {  	v3 =	vor.u32 v3, v4  }
0x73b: {  	v4 =	vperm.xlane v3, v0;
	_ =	sdelay $0x1  }
0x73c: {  	v3 =	vperm.xlane v3, v2;
	v4 =	vadd.s32 v1, v4;
	_ =	sdelay $0x1  }
0x73d: {  	v3 =	vadd.s32 v1, v3;
	_ =	sdelay $0x1  }
0x73e: {  	s10 =	simm.s32 $0xC000  }
0x73f: {  	[tilespmem:s10], [sflag:$0x2] =	stream.indirect_vreg.gather [hbm4b:s1+s3], $0x80, v4, vm0, $0xb8;
	[tilespmem:$0x11000] =	vst v63  }
0x740: {  	s18 =	simm.s32 $0xC800  }
0x741: {  	[tilespmem:s18], [sflag:$0x2] =	stream.indirect_vreg.gather [hbm4b:s1+s3], $0x80, v3, vm0, $0xb8;
	[tilespmem:$0x11000] =	vst v63  }
0x742: {  	v3 =	vld [tilespmem:$0xE40];
	_ =	sdelay $0x4  }
0x743: {  	v20 =	vshll.u32 v3, $0x1  }
0x744: {  	v3 =	vand.u32 $0x7, v3;
	v4 =	vand.u32 $0xFFFFFFF0, v20  }
0x745: {  	v3 =	vor.u32 v3, v4  }
0x746: {  	v4 =	vperm.xlane v3, v0;
	_ =	sdelay $0x1  }
0x747: {  	v3 =	vperm.xlane v3, v2;
	v4 =	vadd.s32 v1, v4;
	_ =	sdelay $0x1  }
0x748: {  	v3 =	vadd.s32 v1, v3;
	_ =	sdelay $0x1  }
0x749: {  	s31 =	simm.s32 $0xD000  }
0x74a: {  	[tilespmem:s31], [sflag:$0x2] =	stream.indirect_vreg.gather [hbm4b:s1+s3], $0x80, v4, vm0, $0xb8;
	[tilespmem:$0x11000] =	vst v63  }
0x74b: {  	s9 =	simm.s32 $0xD800  }
0x74c: {  	[tilespmem:s9], [sflag:$0x2] =	stream.indirect_vreg.gather [hbm4b:s1+s3], $0x80, v3, vm0, $0xb8;
	[tilespmem:$0x11000] =	vst v63  }
0x74d: {  	v3 =	vld [tilespmem:$0xE50];
	_ =	sdelay $0x4  }
0x74e: {  	v21 =	vshll.u32 v3, $0x1  }
0x74f: {  	v3 =	vand.u32 $0x7, v3;
	v4 =	vand.u32 $0xFFFFFFF0, v21  }
0x750: {  	v3 =	vor.u32 v3, v4  }
0x751: {  	v4 =	vperm.xlane v3, v0;
	_ =	sdelay $0x1  }
0x752: {  	v3 =	vperm.xlane v3, v2;
	v4 =	vadd.s32 v1, v4;
	_ =	sdelay $0x1  }
0x753: {  	v3 =	vadd.s32 v1, v3;
	_ =	sdelay $0x1  }
0x754: {  	s17 =	simm.s32 $0xE000  }
0x755: {  	[tilespmem:s17], [sflag:$0x2] =	stream.indirect_vreg.gather [hbm4b:s1+s3], $0x80, v4, vm0, $0xb8;
	[tilespmem:$0x11000] =	vst v63  }
0x756: {  	s2 =	simm.s32 $0xE800  }
0x757: {  	[tilespmem:s2], [sflag:$0x2] =	stream.indirect_vreg.gather [hbm4b:s1+s3], $0x80, v3, vm0, $0xb8;
	[tilespmem:$0x11000] =	vst v63  }
0x758: {  	v3 =	vld [tilespmem:$0xE60];
	_ =	sdelay $0x4  }
0x759: {  	v22 =	vshll.u32 v3, $0x1  }
0x75a: {  	v3 =	vand.u32 $0x7, v3;
	v4 =	vand.u32 $0xFFFFFFF0, v22  }
0x75b: {  	v3 =	vor.u32 v3, v4  }
0x75c: {  	v4 =	vperm.xlane v3, v0;
	_ =	sdelay $0x1  }
0x75d: {  	v3 =	vperm.xlane v3, v2;
	v4 =	vadd.s32 v1, v4;
	_ =	sdelay $0x1  }
0x75e: {  	v3 =	vadd.s32 v1, v3;
	_ =	sdelay $0x1  }
0x75f: {  	s30 =	simm.s32 $0xF000  }
0x760: {  	[tilespmem:s30], [sflag:$0x2] =	stream.indirect_vreg.gather [hbm4b:s1+s3], $0x80, v4, vm0, $0xb8;
	[tilespmem:$0x11000] =	vst v63  }
0x761: {  	s19 =	simm.s32 $0xF800  }
0x762: {  	[tilespmem:s19], [sflag:$0x2] =	stream.indirect_vreg.gather [hbm4b:s1+s3], $0x80, v3, vm0, $0xb8;
	[tilespmem:$0x11000] =	vst v63  }
0x763: {  	v3 =	vld [tilespmem:$0xE70];
	_ =	sdelay $0x4  }
0x764: {  	v23 =	vshll.u32 v3, $0x1  }
0x765: {  	v3 =	vand.u32 $0x7, v3;
	v4 =	vand.u32 $0xFFFFFFF0, v23  }
0x766: {  	v3 =	vor.u32 v3, v4  }
0x767: {  	v4 =	vperm.xlane v3, v0;
	_ =	sdelay $0x1  }
0x768: {  	v3 =	vperm.xlane v3, v2;
	v4 =	vadd.s32 v1, v4;
	_ =	sdelay $0x1  }
0x769: {  	v3 =	vadd.s32 v1, v3;
	_ =	sdelay $0x1  }
0x76a: {  	s4 =	simm.s32 $0x10000  }
0x76b: {  	[tilespmem:s4], [sflag:$0x2] =	stream.indirect_vreg.gather [hbm4b:s1+s3], $0x80, v4, vm0, $0xb8;
	[tilespmem:$0x11000] =	vst v63  }
0x76c: {  	s5 =	simm.s32 $0x10800  }
0x76d: {  	[tilespmem:s5], [sflag:$0x2] =	stream.indirect_vreg.gather [hbm4b:s1+s3], $0x80, v3, vm0, $0xb8;
	[tilespmem:$0x11000] =	vst v63  }
0x76e: {  	_ =	swait.ge [sflag:s11], $0x8000  }
0x76f: {  	[sflag:s11] =	ssyncset.done $0x0  }
0x770: {  	s19 =	rddreg [dreg:$0x16];
	[sflag:s11] =	ssyncadd.s32 $0xFFFF8000  }
0x771: {  	[hbm4b:s19+s12] =	stream.strided.scatter [tilespmem:s28], [sflag:$0x3], $0x8000, s13, s12, $0x38;
	[tilespmem:$0x11000] =	vst v63  }
0x772: {  	_ =	swait.ge [sflag:s14], $0x8000  }
0x773: {  	[sflag:s14] =	ssyncset.done $0x0  }
0x774: {  	[sflag:s14] =	ssyncadd.s32 $0xFFFF8000  }
0x775: {  	v3 =	vld [tilespmem:$0x280];
	_ =	sdelay $0x4  }
0x776: {  	v24 =	vshll.u32 v3, $0x1  }
0x777: {  	v3 =	vand.u32 $0x7, v3;
	v4 =	vand.u32 $0xFFFFFFF0, v24  }
0x778: {  	v3 =	vor.u32 v3, v4  }
0x779: {  	v4 =	vperm.xlane v3, v0;
	_ =	sdelay $0x1  }
0x77a: {  	v3 =	vperm.xlane v3, v2;
	v4 =	vadd.s32 v1, v4;
	_ =	sdelay $0x1  }
0x77b: {  	v3 =	vadd.s32 v1, v3;
	_ =	sdelay $0x2  }
0x77c: {  	[tilespmem:s28], [sflag:$0x1] =	stream.indirect_vreg.gather [hbm4b:s1+s3], $0x80, v4, vm0, $0xb8;
	[tilespmem:$0x11000] =	vst v63  }
0x77d: {  	s30 =	simm.s32 $0x1800  }
0x77e: {  	[tilespmem:s30], [sflag:$0x1] =	stream.indirect_vreg.gather [hbm4b:s1+s3], $0x80, v3, vm0, $0xb8;
	[tilespmem:$0x11000] =	vst v63  }
0x77f: {  	v3 =	vld [tilespmem:$0x290];
	_ =	sdelay $0x4  }
0x780: {  	v25 =	vshll.u32 v3, $0x1  }
0x781: {  	v3 =	vand.u32 $0x7, v3;
	v4 =	vand.u32 $0xFFFFFFF0, v25  }
0x782: {  	v3 =	vor.u32 v3, v4  }
0x783: {  	v4 =	vperm.xlane v3, v0;
	_ =	sdelay $0x1  }
0x784: {  	v3 =	vperm.xlane v3, v2;
	v4 =	vadd.s32 v1, v4;
	_ =	sdelay $0x1  }
0x785: {  	v3 =	vadd.s32 v1, v3;
	_ =	sdelay $0x1  }
0x786: {  	s19 =	simm.s32 $0x2000  }
0x787: {  	[tilespmem:s19], [sflag:$0x1] =	stream.indirect_vreg.gather [hbm4b:s1+s3], $0x80, v4, vm0, $0xb8;
	[tilespmem:$0x11000] =	vst v63  }
0x788: {  	s30 =	simm.s32 $0x2800  }
0x789: {  	[tilespmem:s30], [sflag:$0x1] =	stream.indirect_vreg.gather [hbm4b:s1+s3], $0x80, v3, vm0, $0xb8;
	[tilespmem:$0x11000] =	vst v63  }
0x78a: {  	v3 =	vld [tilespmem:$0x2A0];
	_ =	sdelay $0x4  }
0x78b: {  	v26 =	vshll.u32 v3, $0x1  }
0x78c: {  	v3 =	vand.u32 $0x7, v3;
	v4 =	vand.u32 $0xFFFFFFF0, v26  }
0x78d: {  	v3 =	vor.u32 v3, v4  }
0x78e: {  	v4 =	vperm.xlane v3, v0;
	_ =	sdelay $0x1  }
0x78f: {  	v3 =	vperm.xlane v3, v2;
	v4 =	vadd.s32 v1, v4;
	_ =	sdelay $0x1  }
0x790: {  	v3 =	vadd.s32 v1, v3;
	_ =	sdelay $0x1  }
0x791: {  	s19 =	simm.s32 $0x3000  }
0x792: {  	[tilespmem:s19], [sflag:$0x1] =	stream.indirect_vreg.gather [hbm4b:s1+s3], $0x80, v4, vm0, $0xb8;
	[tilespmem:$0x11000] =	vst v63  }
0x793: {  	s20 =	simm.s32 $0x3800  }
0x794: {  	[tilespmem:s20], [sflag:$0x1] =	stream.indirect_vreg.gather [hbm4b:s1+s3], $0x80, v3, vm0, $0xb8;
	[tilespmem:$0x11000] =	vst v63  }
0x795: {  	v3 =	vld [tilespmem:$0x2B0];
	_ =	sdelay $0x4  }
0x796: {  	v27 =	vshll.u32 v3, $0x1  }
0x797: {  	v3 =	vand.u32 $0x7, v3;
	v4 =	vand.u32 $0xFFFFFFF0, v27  }
0x798: {  	v3 =	vor.u32 v3, v4  }
0x799: {  	v4 =	vperm.xlane v3, v0;
	_ =	sdelay $0x1  }
0x79a: {  	v3 =	vperm.xlane v3, v2;
	v4 =	vadd.s32 v1, v4;
	_ =	sdelay $0x1  }
0x79b: {  	v3 =	vadd.s32 v1, v3;
	_ =	sdelay $0x2  }
0x79c: {  	[tilespmem:s13], [sflag:$0x1] =	stream.indirect_vreg.gather [hbm4b:s1+s3], $0x80, v4, vm0, $0xb8;
	[tilespmem:$0x11000] =	vst v63  }
0x79d: {  	s8 =	simm.s32 $0x4800  }
0x79e: {  	[tilespmem:s8], [sflag:$0x1] =	stream.indirect_vreg.gather [hbm4b:s1+s3], $0x80, v3, vm0, $0xb8;
	[tilespmem:$0x11000] =	vst v63  }
0x79f: {  	v3 =	vld [tilespmem:$0x2C0];
	_ =	sdelay $0x4  }
0x7a0: {  	v28 =	vshll.u32 v3, $0x1  }
0x7a1: {  	v3 =	vand.u32 $0x7, v3;
	v4 =	vand.u32 $0xFFFFFFF0, v28  }
0x7a2: {  	v3 =	vor.u32 v3, v4  }
0x7a3: {  	v4 =	vperm.xlane v3, v0;
	_ =	sdelay $0x1  }
0x7a4: {  	v3 =	vperm.xlane v3, v2;
	v4 =	vadd.s32 v1, v4;
	_ =	sdelay $0x1  }
0x7a5: {  	v3 =	vadd.s32 v1, v3;
	_ =	sdelay $0x1  }
0x7a6: {  	s30 =	simm.s32 $0x5000  }
0x7a7: {  	[tilespmem:s30], [sflag:$0x1] =	stream.indirect_vreg.gather [hbm4b:s1+s3], $0x80, v4, vm0, $0xb8;
	[tilespmem:$0x11000] =	vst v63  }
0x7a8: {  	s6 =	simm.s32 $0x5800  }
0x7a9: {  	[tilespmem:s6], [sflag:$0x1] =	stream.indirect_vreg.gather [hbm4b:s1+s3], $0x80, v3, vm0, $0xb8;
	[tilespmem:$0x11000] =	vst v63  }
0x7aa: {  	v3 =	vld [tilespmem:$0x2D0];
	_ =	sdelay $0x4  }
0x7ab: {  	v29 =	vshll.u32 v3, $0x1  }
0x7ac: {  	v3 =	vand.u32 $0x7, v3;
	v4 =	vand.u32 $0xFFFFFFF0, v29  }
0x7ad: {  	v3 =	vor.u32 v3, v4  }
0x7ae: {  	v4 =	vperm.xlane v3, v0;
	_ =	sdelay $0x1  }
0x7af: {  	v3 =	vperm.xlane v3, v2;
	v4 =	vadd.s32 v1, v4;
	_ =	sdelay $0x1  }
0x7b0: {  	v3 =	vadd.s32 v1, v3;
	_ =	sdelay $0x1  }
0x7b1: {  	s19 =	simm.s32 $0x6000  }
0x7b2: {  	[tilespmem:s19], [sflag:$0x1] =	stream.indirect_vreg.gather [hbm4b:s1+s3], $0x80, v4, vm0, $0xb8;
	[tilespmem:$0x11000] =	vst v63  }
0x7b3: {  	s30 =	simm.s32 $0x6800  }
0x7b4: {  	[tilespmem:s30], [sflag:$0x1] =	stream.indirect_vreg.gather [hbm4b:s1+s3], $0x80, v3, vm0, $0xb8;
	[tilespmem:$0x11000] =	vst v63  }
0x7b5: {  	v3 =	vld [tilespmem:$0x2E0];
	_ =	sdelay $0x4  }
0x7b6: {  	v30 =	vshll.u32 v3, $0x1  }
0x7b7: {  	v3 =	vand.u32 $0x7, v3;
	v4 =	vand.u32 $0xFFFFFFF0, v30  }
0x7b8: {  	v3 =	vor.u32 v3, v4  }
0x7b9: {  	v4 =	vperm.xlane v3, v0;
	_ =	sdelay $0x1  }
0x7ba: {  	v3 =	vperm.xlane v3, v2;
	v4 =	vadd.s32 v1, v4;
	_ =	sdelay $0x1  }
0x7bb: {  	v3 =	vadd.s32 v1, v3;
	_ =	sdelay $0x1  }
0x7bc: {  	s19 =	simm.s32 $0x7000  }
0x7bd: {  	[tilespmem:s19], [sflag:$0x1] =	stream.indirect_vreg.gather [hbm4b:s1+s3], $0x80, v4, vm0, $0xb8;
	[tilespmem:$0x11000] =	vst v63  }
0x7be: {  	s29 =	simm.s32 $0x7800  }
0x7bf: {  	[tilespmem:s29], [sflag:$0x1] =	stream.indirect_vreg.gather [hbm4b:s1+s3], $0x80, v3, vm0, $0xb8;
	[tilespmem:$0x11000] =	vst v63  }
0x7c0: {  	v3 =	vld [tilespmem:$0x2F0];
	_ =	sdelay $0x4  }
0x7c1: {  	v31 =	vshll.u32 v3, $0x1  }
0x7c2: {  	v3 =	vand.u32 $0x7, v3;
	v4 =	vand.u32 $0xFFFFFFF0, v31  }
0x7c3: {  	v3 =	vor.u32 v3, v4  }
0x7c4: {  	v4 =	vperm.xlane v3, v0;
	_ =	sdelay $0x1  }
0x7c5: {  	v3 =	vperm.xlane v3, v2;
	v4 =	vadd.s32 v1, v4;
	_ =	sdelay $0x1  }
0x7c6: {  	v3 =	vadd.s32 v1, v3;
	_ =	sdelay $0x1  }
0x7c7: {  	s29 =	simm.s32 $0x8000  }
0x7c8: {  	[tilespmem:s29], [sflag:$0x1] =	stream.indirect_vreg.gather [hbm4b:s1+s3], $0x80, v4, vm0, $0xb8;
	[tilespmem:$0x11000] =	vst v63  }
0x7c9: {  	s7 =	simm.s32 $0x8800  }
0x7ca: {  	[tilespmem:s7], [sflag:$0x1] =	stream.indirect_vreg.gather [hbm4b:s1+s3], $0x80, v3, vm0, $0xb8;
	[tilespmem:$0x11000] =	vst v63  }
0x7cb: {  	_ =	swait.ge [sflag:s15], $0x8000  }
0x7cc: {  	[sflag:s15] =	ssyncset.done $0x0  }
0x7cd: {  	s30 =	rddreg [dreg:$0x17];
	[sflag:s15] =	ssyncadd.s32 $0xFFFF8000  }
0x7ce: {  	[hbm4b:s30+s12] =	stream.strided.scatter [tilespmem:s23], [sflag:$0x4], $0x8000, s13, s12, $0x38;
	[tilespmem:$0x11000] =	vst v63  }
0x7cf: {  	_ =	swait.ge [sflag:s16], $0x8000  }
0x7d0: {  	[sflag:s16] =	ssyncset.done $0x0  }
0x7d1: {  	[sflag:s16] =	ssyncadd.s32 $0xFFFF8000  }
0x7d2: {  	v3 =	vld [tilespmem:$0x680];
	_ =	sdelay $0x4  }
0x7d3: {  	v32 =	vshll.u32 v3, $0x1  }
0x7d4: {  	v3 =	vand.u32 $0x7, v3;
	v4 =	vand.u32 $0xFFFFFFF0, v32  }
0x7d5: {  	v3 =	vor.u32 v3, v4  }
0x7d6: {  	v4 =	vperm.xlane v3, v0;
	_ =	sdelay $0x1  }
0x7d7: {  	v3 =	vperm.xlane v3, v2;
	v4 =	vadd.s32 v1, v4;
	_ =	sdelay $0x1  }
0x7d8: {  	v3 =	vadd.s32 v1, v3;
	_ =	sdelay $0x2  }
0x7d9: {  	[tilespmem:s23], [sflag:$0x2] =	stream.indirect_vreg.gather [hbm4b:s1+s3], $0x80, v4, vm0, $0xb8;
	[tilespmem:$0x11000] =	vst v63  }
0x7da: {  	s22 =	simm.s32 $0x9800  }
0x7db: {  	[tilespmem:s22], [sflag:$0x2] =	stream.indirect_vreg.gather [hbm4b:s1+s3], $0x80, v3, vm0, $0xb8;
	[tilespmem:$0x11000] =	vst v63  }
0x7dc: {  	v3 =	vld [tilespmem:$0x690];
	_ =	sdelay $0x4  }
0x7dd: {  	v33 =	vshll.u32 v3, $0x1  }
0x7de: {  	v3 =	vand.u32 $0x7, v3;
	v4 =	vand.u32 $0xFFFFFFF0, v33  }
0x7df: {  	v3 =	vor.u32 v3, v4  }
0x7e0: {  	v4 =	vperm.xlane v3, v0;
	_ =	sdelay $0x1  }
0x7e1: {  	v3 =	vperm.xlane v3, v2;
	v4 =	vadd.s32 v1, v4;
	_ =	sdelay $0x1  }
0x7e2: {  	v3 =	vadd.s32 v1, v3;
	_ =	sdelay $0x1  }
0x7e3: {  	s26 =	simm.s32 $0xA000  }
0x7e4: {  	[tilespmem:s26], [sflag:$0x2] =	stream.indirect_vreg.gather [hbm4b:s1+s3], $0x80, v4, vm0, $0xb8;
	[tilespmem:$0x11000] =	vst v63  }
0x7e5: {  	s19 =	simm.s32 $0xA800  }
0x7e6: {  	[tilespmem:s19], [sflag:$0x2] =	stream.indirect_vreg.gather [hbm4b:s1+s3], $0x80, v3, vm0, $0xb8;
	[tilespmem:$0x11000] =	vst v63  }
0x7e7: {  	v3 =	vld [tilespmem:$0x6A0];
	_ =	sdelay $0x4  }
0x7e8: {  	v34 =	vshll.u32 v3, $0x1  }
0x7e9: {  	v3 =	vand.u32 $0x7, v3;
	v4 =	vand.u32 $0xFFFFFFF0, v34  }
0x7ea: {  	v3 =	vor.u32 v3, v4  }
0x7eb: {  	v4 =	vperm.xlane v3, v0;
	_ =	sdelay $0x1  }
0x7ec: {  	v3 =	vperm.xlane v3, v2;
	v4 =	vadd.s32 v1, v4;
	_ =	sdelay $0x1  }
0x7ed: {  	v3 =	vadd.s32 v1, v3;
	_ =	sdelay $0x1  }
0x7ee: {  	s24 =	simm.s32 $0xB000  }
0x7ef: {  	[tilespmem:s24], [sflag:$0x2] =	stream.indirect_vreg.gather [hbm4b:s1+s3], $0x80, v4, vm0, $0xb8;
	[tilespmem:$0x11000] =	vst v63  }
0x7f0: {  	s0 =	simm.s32 $0xB800  }
0x7f1: {  	[tilespmem:s0], [sflag:$0x2] =	stream.indirect_vreg.gather [hbm4b:s1+s3], $0x80, v3, vm0, $0xb8;
	[tilespmem:$0x11000] =	vst v63  }
0x7f2: {  	v3 =	vld [tilespmem:$0x6B0];
	_ =	sdelay $0x4  }
0x7f3: {  	v35 =	vshll.u32 v3, $0x1  }
0x7f4: {  	v3 =	vand.u32 $0x7, v3;
	v4 =	vand.u32 $0xFFFFFFF0, v35  }
0x7f5: {  	v3 =	vor.u32 v3, v4  }
0x7f6: {  	v4 =	vperm.xlane v3, v0;
	_ =	sdelay $0x1  }
0x7f7: {  	v3 =	vperm.xlane v3, v2;
	v4 =	vadd.s32 v1, v4;
	_ =	sdelay $0x1  }
0x7f8: {  	v3 =	vadd.s32 v1, v3;
	_ =	sdelay $0x1  }
0x7f9: {  	s25 =	simm.s32 $0xC000  }
0x7fa: {  	[tilespmem:s25], [sflag:$0x2] =	stream.indirect_vreg.gather [hbm4b:s1+s3], $0x80, v4, vm0, $0xb8;
	[tilespmem:$0x11000] =	vst v63  }
0x7fb: {  	s18 =	simm.s32 $0xC800  }
0x7fc: {  	[tilespmem:s18], [sflag:$0x2] =	stream.indirect_vreg.gather [hbm4b:s1+s3], $0x80, v3, vm0, $0xb8;
	[tilespmem:$0x11000] =	vst v63  }
0x7fd: {  	v3 =	vld [tilespmem:$0x6C0];
	_ =	sdelay $0x4  }
0x7fe: {  	v36 =	vshll.u32 v3, $0x1  }
0x7ff: {  	v3 =	vand.u32 $0x7, v3;
	v4 =	vand.u32 $0xFFFFFFF0, v36  }
0x800: {  	v3 =	vor.u32 v3, v4  }
0x801: {  	v4 =	vperm.xlane v3, v0;
	_ =	sdelay $0x1  }
0x802: {  	v3 =	vperm.xlane v3, v2;
	v4 =	vadd.s32 v1, v4;
	_ =	sdelay $0x1  }
0x803: {  	v3 =	vadd.s32 v1, v3;
	_ =	sdelay $0x1  }
0x804: {  	s22 =	simm.s32 $0xD000  }
0x805: {  	[tilespmem:s22], [sflag:$0x2] =	stream.indirect_vreg.gather [hbm4b:s1+s3], $0x80, v4, vm0, $0xb8;
	[tilespmem:$0x11000] =	vst v63  }
0x806: {  	s21 =	simm.s32 $0xD800  }
0x807: {  	[tilespmem:s21], [sflag:$0x2] =	stream.indirect_vreg.gather [hbm4b:s1+s3], $0x80, v3, vm0, $0xb8;
	[tilespmem:$0x11000] =	vst v63  }
0x808: {  	v3 =	vld [tilespmem:$0x6D0];
	_ =	sdelay $0x4  }
0x809: {  	v37 =	vshll.u32 v3, $0x1  }
0x80a: {  	v3 =	vand.u32 $0x7, v3;
	v4 =	vand.u32 $0xFFFFFFF0, v37  }
0x80b: {  	v3 =	vor.u32 v3, v4  }
0x80c: {  	v4 =	vperm.xlane v3, v0;
	_ =	sdelay $0x1  }
0x80d: {  	v3 =	vperm.xlane v3, v2;
	v4 =	vadd.s32 v1, v4;
	_ =	sdelay $0x1  }
0x80e: {  	v3 =	vadd.s32 v1, v3;
	_ =	sdelay $0x1  }
0x80f: {  	s9 =	simm.s32 $0xE000  }
0x810: {  	[tilespmem:s9], [sflag:$0x2] =	stream.indirect_vreg.gather [hbm4b:s1+s3], $0x80, v4, vm0, $0xb8;
	[tilespmem:$0x11000] =	vst v63  }
0x811: {  	s2 =	simm.s32 $0xE800  }
0x812: {  	[tilespmem:s2], [sflag:$0x2] =	stream.indirect_vreg.gather [hbm4b:s1+s3], $0x80, v3, vm0, $0xb8;
	[tilespmem:$0x11000] =	vst v63  }
0x813: {  	v3 =	vld [tilespmem:$0x6E0];
	_ =	sdelay $0x4  }
0x814: {  	v38 =	vshll.u32 v3, $0x1  }
0x815: {  	v3 =	vand.u32 $0x7, v3;
	v4 =	vand.u32 $0xFFFFFFF0, v38  }
0x816: {  	v3 =	vor.u32 v3, v4  }
0x817: {  	v4 =	vperm.xlane v3, v0;
	_ =	sdelay $0x1  }
0x818: {  	v3 =	vperm.xlane v3, v2;
	v4 =	vadd.s32 v1, v4;
	_ =	sdelay $0x1  }
0x819: {  	v3 =	vadd.s32 v1, v3;
	_ =	sdelay $0x1  }
0x81a: {  	s31 =	simm.s32 $0xF000  }
0x81b: {  	[tilespmem:s31], [sflag:$0x2] =	stream.indirect_vreg.gather [hbm4b:s1+s3], $0x80, v4, vm0, $0xb8;
	[tilespmem:$0x11000] =	vst v63  }
0x81c: {  	s10 =	simm.s32 $0xF800  }
0x81d: {  	[tilespmem:s10], [sflag:$0x2] =	stream.indirect_vreg.gather [hbm4b:s1+s3], $0x80, v3, vm0, $0xb8;
	[tilespmem:$0x11000] =	vst v63  }
0x81e: {  	v3 =	vld [tilespmem:$0x6F0];
	_ =	sdelay $0x4  }
0x81f: {  	v39 =	vshll.u32 v3, $0x1  }
0x820: {  	v3 =	vand.u32 $0x7, v3;
	v4 =	vand.u32 $0xFFFFFFF0, v39  }
0x821: {  	v3 =	vor.u32 v3, v4  }
0x822: {  	v4 =	vperm.xlane v3, v0;
	_ =	sdelay $0x1  }
0x823: {  	v3 =	vperm.xlane v3, v2;
	v4 =	vadd.s32 v1, v4;
	_ =	sdelay $0x1  }
0x824: {  	v3 =	vadd.s32 v1, v3;
	_ =	sdelay $0x1  }
0x825: {  	s4 =	simm.s32 $0x10000  }
0x826: {  	[tilespmem:s4], [sflag:$0x2] =	stream.indirect_vreg.gather [hbm4b:s1+s3], $0x80, v4, vm0, $0xb8;
	[tilespmem:$0x11000] =	vst v63  }
0x827: {  	s5 =	simm.s32 $0x10800  }
0x828: {  	[tilespmem:s5], [sflag:$0x2] =	stream.indirect_vreg.gather [hbm4b:s1+s3], $0x80, v3, vm0, $0xb8;
	[tilespmem:$0x11000] =	vst v63  }
0x829: {  	_ =	swait.ge [sflag:s11], $0x8000  }
0x82a: {  	[sflag:s11] =	ssyncset.done $0x0  }
0x82b: {  	s31 =	rddreg [dreg:$0x18];
	[sflag:s11] =	ssyncadd.s32 $0xFFFF8000  }
0x82c: {  	[hbm4b:s31+s12] =	stream.strided.scatter [tilespmem:s28], [sflag:$0x3], $0x8000, s13, s12, $0x38;
	[tilespmem:$0x11000] =	vst v63  }
0x82d: {  	_ =	swait.ge [sflag:s14], $0x8000  }
0x82e: {  	[sflag:s14] =	ssyncset.done $0x0  }
0x82f: {  	[sflag:s14] =	ssyncadd.s32 $0xFFFF8000  }
0x830: {  	v3 =	vld [tilespmem:$0xA80];
	_ =	sdelay $0x4  }
0x831: {  	v40 =	vshll.u32 v3, $0x1  }
0x832: {  	v3 =	vand.u32 $0x7, v3;
	v4 =	vand.u32 $0xFFFFFFF0, v40  }
0x833: {  	v3 =	vor.u32 v3, v4  }
0x834: {  	v4 =	vperm.xlane v3, v0;
	_ =	sdelay $0x1  }
0x835: {  	v3 =	vperm.xlane v3, v2;
	v4 =	vadd.s32 v1, v4;
	_ =	sdelay $0x1  }
0x836: {  	v3 =	vadd.s32 v1, v3;
	_ =	sdelay $0x2  }
0x837: {  	[tilespmem:s28], [sflag:$0x1] =	stream.indirect_vreg.gather [hbm4b:s1+s3], $0x80, v4, vm0, $0xb8;
	[tilespmem:$0x11000] =	vst v63  }
0x838: {  	s31 =	simm.s32 $0x1800  }
0x839: {  	[tilespmem:s31], [sflag:$0x1] =	stream.indirect_vreg.gather [hbm4b:s1+s3], $0x80, v3, vm0, $0xb8;
	[tilespmem:$0x11000] =	vst v63  }
0x83a: {  	v3 =	vld [tilespmem:$0xA90];
	_ =	sdelay $0x4  }
0x83b: {  	v41 =	vshll.u32 v3, $0x1  }
0x83c: {  	v3 =	vand.u32 $0x7, v3;
	v4 =	vand.u32 $0xFFFFFFF0, v41  }
0x83d: {  	v3 =	vor.u32 v3, v4  }
0x83e: {  	v4 =	vperm.xlane v3, v0;
	_ =	sdelay $0x1  }
0x83f: {  	v3 =	vperm.xlane v3, v2;
	v4 =	vadd.s32 v1, v4;
	_ =	sdelay $0x1  }
0x840: {  	v3 =	vadd.s32 v1, v3;
	_ =	sdelay $0x1  }
0x841: {  	s31 =	simm.s32 $0x2000  }
0x842: {  	[tilespmem:s31], [sflag:$0x1] =	stream.indirect_vreg.gather [hbm4b:s1+s3], $0x80, v4, vm0, $0xb8;
	[tilespmem:$0x11000] =	vst v63  }
0x843: {  	s31 =	simm.s32 $0x2800  }
0x844: {  	[tilespmem:s31], [sflag:$0x1] =	stream.indirect_vreg.gather [hbm4b:s1+s3], $0x80, v3, vm0, $0xb8;
	[tilespmem:$0x11000] =	vst v63  }
0x845: {  	v3 =	vld [tilespmem:$0xAA0];
	_ =	sdelay $0x4  }
0x846: {  	v42 =	vshll.u32 v3, $0x1  }
0x847: {  	v3 =	vand.u32 $0x7, v3;
	v4 =	vand.u32 $0xFFFFFFF0, v42  }
0x848: {  	v3 =	vor.u32 v3, v4  }
0x849: {  	v4 =	vperm.xlane v3, v0;
	_ =	sdelay $0x1  }
0x84a: {  	v3 =	vperm.xlane v3, v2;
	v4 =	vadd.s32 v1, v4;
	_ =	sdelay $0x1  }
0x84b: {  	v3 =	vadd.s32 v1, v3;
	_ =	sdelay $0x1  }
0x84c: {  	s31 =	simm.s32 $0x3000  }
0x84d: {  	[tilespmem:s31], [sflag:$0x1] =	stream.indirect_vreg.gather [hbm4b:s1+s3], $0x80, v4, vm0, $0xb8;
	[tilespmem:$0x11000] =	vst v63  }
0x84e: {  	s20 =	simm.s32 $0x3800  }
0x84f: {  	[tilespmem:s20], [sflag:$0x1] =	stream.indirect_vreg.gather [hbm4b:s1+s3], $0x80, v3, vm0, $0xb8;
	[tilespmem:$0x11000] =	vst v63  }
0x850: {  	v3 =	vld [tilespmem:$0xAB0];
	_ =	sdelay $0x4  }
0x851: {  	v43 =	vshll.u32 v3, $0x1  }
0x852: {  	v3 =	vand.u32 $0x7, v3;
	v4 =	vand.u32 $0xFFFFFFF0, v43  }
0x853: {  	v3 =	vor.u32 v3, v4  }
0x854: {  	v4 =	vperm.xlane v3, v0;
	_ =	sdelay $0x1  }
0x855: {  	v3 =	vperm.xlane v3, v2;
	v4 =	vadd.s32 v1, v4;
	_ =	sdelay $0x1  }
0x856: {  	v3 =	vadd.s32 v1, v3;
	_ =	sdelay $0x2  }
0x857: {  	[tilespmem:s13], [sflag:$0x1] =	stream.indirect_vreg.gather [hbm4b:s1+s3], $0x80, v4, vm0, $0xb8;
	[tilespmem:$0x11000] =	vst v63  }
0x858: {  	s8 =	simm.s32 $0x4800  }
0x859: {  	[tilespmem:s8], [sflag:$0x1] =	stream.indirect_vreg.gather [hbm4b:s1+s3], $0x80, v3, vm0, $0xb8;
	[tilespmem:$0x11000] =	vst v63  }
0x85a: {  	v3 =	vld [tilespmem:$0xAC0];
	_ =	sdelay $0x4  }
0x85b: {  	v44 =	vshll.u32 v3, $0x1  }
0x85c: {  	v3 =	vand.u32 $0x7, v3;
	v4 =	vand.u32 $0xFFFFFFF0, v44  }
0x85d: {  	v3 =	vor.u32 v3, v4  }
0x85e: {  	v4 =	vperm.xlane v3, v0;
	_ =	sdelay $0x1  }
0x85f: {  	v3 =	vperm.xlane v3, v2;
	v4 =	vadd.s32 v1, v4;
	_ =	sdelay $0x1  }
0x860: {  	v3 =	vadd.s32 v1, v3;
	_ =	sdelay $0x1  }
0x861: {  	s31 =	simm.s32 $0x5000  }
0x862: {  	[tilespmem:s31], [sflag:$0x1] =	stream.indirect_vreg.gather [hbm4b:s1+s3], $0x80, v4, vm0, $0xb8;
	[tilespmem:$0x11000] =	vst v63  }
0x863: {  	s6 =	simm.s32 $0x5800  }
0x864: {  	[tilespmem:s6], [sflag:$0x1] =	stream.indirect_vreg.gather [hbm4b:s1+s3], $0x80, v3, vm0, $0xb8;
	[tilespmem:$0x11000] =	vst v63  }
0x865: {  	v3 =	vld [tilespmem:$0xAD0];
	_ =	sdelay $0x4  }
0x866: {  	v45 =	vshll.u32 v3, $0x1  }
0x867: {  	v3 =	vand.u32 $0x7, v3;
	v4 =	vand.u32 $0xFFFFFFF0, v45  }
0x868: {  	v3 =	vor.u32 v3, v4  }
0x869: {  	v4 =	vperm.xlane v3, v0;
	_ =	sdelay $0x1  }
0x86a: {  	v3 =	vperm.xlane v3, v2;
	v4 =	vadd.s32 v1, v4;
	_ =	sdelay $0x1  }
0x86b: {  	v3 =	vadd.s32 v1, v3;
	_ =	sdelay $0x1  }
0x86c: {  	s31 =	simm.s32 $0x6000  }
0x86d: {  	[tilespmem:s31], [sflag:$0x1] =	stream.indirect_vreg.gather [hbm4b:s1+s3], $0x80, v4, vm0, $0xb8;
	[tilespmem:$0x11000] =	vst v63  }
0x86e: {  	s31 =	simm.s32 $0x6800  }
0x86f: {  	[tilespmem:s31], [sflag:$0x1] =	stream.indirect_vreg.gather [hbm4b:s1+s3], $0x80, v3, vm0, $0xb8;
	[tilespmem:$0x11000] =	vst v63  }
0x870: {  	v3 =	vld [tilespmem:$0xAE0];
	_ =	sdelay $0x4  }
0x871: {  	v46 =	vshll.u32 v3, $0x1  }
0x872: {  	v3 =	vand.u32 $0x7, v3;
	v4 =	vand.u32 $0xFFFFFFF0, v46  }
0x873: {  	v3 =	vor.u32 v3, v4  }
0x874: {  	v4 =	vperm.xlane v3, v0;
	_ =	sdelay $0x1  }
0x875: {  	v3 =	vperm.xlane v3, v2;
	v4 =	vadd.s32 v1, v4;
	_ =	sdelay $0x1  }
0x876: {  	v3 =	vadd.s32 v1, v3;
	_ =	sdelay $0x1  }
0x877: {  	s17 =	simm.s32 $0x7000  }
0x878: {  	[tilespmem:s17], [sflag:$0x1] =	stream.indirect_vreg.gather [hbm4b:s1+s3], $0x80, v4, vm0, $0xb8;
	[tilespmem:$0x11000] =	vst v63  }
0x879: {  	s17 =	simm.s32 $0x7800  }
0x87a: {  	[tilespmem:s17], [sflag:$0x1] =	stream.indirect_vreg.gather [hbm4b:s1+s3], $0x80, v3, vm0, $0xb8;
	[tilespmem:$0x11000] =	vst v63  }
0x87b: {  	v3 =	vld [tilespmem:$0xAF0];
	_ =	sdelay $0x4  }
0x87c: {  	v47 =	vshll.u32 v3, $0x1  }
0x87d: {  	v3 =	vand.u32 $0x7, v3;
	v4 =	vand.u32 $0xFFFFFFF0, v47  }
0x87e: {  	v3 =	vor.u32 v3, v4  }
0x87f: {  	v4 =	vperm.xlane v3, v0;
	_ =	sdelay $0x1  }
0x880: {  	v3 =	vperm.xlane v3, v2;
	v4 =	vadd.s32 v1, v4;
	_ =	sdelay $0x1  }
0x881: {  	v3 =	vadd.s32 v1, v3;
	_ =	sdelay $0x1  }
0x882: {  	s17 =	simm.s32 $0x8000  }
0x883: {  	[tilespmem:s17], [sflag:$0x1] =	stream.indirect_vreg.gather [hbm4b:s1+s3], $0x80, v4, vm0, $0xb8;
	[tilespmem:$0x11000] =	vst v63  }
0x884: {  	s7 =	simm.s32 $0x8800  }
0x885: {  	[tilespmem:s7], [sflag:$0x1] =	stream.indirect_vreg.gather [hbm4b:s1+s3], $0x80, v3, vm0, $0xb8;
	[tilespmem:$0x11000] =	vst v63  }
0x886: {  	_ =	swait.ge [sflag:s15], $0x8000  }
0x887: {  	[sflag:s15] =	ssyncset.done $0x0  }
0x888: {  	s17 =	rddreg [dreg:$0x19];
	[sflag:s15] =	ssyncadd.s32 $0xFFFF8000  }
0x889: {  	[hbm4b:s17+s12] =	stream.strided.scatter [tilespmem:s23], [sflag:$0x4], $0x8000, s13, s12, $0x38;
	[tilespmem:$0x11000] =	vst v63  }
0x88a: {  	_ =	swait.ge [sflag:s16], $0x8000  }
0x88b: {  	[sflag:s16] =	ssyncset.done $0x0  }
0x88c: {  	[sflag:s16] =	ssyncadd.s32 $0xFFFF8000  }
0x88d: {  	v3 =	vld [tilespmem:$0xE80];
	_ =	sdelay $0x4  }
0x88e: {  	v48 =	vshll.u32 v3, $0x1  }
0x88f: {  	v3 =	vand.u32 $0x7, v3;
	v4 =	vand.u32 $0xFFFFFFF0, v48  }
0x890: {  	v3 =	vor.u32 v3, v4  }
0x891: {  	v4 =	vperm.xlane v3, v0;
	_ =	sdelay $0x1  }
0x892: {  	v3 =	vperm.xlane v3, v2;
	v4 =	vadd.s32 v1, v4;
	_ =	sdelay $0x1  }
0x893: {  	v3 =	vadd.s32 v1, v3;
	_ =	sdelay $0x2  }
0x894: {  	[tilespmem:s23], [sflag:$0x2] =	stream.indirect_vreg.gather [hbm4b:s1+s3], $0x80, v4, vm0, $0xb8;
	[tilespmem:$0x11000] =	vst v63  }
0x895: {  	s29 =	simm.s32 $0x9800  }
0x896: {  	[tilespmem:s29], [sflag:$0x2] =	stream.indirect_vreg.gather [hbm4b:s1+s3], $0x80, v3, vm0, $0xb8;
	[tilespmem:$0x11000] =	vst v63  }
0x897: {  	v3 =	vld [tilespmem:$0xE90];
	_ =	sdelay $0x4  }
0x898: {  	v49 =	vshll.u32 v3, $0x1  }
0x899: {  	v3 =	vand.u32 $0x7, v3;
	v4 =	vand.u32 $0xFFFFFFF0, v49  }
0x89a: {  	v3 =	vor.u32 v3, v4  }
0x89b: {  	v4 =	vperm.xlane v3, v0;
	_ =	sdelay $0x1  }
0x89c: {  	v3 =	vperm.xlane v3, v2;
	v4 =	vadd.s32 v1, v4;
	_ =	sdelay $0x1  }
0x89d: {  	v3 =	vadd.s32 v1, v3;
	_ =	sdelay $0x1  }
0x89e: {  	s30 =	simm.s32 $0xA000  }
0x89f: {  	[tilespmem:s30], [sflag:$0x2] =	stream.indirect_vreg.gather [hbm4b:s1+s3], $0x80, v4, vm0, $0xb8;
	[tilespmem:$0x11000] =	vst v63  }
0x8a0: {  	s26 =	simm.s32 $0xA800  }
0x8a1: {  	[tilespmem:s26], [sflag:$0x2] =	stream.indirect_vreg.gather [hbm4b:s1+s3], $0x80, v3, vm0, $0xb8;
	[tilespmem:$0x11000] =	vst v63  }
0x8a2: {  	v3 =	vld [tilespmem:$0xEA0];
	_ =	sdelay $0x4  }
0x8a3: {  	v50 =	vshll.u32 v3, $0x1  }
0x8a4: {  	v3 =	vand.u32 $0x7, v3;
	v4 =	vand.u32 $0xFFFFFFF0, v50  }
0x8a5: {  	v3 =	vor.u32 v3, v4  }
0x8a6: {  	v4 =	vperm.xlane v3, v0;
	_ =	sdelay $0x1  }
0x8a7: {  	v3 =	vperm.xlane v3, v2;
	v4 =	vadd.s32 v1, v4;
	_ =	sdelay $0x1  }
0x8a8: {  	v3 =	vadd.s32 v1, v3;
	_ =	sdelay $0x1  }
0x8a9: {  	s24 =	simm.s32 $0xB000  }
0x8aa: {  	[tilespmem:s24], [sflag:$0x2] =	stream.indirect_vreg.gather [hbm4b:s1+s3], $0x80, v4, vm0, $0xb8;
	[tilespmem:$0x11000] =	vst v63  }
0x8ab: {  	s0 =	simm.s32 $0xB800  }
0x8ac: {  	[tilespmem:s0], [sflag:$0x2] =	stream.indirect_vreg.gather [hbm4b:s1+s3], $0x80, v3, vm0, $0xb8;
	[tilespmem:$0x11000] =	vst v63  }
0x8ad: {  	v3 =	vld [tilespmem:$0xEB0];
	_ =	sdelay $0x4  }
0x8ae: {  	v51 =	vshll.u32 v3, $0x1  }
0x8af: {  	v3 =	vand.u32 $0x7, v3;
	v4 =	vand.u32 $0xFFFFFFF0, v51  }
0x8b0: {  	v3 =	vor.u32 v3, v4  }
0x8b1: {  	v4 =	vperm.xlane v3, v0;
	_ =	sdelay $0x1  }
0x8b2: {  	v3 =	vperm.xlane v3, v2;
	v4 =	vadd.s32 v1, v4;
	_ =	sdelay $0x1  }
0x8b3: {  	v3 =	vadd.s32 v1, v3;
	_ =	sdelay $0x1  }
0x8b4: {  	s25 =	simm.s32 $0xC000  }
0x8b5: {  	[tilespmem:s25], [sflag:$0x2] =	stream.indirect_vreg.gather [hbm4b:s1+s3], $0x80, v4, vm0, $0xb8;
	[tilespmem:$0x11000] =	vst v63  }
0x8b6: {  	s19 =	simm.s32 $0xC800  }
0x8b7: {  	[tilespmem:s19], [sflag:$0x2] =	stream.indirect_vreg.gather [hbm4b:s1+s3], $0x80, v3, vm0, $0xb8;
	[tilespmem:$0x11000] =	vst v63  }
0x8b8: {  	v3 =	vld [tilespmem:$0xEC0];
	_ =	sdelay $0x4  }
0x8b9: {  	v52 =	vshll.u32 v3, $0x1  }
0x8ba: {  	v3 =	vand.u32 $0x7, v3;
	v4 =	vand.u32 $0xFFFFFFF0, v52  }
0x8bb: {  	v3 =	vor.u32 v3, v4  }
0x8bc: {  	v4 =	vperm.xlane v3, v0;
	_ =	sdelay $0x1  }
0x8bd: {  	v3 =	vperm.xlane v3, v2;
	v4 =	vadd.s32 v1, v4;
	_ =	sdelay $0x1  }
0x8be: {  	v3 =	vadd.s32 v1, v3;
	_ =	sdelay $0x1  }
0x8bf: {  	s18 =	simm.s32 $0xD000  }
0x8c0: {  	[tilespmem:s18], [sflag:$0x2] =	stream.indirect_vreg.gather [hbm4b:s1+s3], $0x80, v4, vm0, $0xb8;
	[tilespmem:$0x11000] =	vst v63  }
0x8c1: {  	s22 =	simm.s32 $0xD800  }
0x8c2: {  	[tilespmem:s22], [sflag:$0x2] =	stream.indirect_vreg.gather [hbm4b:s1+s3], $0x80, v3, vm0, $0xb8;
	[tilespmem:$0x11000] =	vst v63  }
0x8c3: {  	v3 =	vld [tilespmem:$0xED0];
	_ =	sdelay $0x4  }
0x8c4: {  	v53 =	vshll.u32 v3, $0x1  }
0x8c5: {  	v3 =	vand.u32 $0x7, v3;
	v4 =	vand.u32 $0xFFFFFFF0, v53  }
0x8c6: {  	v3 =	vor.u32 v3, v4  }
0x8c7: {  	v4 =	vperm.xlane v3, v0;
	_ =	sdelay $0x1  }
0x8c8: {  	v3 =	vperm.xlane v3, v2;
	v4 =	vadd.s32 v1, v4;
	_ =	sdelay $0x1  }
0x8c9: {  	v3 =	vadd.s32 v1, v3;
	_ =	sdelay $0x1  }
0x8ca: {  	s9 =	simm.s32 $0xE000  }
0x8cb: {  	[tilespmem:s9], [sflag:$0x2] =	stream.indirect_vreg.gather [hbm4b:s1+s3], $0x80, v4, vm0, $0xb8;
	[tilespmem:$0x11000] =	vst v63  }
0x8cc: {  	s2 =	simm.s32 $0xE800  }
0x8cd: {  	[tilespmem:s2], [sflag:$0x2] =	stream.indirect_vreg.gather [hbm4b:s1+s3], $0x80, v3, vm0, $0xb8;
	[tilespmem:$0x11000] =	vst v63  }
0x8ce: {  	v3 =	vld [tilespmem:$0xEE0];
	_ =	sdelay $0x4  }
0x8cf: {  	v54 =	vshll.u32 v3, $0x1  }
0x8d0: {  	v3 =	vand.u32 $0x7, v3;
	v4 =	vand.u32 $0xFFFFFFF0, v54  }
0x8d1: {  	v3 =	vor.u32 v3, v4  }
0x8d2: {  	v4 =	vperm.xlane v3, v0;
	_ =	sdelay $0x1  }
0x8d3: {  	v3 =	vperm.xlane v3, v2;
	v4 =	vadd.s32 v1, v4;
	_ =	sdelay $0x1  }
0x8d4: {  	v3 =	vadd.s32 v1, v3;
	_ =	sdelay $0x1  }
0x8d5: {  	s21 =	simm.s32 $0xF000  }
0x8d6: {  	[tilespmem:s21], [sflag:$0x2] =	stream.indirect_vreg.gather [hbm4b:s1+s3], $0x80, v4, vm0, $0xb8;
	[tilespmem:$0x11000] =	vst v63  }
0x8d7: {  	s10 =	simm.s32 $0xF800  }
0x8d8: {  	[tilespmem:s10], [sflag:$0x2] =	stream.indirect_vreg.gather [hbm4b:s1+s3], $0x80, v3, vm0, $0xb8;
	[tilespmem:$0x11000] =	vst v63  }
0x8d9: {  	v3 =	vld [tilespmem:$0xEF0];
	_ =	sdelay $0x4  }
0x8da: {  	v55 =	vshll.u32 v3, $0x1  }
0x8db: {  	v3 =	vand.u32 $0x7, v3;
	v4 =	vand.u32 $0xFFFFFFF0, v55  }
0x8dc: {  	v3 =	vor.u32 v3, v4  }
0x8dd: {  	v4 =	vperm.xlane v3, v0;
	_ =	sdelay $0x1  }
0x8de: {  	v3 =	vperm.xlane v3, v2;
	v4 =	vadd.s32 v1, v4;
	_ =	sdelay $0x1  }
0x8df: {  	v3 =	vadd.s32 v1, v3;
	_ =	sdelay $0x1  }
0x8e0: {  	s4 =	simm.s32 $0x10000  }
0x8e1: {  	[tilespmem:s4], [sflag:$0x2] =	stream.indirect_vreg.gather [hbm4b:s1+s3], $0x80, v4, vm0, $0xb8;
	[tilespmem:$0x11000] =	vst v63  }
0x8e2: {  	s5 =	simm.s32 $0x10800  }
0x8e3: {  	[tilespmem:s5], [sflag:$0x2] =	stream.indirect_vreg.gather [hbm4b:s1+s3], $0x80, v3, vm0, $0xb8;
	[tilespmem:$0x11000] =	vst v63  }
0x8e4: {  	_ =	swait.ge [sflag:s11], $0x8000  }
0x8e5: {  	[sflag:s11] =	ssyncset.done $0x0  }
0x8e6: {  	s22 =	rddreg [dreg:$0x1a];
	[sflag:s11] =	ssyncadd.s32 $0xFFFF8000  }
0x8e7: {  	[hbm4b:s22+s12] =	stream.strided.scatter [tilespmem:s28], [sflag:$0x3], $0x8000, s13, s12, $0x38;
	[tilespmem:$0x11000] =	vst v63  }
0x8e8: {  	_ =	swait.ge [sflag:s14], $0x8000  }
0x8e9: {  	[sflag:s14] =	ssyncset.done $0x0  }
0x8ea: {  	[sflag:s14] =	ssyncadd.s32 $0xFFFF8000  }
0x8eb: {  	v3 =	vld [tilespmem:$0x300];
	_ =	sdelay $0x4  }
0x8ec: {  	v56 =	vshll.u32 v3, $0x1  }
0x8ed: {  	v3 =	vand.u32 $0x7, v3;
	v4 =	vand.u32 $0xFFFFFFF0, v56  }
0x8ee: {  	v3 =	vor.u32 v3, v4  }
0x8ef: {  	v4 =	vperm.xlane v3, v0;
	_ =	sdelay $0x1  }
0x8f0: {  	v3 =	vperm.xlane v3, v2;
	v4 =	vadd.s32 v1, v4;
	_ =	sdelay $0x1  }
0x8f1: {  	v3 =	vadd.s32 v1, v3;
	_ =	sdelay $0x2  }
0x8f2: {  	[tilespmem:s28], [sflag:$0x1] =	stream.indirect_vreg.gather [hbm4b:s1+s3], $0x80, v4, vm0, $0xb8;
	[tilespmem:$0x11000] =	vst v63  }
0x8f3: {  	s21 =	simm.s32 $0x1800  }
0x8f4: {  	[tilespmem:s21], [sflag:$0x1] =	stream.indirect_vreg.gather [hbm4b:s1+s3], $0x80, v3, vm0, $0xb8;
	[tilespmem:$0x11000] =	vst v63  }
0x8f5: {  	v3 =	vld [tilespmem:$0x310];
	_ =	sdelay $0x4  }
0x8f6: {  	v57 =	vshll.u32 v3, $0x1  }
0x8f7: {  	v3 =	vand.u32 $0x7, v3;
	v4 =	vand.u32 $0xFFFFFFF0, v57  }
0x8f8: {  	v3 =	vor.u32 v3, v4  }
0x8f9: {  	v4 =	vperm.xlane v3, v0;
	_ =	sdelay $0x1  }
0x8fa: {  	v3 =	vperm.xlane v3, v2;
	v4 =	vadd.s32 v1, v4;
	_ =	sdelay $0x1  }
0x8fb: {  	v3 =	vadd.s32 v1, v3;
	_ =	sdelay $0x1  }
0x8fc: {  	s22 =	simm.s32 $0x2000  }
0x8fd: {  	[tilespmem:s22], [sflag:$0x1] =	stream.indirect_vreg.gather [hbm4b:s1+s3], $0x80, v4, vm0, $0xb8;
	[tilespmem:$0x11000] =	vst v63  }
0x8fe: {  	s21 =	simm.s32 $0x2800  }
0x8ff: {  	[tilespmem:s21], [sflag:$0x1] =	stream.indirect_vreg.gather [hbm4b:s1+s3], $0x80, v3, vm0, $0xb8;
	[tilespmem:$0x11000] =	vst v63  }
0x900: {  	v3 =	vld [tilespmem:$0x320];
	_ =	sdelay $0x4  }
0x901: {  	v58 =	vshll.u32 v3, $0x1  }
0x902: {  	v3 =	vand.u32 $0x7, v3;
	v4 =	vand.u32 $0xFFFFFFF0, v58  }
0x903: {  	v3 =	vor.u32 v3, v4  }
0x904: {  	v4 =	vperm.xlane v3, v0;
	_ =	sdelay $0x1  }
0x905: {  	v3 =	vperm.xlane v3, v2;
	v4 =	vadd.s32 v1, v4;
	_ =	sdelay $0x1  }
0x906: {  	v3 =	vadd.s32 v1, v3;
	_ =	sdelay $0x1  }
0x907: {  	s22 =	simm.s32 $0x3000  }
0x908: {  	[tilespmem:s22], [sflag:$0x1] =	stream.indirect_vreg.gather [hbm4b:s1+s3], $0x80, v4, vm0, $0xb8;
	[tilespmem:$0x11000] =	vst v63  }
0x909: {  	s20 =	simm.s32 $0x3800  }
0x90a: {  	[tilespmem:s20], [sflag:$0x1] =	stream.indirect_vreg.gather [hbm4b:s1+s3], $0x80, v3, vm0, $0xb8;
	[tilespmem:$0x11000] =	vst v63  }
0x90b: {  	v3 =	vld [tilespmem:$0x330];
	_ =	sdelay $0x4  }
0x90c: {  	v59 =	vshll.u32 v3, $0x1  }
0x90d: {  	v3 =	vand.u32 $0x7, v3;
	v4 =	vand.u32 $0xFFFFFFF0, v59  }
0x90e: {  	v3 =	vor.u32 v3, v4  }
0x90f: {  	v4 =	vperm.xlane v3, v0;
	_ =	sdelay $0x1  }
0x910: {  	v3 =	vperm.xlane v3, v2;
	v4 =	vadd.s32 v1, v4;
	_ =	sdelay $0x1  }
0x911: {  	v3 =	vadd.s32 v1, v3;
	_ =	sdelay $0x2  }
0x912: {  	[tilespmem:s13], [sflag:$0x1] =	stream.indirect_vreg.gather [hbm4b:s1+s3], $0x80, v4, vm0, $0xb8;
	[tilespmem:$0x11000] =	vst v63  }
0x913: {  	s8 =	simm.s32 $0x4800  }
0x914: {  	[tilespmem:s8], [sflag:$0x1] =	stream.indirect_vreg.gather [hbm4b:s1+s3], $0x80, v3, vm0, $0xb8;
	[tilespmem:$0x11000] =	vst v63  }
0x915: {  	v3 =	vld [tilespmem:$0x340];
	_ =	sdelay $0x4  }
0x916: {  	v60 =	vshll.u32 v3, $0x1  }
0x917: {  	v3 =	vand.u32 $0x7, v3;
	v4 =	vand.u32 $0xFFFFFFF0, v60  }
0x918: {  	v3 =	vor.u32 v3, v4  }
0x919: {  	v4 =	vperm.xlane v3, v0;
	_ =	sdelay $0x1  }
0x91a: {  	v3 =	vperm.xlane v3, v2;
	v4 =	vadd.s32 v1, v4;
	_ =	sdelay $0x1  }
0x91b: {  	v3 =	vadd.s32 v1, v3;
	_ =	sdelay $0x1  }
0x91c: {  	s20 =	simm.s32 $0x5000  }
0x91d: {  	[tilespmem:s20], [sflag:$0x1] =	stream.indirect_vreg.gather [hbm4b:s1+s3], $0x80, v4, vm0, $0xb8;
	[tilespmem:$0x11000] =	vst v63  }
0x91e: {  	s6 =	simm.s32 $0x5800  }
0x91f: {  	[tilespmem:s6], [sflag:$0x1] =	stream.indirect_vreg.gather [hbm4b:s1+s3], $0x80, v3, vm0, $0xb8;
	[tilespmem:$0x11000] =	vst v63  }
0x920: {  	v3 =	vld [tilespmem:$0x350];
	_ =	sdelay $0x4  }
0x921: {  	v61 =	vshll.u32 v3, $0x1  }
0x922: {  	v3 =	vand.u32 $0x7, v3;
	v4 =	vand.u32 $0xFFFFFFF0, v61  }
0x923: {  	v3 =	vor.u32 v3, v4  }
0x924: {  	v4 =	vperm.xlane v3, v0;
	_ =	sdelay $0x1  }
0x925: {  	v3 =	vperm.xlane v3, v2;
	v4 =	vadd.s32 v1, v4;
	_ =	sdelay $0x1  }
0x926: {  	v3 =	vadd.s32 v1, v3;
	_ =	sdelay $0x1  }
0x927: {  	s21 =	simm.s32 $0x6000  }
0x928: {  	[tilespmem:s21], [sflag:$0x1] =	stream.indirect_vreg.gather [hbm4b:s1+s3], $0x80, v4, vm0, $0xb8;
	[tilespmem:$0x11000] =	vst v63  }
0x929: {  	s31 =	simm.s32 $0x6800  }
0x92a: {  	[tilespmem:s31], [sflag:$0x1] =	stream.indirect_vreg.gather [hbm4b:s1+s3], $0x80, v3, vm0, $0xb8;
	[tilespmem:$0x11000] =	vst v63  }
0x92b: {  	v3 =	vld [tilespmem:$0x360];
	_ =	sdelay $0x4  }
0x92c: {  	v62 =	vshll.u32 v3, $0x1  }
0x92d: {  	v3 =	vand.u32 $0x7, v3;
	v4 =	vand.u32 $0xFFFFFFF0, v62  }
0x92e: {  	v3 =	vor.u32 v3, v4  }
0x92f: {  	v4 =	vperm.xlane v3, v0;
	_ =	sdelay $0x1  }
0x930: {  	v3 =	vperm.xlane v3, v2;
	v4 =	vadd.s32 v1, v4;
	_ =	sdelay $0x1  }
0x931: {  	v3 =	vadd.s32 v1, v3;
	_ =	sdelay $0x1  }
0x932: {  	s20 =	simm.s32 $0x7000  }
0x933: {  	[tilespmem:s20], [sflag:$0x1] =	stream.indirect_vreg.gather [hbm4b:s1+s3], $0x80, v4, vm0, $0xb8;
	[tilespmem:$0x11000] =	vst v63  }
0x934: {  	s21 =	simm.s32 $0x7800  }
0x935: {  	[tilespmem:s21], [sflag:$0x1] =	stream.indirect_vreg.gather [hbm4b:s1+s3], $0x80, v3, vm0, $0xb8;
	[tilespmem:$0x11000] =	vst v63  }
0x936: {  	v3 =	vld [tilespmem:$0x370];
	_ =	sdelay $0x4  }
0x937: {  	v63 =	vshll.u32 v3, $0x1  }
0x938: {  	v3 =	vand.u32 $0x7, v3;
	v4 =	vand.u32 $0xFFFFFFF0, v63  }
0x939: {  	v3 =	vor.u32 v3, v4  }
0x93a: {  	v4 =	vperm.xlane v3, v0;
	_ =	sdelay $0x1  }
0x93b: {  	v3 =	vperm.xlane v3, v2;
	v4 =	vadd.s32 v1, v4;
	_ =	sdelay $0x1  }
0x93c: {  	v3 =	vadd.s32 v1, v3;
	_ =	sdelay $0x1  }
0x93d: {  	s20 =	simm.s32 $0x8000  }
0x93e: {  	[tilespmem:s20], [sflag:$0x1] =	stream.indirect_vreg.gather [hbm4b:s1+s3], $0x80, v4, vm0, $0xb8;
	[tilespmem:$0x11000] =	vst v63  }
0x93f: {  	s7 =	simm.s32 $0x8800  }
0x940: {  	[tilespmem:s7], [sflag:$0x1] =	stream.indirect_vreg.gather [hbm4b:s1+s3], $0x80, v3, vm0, $0xb8;
	[tilespmem:$0x11000] =	vst v63  }
0x941: {  	_ =	swait.ge [sflag:s15], $0x8000  }
0x942: {  	[sflag:s15] =	ssyncset.done $0x0  }
0x943: {  	s21 =	rddreg [dreg:$0x1b];
	[sflag:s15] =	ssyncadd.s32 $0xFFFF8000  }
0x944: {  	[hbm4b:s21+s12] =	stream.strided.scatter [tilespmem:s23], [sflag:$0x4], $0x8000, s13, s12, $0x38;
	[tilespmem:$0x11000] =	vst v63  }
0x945: {  	_ =	swait.ge [sflag:s16], $0x8000  }
0x946: {  	[sflag:s16] =	ssyncset.done $0x0  }
0x947: {  	[sflag:s16] =	ssyncadd.s32 $0xFFFF8000  }
0x948: {  	v3 =	vld [tilespmem:$0x700];
	_ =	sdelay $0x4  }
0x949: {  	v8 =	vshll.u32 v3, $0x1  }
0x94a: {  	v3 =	vand.u32 $0x7, v3;
	v4 =	vand.u32 $0xFFFFFFF0, v8  }
0x94b: {  	v3 =	vor.u32 v3, v4  }
0x94c: {  	v4 =	vperm.xlane v3, v0;
	_ =	sdelay $0x1  }
0x94d: {  	v3 =	vperm.xlane v3, v2;
	v4 =	vadd.s32 v1, v4;
	_ =	sdelay $0x1  }
0x94e: {  	v3 =	vadd.s32 v1, v3;
	_ =	sdelay $0x2  }
0x94f: {  	[tilespmem:s23], [sflag:$0x2] =	stream.indirect_vreg.gather [hbm4b:s1+s3], $0x80, v4, vm0, $0xb8;
	[tilespmem:$0x11000] =	vst v63  }
0x950: {  	s29 =	simm.s32 $0x9800  }
0x951: {  	[tilespmem:s29], [sflag:$0x2] =	stream.indirect_vreg.gather [hbm4b:s1+s3], $0x80, v3, vm0, $0xb8;
	[tilespmem:$0x11000] =	vst v63  }
0x952: {  	v3 =	vld [tilespmem:$0x710];
	_ =	sdelay $0x4  }
0x953: {  	v9 =	vshll.u32 v3, $0x1  }
0x954: {  	v3 =	vand.u32 $0x7, v3;
	v4 =	vand.u32 $0xFFFFFFF0, v9  }
0x955: {  	v3 =	vor.u32 v3, v4  }
0x956: {  	v4 =	vperm.xlane v3, v0;
	_ =	sdelay $0x1  }
0x957: {  	v3 =	vperm.xlane v3, v2;
	v4 =	vadd.s32 v1, v4;
	_ =	sdelay $0x1  }
0x958: {  	v3 =	vadd.s32 v1, v3;
	_ =	sdelay $0x1  }
0x959: {  	s20 =	simm.s32 $0xA000  }
0x95a: {  	[tilespmem:s20], [sflag:$0x2] =	stream.indirect_vreg.gather [hbm4b:s1+s3], $0x80, v4, vm0, $0xb8;
	[tilespmem:$0x11000] =	vst v63  }
0x95b: {  	s29 =	simm.s32 $0xA800  }
0x95c: {  	[tilespmem:s29], [sflag:$0x2] =	stream.indirect_vreg.gather [hbm4b:s1+s3], $0x80, v3, vm0, $0xb8;
	[tilespmem:$0x11000] =	vst v63  }
0x95d: {  	v3 =	vld [tilespmem:$0x720];
	_ =	sdelay $0x4  }
0x95e: {  	v10 =	vshll.u32 v3, $0x1  }
0x95f: {  	v3 =	vand.u32 $0x7, v3;
	v4 =	vand.u32 $0xFFFFFFF0, v10  }
0x960: {  	v3 =	vor.u32 v3, v4  }
0x961: {  	v4 =	vperm.xlane v3, v0;
	_ =	sdelay $0x1  }
0x962: {  	v3 =	vperm.xlane v3, v2;
	v4 =	vadd.s32 v1, v4;
	_ =	sdelay $0x1  }
0x963: {  	v3 =	vadd.s32 v1, v3;
	_ =	sdelay $0x1  }
0x964: {  	s24 =	simm.s32 $0xB000  }
0x965: {  	[tilespmem:s24], [sflag:$0x2] =	stream.indirect_vreg.gather [hbm4b:s1+s3], $0x80, v4, vm0, $0xb8;
	[tilespmem:$0x11000] =	vst v63  }
0x966: {  	s30 =	simm.s32 $0xB800  }
0x967: {  	[tilespmem:s30], [sflag:$0x2] =	stream.indirect_vreg.gather [hbm4b:s1+s3], $0x80, v3, vm0, $0xb8;
	[tilespmem:$0x11000] =	vst v63  }
0x968: {  	v3 =	vld [tilespmem:$0x730];
	_ =	sdelay $0x4  }
0x969: {  	v11 =	vshll.u32 v3, $0x1  }
0x96a: {  	v3 =	vand.u32 $0x7, v3;
	v4 =	vand.u32 $0xFFFFFFF0, v11  }
0x96b: {  	v3 =	vor.u32 v3, v4  }
0x96c: {  	v4 =	vperm.xlane v3, v0;
	_ =	sdelay $0x1  }
0x96d: {  	v3 =	vperm.xlane v3, v2;
	v4 =	vadd.s32 v1, v4;
	_ =	sdelay $0x1  }
0x96e: {  	v3 =	vadd.s32 v1, v3;
	_ =	sdelay $0x1  }
0x96f: {  	s25 =	simm.s32 $0xC000  }
0x970: {  	[tilespmem:s25], [sflag:$0x2] =	stream.indirect_vreg.gather [hbm4b:s1+s3], $0x80, v4, vm0, $0xb8;
	[tilespmem:$0x11000] =	vst v63  }
0x971: {  	s0 =	simm.s32 $0xC800  }
0x972: {  	[tilespmem:s0], [sflag:$0x2] =	stream.indirect_vreg.gather [hbm4b:s1+s3], $0x80, v3, vm0, $0xb8;
	[tilespmem:$0x11000] =	vst v63  }
0x973: {  	v3 =	vld [tilespmem:$0x740];
	_ =	sdelay $0x4  }
0x974: {  	v12 =	vshll.u32 v3, $0x1  }
0x975: {  	v3 =	vand.u32 $0x7, v3;
	v4 =	vand.u32 $0xFFFFFFF0, v12  }
0x976: {  	v3 =	vor.u32 v3, v4  }
0x977: {  	v4 =	vperm.xlane v3, v0;
	_ =	sdelay $0x1  }
0x978: {  	v3 =	vperm.xlane v3, v2;
	v4 =	vadd.s32 v1, v4;
	_ =	sdelay $0x1  }
0x979: {  	v3 =	vadd.s32 v1, v3;
	_ =	sdelay $0x1  }
0x97a: {  	s18 =	simm.s32 $0xD000  }
0x97b: {  	[tilespmem:s18], [sflag:$0x2] =	stream.indirect_vreg.gather [hbm4b:s1+s3], $0x80, v4, vm0, $0xb8;
	[tilespmem:$0x11000] =	vst v63  }
0x97c: {  	s26 =	simm.s32 $0xD800  }
0x97d: {  	[tilespmem:s26], [sflag:$0x2] =	stream.indirect_vreg.gather [hbm4b:s1+s3], $0x80, v3, vm0, $0xb8;
	[tilespmem:$0x11000] =	vst v63  }
0x97e: {  	v3 =	vld [tilespmem:$0x750];
	_ =	sdelay $0x4  }
0x97f: {  	v13 =	vshll.u32 v3, $0x1  }
0x980: {  	v3 =	vand.u32 $0x7, v3;
	v4 =	vand.u32 $0xFFFFFFF0, v13  }
0x981: {  	v3 =	vor.u32 v3, v4  }
0x982: {  	v4 =	vperm.xlane v3, v0;
	_ =	sdelay $0x1  }
0x983: {  	v3 =	vperm.xlane v3, v2;
	v4 =	vadd.s32 v1, v4;
	_ =	sdelay $0x1  }
0x984: {  	v3 =	vadd.s32 v1, v3;
	_ =	sdelay $0x1  }
0x985: {  	s19 =	simm.s32 $0xE000  }
0x986: {  	[tilespmem:s19], [sflag:$0x2] =	stream.indirect_vreg.gather [hbm4b:s1+s3], $0x80, v4, vm0, $0xb8;
	[tilespmem:$0x11000] =	vst v63  }
0x987: {  	s2 =	simm.s32 $0xE800  }
0x988: {  	[tilespmem:s2], [sflag:$0x2] =	stream.indirect_vreg.gather [hbm4b:s1+s3], $0x80, v3, vm0, $0xb8;
	[tilespmem:$0x11000] =	vst v63  }
0x989: {  	v3 =	vld [tilespmem:$0x760];
	_ =	sdelay $0x4  }
0x98a: {  	v14 =	vshll.u32 v3, $0x1  }
0x98b: {  	v3 =	vand.u32 $0x7, v3;
	v4 =	vand.u32 $0xFFFFFFF0, v14  }
0x98c: {  	v3 =	vor.u32 v3, v4  }
0x98d: {  	v4 =	vperm.xlane v3, v0;
	_ =	sdelay $0x1  }
0x98e: {  	v3 =	vperm.xlane v3, v2;
	v4 =	vadd.s32 v1, v4;
	_ =	sdelay $0x1  }
0x98f: {  	v3 =	vadd.s32 v1, v3;
	_ =	sdelay $0x1  }
0x990: {  	s9 =	simm.s32 $0xF000  }
0x991: {  	[tilespmem:s9], [sflag:$0x2] =	stream.indirect_vreg.gather [hbm4b:s1+s3], $0x80, v4, vm0, $0xb8;
	[tilespmem:$0x11000] =	vst v63  }
0x992: {  	s10 =	simm.s32 $0xF800  }
0x993: {  	[tilespmem:s10], [sflag:$0x2] =	stream.indirect_vreg.gather [hbm4b:s1+s3], $0x80, v3, vm0, $0xb8;
	[tilespmem:$0x11000] =	vst v63  }
0x994: {  	v3 =	vld [tilespmem:$0x770];
	_ =	sdelay $0x4  }
0x995: {  	v15 =	vshll.u32 v3, $0x1  }
0x996: {  	v3 =	vand.u32 $0x7, v3;
	v4 =	vand.u32 $0xFFFFFFF0, v15  }
0x997: {  	v3 =	vor.u32 v3, v4  }
0x998: {  	v4 =	vperm.xlane v3, v0;
	_ =	sdelay $0x1  }
0x999: {  	v3 =	vperm.xlane v3, v2;
	v4 =	vadd.s32 v1, v4;
	_ =	sdelay $0x1  }
0x99a: {  	v3 =	vadd.s32 v1, v3;
	_ =	sdelay $0x1  }
0x99b: {  	s4 =	simm.s32 $0x10000  }
0x99c: {  	[tilespmem:s4], [sflag:$0x2] =	stream.indirect_vreg.gather [hbm4b:s1+s3], $0x80, v4, vm0, $0xb8;
	[tilespmem:$0x11000] =	vst v63  }
0x99d: {  	s5 =	simm.s32 $0x10800  }
0x99e: {  	[tilespmem:s5], [sflag:$0x2] =	stream.indirect_vreg.gather [hbm4b:s1+s3], $0x80, v3, vm0, $0xb8;
	[tilespmem:$0x11000] =	vst v63  }
0x99f: {  	_ =	swait.ge [sflag:s11], $0x8000  }
0x9a0: {  	[sflag:s11] =	ssyncset.done $0x0  }
0x9a1: {  	s10 =	rddreg [dreg:$0x1c];
	[sflag:s11] =	ssyncadd.s32 $0xFFFF8000  }
0x9a2: {  	[hbm4b:s10+s12] =	stream.strided.scatter [tilespmem:s28], [sflag:$0x3], $0x8000, s13, s12, $0x38;
	[tilespmem:$0x11000] =	vst v63  }
0x9a3: {  	_ =	swait.ge [sflag:s14], $0x8000  }
0x9a4: {  	[sflag:s14] =	ssyncset.done $0x0  }
0x9a5: {  	[sflag:s14] =	ssyncadd.s32 $0xFFFF8000  }
0x9a6: {  	v3 =	vld [tilespmem:$0xB00];
	_ =	sdelay $0x4  }
0x9a7: {  	v16 =	vshll.u32 v3, $0x1  }
0x9a8: {  	v3 =	vand.u32 $0x7, v3;
	v4 =	vand.u32 $0xFFFFFFF0, v16  }
0x9a9: {  	v3 =	vor.u32 v3, v4  }
0x9aa: {  	v4 =	vperm.xlane v3, v0;
	_ =	sdelay $0x1  }
0x9ab: {  	v3 =	vperm.xlane v3, v2;
	v4 =	vadd.s32 v1, v4;
	_ =	sdelay $0x1  }
0x9ac: {  	v3 =	vadd.s32 v1, v3;
	_ =	sdelay $0x2  }
0x9ad: {  	[tilespmem:s28], [sflag:$0x1] =	stream.indirect_vreg.gather [hbm4b:s1+s3], $0x80, v4, vm0, $0xb8;
	[tilespmem:$0x11000] =	vst v63  }
0x9ae: {  	s17 =	simm.s32 $0x1800  }
0x9af: {  	[tilespmem:s17], [sflag:$0x1] =	stream.indirect_vreg.gather [hbm4b:s1+s3], $0x80, v3, vm0, $0xb8;
	[tilespmem:$0x11000] =	vst v63  }
0x9b0: {  	v3 =	vld [tilespmem:$0xB10];
	_ =	sdelay $0x4  }
0x9b1: {  	v17 =	vshll.u32 v3, $0x1  }
0x9b2: {  	v3 =	vand.u32 $0x7, v3;
	v4 =	vand.u32 $0xFFFFFFF0, v17  }
0x9b3: {  	v3 =	vor.u32 v3, v4  }
0x9b4: {  	v4 =	vperm.xlane v3, v0;
	_ =	sdelay $0x1  }
0x9b5: {  	v3 =	vperm.xlane v3, v2;
	v4 =	vadd.s32 v1, v4;
	_ =	sdelay $0x1  }
0x9b6: {  	v3 =	vadd.s32 v1, v3;
	_ =	sdelay $0x1  }
0x9b7: {  	s17 =	simm.s32 $0x2000  }
0x9b8: {  	[tilespmem:s17], [sflag:$0x1] =	stream.indirect_vreg.gather [hbm4b:s1+s3], $0x80, v4, vm0, $0xb8;
	[tilespmem:$0x11000] =	vst v63  }
0x9b9: {  	s17 =	simm.s32 $0x2800  }
0x9ba: {  	[tilespmem:s17], [sflag:$0x1] =	stream.indirect_vreg.gather [hbm4b:s1+s3], $0x80, v3, vm0, $0xb8;
	[tilespmem:$0x11000] =	vst v63  }
0x9bb: {  	v3 =	vld [tilespmem:$0xB20];
	_ =	sdelay $0x4  }
0x9bc: {  	v18 =	vshll.u32 v3, $0x1  }
0x9bd: {  	v3 =	vand.u32 $0x7, v3;
	v4 =	vand.u32 $0xFFFFFFF0, v18  }
0x9be: {  	v3 =	vor.u32 v3, v4  }
0x9bf: {  	v4 =	vperm.xlane v3, v0;
	_ =	sdelay $0x1  }
0x9c0: {  	v3 =	vperm.xlane v3, v2;
	v4 =	vadd.s32 v1, v4;
	_ =	sdelay $0x1  }
0x9c1: {  	v3 =	vadd.s32 v1, v3;
	_ =	sdelay $0x1  }
0x9c2: {  	s17 =	simm.s32 $0x3000  }
0x9c3: {  	[tilespmem:s17], [sflag:$0x1] =	stream.indirect_vreg.gather [hbm4b:s1+s3], $0x80, v4, vm0, $0xb8;
	[tilespmem:$0x11000] =	vst v63  }
0x9c4: {  	s22 =	simm.s32 $0x3800  }
0x9c5: {  	[tilespmem:s22], [sflag:$0x1] =	stream.indirect_vreg.gather [hbm4b:s1+s3], $0x80, v3, vm0, $0xb8;
	[tilespmem:$0x11000] =	vst v63  }
0x9c6: {  	v3 =	vld [tilespmem:$0xB30];
	_ =	sdelay $0x4  }
0x9c7: {  	v19 =	vshll.u32 v3, $0x1  }
0x9c8: {  	v3 =	vand.u32 $0x7, v3;
	v4 =	vand.u32 $0xFFFFFFF0, v19  }
0x9c9: {  	v3 =	vor.u32 v3, v4  }
0x9ca: {  	v4 =	vperm.xlane v3, v0;
	_ =	sdelay $0x1  }
0x9cb: {  	v3 =	vperm.xlane v3, v2;
	v4 =	vadd.s32 v1, v4;
	_ =	sdelay $0x1  }
0x9cc: {  	v3 =	vadd.s32 v1, v3;
	_ =	sdelay $0x2  }
0x9cd: {  	[tilespmem:s13], [sflag:$0x1] =	stream.indirect_vreg.gather [hbm4b:s1+s3], $0x80, v4, vm0, $0xb8;
	[tilespmem:$0x11000] =	vst v63  }
0x9ce: {  	s8 =	simm.s32 $0x4800  }
0x9cf: {  	[tilespmem:s8], [sflag:$0x1] =	stream.indirect_vreg.gather [hbm4b:s1+s3], $0x80, v3, vm0, $0xb8;
	[tilespmem:$0x11000] =	vst v63  }
0x9d0: {  	v3 =	vld [tilespmem:$0xB40];
	_ =	sdelay $0x4  }
0x9d1: {  	v20 =	vshll.u32 v3, $0x1  }
0x9d2: {  	v3 =	vand.u32 $0x7, v3;
	v4 =	vand.u32 $0xFFFFFFF0, v20  }
0x9d3: {  	v3 =	vor.u32 v3, v4  }
0x9d4: {  	v4 =	vperm.xlane v3, v0;
	_ =	sdelay $0x1  }
0x9d5: {  	v3 =	vperm.xlane v3, v2;
	v4 =	vadd.s32 v1, v4;
	_ =	sdelay $0x1  }
0x9d6: {  	v3 =	vadd.s32 v1, v3;
	_ =	sdelay $0x1  }
0x9d7: {  	s17 =	simm.s32 $0x5000  }
0x9d8: {  	[tilespmem:s17], [sflag:$0x1] =	stream.indirect_vreg.gather [hbm4b:s1+s3], $0x80, v4, vm0, $0xb8;
	[tilespmem:$0x11000] =	vst v63  }
0x9d9: {  	s6 =	simm.s32 $0x5800  }
0x9da: {  	[tilespmem:s6], [sflag:$0x1] =	stream.indirect_vreg.gather [hbm4b:s1+s3], $0x80, v3, vm0, $0xb8;
	[tilespmem:$0x11000] =	vst v63  }
0x9db: {  	v3 =	vld [tilespmem:$0xB50];
	_ =	sdelay $0x4  }
0x9dc: {  	v21 =	vshll.u32 v3, $0x1  }
0x9dd: {  	v3 =	vand.u32 $0x7, v3;
	v4 =	vand.u32 $0xFFFFFFF0, v21  }
0x9de: {  	v3 =	vor.u32 v3, v4  }
0x9df: {  	v4 =	vperm.xlane v3, v0;
	_ =	sdelay $0x1  }
0x9e0: {  	v3 =	vperm.xlane v3, v2;
	v4 =	vadd.s32 v1, v4;
	_ =	sdelay $0x1  }
0x9e1: {  	v3 =	vadd.s32 v1, v3;
	_ =	sdelay $0x1  }
0x9e2: {  	s17 =	simm.s32 $0x6000  }
0x9e3: {  	[tilespmem:s17], [sflag:$0x1] =	stream.indirect_vreg.gather [hbm4b:s1+s3], $0x80, v4, vm0, $0xb8;
	[tilespmem:$0x11000] =	vst v63  }
0x9e4: {  	s31 =	simm.s32 $0x6800  }
0x9e5: {  	[tilespmem:s31], [sflag:$0x1] =	stream.indirect_vreg.gather [hbm4b:s1+s3], $0x80, v3, vm0, $0xb8;
	[tilespmem:$0x11000] =	vst v63  }
0x9e6: {  	v3 =	vld [tilespmem:$0xB60];
	_ =	sdelay $0x4  }
0x9e7: {  	v22 =	vshll.u32 v3, $0x1  }
0x9e8: {  	v3 =	vand.u32 $0x7, v3;
	v4 =	vand.u32 $0xFFFFFFF0, v22  }
0x9e9: {  	v3 =	vor.u32 v3, v4  }
0x9ea: {  	v4 =	vperm.xlane v3, v0;
	_ =	sdelay $0x1  }
0x9eb: {  	v3 =	vperm.xlane v3, v2;
	v4 =	vadd.s32 v1, v4;
	_ =	sdelay $0x1  }
0x9ec: {  	v3 =	vadd.s32 v1, v3;
	_ =	sdelay $0x1  }
0x9ed: {  	s17 =	simm.s32 $0x7000  }
0x9ee: {  	[tilespmem:s17], [sflag:$0x1] =	stream.indirect_vreg.gather [hbm4b:s1+s3], $0x80, v4, vm0, $0xb8;
	[tilespmem:$0x11000] =	vst v63  }
0x9ef: {  	s17 =	simm.s32 $0x7800  }
0x9f0: {  	[tilespmem:s17], [sflag:$0x1] =	stream.indirect_vreg.gather [hbm4b:s1+s3], $0x80, v3, vm0, $0xb8;
	[tilespmem:$0x11000] =	vst v63  }
0x9f1: {  	v3 =	vld [tilespmem:$0xB70];
	_ =	sdelay $0x4  }
0x9f2: {  	v23 =	vshll.u32 v3, $0x1  }
0x9f3: {  	v3 =	vand.u32 $0x7, v3;
	v4 =	vand.u32 $0xFFFFFFF0, v23  }
0x9f4: {  	v3 =	vor.u32 v3, v4  }
0x9f5: {  	v4 =	vperm.xlane v3, v0;
	_ =	sdelay $0x1  }
0x9f6: {  	v3 =	vperm.xlane v3, v2;
	v4 =	vadd.s32 v1, v4;
	_ =	sdelay $0x1  }
0x9f7: {  	v3 =	vadd.s32 v1, v3;
	_ =	sdelay $0x1  }
0x9f8: {  	s17 =	simm.s32 $0x8000  }
0x9f9: {  	[tilespmem:s17], [sflag:$0x1] =	stream.indirect_vreg.gather [hbm4b:s1+s3], $0x80, v4, vm0, $0xb8;
	[tilespmem:$0x11000] =	vst v63  }
0x9fa: {  	s7 =	simm.s32 $0x8800  }
0x9fb: {  	[tilespmem:s7], [sflag:$0x1] =	stream.indirect_vreg.gather [hbm4b:s1+s3], $0x80, v3, vm0, $0xb8;
	[tilespmem:$0x11000] =	vst v63  }
0x9fc: {  	_ =	swait.ge [sflag:s15], $0x8000  }
0x9fd: {  	[sflag:s15] =	ssyncset.done $0x0  }
0x9fe: {  	s10 =	rddreg [dreg:$0x1d];
	[sflag:s15] =	ssyncadd.s32 $0xFFFF8000  }
0x9ff: {  	[hbm4b:s10+s12] =	stream.strided.scatter [tilespmem:s23], [sflag:$0x4], $0x8000, s13, s12, $0x38;
	[tilespmem:$0x11000] =	vst v63  }
0xa00: {  	_ =	swait.ge [sflag:s16], $0x8000  }
0xa01: {  	[sflag:s16] =	ssyncset.done $0x0  }
0xa02: {  	[sflag:s16] =	ssyncadd.s32 $0xFFFF8000  }
0xa03: {  	v3 =	vld [tilespmem:$0xF00];
	_ =	sdelay $0x4  }
0xa04: {  	v24 =	vshll.u32 v3, $0x1  }
0xa05: {  	v3 =	vand.u32 $0x7, v3;
	v4 =	vand.u32 $0xFFFFFFF0, v24  }
0xa06: {  	v3 =	vor.u32 v3, v4  }
0xa07: {  	v4 =	vperm.xlane v3, v0;
	_ =	sdelay $0x1  }
0xa08: {  	v3 =	vperm.xlane v3, v2;
	v4 =	vadd.s32 v1, v4;
	_ =	sdelay $0x1  }
0xa09: {  	v3 =	vadd.s32 v1, v3;
	_ =	sdelay $0x2  }
0xa0a: {  	[tilespmem:s23], [sflag:$0x2] =	stream.indirect_vreg.gather [hbm4b:s1+s3], $0x80, v4, vm0, $0xb8;
	[tilespmem:$0x11000] =	vst v63  }
0xa0b: {  	s21 =	simm.s32 $0x9800  }
0xa0c: {  	[tilespmem:s21], [sflag:$0x2] =	stream.indirect_vreg.gather [hbm4b:s1+s3], $0x80, v3, vm0, $0xb8;
	[tilespmem:$0x11000] =	vst v63  }
0xa0d: {  	v3 =	vld [tilespmem:$0xF10];
	_ =	sdelay $0x4  }
0xa0e: {  	v25 =	vshll.u32 v3, $0x1  }
0xa0f: {  	v3 =	vand.u32 $0x7, v3;
	v4 =	vand.u32 $0xFFFFFFF0, v25  }
0xa10: {  	v3 =	vor.u32 v3, v4  }
0xa11: {  	v4 =	vperm.xlane v3, v0;
	_ =	sdelay $0x1  }
0xa12: {  	v3 =	vperm.xlane v3, v2;
	v4 =	vadd.s32 v1, v4;
	_ =	sdelay $0x1  }
0xa13: {  	v3 =	vadd.s32 v1, v3;
	_ =	sdelay $0x1  }
0xa14: {  	s20 =	simm.s32 $0xA000  }
0xa15: {  	[tilespmem:s20], [sflag:$0x2] =	stream.indirect_vreg.gather [hbm4b:s1+s3], $0x80, v4, vm0, $0xb8;
	[tilespmem:$0x11000] =	vst v63  }
0xa16: {  	s20 =	simm.s32 $0xA800  }
0xa17: {  	[tilespmem:s20], [sflag:$0x2] =	stream.indirect_vreg.gather [hbm4b:s1+s3], $0x80, v3, vm0, $0xb8;
	[tilespmem:$0x11000] =	vst v63  }
0xa18: {  	v3 =	vld [tilespmem:$0xF20];
	_ =	sdelay $0x4  }
0xa19: {  	v26 =	vshll.u32 v3, $0x1  }
0xa1a: {  	v3 =	vand.u32 $0x7, v3;
	v4 =	vand.u32 $0xFFFFFFF0, v26  }
0xa1b: {  	v3 =	vor.u32 v3, v4  }
0xa1c: {  	v4 =	vperm.xlane v3, v0;
	_ =	sdelay $0x1  }
0xa1d: {  	v3 =	vperm.xlane v3, v2;
	v4 =	vadd.s32 v1, v4;
	_ =	sdelay $0x1  }
0xa1e: {  	v3 =	vadd.s32 v1, v3;
	_ =	sdelay $0x1  }
0xa1f: {  	s29 =	simm.s32 $0xB000  }
0xa20: {  	[tilespmem:s29], [sflag:$0x2] =	stream.indirect_vreg.gather [hbm4b:s1+s3], $0x80, v4, vm0, $0xb8;
	[tilespmem:$0x11000] =	vst v63  }
0xa21: {  	s30 =	simm.s32 $0xB800  }
0xa22: {  	[tilespmem:s30], [sflag:$0x2] =	stream.indirect_vreg.gather [hbm4b:s1+s3], $0x80, v3, vm0, $0xb8;
	[tilespmem:$0x11000] =	vst v63  }
0xa23: {  	v3 =	vld [tilespmem:$0xF30];
	_ =	sdelay $0x4  }
0xa24: {  	v27 =	vshll.u32 v3, $0x1  }
0xa25: {  	v3 =	vand.u32 $0x7, v3;
	v4 =	vand.u32 $0xFFFFFFF0, v27  }
0xa26: {  	v3 =	vor.u32 v3, v4  }
0xa27: {  	v4 =	vperm.xlane v3, v0;
	_ =	sdelay $0x1  }
0xa28: {  	v3 =	vperm.xlane v3, v2;
	v4 =	vadd.s32 v1, v4;
	_ =	sdelay $0x1  }
0xa29: {  	v3 =	vadd.s32 v1, v3;
	_ =	sdelay $0x1  }
0xa2a: {  	s25 =	simm.s32 $0xC000  }
0xa2b: {  	[tilespmem:s25], [sflag:$0x2] =	stream.indirect_vreg.gather [hbm4b:s1+s3], $0x80, v4, vm0, $0xb8;
	[tilespmem:$0x11000] =	vst v63  }
0xa2c: {  	s0 =	simm.s32 $0xC800  }
0xa2d: {  	[tilespmem:s0], [sflag:$0x2] =	stream.indirect_vreg.gather [hbm4b:s1+s3], $0x80, v3, vm0, $0xb8;
	[tilespmem:$0x11000] =	vst v63  }
0xa2e: {  	v3 =	vld [tilespmem:$0xF40];
	_ =	sdelay $0x4  }
0xa2f: {  	v28 =	vshll.u32 v3, $0x1  }
0xa30: {  	v3 =	vand.u32 $0x7, v3;
	v4 =	vand.u32 $0xFFFFFFF0, v28  }
0xa31: {  	v3 =	vor.u32 v3, v4  }
0xa32: {  	v4 =	vperm.xlane v3, v0;
	_ =	sdelay $0x1  }
0xa33: {  	v3 =	vperm.xlane v3, v2;
	v4 =	vadd.s32 v1, v4;
	_ =	sdelay $0x1  }
0xa34: {  	v3 =	vadd.s32 v1, v3;
	_ =	sdelay $0x1  }
0xa35: {  	s18 =	simm.s32 $0xD000  }
0xa36: {  	[tilespmem:s18], [sflag:$0x2] =	stream.indirect_vreg.gather [hbm4b:s1+s3], $0x80, v4, vm0, $0xb8;
	[tilespmem:$0x11000] =	vst v63  }
0xa37: {  	s26 =	simm.s32 $0xD800  }
0xa38: {  	[tilespmem:s26], [sflag:$0x2] =	stream.indirect_vreg.gather [hbm4b:s1+s3], $0x80, v3, vm0, $0xb8;
	[tilespmem:$0x11000] =	vst v63  }
0xa39: {  	v3 =	vld [tilespmem:$0xF50];
	_ =	sdelay $0x4  }
0xa3a: {  	v29 =	vshll.u32 v3, $0x1  }
0xa3b: {  	v3 =	vand.u32 $0x7, v3;
	v4 =	vand.u32 $0xFFFFFFF0, v29  }
0xa3c: {  	v3 =	vor.u32 v3, v4  }
0xa3d: {  	v4 =	vperm.xlane v3, v0;
	_ =	sdelay $0x1  }
0xa3e: {  	v3 =	vperm.xlane v3, v2;
	v4 =	vadd.s32 v1, v4;
	_ =	sdelay $0x1  }
0xa3f: {  	v3 =	vadd.s32 v1, v3;
	_ =	sdelay $0x1  }
0xa40: {  	s19 =	simm.s32 $0xE000  }
0xa41: {  	[tilespmem:s19], [sflag:$0x2] =	stream.indirect_vreg.gather [hbm4b:s1+s3], $0x80, v4, vm0, $0xb8;
	[tilespmem:$0x11000] =	vst v63  }
0xa42: {  	s24 =	simm.s32 $0xE800  }
0xa43: {  	[tilespmem:s24], [sflag:$0x2] =	stream.indirect_vreg.gather [hbm4b:s1+s3], $0x80, v3, vm0, $0xb8;
	[tilespmem:$0x11000] =	vst v63  }
0xa44: {  	v3 =	vld [tilespmem:$0xF60];
	_ =	sdelay $0x4  }
0xa45: {  	v30 =	vshll.u32 v3, $0x1  }
0xa46: {  	v3 =	vand.u32 $0x7, v3;
	v4 =	vand.u32 $0xFFFFFFF0, v30  }
0xa47: {  	v3 =	vor.u32 v3, v4  }
0xa48: {  	v4 =	vperm.xlane v3, v0;
	_ =	sdelay $0x1  }
0xa49: {  	v3 =	vperm.xlane v3, v2;
	v4 =	vadd.s32 v1, v4;
	_ =	sdelay $0x1  }
0xa4a: {  	v3 =	vadd.s32 v1, v3;
	_ =	sdelay $0x1  }
0xa4b: {  	s2 =	simm.s32 $0xF000  }
0xa4c: {  	[tilespmem:s2], [sflag:$0x2] =	stream.indirect_vreg.gather [hbm4b:s1+s3], $0x80, v4, vm0, $0xb8;
	[tilespmem:$0x11000] =	vst v63  }
0xa4d: {  	s9 =	simm.s32 $0xF800  }
0xa4e: {  	[tilespmem:s9], [sflag:$0x2] =	stream.indirect_vreg.gather [hbm4b:s1+s3], $0x80, v3, vm0, $0xb8;
	[tilespmem:$0x11000] =	vst v63  }
0xa4f: {  	v3 =	vld [tilespmem:$0xF70];
	_ =	sdelay $0x4  }
0xa50: {  	v31 =	vshll.u32 v3, $0x1  }
0xa51: {  	v3 =	vand.u32 $0x7, v3;
	v4 =	vand.u32 $0xFFFFFFF0, v31  }
0xa52: {  	v3 =	vor.u32 v3, v4  }
0xa53: {  	v4 =	vperm.xlane v3, v0;
	_ =	sdelay $0x1  }
0xa54: {  	v3 =	vperm.xlane v3, v2;
	v4 =	vadd.s32 v1, v4;
	_ =	sdelay $0x1  }
0xa55: {  	v3 =	vadd.s32 v1, v3;
	_ =	sdelay $0x1  }
0xa56: {  	s4 =	simm.s32 $0x10000  }
0xa57: {  	[tilespmem:s4], [sflag:$0x2] =	stream.indirect_vreg.gather [hbm4b:s1+s3], $0x80, v4, vm0, $0xb8;
	[tilespmem:$0x11000] =	vst v63  }
0xa58: {  	s5 =	simm.s32 $0x10800  }
0xa59: {  	[tilespmem:s5], [sflag:$0x2] =	stream.indirect_vreg.gather [hbm4b:s1+s3], $0x80, v3, vm0, $0xb8;
	[tilespmem:$0x11000] =	vst v63  }
0xa5a: {  	_ =	swait.ge [sflag:s11], $0x8000  }
0xa5b: {  	[sflag:s11] =	ssyncset.done $0x0  }
0xa5c: {  	s24 =	rddreg [dreg:$0x1e];
	[sflag:s11] =	ssyncadd.s32 $0xFFFF8000  }
0xa5d: {  	[hbm4b:s24+s12] =	stream.strided.scatter [tilespmem:s28], [sflag:$0x3], $0x8000, s13, s12, $0x38;
	[tilespmem:$0x11000] =	vst v63  }
0xa5e: {  	_ =	swait.ge [sflag:s14], $0x8000  }
0xa5f: {  	[sflag:s14] =	ssyncset.done $0x0  }
0xa60: {  	[sflag:s14] =	ssyncadd.s32 $0xFFFF8000  }
0xa61: {  	v3 =	vld [tilespmem:$0x380];
	_ =	sdelay $0x4  }
0xa62: {  	v32 =	vshll.u32 v3, $0x1  }
0xa63: {  	v3 =	vand.u32 $0x7, v3;
	v4 =	vand.u32 $0xFFFFFFF0, v32  }
0xa64: {  	v3 =	vor.u32 v3, v4  }
0xa65: {  	v4 =	vperm.xlane v3, v0;
	_ =	sdelay $0x1  }
0xa66: {  	v3 =	vperm.xlane v3, v2;
	v4 =	vadd.s32 v1, v4;
	_ =	sdelay $0x1  }
0xa67: {  	v3 =	vadd.s32 v1, v3;
	_ =	sdelay $0x2  }
0xa68: {  	[tilespmem:s28], [sflag:$0x1] =	stream.indirect_vreg.gather [hbm4b:s1+s3], $0x80, v4, vm0, $0xb8;
	[tilespmem:$0x11000] =	vst v63  }
0xa69: {  	s26 =	simm.s32 $0x1800  }
0xa6a: {  	[tilespmem:s26], [sflag:$0x1] =	stream.indirect_vreg.gather [hbm4b:s1+s3], $0x80, v3, vm0, $0xb8;
	[tilespmem:$0x11000] =	vst v63  }
0xa6b: {  	v3 =	vld [tilespmem:$0x390];
	_ =	sdelay $0x4  }
0xa6c: {  	v33 =	vshll.u32 v3, $0x1  }
0xa6d: {  	v3 =	vand.u32 $0x7, v3;
	v4 =	vand.u32 $0xFFFFFFF0, v33  }
0xa6e: {  	v3 =	vor.u32 v3, v4  }
0xa6f: {  	v4 =	vperm.xlane v3, v0;
	_ =	sdelay $0x1  }
0xa70: {  	v3 =	vperm.xlane v3, v2;
	v4 =	vadd.s32 v1, v4;
	_ =	sdelay $0x1  }
0xa71: {  	v3 =	vadd.s32 v1, v3;
	_ =	sdelay $0x1  }
0xa72: {  	s2 =	simm.s32 $0x2000  }
0xa73: {  	[tilespmem:s2], [sflag:$0x1] =	stream.indirect_vreg.gather [hbm4b:s1+s3], $0x80, v4, vm0, $0xb8;
	[tilespmem:$0x11000] =	vst v63  }
0xa74: {  	s5 =	simm.s32 $0x2800  }
0xa75: {  	[tilespmem:s5], [sflag:$0x1] =	stream.indirect_vreg.gather [hbm4b:s1+s3], $0x80, v3, vm0, $0xb8;
	[tilespmem:$0x11000] =	vst v63  }
0xa76: {  	v3 =	vld [tilespmem:$0x3A0];
	_ =	sdelay $0x4  }
0xa77: {  	v34 =	vshll.u32 v3, $0x1  }
0xa78: {  	v3 =	vand.u32 $0x7, v3;
	v4 =	vand.u32 $0xFFFFFFF0, v34  }
0xa79: {  	v3 =	vor.u32 v3, v4  }
0xa7a: {  	v4 =	vperm.xlane v3, v0;
	_ =	sdelay $0x1  }
0xa7b: {  	v3 =	vperm.xlane v3, v2;
	v4 =	vadd.s32 v1, v4;
	_ =	sdelay $0x1  }
0xa7c: {  	v3 =	vadd.s32 v1, v3;
	_ =	sdelay $0x1  }
0xa7d: {  	s17 =	simm.s32 $0x3000  }
0xa7e: {  	[tilespmem:s17], [sflag:$0x1] =	stream.indirect_vreg.gather [hbm4b:s1+s3], $0x80, v4, vm0, $0xb8;
	[tilespmem:$0x11000] =	vst v63  }
0xa7f: {  	s22 =	simm.s32 $0x3800  }
0xa80: {  	[tilespmem:s22], [sflag:$0x1] =	stream.indirect_vreg.gather [hbm4b:s1+s3], $0x80, v3, vm0, $0xb8;
	[tilespmem:$0x11000] =	vst v63  }
0xa81: {  	v3 =	vld [tilespmem:$0x3B0];
	_ =	sdelay $0x4  }
0xa82: {  	v35 =	vshll.u32 v3, $0x1  }
0xa83: {  	v3 =	vand.u32 $0x7, v3;
	v4 =	vand.u32 $0xFFFFFFF0, v35  }
0xa84: {  	v3 =	vor.u32 v3, v4  }
0xa85: {  	v4 =	vperm.xlane v3, v0;
	_ =	sdelay $0x1  }
0xa86: {  	v3 =	vperm.xlane v3, v2;
	v4 =	vadd.s32 v1, v4;
	_ =	sdelay $0x1  }
0xa87: {  	v3 =	vadd.s32 v1, v3;
	_ =	sdelay $0x2  }
0xa88: {  	[tilespmem:s13], [sflag:$0x1] =	stream.indirect_vreg.gather [hbm4b:s1+s3], $0x80, v4, vm0, $0xb8;
	[tilespmem:$0x11000] =	vst v63  }
0xa89: {  	s8 =	simm.s32 $0x4800  }
0xa8a: {  	[tilespmem:s8], [sflag:$0x1] =	stream.indirect_vreg.gather [hbm4b:s1+s3], $0x80, v3, vm0, $0xb8;
	[tilespmem:$0x11000] =	vst v63  }
0xa8b: {  	v3 =	vld [tilespmem:$0x3C0];
	_ =	sdelay $0x4  }
0xa8c: {  	v36 =	vshll.u32 v3, $0x1  }
0xa8d: {  	v3 =	vand.u32 $0x7, v3;
	v4 =	vand.u32 $0xFFFFFFF0, v36  }
0xa8e: {  	v3 =	vor.u32 v3, v4  }
0xa8f: {  	v4 =	vperm.xlane v3, v0;
	_ =	sdelay $0x1  }
0xa90: {  	v3 =	vperm.xlane v3, v2;
	v4 =	vadd.s32 v1, v4;
	_ =	sdelay $0x1  }
0xa91: {  	v3 =	vadd.s32 v1, v3;
	_ =	sdelay $0x1  }
0xa92: {  	s22 =	simm.s32 $0x5000  }
0xa93: {  	[tilespmem:s22], [sflag:$0x1] =	stream.indirect_vreg.gather [hbm4b:s1+s3], $0x80, v4, vm0, $0xb8;
	[tilespmem:$0x11000] =	vst v63  }
0xa94: {  	s6 =	simm.s32 $0x5800  }
0xa95: {  	[tilespmem:s6], [sflag:$0x1] =	stream.indirect_vreg.gather [hbm4b:s1+s3], $0x80, v3, vm0, $0xb8;
	[tilespmem:$0x11000] =	vst v63  }
0xa96: {  	v3 =	vld [tilespmem:$0x3D0];
	_ =	sdelay $0x4  }
0xa97: {  	v37 =	vshll.u32 v3, $0x1  }
0xa98: {  	v3 =	vand.u32 $0x7, v3;
	v4 =	vand.u32 $0xFFFFFFF0, v37  }
0xa99: {  	v3 =	vor.u32 v3, v4  }
0xa9a: {  	v4 =	vperm.xlane v3, v0;
	_ =	sdelay $0x1  }
0xa9b: {  	v3 =	vperm.xlane v3, v2;
	v4 =	vadd.s32 v1, v4;
	_ =	sdelay $0x1  }
0xa9c: {  	v3 =	vadd.s32 v1, v3;
	_ =	sdelay $0x1  }
0xa9d: {  	s24 =	simm.s32 $0x6000  }
0xa9e: {  	[tilespmem:s24], [sflag:$0x1] =	stream.indirect_vreg.gather [hbm4b:s1+s3], $0x80, v4, vm0, $0xb8;
	[tilespmem:$0x11000] =	vst v63  }
0xa9f: {  	s31 =	simm.s32 $0x6800  }
0xaa0: {  	[tilespmem:s31], [sflag:$0x1] =	stream.indirect_vreg.gather [hbm4b:s1+s3], $0x80, v3, vm0, $0xb8;
	[tilespmem:$0x11000] =	vst v63  }
0xaa1: {  	v3 =	vld [tilespmem:$0x3E0];
	_ =	sdelay $0x4  }
0xaa2: {  	v38 =	vshll.u32 v3, $0x1  }
0xaa3: {  	v3 =	vand.u32 $0x7, v3;
	v4 =	vand.u32 $0xFFFFFFF0, v38  }
0xaa4: {  	v3 =	vor.u32 v3, v4  }
0xaa5: {  	v4 =	vperm.xlane v3, v0;
	_ =	sdelay $0x1  }
0xaa6: {  	v3 =	vperm.xlane v3, v2;
	v4 =	vadd.s32 v1, v4;
	_ =	sdelay $0x1  }
0xaa7: {  	v3 =	vadd.s32 v1, v3;
	_ =	sdelay $0x1  }
0xaa8: {  	s31 =	simm.s32 $0x7000  }
0xaa9: {  	[tilespmem:s31], [sflag:$0x1] =	stream.indirect_vreg.gather [hbm4b:s1+s3], $0x80, v4, vm0, $0xb8;
	[tilespmem:$0x11000] =	vst v63  }
0xaaa: {  	s2 =	simm.s32 $0x7800  }
0xaab: {  	[tilespmem:s2], [sflag:$0x1] =	stream.indirect_vreg.gather [hbm4b:s1+s3], $0x80, v3, vm0, $0xb8;
	[tilespmem:$0x11000] =	vst v63  }
0xaac: {  	v3 =	vld [tilespmem:$0x3F0];
	_ =	sdelay $0x4  }
0xaad: {  	v39 =	vshll.u32 v3, $0x1  }
0xaae: {  	v3 =	vand.u32 $0x7, v3;
	v4 =	vand.u32 $0xFFFFFFF0, v39  }
0xaaf: {  	v3 =	vor.u32 v3, v4  }
0xab0: {  	v4 =	vperm.xlane v3, v0;
	_ =	sdelay $0x1  }
0xab1: {  	v3 =	vperm.xlane v3, v2;
	v4 =	vadd.s32 v1, v4;
	_ =	sdelay $0x1  }
0xab2: {  	v3 =	vadd.s32 v1, v3;
	_ =	sdelay $0x1  }
0xab3: {  	s6 =	simm.s32 $0x8000  }
0xab4: {  	[tilespmem:s6], [sflag:$0x1] =	stream.indirect_vreg.gather [hbm4b:s1+s3], $0x80, v4, vm0, $0xb8;
	[tilespmem:$0x11000] =	vst v63  }
0xab5: {  	s7 =	simm.s32 $0x8800  }
0xab6: {  	[tilespmem:s7], [sflag:$0x1] =	stream.indirect_vreg.gather [hbm4b:s1+s3], $0x80, v3, vm0, $0xb8;
	[tilespmem:$0x11000] =	vst v63  }
0xab7: {  	_ =	swait.ge [sflag:s15], $0x8000  }
0xab8: {  	[sflag:s15] =	ssyncset.done $0x0  }
0xab9: {  	s7 =	rddreg [dreg:$0x1f];
	[sflag:s15] =	ssyncadd.s32 $0xFFFF8000  }
0xaba: {  	[hbm4b:s7+s12] =	stream.strided.scatter [tilespmem:s23], [sflag:$0x4], $0x8000, s13, s12, $0x38;
	[tilespmem:$0x11000] =	vst v63  }
0xabb: {  	_ =	swait.ge [sflag:s16], $0x8000  }
0xabc: {  	[sflag:s16] =	ssyncset.done $0x0  }
0xabd: {  	[sflag:s16] =	ssyncadd.s32 $0xFFFF8000  }
0xabe: {  	v3 =	vld [tilespmem:$0x780];
	_ =	sdelay $0x4  }
0xabf: {  	v40 =	vshll.u32 v3, $0x1  }
0xac0: {  	v3 =	vand.u32 $0x7, v3;
	v4 =	vand.u32 $0xFFFFFFF0, v40  }
0xac1: {  	v3 =	vor.u32 v3, v4  }
0xac2: {  	v4 =	vperm.xlane v3, v0;
	_ =	sdelay $0x1  }
0xac3: {  	v3 =	vperm.xlane v3, v2;
	v4 =	vadd.s32 v1, v4;
	_ =	sdelay $0x1  }
0xac4: {  	v3 =	vadd.s32 v1, v3;
	_ =	sdelay $0x2  }
0xac5: {  	[tilespmem:s23], [sflag:$0x2] =	stream.indirect_vreg.gather [hbm4b:s1+s3], $0x80, v4, vm0, $0xb8;
	[tilespmem:$0x11000] =	vst v63  }
0xac6: {  	s17 =	simm.s32 $0x9800  }
0xac7: {  	[tilespmem:s17], [sflag:$0x2] =	stream.indirect_vreg.gather [hbm4b:s1+s3], $0x80, v3, vm0, $0xb8;
	[tilespmem:$0x11000] =	vst v63  }
0xac8: {  	v3 =	vld [tilespmem:$0x790];
	_ =	sdelay $0x4  }
0xac9: {  	v41 =	vshll.u32 v3, $0x1  }
0xaca: {  	v3 =	vand.u32 $0x7, v3;
	v4 =	vand.u32 $0xFFFFFFF0, v41  }
0xacb: {  	v3 =	vor.u32 v3, v4  }
0xacc: {  	v4 =	vperm.xlane v3, v0;
	_ =	sdelay $0x1  }
0xacd: {  	v3 =	vperm.xlane v3, v2;
	v4 =	vadd.s32 v1, v4;
	_ =	sdelay $0x1  }
0xace: {  	v3 =	vadd.s32 v1, v3;
	_ =	sdelay $0x1  }
0xacf: {  	s21 =	simm.s32 $0xA000  }
0xad0: {  	[tilespmem:s21], [sflag:$0x2] =	stream.indirect_vreg.gather [hbm4b:s1+s3], $0x80, v4, vm0, $0xb8;
	[tilespmem:$0x11000] =	vst v63  }
0xad1: {  	s24 =	simm.s32 $0xA800  }
0xad2: {  	[tilespmem:s24], [sflag:$0x2] =	stream.indirect_vreg.gather [hbm4b:s1+s3], $0x80, v3, vm0, $0xb8;
	[tilespmem:$0x11000] =	vst v63  }
0xad3: {  	v3 =	vld [tilespmem:$0x7A0];
	_ =	sdelay $0x4  }
0xad4: {  	v42 =	vshll.u32 v3, $0x1  }
0xad5: {  	v3 =	vand.u32 $0x7, v3;
	v4 =	vand.u32 $0xFFFFFFF0, v42  }
0xad6: {  	v3 =	vor.u32 v3, v4  }
0xad7: {  	v4 =	vperm.xlane v3, v0;
	_ =	sdelay $0x1  }
0xad8: {  	v3 =	vperm.xlane v3, v2;
	v4 =	vadd.s32 v1, v4;
	_ =	sdelay $0x1  }
0xad9: {  	v3 =	vadd.s32 v1, v3;
	_ =	sdelay $0x1  }
0xada: {  	s10 =	simm.s32 $0xB000  }
0xadb: {  	[tilespmem:s10], [sflag:$0x2] =	stream.indirect_vreg.gather [hbm4b:s1+s3], $0x80, v4, vm0, $0xb8;
	[tilespmem:$0x11000] =	vst v63  }
0xadc: {  	s20 =	simm.s32 $0xB800  }
0xadd: {  	[tilespmem:s20], [sflag:$0x2] =	stream.indirect_vreg.gather [hbm4b:s1+s3], $0x80, v3, vm0, $0xb8;
	[tilespmem:$0x11000] =	vst v63  }
0xade: {  	v3 =	vld [tilespmem:$0x7B0];
	_ =	sdelay $0x4  }
0xadf: {  	v43 =	vshll.u32 v3, $0x1  }
0xae0: {  	v3 =	vand.u32 $0x7, v3;
	v4 =	vand.u32 $0xFFFFFFF0, v43  }
0xae1: {  	v3 =	vor.u32 v3, v4  }
0xae2: {  	v4 =	vperm.xlane v3, v0;
	_ =	sdelay $0x1  }
0xae3: {  	v3 =	vperm.xlane v3, v2;
	v4 =	vadd.s32 v1, v4;
	_ =	sdelay $0x1  }
0xae4: {  	v3 =	vadd.s32 v1, v3;
	_ =	sdelay $0x1  }
0xae5: {  	s29 =	simm.s32 $0xC000  }
0xae6: {  	[tilespmem:s29], [sflag:$0x2] =	stream.indirect_vreg.gather [hbm4b:s1+s3], $0x80, v4, vm0, $0xb8;
	[tilespmem:$0x11000] =	vst v63  }
0xae7: {  	s29 =	simm.s32 $0xC800  }
0xae8: {  	[tilespmem:s29], [sflag:$0x2] =	stream.indirect_vreg.gather [hbm4b:s1+s3], $0x80, v3, vm0, $0xb8;
	[tilespmem:$0x11000] =	vst v63  }
0xae9: {  	v3 =	vld [tilespmem:$0x7C0];
	_ =	sdelay $0x4  }
0xaea: {  	v44 =	vshll.u32 v3, $0x1  }
0xaeb: {  	v3 =	vand.u32 $0x7, v3;
	v4 =	vand.u32 $0xFFFFFFF0, v44  }
0xaec: {  	v3 =	vor.u32 v3, v4  }
0xaed: {  	v4 =	vperm.xlane v3, v0;
	_ =	sdelay $0x1  }
0xaee: {  	v3 =	vperm.xlane v3, v2;
	v4 =	vadd.s32 v1, v4;
	_ =	sdelay $0x1  }
0xaef: {  	v3 =	vadd.s32 v1, v3;
	_ =	sdelay $0x1  }
0xaf0: {  	s20 =	simm.s32 $0xD000  }
0xaf1: {  	[tilespmem:s20], [sflag:$0x2] =	stream.indirect_vreg.gather [hbm4b:s1+s3], $0x80, v4, vm0, $0xb8;
	[tilespmem:$0x11000] =	vst v63  }
0xaf2: {  	s21 =	simm.s32 $0xD800  }
0xaf3: {  	[tilespmem:s21], [sflag:$0x2] =	stream.indirect_vreg.gather [hbm4b:s1+s3], $0x80, v3, vm0, $0xb8;
	[tilespmem:$0x11000] =	vst v63  }
0xaf4: {  	v3 =	vld [tilespmem:$0x7D0];
	_ =	sdelay $0x4  }
0xaf5: {  	v45 =	vshll.u32 v3, $0x1  }
0xaf6: {  	v3 =	vand.u32 $0x7, v3;
	v4 =	vand.u32 $0xFFFFFFF0, v45  }
0xaf7: {  	v3 =	vor.u32 v3, v4  }
0xaf8: {  	v4 =	vperm.xlane v3, v0;
	_ =	sdelay $0x1  }
0xaf9: {  	v3 =	vperm.xlane v3, v2;
	v4 =	vadd.s32 v1, v4;
	_ =	sdelay $0x1  }
0xafa: {  	v3 =	vadd.s32 v1, v3;
	_ =	sdelay $0x1  }
0xafb: {  	s25 =	simm.s32 $0xE000  }
0xafc: {  	[tilespmem:s25], [sflag:$0x2] =	stream.indirect_vreg.gather [hbm4b:s1+s3], $0x80, v4, vm0, $0xb8;
	[tilespmem:$0x11000] =	vst v63  }
0xafd: {  	s30 =	simm.s32 $0xE800  }
0xafe: {  	[tilespmem:s30], [sflag:$0x2] =	stream.indirect_vreg.gather [hbm4b:s1+s3], $0x80, v3, vm0, $0xb8;
	[tilespmem:$0x11000] =	vst v63  }
0xaff: {  	v3 =	vld [tilespmem:$0x7E0];
	_ =	sdelay $0x4  }
0xb00: {  	v46 =	vshll.u32 v3, $0x1  }
0xb01: {  	v3 =	vand.u32 $0x7, v3;
	v4 =	vand.u32 $0xFFFFFFF0, v46  }
0xb02: {  	v3 =	vor.u32 v3, v4  }
0xb03: {  	v4 =	vperm.xlane v3, v0;
	_ =	sdelay $0x1  }
0xb04: {  	v3 =	vperm.xlane v3, v2;
	v4 =	vadd.s32 v1, v4;
	_ =	sdelay $0x1  }
0xb05: {  	v3 =	vadd.s32 v1, v3;
	_ =	sdelay $0x1  }
0xb06: {  	s18 =	simm.s32 $0xF000  }
0xb07: {  	[tilespmem:s18], [sflag:$0x2] =	stream.indirect_vreg.gather [hbm4b:s1+s3], $0x80, v4, vm0, $0xb8;
	[tilespmem:$0x11000] =	vst v63  }
0xb08: {  	s9 =	simm.s32 $0xF800  }
0xb09: {  	[tilespmem:s9], [sflag:$0x2] =	stream.indirect_vreg.gather [hbm4b:s1+s3], $0x80, v3, vm0, $0xb8;
	[tilespmem:$0x11000] =	vst v63  }
0xb0a: {  	v3 =	vld [tilespmem:$0x7F0];
	_ =	sdelay $0x4  }
0xb0b: {  	v47 =	vshll.u32 v3, $0x1  }
0xb0c: {  	v3 =	vand.u32 $0x7, v3;
	v4 =	vand.u32 $0xFFFFFFF0, v47  }
0xb0d: {  	v3 =	vor.u32 v3, v4  }
0xb0e: {  	v4 =	vperm.xlane v3, v0;
	_ =	sdelay $0x1  }
0xb0f: {  	v3 =	vperm.xlane v3, v2;
	v4 =	vadd.s32 v1, v4;
	_ =	sdelay $0x1  }
0xb10: {  	v3 =	vadd.s32 v1, v3;
	_ =	sdelay $0x1  }
0xb11: {  	s4 =	simm.s32 $0x10000  }
0xb12: {  	[tilespmem:s4], [sflag:$0x2] =	stream.indirect_vreg.gather [hbm4b:s1+s3], $0x80, v4, vm0, $0xb8;
	[tilespmem:$0x11000] =	vst v63  }
0xb13: {  	s19 =	simm.s32 $0x10800  }
0xb14: {  	[tilespmem:s19], [sflag:$0x2] =	stream.indirect_vreg.gather [hbm4b:s1+s3], $0x80, v3, vm0, $0xb8;
	[tilespmem:$0x11000] =	vst v63  }
0xb15: {  	_ =	swait.ge [sflag:s11], $0x8000  }
0xb16: {  	s19 =	sld [smem:$0x7F9]  }
0xb17: {  	[sflag:s11] =	ssyncset.done $0x0  }
0xb18: {  	[sflag:s11] =	ssyncadd.s32 $0xFFFF8000  }
0xb19: {  	[hbm4b:s19+s12] =	stream.strided.scatter [tilespmem:s28], [sflag:$0x3], $0x8000, s13, s12, $0x38;
	[tilespmem:$0x11000] =	vst v63  }
0xb1a: {  	_ =	swait.ge [sflag:s14], $0x8000  }
0xb1b: {  	[sflag:s14] =	ssyncset.done $0x0  }
0xb1c: {  	[sflag:s14] =	ssyncadd.s32 $0xFFFF8000  }
0xb1d: {  	v3 =	vld [tilespmem:$0xB80];
	_ =	sdelay $0x4  }
0xb1e: {  	v48 =	vshll.u32 v3, $0x1  }
0xb1f: {  	v3 =	vand.u32 $0x7, v3;
	v4 =	vand.u32 $0xFFFFFFF0, v48  }
0xb20: {  	v3 =	vor.u32 v3, v4  }
0xb21: {  	v4 =	vperm.xlane v3, v0;
	_ =	sdelay $0x1  }
0xb22: {  	v3 =	vperm.xlane v3, v2;
	v4 =	vadd.s32 v1, v4;
	_ =	sdelay $0x1  }
0xb23: {  	v3 =	vadd.s32 v1, v3;
	_ =	sdelay $0x2  }
0xb24: {  	[tilespmem:s28], [sflag:$0x1] =	stream.indirect_vreg.gather [hbm4b:s1+s3], $0x80, v4, vm0, $0xb8;
	[tilespmem:$0x11000] =	vst v63  }
0xb25: {  	s30 =	simm.s32 $0x1800  }
0xb26: {  	[tilespmem:s30], [sflag:$0x1] =	stream.indirect_vreg.gather [hbm4b:s1+s3], $0x80, v3, vm0, $0xb8;
	[tilespmem:$0x11000] =	vst v63  }
0xb27: {  	v3 =	vld [tilespmem:$0xB90];
	_ =	sdelay $0x4  }
0xb28: {  	v49 =	vshll.u32 v3, $0x1  }
0xb29: {  	v3 =	vand.u32 $0x7, v3;
	v4 =	vand.u32 $0xFFFFFFF0, v49  }
0xb2a: {  	v3 =	vor.u32 v3, v4  }
0xb2b: {  	v4 =	vperm.xlane v3, v0;
	_ =	sdelay $0x1  }
0xb2c: {  	v3 =	vperm.xlane v3, v2;
	v4 =	vadd.s32 v1, v4;
	_ =	sdelay $0x1  }
0xb2d: {  	v3 =	vadd.s32 v1, v3;
	_ =	sdelay $0x1  }
0xb2e: {  	s19 =	simm.s32 $0x2000  }
0xb2f: {  	[tilespmem:s19], [sflag:$0x1] =	stream.indirect_vreg.gather [hbm4b:s1+s3], $0x80, v4, vm0, $0xb8;
	[tilespmem:$0x11000] =	vst v63  }
0xb30: {  	s30 =	simm.s32 $0x2800  }
0xb31: {  	[tilespmem:s30], [sflag:$0x1] =	stream.indirect_vreg.gather [hbm4b:s1+s3], $0x80, v3, vm0, $0xb8;
	[tilespmem:$0x11000] =	vst v63  }
0xb32: {  	v3 =	vld [tilespmem:$0xBA0];
	_ =	sdelay $0x4  }
0xb33: {  	v50 =	vshll.u32 v3, $0x1  }
0xb34: {  	v3 =	vand.u32 $0x7, v3;
	v4 =	vand.u32 $0xFFFFFFF0, v50  }
0xb35: {  	v3 =	vor.u32 v3, v4  }
0xb36: {  	v4 =	vperm.xlane v3, v0;
	_ =	sdelay $0x1  }
0xb37: {  	v3 =	vperm.xlane v3, v2;
	v4 =	vadd.s32 v1, v4;
	_ =	sdelay $0x1  }
0xb38: {  	v3 =	vadd.s32 v1, v3;
	_ =	sdelay $0x1  }
0xb39: {  	s19 =	simm.s32 $0x3000  }
0xb3a: {  	[tilespmem:s19], [sflag:$0x1] =	stream.indirect_vreg.gather [hbm4b:s1+s3], $0x80, v4, vm0, $0xb8;
	[tilespmem:$0x11000] =	vst v63  }
0xb3b: {  	s26 =	simm.s32 $0x3800  }
0xb3c: {  	[tilespmem:s26], [sflag:$0x1] =	stream.indirect_vreg.gather [hbm4b:s1+s3], $0x80, v3, vm0, $0xb8;
	[tilespmem:$0x11000] =	vst v63  }
0xb3d: {  	v3 =	vld [tilespmem:$0xBB0];
	_ =	sdelay $0x4  }
0xb3e: {  	v51 =	vshll.u32 v3, $0x1  }
0xb3f: {  	v3 =	vand.u32 $0x7, v3;
	v4 =	vand.u32 $0xFFFFFFF0, v51  }
0xb40: {  	v3 =	vor.u32 v3, v4  }
0xb41: {  	v4 =	vperm.xlane v3, v0;
	_ =	sdelay $0x1  }
0xb42: {  	v3 =	vperm.xlane v3, v2;
	v4 =	vadd.s32 v1, v4;
	_ =	sdelay $0x1  }
0xb43: {  	v3 =	vadd.s32 v1, v3;
	_ =	sdelay $0x2  }
0xb44: {  	[tilespmem:s13], [sflag:$0x1] =	stream.indirect_vreg.gather [hbm4b:s1+s3], $0x80, v4, vm0, $0xb8;
	[tilespmem:$0x11000] =	vst v63  }
0xb45: {  	s5 =	simm.s32 $0x4800  }
0xb46: {  	[tilespmem:s5], [sflag:$0x1] =	stream.indirect_vreg.gather [hbm4b:s1+s3], $0x80, v3, vm0, $0xb8;
	[tilespmem:$0x11000] =	vst v63  }
0xb47: {  	v3 =	vld [tilespmem:$0xBC0];
	_ =	sdelay $0x4  }
0xb48: {  	v52 =	vshll.u32 v3, $0x1  }
0xb49: {  	v3 =	vand.u32 $0x7, v3;
	v4 =	vand.u32 $0xFFFFFFF0, v52  }
0xb4a: {  	v3 =	vor.u32 v3, v4  }
0xb4b: {  	v4 =	vperm.xlane v3, v0;
	_ =	sdelay $0x1  }
0xb4c: {  	v3 =	vperm.xlane v3, v2;
	v4 =	vadd.s32 v1, v4;
	_ =	sdelay $0x1  }
0xb4d: {  	v3 =	vadd.s32 v1, v3;
	_ =	sdelay $0x1  }
0xb4e: {  	s26 =	simm.s32 $0x5000  }
0xb4f: {  	[tilespmem:s26], [sflag:$0x1] =	stream.indirect_vreg.gather [hbm4b:s1+s3], $0x80, v4, vm0, $0xb8;
	[tilespmem:$0x11000] =	vst v63  }
0xb50: {  	s8 =	simm.s32 $0x5800  }
0xb51: {  	[tilespmem:s8], [sflag:$0x1] =	stream.indirect_vreg.gather [hbm4b:s1+s3], $0x80, v3, vm0, $0xb8;
	[tilespmem:$0x11000] =	vst v63  }
0xb52: {  	v3 =	vld [tilespmem:$0xBD0];
	_ =	sdelay $0x4  }
0xb53: {  	v53 =	vshll.u32 v3, $0x1  }
0xb54: {  	v3 =	vand.u32 $0x7, v3;
	v4 =	vand.u32 $0xFFFFFFF0, v53  }
0xb55: {  	v3 =	vor.u32 v3, v4  }
0xb56: {  	v4 =	vperm.xlane v3, v0;
	_ =	sdelay $0x1  }
0xb57: {  	v3 =	vperm.xlane v3, v2;
	v4 =	vadd.s32 v1, v4;
	_ =	sdelay $0x1  }
0xb58: {  	v3 =	vadd.s32 v1, v3;
	_ =	sdelay $0x1  }
0xb59: {  	s30 =	simm.s32 $0x6000  }
0xb5a: {  	[tilespmem:s30], [sflag:$0x1] =	stream.indirect_vreg.gather [hbm4b:s1+s3], $0x80, v4, vm0, $0xb8;
	[tilespmem:$0x11000] =	vst v63  }
0xb5b: {  	s22 =	simm.s32 $0x6800  }
0xb5c: {  	[tilespmem:s22], [sflag:$0x1] =	stream.indirect_vreg.gather [hbm4b:s1+s3], $0x80, v3, vm0, $0xb8;
	[tilespmem:$0x11000] =	vst v63  }
0xb5d: {  	v3 =	vld [tilespmem:$0xBE0];
	_ =	sdelay $0x4  }
0xb5e: {  	v54 =	vshll.u32 v3, $0x1  }
0xb5f: {  	v3 =	vand.u32 $0x7, v3;
	v4 =	vand.u32 $0xFFFFFFF0, v54  }
0xb60: {  	v3 =	vor.u32 v3, v4  }
0xb61: {  	v4 =	vperm.xlane v3, v0;
	_ =	sdelay $0x1  }
0xb62: {  	v3 =	vperm.xlane v3, v2;
	v4 =	vadd.s32 v1, v4;
	_ =	sdelay $0x1  }
0xb63: {  	v3 =	vadd.s32 v1, v3;
	_ =	sdelay $0x1  }
0xb64: {  	s8 =	simm.s32 $0x7000  }
0xb65: {  	[tilespmem:s8], [sflag:$0x1] =	stream.indirect_vreg.gather [hbm4b:s1+s3], $0x80, v4, vm0, $0xb8;
	[tilespmem:$0x11000] =	vst v63  }
0xb66: {  	s31 =	simm.s32 $0x7800  }
0xb67: {  	[tilespmem:s31], [sflag:$0x1] =	stream.indirect_vreg.gather [hbm4b:s1+s3], $0x80, v3, vm0, $0xb8;
	[tilespmem:$0x11000] =	vst v63  }
0xb68: {  	v3 =	vld [tilespmem:$0xBF0];
	_ =	sdelay $0x4  }
0xb69: {  	v55 =	vshll.u32 v3, $0x1  }
0xb6a: {  	v3 =	vand.u32 $0x7, v3;
	v4 =	vand.u32 $0xFFFFFFF0, v55  }
0xb6b: {  	v3 =	vor.u32 v3, v4  }
0xb6c: {  	v4 =	vperm.xlane v3, v0;
	_ =	sdelay $0x1  }
0xb6d: {  	v3 =	vperm.xlane v3, v2;
	v4 =	vadd.s32 v1, v4;
	_ =	sdelay $0x1  }
0xb6e: {  	v3 =	vadd.s32 v1, v3;
	_ =	sdelay $0x1  }
0xb6f: {  	s17 =	simm.s32 $0x8000  }
0xb70: {  	[tilespmem:s17], [sflag:$0x1] =	stream.indirect_vreg.gather [hbm4b:s1+s3], $0x80, v4, vm0, $0xb8;
	[tilespmem:$0x11000] =	vst v63  }
0xb71: {  	s6 =	simm.s32 $0x8800  }
0xb72: {  	[tilespmem:s6], [sflag:$0x1] =	stream.indirect_vreg.gather [hbm4b:s1+s3], $0x80, v3, vm0, $0xb8;
	[tilespmem:$0x11000] =	vst v63  }
0xb73: {  	_ =	swait.ge [sflag:s15], $0x8000  }
0xb74: {  	s19 =	sld [smem:$0x7FA]  }
0xb75: {  	[sflag:s15] =	ssyncset.done $0x0  }
0xb76: {  	[sflag:s15] =	ssyncadd.s32 $0xFFFF8000  }
0xb77: {  	[hbm4b:s19+s12] =	stream.strided.scatter [tilespmem:s23], [sflag:$0x4], $0x8000, s13, s12, $0x38;
	[tilespmem:$0x11000] =	vst v63  }
0xb78: {  	_ =	swait.ge [sflag:s16], $0x8000  }
0xb79: {  	[sflag:s16] =	ssyncset.done $0x0  }
0xb7a: {  	[sflag:s16] =	ssyncadd.s32 $0xFFFF8000  }
0xb7b: {  	v3 =	vld [tilespmem:$0xF80];
	_ =	sdelay $0x4  }
0xb7c: {  	v56 =	vshll.u32 v3, $0x1  }
0xb7d: {  	v3 =	vand.u32 $0x7, v3;
	v4 =	vand.u32 $0xFFFFFFF0, v56  }
0xb7e: {  	v3 =	vor.u32 v3, v4  }
0xb7f: {  	v4 =	vperm.xlane v3, v0;
	_ =	sdelay $0x1  }
0xb80: {  	v3 =	vperm.xlane v3, v2;
	v4 =	vadd.s32 v1, v4;
	_ =	sdelay $0x1  }
0xb81: {  	v3 =	vadd.s32 v1, v3;
	_ =	sdelay $0x2  }
0xb82: {  	[tilespmem:s23], [sflag:$0x2] =	stream.indirect_vreg.gather [hbm4b:s1+s3], $0x80, v4, vm0, $0xb8;
	[tilespmem:$0x11000] =	vst v63  }
0xb83: {  	s2 =	simm.s32 $0x9800  }
0xb84: {  	[tilespmem:s2], [sflag:$0x2] =	stream.indirect_vreg.gather [hbm4b:s1+s3], $0x80, v3, vm0, $0xb8;
	[tilespmem:$0x11000] =	vst v63  }
0xb85: {  	v3 =	vld [tilespmem:$0xF90];
	_ =	sdelay $0x4  }
0xb86: {  	v57 =	vshll.u32 v3, $0x1  }
0xb87: {  	v3 =	vand.u32 $0x7, v3;
	v4 =	vand.u32 $0xFFFFFFF0, v57  }
0xb88: {  	v3 =	vor.u32 v3, v4  }
0xb89: {  	v4 =	vperm.xlane v3, v0;
	_ =	sdelay $0x1  }
0xb8a: {  	v3 =	vperm.xlane v3, v2;
	v4 =	vadd.s32 v1, v4;
	_ =	sdelay $0x1  }
0xb8b: {  	v3 =	vadd.s32 v1, v3;
	_ =	sdelay $0x1  }
0xb8c: {  	s0 =	simm.s32 $0xA000  }
0xb8d: {  	[tilespmem:s0], [sflag:$0x2] =	stream.indirect_vreg.gather [hbm4b:s1+s3], $0x80, v4, vm0, $0xb8;
	[tilespmem:$0x11000] =	vst v63  }
0xb8e: {  	s22 =	simm.s32 $0xA800  }
0xb8f: {  	[tilespmem:s22], [sflag:$0x2] =	stream.indirect_vreg.gather [hbm4b:s1+s3], $0x80, v3, vm0, $0xb8;
	[tilespmem:$0x11000] =	vst v63  }
0xb90: {  	v3 =	vld [tilespmem:$0xFA0];
	_ =	sdelay $0x4  }
0xb91: {  	v58 =	vshll.u32 v3, $0x1  }
0xb92: {  	v3 =	vand.u32 $0x7, v3;
	v4 =	vand.u32 $0xFFFFFFF0, v58  }
0xb93: {  	v3 =	vor.u32 v3, v4  }
0xb94: {  	v4 =	vperm.xlane v3, v0;
	_ =	sdelay $0x1  }
0xb95: {  	v3 =	vperm.xlane v3, v2;
	v4 =	vadd.s32 v1, v4;
	_ =	sdelay $0x1  }
0xb96: {  	v3 =	vadd.s32 v1, v3;
	_ =	sdelay $0x1  }
0xb97: {  	s7 =	simm.s32 $0xB000  }
0xb98: {  	[tilespmem:s7], [sflag:$0x2] =	stream.indirect_vreg.gather [hbm4b:s1+s3], $0x80, v4, vm0, $0xb8;
	[tilespmem:$0x11000] =	vst v63  }
0xb99: {  	s10 =	simm.s32 $0xB800  }
0xb9a: {  	[tilespmem:s10], [sflag:$0x2] =	stream.indirect_vreg.gather [hbm4b:s1+s3], $0x80, v3, vm0, $0xb8;
	[tilespmem:$0x11000] =	vst v63  }
0xb9b: {  	v3 =	vld [tilespmem:$0xFB0];
	_ =	sdelay $0x4  }
0xb9c: {  	v59 =	vshll.u32 v3, $0x1  }
0xb9d: {  	v3 =	vand.u32 $0x7, v3;
	v4 =	vand.u32 $0xFFFFFFF0, v59  }
0xb9e: {  	v3 =	vor.u32 v3, v4  }
0xb9f: {  	v4 =	vperm.xlane v3, v0;
	_ =	sdelay $0x1  }
0xba0: {  	v3 =	vperm.xlane v3, v2;
	v4 =	vadd.s32 v1, v4;
	_ =	sdelay $0x1  }
0xba1: {  	v3 =	vadd.s32 v1, v3;
	_ =	sdelay $0x1  }
0xba2: {  	s24 =	simm.s32 $0xC000  }
0xba3: {  	[tilespmem:s24], [sflag:$0x2] =	stream.indirect_vreg.gather [hbm4b:s1+s3], $0x80, v4, vm0, $0xb8;
	[tilespmem:$0x11000] =	vst v63  }
0xba4: {  	s29 =	simm.s32 $0xC800  }
0xba5: {  	[tilespmem:s29], [sflag:$0x2] =	stream.indirect_vreg.gather [hbm4b:s1+s3], $0x80, v3, vm0, $0xb8;
	[tilespmem:$0x11000] =	vst v63  }
0xba6: {  	v3 =	vld [tilespmem:$0xFC0];
	_ =	sdelay $0x4  }
0xba7: {  	v60 =	vshll.u32 v3, $0x1  }
0xba8: {  	v3 =	vand.u32 $0x7, v3;
	v4 =	vand.u32 $0xFFFFFFF0, v60  }
0xba9: {  	v3 =	vor.u32 v3, v4  }
0xbaa: {  	v4 =	vperm.xlane v3, v0;
	_ =	sdelay $0x1  }
0xbab: {  	v3 =	vperm.xlane v3, v2;
	v4 =	vadd.s32 v1, v4;
	_ =	sdelay $0x1  }
0xbac: {  	v3 =	vadd.s32 v1, v3;
	_ =	sdelay $0x1  }
0xbad: {  	s24 =	simm.s32 $0xD000  }
0xbae: {  	[tilespmem:s24], [sflag:$0x2] =	stream.indirect_vreg.gather [hbm4b:s1+s3], $0x80, v4, vm0, $0xb8;
	[tilespmem:$0x11000] =	vst v63  }
0xbaf: {  	s26 =	simm.s32 $0xD800  }
0xbb0: {  	[tilespmem:s26], [sflag:$0x2] =	stream.indirect_vreg.gather [hbm4b:s1+s3], $0x80, v3, vm0, $0xb8;
	[tilespmem:$0x11000] =	vst v63  }
0xbb1: {  	v3 =	vld [tilespmem:$0xFD0];
	_ =	sdelay $0x4  }
0xbb2: {  	v61 =	vshll.u32 v3, $0x1  }
0xbb3: {  	v3 =	vand.u32 $0x7, v3;
	v4 =	vand.u32 $0xFFFFFFF0, v61  }
0xbb4: {  	v3 =	vor.u32 v3, v4  }
0xbb5: {  	v4 =	vperm.xlane v3, v0;
	_ =	sdelay $0x1  }
0xbb6: {  	v3 =	vperm.xlane v3, v2;
	v4 =	vadd.s32 v1, v4;
	_ =	sdelay $0x1  }
0xbb7: {  	v3 =	vadd.s32 v1, v3;
	_ =	sdelay $0x1  }
0xbb8: {  	s21 =	simm.s32 $0xE000  }
0xbb9: {  	[tilespmem:s21], [sflag:$0x2] =	stream.indirect_vreg.gather [hbm4b:s1+s3], $0x80, v4, vm0, $0xb8;
	[tilespmem:$0x11000] =	vst v63  }
0xbba: {  	s25 =	simm.s32 $0xE800  }
0xbbb: {  	[tilespmem:s25], [sflag:$0x2] =	stream.indirect_vreg.gather [hbm4b:s1+s3], $0x80, v3, vm0, $0xb8;
	[tilespmem:$0x11000] =	vst v63  }
0xbbc: {  	v3 =	vld [tilespmem:$0xFE0];
	_ =	sdelay $0x4  }
0xbbd: {  	v62 =	vshll.u32 v3, $0x1  }
0xbbe: {  	v3 =	vand.u32 $0x7, v3;
	v4 =	vand.u32 $0xFFFFFFF0, v62  }
0xbbf: {  	v3 =	vor.u32 v3, v4  }
0xbc0: {  	v4 =	vperm.xlane v3, v0;
	_ =	sdelay $0x1  }
0xbc1: {  	v3 =	vperm.xlane v3, v2;
	v4 =	vadd.s32 v1, v4;
	_ =	sdelay $0x1  }
0xbc2: {  	v3 =	vadd.s32 v1, v3;
	_ =	sdelay $0x1  }
0xbc3: {  	s20 =	simm.s32 $0xF000  }
0xbc4: {  	[tilespmem:s20], [sflag:$0x2] =	stream.indirect_vreg.gather [hbm4b:s1+s3], $0x80, v4, vm0, $0xb8;
	[tilespmem:$0x11000] =	vst v63  }
0xbc5: {  	s18 =	simm.s32 $0xF800  }
0xbc6: {  	[tilespmem:s18], [sflag:$0x2] =	stream.indirect_vreg.gather [hbm4b:s1+s3], $0x80, v3, vm0, $0xb8;
	[tilespmem:$0x11000] =	vst v63  }
0xbc7: {  	v3 =	vld [tilespmem:$0xFF0];
	_ =	sdelay $0x4  }
0xbc8: {  	v63 =	vshll.u32 v3, $0x1  }
0xbc9: {  	v3 =	vand.u32 $0x7, v3;
	v4 =	vand.u32 $0xFFFFFFF0, v63  }
0xbca: {  	v3 =	vor.u32 v3, v4  }
0xbcb: {  	v4 =	vperm.xlane v3, v0;
	_ =	sdelay $0x1  }
0xbcc: {  	v3 =	vperm.xlane v3, v2;
	v4 =	vadd.s32 v1, v4;
	_ =	sdelay $0x1  }
0xbcd: {  	v3 =	vadd.s32 v1, v3;
	_ =	sdelay $0x1  }
0xbce: {  	s9 =	simm.s32 $0x10000  }
0xbcf: {  	[tilespmem:s9], [sflag:$0x2] =	stream.indirect_vreg.gather [hbm4b:s1+s3], $0x80, v4, vm0, $0xb8;
	[tilespmem:$0x11000] =	vst v63  }
0xbd0: {  	s4 =	simm.s32 $0x10800  }
0xbd1: {  	[tilespmem:s4], [sflag:$0x2] =	stream.indirect_vreg.gather [hbm4b:s1+s3], $0x80, v3, vm0, $0xb8;
	[tilespmem:$0x11000] =	vst v63  }
0xbd2: {  	_ =	swait.ge [sflag:s11], $0x8000  }
0xbd3: {  	s29 =	sld [smem:$0x7FB]  }
0xbd4: {  	[sflag:s11] =	ssyncset.done $0x0  }
0xbd5: {  	[sflag:s11] =	ssyncadd.s32 $0xFFFF8000  }
0xbd6: {  	[hbm4b:s29+s12] =	stream.strided.scatter [tilespmem:s28], [sflag:$0x3], $0x8000, s13, s12, $0x38;
	[tilespmem:$0x11000] =	vst v63  }
0xbd7: {  	_ =	swait.ge [sflag:s15], $0x8000  }
0xbd8: {  	s30 =	sld [smem:$0x7FD]  }
0xbd9: {  	[sflag:s15] =	ssyncset.done $0x0;
	s31 =	sld [smem:$0x7F8]  }
0xbda: {  	[sflag:s15] =	ssyncadd.s32 $0xFFFF8000  }
0xbdb: {  	[hbm4b:s30+s12] =	stream.strided.scatter [tilespmem:s23], [sflag:$0x4], $0x8000, s13, s12, $0x38;
	[tilespmem:$0x11000] =	vst v63  }
0xbdc: {  	p0 =	sne.s32 s31, $0x1;
	_ =	swait.ge [sflag:s14], $0x8000  }
.Ltmp0:
0xbdd: {  	[sflag:s14] =	ssyncset.done $0x0;
	(pc) =	sbr.rel @p0 .LBB2_1-.Ltmp0, $4  }
0xbde: {  	[sflag:s14] =	ssyncadd.s32 $0xFFFF8000  }
0xbdf: {  	_ =	swait.ge [sflag:s16], $0x8000  }
0xbe0: {  	[sflag:s16] =	ssyncset.done $0x0  }
0xbe1: {  	s17 =	sadd.s32 $0xFFFFFFFF, s31;
	[sflag:s16] =	ssyncadd.s32 $0xFFFF8000  }
0xbe2: {  	_ =	sfence.sel $0x180000  }
0xbe3: {  	[bflag:$0x0] =	sbarrier.arrive $0xFFFF  }
0xbe4: {  	_ =	strace $0x90000047  }
0xbe5: {  	s0 =	stileid.u32;
	[bflag:$0x2] =	sbarrier.arrive $0xFFFF  }
0xbe6: {  	p0 =	sne.s32 s0, $0x0;
	s0 =	rddreg [dreg:$0x3]  }
0xbe7: {  	s0 =	sadd.s32 @!p0 $0x100000, s0  }
0xbe8: {  	[sflag:s0] =	ssyncadd.tile.s32 @!p0 $0x1;
	_ =	shalt  }
.Lfunc_end2:
_tile_overlayer_lowered:
.L_overlay_start_2:
0xbe9: {  	(tag) =	ssettag $0x2  }
0xbea: {  	s0 =	rddreg [dreg:$0x0];
	s2 =	stileid.u32  }
0xbeb: {  	s1 =	rddreg [dreg:$0x1];
	p0 =	sne.s32 s2, $0x0  }
0xbec: {  	s3 =	rddreg [dreg:$0x2];
	[bflag:$0x3] =	sbarrier.arrive $0xFFFF;
	s2 =	simm.s32 @!p0 $0x1C05  }
0xbed: {  	[timem:s3], [sflag:s2] =	dma.local @!p0 [hbm:s0], s1  }
0xbee: {  	s0 =	simm.s32 @!p0 $0x5  }
0xbef: {  	_ =	swait.ge @!p0 [sflag:s0], s1  }
0xbf0: {  	s1 =	ssub.s32 @!p0 $0x0, s1;
	[sflag:s0] =	ssyncset.done @!p0 $0x0  }
0xbf1: {  	[sflag:s0] =	ssyncadd.s32 @!p0 s1  }
0xbf2: {  	[bflag:$0x3] =	sbarrier.arrive $0xFFFF  }
0xbf3: {  	_ =	shalt  }

</sc_bundles>
